<compile_context>
chip_gen: v7x
topology: tpu7x:2x2x1
jax: 0.10.2.dev20260603
libtpu: 0.0.44.dev20260713+nightly
codegen_flags: <defaults>
</compile_context>

<pallas_src>
import jax
import jax.numpy as jnp
from jax import lax
from jax.experimental import pallas as pl
from jax.experimental.pallas import tpu as pltpu
from jax.experimental.pallas import tpu_sc as plsc

_D = 64
_SCALE = 8.0

_NC = 2
_NS = 16
_NW = _NC * _NS

_BATCH = 4096
_SEQ = 200
_TPW = _BATCH // _NW
_L = 16
_NBUF = 4
_PITCH = 129


def _body(x_hbm, tab_hbm, out_hbm, idx_raw, idx_t, rows_v, buf_t, gsem, osem):
    wid = lax.axis_index("s") * _NC + lax.axis_index("c")

    pltpu.sync_copy(x_hbm.at[pl.ds(wid * _TPW * _SEQ, _TPW * _SEQ)], idx_raw)
    iota = lax.iota(jnp.int32, _L)
    row_iotas = [iota + k * _L for k in range(_TPW // _L)]

    @pl.loop(0, _SEQ)
    def _tidx(d1):
        for k in range(_TPW // _L):
            src = plsc.load_gather(idx_raw, [row_iotas[k] * _SEQ + d1])
            idx_t[d1, pl.ds(k * _L, _L)] = src

    def fire_gather(d1, buf):
        pltpu.async_copy(tab_hbm.at[idx_t.at[d1]], rows_v.at[buf], gsem)

    def wait_gather(buf):
        pltpu.make_async_copy(
            tab_hbm.at[idx_t.at[0]], rows_v.at[buf], gsem
        ).wait()

    def scatter_descs(d1, buf):
        return [
            pltpu.make_async_copy(
                buf_t.at[buf, pl.ds(8 * b2, 8), pl.ds(0, 128)],
                out_hbm.at[d1, b2, wid],
                osem,
            )
            for b2 in range(8)
        ]

    for p in range(_NBUF - 1):
        fire_gather(p, p)

    @pl.loop(0, _SEQ, step=_NBUF)
    def _quad(g0):
        for phase in range(_NBUF):
            d1 = g0 + phase
            rbuf = phase
            tbuf = phase % 2

            @pl.when(d1 >= 2)
            def _():
                for d in scatter_descs(d1 - 2, tbuf):
                    d.wait()

            @pl.when(d1 + _NBUF - 1 < _SEQ)
            def _():
                fire_gather(d1 + _NBUF - 1, (phase + _NBUF - 1) % _NBUF)

            wait_gather(rbuf)

            @pl.loop(0, _TPW, unroll=2)
            def _tr(c):
                cvec = jnp.full((_L,), c, jnp.int32)
                for j in range(_D // _L):
                    v = rows_v[rbuf, c, pl.ds(j * _L, _L)]
                    plsc.store_scatter(
                        buf_t.at[tbuf], [row_iotas[j], cvec], v * _SCALE
                    )

            for d in scatter_descs(d1, tbuf):
                d.start()

    for d in scatter_descs(_SEQ - 2, 0):
        d.wait()
    for d in scatter_descs(_SEQ - 1, 1):
        d.wait()


@jax.jit
def _embed(xf, table):
    mesh = plsc.VectorSubcoreMesh(
        core_axis_name="c", subcore_axis_name="s",
        num_cores=_NC, num_subcores=_NS,
    )
    f = pl.kernel(
        _body,
        out_type=jax.ShapeDtypeStruct((_SEQ, 8, _NW, 8, 128), jnp.float32),
        mesh=mesh,
        scratch_types=[
            pltpu.VMEM((_TPW * _SEQ,), jnp.int32),
            pltpu.VMEM((_SEQ, _TPW), jnp.int32),
            pltpu.VMEM((_NBUF, _TPW, _D), jnp.float32),
            pltpu.VMEM((2, _D, _PITCH), jnp.float32),
            pltpu.SemaphoreType.DMA,
            pltpu.SemaphoreType.DMA,
        ],
        compiler_params=pltpu.CompilerParams(
            use_tc_tiling_on_sc=False, needs_layout_passes=False,
            disable_bounds_checks=True,
        ),
    )
    return f(xf, table)


def kernel(x, embedding):
    xf = x.reshape(-1)
    out5 = _embed(xf, embedding)
    out_t = out5.transpose(0, 1, 3, 2, 4).reshape(_SEQ, _D, _BATCH)
    return out_t.transpose(2, 0, 1)

# --- scband reference (transcript-rebuilt; emitter-appended) ---
"""Pipeline reference for scband-text-embed-74680891343278 (READ-ONLY COPY).

The authoritative reference and input builder live on the scoring server;
editing this copy changes nothing except your own understanding.
"""

import jax, jax.numpy as jnp
import numpy as np

N_VOCAB = 1000000
D_MODEL = 64

def setup_inputs(seed: int = 0) -> dict:
    key = jax.random.key(seed)
    k1, k2 = jax.random.split(key)
    x = jax.random.randint(k1, (4096, 200), 0, N_VOCAB, dtype=jnp.int64 if jax.config.jax_enable_x64 else jnp.int32)
    embedding = jax.random.normal(k2, (N_VOCAB, D_MODEL), dtype=jnp.float32) * 0.02
    return {"x": x, "embedding": embedding}

def reference(x, embedding):
    # TextEmbed.__call__: token_embed(x) * sqrt(d_model)
    out = jnp.take(embedding, x, axis=0) * jnp.sqrt(jnp.float32(D_MODEL))
    return out

if __name__ == "__main__":
    import jax
    _d = setup_inputs()
    print(jax.jit(kernel)(*tuple(_d.values())))

</pallas_src>

<mosaic_0001>
#map = affine_map<(d0, d1) -> (0)>
#map1 = affine_map<(d0, d1) -> (0, 0)>
#map2 = affine_map<(d0, d1) -> (0, 0, 0, 0, 0)>
module attributes {stable_mosaic.version = 14 : i64} {
  func.func @_body(%arg0: i32, %arg1: i32, %arg2: memref<819200xi32, #tpu.memory_space<hbm>>, %arg3: memref<1000000x64xf32, #tpu.memory_space<hbm>>, %arg4: memref<200x8x32x8x128xf32, #tpu.memory_space<hbm>>, %arg5: memref<25600xi32, #tpu.memory_space<vmem>>, %arg6: memref<200x128xi32, #tpu.memory_space<vmem>>, %arg7: memref<4x128x64xf32, #tpu.memory_space<vmem>>, %arg8: memref<2x64x129xf32, #tpu.memory_space<vmem>>, %arg9: memref<!tpu.dma_semaphore, #tpu.memory_space<semaphore_mem>>, %arg10: memref<!tpu.dma_semaphore, #tpu.memory_space<semaphore_mem>>) attributes {dimension_semantics = [#tpu.dimension_semantics<core_parallel>, #tpu.dimension_semantics<subcore_parallel>], iteration_bounds = array<i64: 2, 16>, scalar_prefetch = 0 : i64, scratch_operands = 6 : i64, tpu.core_type = #tpu.core_type<sc_vector_subcore>, window_params = [{transform_indices = #map}, {transform_indices = #map1}, {transform_indices = #map2}]} {
    %mul3A = arith.constant 2 : i32
    %mul3A_0 = arith.muli %arg1, %mul3A : i32
    %add3A = arith.addi %mul3A_0, %arg0 : i32
    %mul3A_1 = arith.constant 128 : i32
    %mul3A_2 = arith.muli %add3A, %mul3A_1 : i32
    %mul3A_3 = arith.constant 200 : i32
    %mul3A_4 = arith.muli %mul3A_2, %mul3A_3 : i32
    "tpu.region"() ({
      %run_scoped3A = tpu.sem_alloc : memref<!tpu.dma_semaphore, #tpu.memory_space<semaphore_mem>>
      %dma_start3A_376 = tpu.memref_slice %arg2[%mul3A_4] : memref<819200xi32, #tpu.memory_space<hbm>> -> memref<25600xi32, #tpu.memory_space<hbm>>
      %dma_start3A_377 = tpu.memref_slice %arg2[%mul3A_4] : memref<819200xi32, #tpu.memory_space<hbm>> -> memref<25600xi32, #tpu.memory_space<hbm>>
      tpu.enqueue_dma source(%dma_start3A_377 : memref<25600xi32, #tpu.memory_space<hbm>>) target(%arg5 : memref<25600xi32, #tpu.memory_space<vmem>>) target_semaphore(%run_scoped3A : memref<!tpu.dma_semaphore, #tpu.memory_space<semaphore_mem>>)
      %dma_wait3A_378 = tpu.memref_slice %arg2[%mul3A_4] : memref<819200xi32, #tpu.memory_space<hbm>> -> memref<25600xi32, #tpu.memory_space<hbm>>
      %dma_wait3A_379 = tpu.memref_slice %arg2[%mul3A_4] : memref<819200xi32, #tpu.memory_space<hbm>> -> memref<25600xi32, #tpu.memory_space<hbm>>
      tpu.wait_dma2 semaphore(%run_scoped3A : memref<!tpu.dma_semaphore, #tpu.memory_space<semaphore_mem>>) src(%dma_wait3A_379 : memref<25600xi32, #tpu.memory_space<hbm>>) dst(%arg5 : memref<25600xi32, #tpu.memory_space<vmem>>)
      tpu.yield
    }) : () -> ()
    %iota3A = tpu.iota {dimensions = array<i32: 0>} : vector<16xi32>
    %add3A_5 = arith.constant 0 : i32
    %add3A_6 = vector.broadcast %add3A_5 : i32 to vector<16xi32>
    %add3A_7 = arith.addi %iota3A, %add3A_6 : vector<16xi32>
    %add3A_8 = arith.constant 16 : i32
    %add3A_9 = vector.broadcast %add3A_8 : i32 to vector<16xi32>
    %add3A_10 = arith.addi %iota3A, %add3A_9 : vector<16xi32>
    %add3A_11 = arith.constant 32 : i32
    %add3A_12 = vector.broadcast %add3A_11 : i32 to vector<16xi32>
    %add3A_13 = arith.addi %iota3A, %add3A_12 : vector<16xi32>
    %add3A_14 = arith.constant 48 : i32
    %add3A_15 = vector.broadcast %add3A_14 : i32 to vector<16xi32>
    %add3A_16 = arith.addi %iota3A, %add3A_15 : vector<16xi32>
    %add3A_17 = arith.constant 64 : i32
    %add3A_18 = vector.broadcast %add3A_17 : i32 to vector<16xi32>
    %add3A_19 = arith.addi %iota3A, %add3A_18 : vector<16xi32>
    %add3A_20 = arith.constant 80 : i32
    %add3A_21 = vector.broadcast %add3A_20 : i32 to vector<16xi32>
    %add3A_22 = arith.addi %iota3A, %add3A_21 : vector<16xi32>
    %add3A_23 = arith.constant 96 : i32
    %add3A_24 = vector.broadcast %add3A_23 : i32 to vector<16xi32>
    %add3A_25 = arith.addi %iota3A, %add3A_24 : vector<16xi32>
    %add3A_26 = arith.constant 112 : i32
    %add3A_27 = vector.broadcast %add3A_26 : i32 to vector<16xi32>
    %add3A_28 = arith.addi %iota3A, %add3A_27 : vector<16xi32>
    %scan3A = arith.constant 0 : i32
    %scan3A_29 = arith.constant 200 : i32
    %scan3A_30 = arith.addi %scan3A, %scan3A_29 : i32
    %scan3A_31 = arith.constant 1 : i32
    scf.for %scan3A_376 = %scan3A to %scan3A_30 step %scan3A_31  : i32 {
      %mul3A_377 = arith.constant 1 : i32
      %mul3A_378 = arith.muli %scan3A_376, %mul3A_377 : i32
      %add3A_379 = arith.constant 0 : i32
      %add3A_380 = arith.addi %add3A_379, %mul3A_378 : i32
      %mul3A_381 = arith.constant 200 : i32
      %mul3A_382 = vector.broadcast %mul3A_381 : i32 to vector<16xi32>
      %mul3A_383 = arith.muli %add3A_7, %mul3A_382 : vector<16xi32>
      %add3A_384 = vector.broadcast %add3A_380 : i32 to vector<16xi32>
      %add3A_385 = arith.addi %mul3A_383, %add3A_384 : vector<16xi32>
      %gather3A = tpu.vector_load_idx %arg5[%add3A_385] : memref<25600xi32, #tpu.memory_space<vmem>>[vector<16xi32>], vector<16xi32>,
      %swap3A = arith.index_cast %add3A_380 : i32 to index
      %swap3A_386 = arith.constant 0 : index
      %swap3A_387 = tpu.vector_load %arg6[%swap3A, %swap3A_386] {strides = array<i32>} : memref<200x128xi32, #tpu.memory_space<vmem>>, vector<16xi32>,
      tpu.vector_store %arg6[%swap3A, %swap3A_386], %gather3A {strides = array<i32>} : memref<200x128xi32, #tpu.memory_space<vmem>>, vector<16xi32>,
      %mul3A_388 = arith.constant 200 : i32
      %mul3A_389 = vector.broadcast %mul3A_388 : i32 to vector<16xi32>
      %mul3A_390 = arith.muli %add3A_10, %mul3A_389 : vector<16xi32>
      %add3A_391 = vector.broadcast %add3A_380 : i32 to vector<16xi32>
      %add3A_392 = arith.addi %mul3A_390, %add3A_391 : vector<16xi32>
      %gather3A_393 = tpu.vector_load_idx %arg5[%add3A_392] : memref<25600xi32, #tpu.memory_space<vmem>>[vector<16xi32>], vector<16xi32>,
      %swap3A_394 = arith.index_cast %add3A_380 : i32 to index
      %swap3A_395 = arith.constant 16 : index
      %swap3A_396 = tpu.vector_load %arg6[%swap3A_394, %swap3A_395] {strides = array<i32>} : memref<200x128xi32, #tpu.memory_space<vmem>>, vector<16xi32>,
      tpu.vector_store %arg6[%swap3A_394, %swap3A_395], %gather3A_393 {strides = array<i32>} : memref<200x128xi32, #tpu.memory_space<vmem>>, vector<16xi32>,
      %mul3A_397 = arith.constant 200 : i32
      %mul3A_398 = vector.broadcast %mul3A_397 : i32 to vector<16xi32>
      %mul3A_399 = arith.muli %add3A_13, %mul3A_398 : vector<16xi32>
      %add3A_400 = vector.broadcast %add3A_380 : i32 to vector<16xi32>
      %add3A_401 = arith.addi %mul3A_399, %add3A_400 : vector<16xi32>
      %gather3A_402 = tpu.vector_load_idx %arg5[%add3A_401] : memref<25600xi32, #tpu.memory_space<vmem>>[vector<16xi32>], vector<16xi32>,
      %swap3A_403 = arith.index_cast %add3A_380 : i32 to index
      %swap3A_404 = arith.constant 32 : index
      %swap3A_405 = tpu.vector_load %arg6[%swap3A_403, %swap3A_404] {strides = array<i32>} : memref<200x128xi32, #tpu.memory_space<vmem>>, vector<16xi32>,
      tpu.vector_store %arg6[%swap3A_403, %swap3A_404], %gather3A_402 {strides = array<i32>} : memref<200x128xi32, #tpu.memory_space<vmem>>, vector<16xi32>,
      %mul3A_406 = arith.constant 200 : i32
      %mul3A_407 = vector.broadcast %mul3A_406 : i32 to vector<16xi32>
      %mul3A_408 = arith.muli %add3A_16, %mul3A_407 : vector<16xi32>
      %add3A_409 = vector.broadcast %add3A_380 : i32 to vector<16xi32>
      %add3A_410 = arith.addi %mul3A_408, %add3A_409 : vector<16xi32>
      %gather3A_411 = tpu.vector_load_idx %arg5[%add3A_410] : memref<25600xi32, #tpu.memory_space<vmem>>[vector<16xi32>], vector<16xi32>,
      %swap3A_412 = arith.index_cast %add3A_380 : i32 to index
      %swap3A_413 = arith.constant 48 : index
      %swap3A_414 = tpu.vector_load %arg6[%swap3A_412, %swap3A_413] {strides = array<i32>} : memref<200x128xi32, #tpu.memory_space<vmem>>, vector<16xi32>,
      tpu.vector_store %arg6[%swap3A_412, %swap3A_413], %gather3A_411 {strides = array<i32>} : memref<200x128xi32, #tpu.memory_space<vmem>>, vector<16xi32>,
      %mul3A_415 = arith.constant 200 : i32
      %mul3A_416 = vector.broadcast %mul3A_415 : i32 to vector<16xi32>
      %mul3A_417 = arith.muli %add3A_19, %mul3A_416 : vector<16xi32>
      %add3A_418 = vector.broadcast %add3A_380 : i32 to vector<16xi32>
      %add3A_419 = arith.addi %mul3A_417, %add3A_418 : vector<16xi32>
      %gather3A_420 = tpu.vector_load_idx %arg5[%add3A_419] : memref<25600xi32, #tpu.memory_space<vmem>>[vector<16xi32>], vector<16xi32>,
      %swap3A_421 = arith.index_cast %add3A_380 : i32 to index
      %swap3A_422 = arith.constant 64 : index
      %swap3A_423 = tpu.vector_load %arg6[%swap3A_421, %swap3A_422] {strides = array<i32>} : memref<200x128xi32, #tpu.memory_space<vmem>>, vector<16xi32>,
      tpu.vector_store %arg6[%swap3A_421, %swap3A_422], %gather3A_420 {strides = array<i32>} : memref<200x128xi32, #tpu.memory_space<vmem>>, vector<16xi32>,
      %mul3A_424 = arith.constant 200 : i32
      %mul3A_425 = vector.broadcast %mul3A_424 : i32 to vector<16xi32>
      %mul3A_426 = arith.muli %add3A_22, %mul3A_425 : vector<16xi32>
      %add3A_427 = vector.broadcast %add3A_380 : i32 to vector<16xi32>
      %add3A_428 = arith.addi %mul3A_426, %add3A_427 : vector<16xi32>
      %gather3A_429 = tpu.vector_load_idx %arg5[%add3A_428] : memref<25600xi32, #tpu.memory_space<vmem>>[vector<16xi32>], vector<16xi32>,
      %swap3A_430 = arith.index_cast %add3A_380 : i32 to index
      %swap3A_431 = arith.constant 80 : index
      %swap3A_432 = tpu.vector_load %arg6[%swap3A_430, %swap3A_431] {strides = array<i32>} : memref<200x128xi32, #tpu.memory_space<vmem>>, vector<16xi32>,
      tpu.vector_store %arg6[%swap3A_430, %swap3A_431], %gather3A_429 {strides = array<i32>} : memref<200x128xi32, #tpu.memory_space<vmem>>, vector<16xi32>,
      %mul3A_433 = arith.constant 200 : i32
      %mul3A_434 = vector.broadcast %mul3A_433 : i32 to vector<16xi32>
      %mul3A_435 = arith.muli %add3A_25, %mul3A_434 : vector<16xi32>
      %add3A_436 = vector.broadcast %add3A_380 : i32 to vector<16xi32>
      %add3A_437 = arith.addi %mul3A_435, %add3A_436 : vector<16xi32>
      %gather3A_438 = tpu.vector_load_idx %arg5[%add3A_437] : memref<25600xi32, #tpu.memory_space<vmem>>[vector<16xi32>], vector<16xi32>,
      %swap3A_439 = arith.index_cast %add3A_380 : i32 to index
      %swap3A_440 = arith.constant 96 : index
      %swap3A_441 = tpu.vector_load %arg6[%swap3A_439, %swap3A_440] {strides = array<i32>} : memref<200x128xi32, #tpu.memory_space<vmem>>, vector<16xi32>,
      tpu.vector_store %arg6[%swap3A_439, %swap3A_440], %gather3A_438 {strides = array<i32>} : memref<200x128xi32, #tpu.memory_space<vmem>>, vector<16xi32>,
      %mul3A_442 = arith.constant 200 : i32
      %mul3A_443 = vector.broadcast %mul3A_442 : i32 to vector<16xi32>
      %mul3A_444 = arith.muli %add3A_28, %mul3A_443 : vector<16xi32>
      %add3A_445 = vector.broadcast %add3A_380 : i32 to vector<16xi32>
      %add3A_446 = arith.addi %mul3A_444, %add3A_445 : vector<16xi32>
      %gather3A_447 = tpu.vector_load_idx %arg5[%add3A_446] : memref<25600xi32, #tpu.memory_space<vmem>>[vector<16xi32>], vector<16xi32>,
      %swap3A_448 = arith.index_cast %add3A_380 : i32 to index
      %swap3A_449 = arith.constant 112 : index
      %swap3A_450 = tpu.vector_load %arg6[%swap3A_448, %swap3A_449] {strides = array<i32>} : memref<200x128xi32, #tpu.memory_space<vmem>>, vector<16xi32>,
      tpu.vector_store %arg6[%swap3A_448, %swap3A_449], %gather3A_447 {strides = array<i32>} : memref<200x128xi32, #tpu.memory_space<vmem>>, vector<16xi32>,
    }
    %scan3A_32 = arith.constant 200 : i32
    %dma_start3A = arith.constant 0 : i32
    %dma_start3A_33 = arith.constant 0 : i32
    %dma_start3A_34 = arith.constant 0 : i32
    %dma_start3A_35 = arith.constant 0 : i32
    %dma_start3A_36 = tpu.memref_slice %arg7[%dma_start3A_33, %dma_start3A_34, %dma_start3A_35] : memref<4x128x64xf32, #tpu.memory_space<vmem>> -> memref<1x128x64xf32, #tpu.memory_space<vmem>>
    %dma_start3A_37 = tpu.memref_squeeze %dma_start3A_36 : memref<1x128x64xf32, #tpu.memory_space<vmem>> -> memref<128x64xf32, #tpu.memory_space<vmem>>
    %dma_start3A_38 = arith.constant 0 : i32
    %dma_start3A_39 = tpu.memref_slice %arg6[%dma_start3A, %dma_start3A_38] : memref<200x128xi32, #tpu.memory_space<vmem>> -> memref<1x128xi32, #tpu.memory_space<vmem>>
    %dma_start3A_40 = tpu.memref_squeeze %dma_start3A_39 : memref<1x128xi32, #tpu.memory_space<vmem>> -> memref<128xi32, #tpu.memory_space<vmem>>
    %dma_start3A_41 = arith.constant 0 : i32
    %dma_start3A_42 = arith.constant 0 : i32
    %dma_start3A_43 = tpu.memref_slice %arg3[%dma_start3A_41, %dma_start3A_42] : memref<1000000x64xf32, #tpu.memory_space<hbm>> -> memref<1000000x64xf32, #tpu.memory_space<hbm>>
    tpu.enqueue_indirect_dma source(%dma_start3A_43 : memref<1000000x64xf32, #tpu.memory_space<hbm>>) target(%dma_start3A_37 : memref<128x64xf32, #tpu.memory_space<vmem>>) offsets(%dma_start3A_40 : memref<128xi32, #tpu.memory_space<vmem>>) semaphore(%arg9 : memref<!tpu.dma_semaphore, #tpu.memory_space<semaphore_mem>>)
    %dma_start3A_44 = arith.constant 1 : i32
    %dma_start3A_45 = arith.constant 1 : i32
    %dma_start3A_46 = arith.constant 0 : i32
    %dma_start3A_47 = arith.constant 0 : i32
    %dma_start3A_48 = tpu.memref_slice %arg7[%dma_start3A_45, %dma_start3A_46, %dma_start3A_47] : memref<4x128x64xf32, #tpu.memory_space<vmem>> -> memref<1x128x64xf32, #tpu.memory_space<vmem>>
    %dma_start3A_49 = tpu.memref_squeeze %dma_start3A_48 : memref<1x128x64xf32, #tpu.memory_space<vmem>> -> memref<128x64xf32, #tpu.memory_space<vmem>>
    %dma_start3A_50 = arith.constant 0 : i32
    %dma_start3A_51 = tpu.memref_slice %arg6[%dma_start3A_44, %dma_start3A_50] : memref<200x128xi32, #tpu.memory_space<vmem>> -> memref<1x128xi32, #tpu.memory_space<vmem>>
    %dma_start3A_52 = tpu.memref_squeeze %dma_start3A_51 : memref<1x128xi32, #tpu.memory_space<vmem>> -> memref<128xi32, #tpu.memory_space<vmem>>
    %dma_start3A_53 = arith.constant 0 : i32
    %dma_start3A_54 = arith.constant 0 : i32
    %dma_start3A_55 = tpu.memref_slice %arg3[%dma_start3A_53, %dma_start3A_54] : memref<1000000x64xf32, #tpu.memory_space<hbm>> -> memref<1000000x64xf32, #tpu.memory_space<hbm>>
    tpu.enqueue_indirect_dma source(%dma_start3A_55 : memref<1000000x64xf32, #tpu.memory_space<hbm>>) target(%dma_start3A_49 : memref<128x64xf32, #tpu.memory_space<vmem>>) offsets(%dma_start3A_52 : memref<128xi32, #tpu.memory_space<vmem>>) semaphore(%arg9 : memref<!tpu.dma_semaphore, #tpu.memory_space<semaphore_mem>>)
    %dma_start3A_56 = arith.constant 2 : i32
    %dma_start3A_57 = arith.constant 2 : i32
    %dma_start3A_58 = arith.constant 0 : i32
    %dma_start3A_59 = arith.constant 0 : i32
    %dma_start3A_60 = tpu.memref_slice %arg7[%dma_start3A_57, %dma_start3A_58, %dma_start3A_59] : memref<4x128x64xf32, #tpu.memory_space<vmem>> -> memref<1x128x64xf32, #tpu.memory_space<vmem>>
    %dma_start3A_61 = tpu.memref_squeeze %dma_start3A_60 : memref<1x128x64xf32, #tpu.memory_space<vmem>> -> memref<128x64xf32, #tpu.memory_space<vmem>>
    %dma_start3A_62 = arith.constant 0 : i32
    %dma_start3A_63 = tpu.memref_slice %arg6[%dma_start3A_56, %dma_start3A_62] : memref<200x128xi32, #tpu.memory_space<vmem>> -> memref<1x128xi32, #tpu.memory_space<vmem>>
    %dma_start3A_64 = tpu.memref_squeeze %dma_start3A_63 : memref<1x128xi32, #tpu.memory_space<vmem>> -> memref<128xi32, #tpu.memory_space<vmem>>
    %dma_start3A_65 = arith.constant 0 : i32
    %dma_start3A_66 = arith.constant 0 : i32
    %dma_start3A_67 = tpu.memref_slice %arg3[%dma_start3A_65, %dma_start3A_66] : memref<1000000x64xf32, #tpu.memory_space<hbm>> -> memref<1000000x64xf32, #tpu.memory_space<hbm>>
    tpu.enqueue_indirect_dma source(%dma_start3A_67 : memref<1000000x64xf32, #tpu.memory_space<hbm>>) target(%dma_start3A_61 : memref<128x64xf32, #tpu.memory_space<vmem>>) offsets(%dma_start3A_64 : memref<128xi32, #tpu.memory_space<vmem>>) semaphore(%arg9 : memref<!tpu.dma_semaphore, #tpu.memory_space<semaphore_mem>>)
    %scan3A_68 = arith.constant 0 : i32
    %scan3A_69 = arith.constant 50 : i32
    %scan3A_70 = arith.addi %scan3A_68, %scan3A_69 : i32
    %scan3A_71 = arith.constant 1 : i32
    scf.for %scan3A_376 = %scan3A_68 to %scan3A_70 step %scan3A_71  : i32 {
      %mul3A_377 = arith.constant 4 : i32
      %mul3A_378 = arith.muli %scan3A_376, %mul3A_377 : i32
      %add3A_379 = arith.constant 0 : i32
      %add3A_380 = arith.addi %add3A_379, %mul3A_378 : i32
      %add3A_381 = arith.constant 0 : i32
      %add3A_382 = arith.addi %add3A_380, %add3A_381 : i32
      %ge3A = arith.constant 2 : i32
      %ge3A_383 = arith.cmpi sge, %add3A_382, %ge3A : i32
      %convert_element_type3A = arith.extui %ge3A_383 : i1 to i32
      %cond3A = arith.constant 0 : i32
      %cond3A_384 = arith.cmpi ne, %convert_element_type3A, %cond3A : i32
      scf.if %cond3A_384 {
        %sub3A_1084 = arith.constant 2 : i32
        %sub3A_1085 = arith.subi %add3A_382, %sub3A_1084 : i32
        %dma_wait3A_1086 = arith.constant 0 : i32
        %dma_wait3A_1087 = arith.constant 0 : i32
        %dma_wait3A_1088 = arith.constant 0 : i32
        %dma_wait3A_1089 = arith.constant 0 : i32
        %dma_wait3A_1090 = tpu.memref_slice %arg8[%dma_wait3A_1086, %dma_wait3A_1088, %dma_wait3A_1089] : memref<2x64x129xf32, #tpu.memory_space<vmem>> -> memref<1x8x128xf32, #tpu.memory_space<vmem>>
        %dma_wait3A_1091 = tpu.memref_squeeze %dma_wait3A_1090 : memref<1x8x128xf32, #tpu.memory_space<vmem>> -> memref<8x128xf32, #tpu.memory_space<vmem>>
        %dma_wait3A_1092 = arith.constant 0 : i32
        %dma_wait3A_1093 = arith.constant 0 : i32
        %dma_wait3A_1094 = tpu.memref_slice %arg4[%sub3A_1085, %dma_wait3A_1087, %add3A, %dma_wait3A_1092, %dma_wait3A_1093] : memref<200x8x32x8x128xf32, #tpu.memory_space<hbm>> -> memref<1x1x1x8x128xf32, #tpu.memory_space<hbm>>
        %dma_wait3A_1095 = tpu.memref_squeeze %dma_wait3A_1094 : memref<1x1x1x8x128xf32, #tpu.memory_space<hbm>> -> memref<8x128xf32, #tpu.memory_space<hbm>>
        %dma_wait3A_1096 = arith.constant 0 : i32
        %dma_wait3A_1097 = arith.constant 0 : i32
        %dma_wait3A_1098 = tpu.memref_slice %arg4[%sub3A_1085, %dma_wait3A_1087, %add3A, %dma_wait3A_1096, %dma_wait3A_1097] : memref<200x8x32x8x128xf32, #tpu.memory_space<hbm>> -> memref<1x1x1x8x128xf32, #tpu.memory_space<hbm>>
        %dma_wait3A_1099 = tpu.memref_squeeze %dma_wait3A_1098 : memref<1x1x1x8x128xf32, #tpu.memory_space<hbm>> -> memref<8x128xf32, #tpu.memory_space<hbm>>
        %dma_wait3A_1100 = arith.constant 0 : i32
        %dma_wait3A_1101 = arith.constant 0 : i32
        %dma_wait3A_1102 = tpu.memref_slice %arg8[%dma_wait3A_1086, %dma_wait3A_1100, %dma_wait3A_1101] : memref<2x64x129xf32, #tpu.memory_space<vmem>> -> memref<1x8x128xf32, #tpu.memory_space<vmem>>
        %dma_wait3A_1103 = tpu.memref_squeeze %dma_wait3A_1102 : memref<1x8x128xf32, #tpu.memory_space<vmem>> -> memref<8x128xf32, #tpu.memory_space<vmem>>
        tpu.wait_dma2 semaphore(%arg10 : memref<!tpu.dma_semaphore, #tpu.memory_space<semaphore_mem>>) src(%dma_wait3A_1103 : memref<8x128xf32, #tpu.memory_space<vmem>>) dst(%dma_wait3A_1099 : memref<8x128xf32, #tpu.memory_space<hbm>>)
        %dma_wait3A_1104 = arith.constant 0 : i32
        %dma_wait3A_1105 = arith.constant 1 : i32
        %dma_wait3A_1106 = arith.constant 8 : i32
        %dma_wait3A_1107 = arith.constant 0 : i32
        %dma_wait3A_1108 = tpu.memref_slice %arg8[%dma_wait3A_1104, %dma_wait3A_1106, %dma_wait3A_1107] : memref<2x64x129xf32, #tpu.memory_space<vmem>> -> memref<1x8x128xf32, #tpu.memory_space<vmem>>
        %dma_wait3A_1109 = tpu.memref_squeeze %dma_wait3A_1108 : memref<1x8x128xf32, #tpu.memory_space<vmem>> -> memref<8x128xf32, #tpu.memory_space<vmem>>
        %dma_wait3A_1110 = arith.constant 0 : i32
        %dma_wait3A_1111 = arith.constant 0 : i32
        %dma_wait3A_1112 = tpu.memref_slice %arg4[%sub3A_1085, %dma_wait3A_1105, %add3A, %dma_wait3A_1110, %dma_wait3A_1111] : memref<200x8x32x8x128xf32, #tpu.memory_space<hbm>> -> memref<1x1x1x8x128xf32, #tpu.memory_space<hbm>>
        %dma_wait3A_1113 = tpu.memref_squeeze %dma_wait3A_1112 : memref<1x1x1x8x128xf32, #tpu.memory_space<hbm>> -> memref<8x128xf32, #tpu.memory_space<hbm>>
        %dma_wait3A_1114 = arith.constant 0 : i32
        %dma_wait3A_1115 = arith.constant 0 : i32
        %dma_wait3A_1116 = tpu.memref_slice %arg4[%sub3A_1085, %dma_wait3A_1105, %add3A, %dma_wait3A_1114, %dma_wait3A_1115] : memref<200x8x32x8x128xf32, #tpu.memory_space<hbm>> -> memref<1x1x1x8x128xf32, #tpu.memory_space<hbm>>
        %dma_wait3A_1117 = tpu.memref_squeeze %dma_wait3A_1116 : memref<1x1x1x8x128xf32, #tpu.memory_space<hbm>> -> memref<8x128xf32, #tpu.memory_space<hbm>>
        %dma_wait3A_1118 = arith.constant 8 : i32
        %dma_wait3A_1119 = arith.constant 0 : i32
        %dma_wait3A_1120 = tpu.memref_slice %arg8[%dma_wait3A_1104, %dma_wait3A_1118, %dma_wait3A_1119] : memref<2x64x129xf32, #tpu.memory_space<vmem>> -> memref<1x8x128xf32, #tpu.memory_space<vmem>>
        %dma_wait3A_1121 = tpu.memref_squeeze %dma_wait3A_1120 : memref<1x8x128xf32, #tpu.memory_space<vmem>> -> memref<8x128xf32, #tpu.memory_space<vmem>>
        tpu.wait_dma2 semaphore(%arg10 : memref<!tpu.dma_semaphore, #tpu.memory_space<semaphore_mem>>) src(%dma_wait3A_1121 : memref<8x128xf32, #tpu.memory_space<vmem>>) dst(%dma_wait3A_1117 : memref<8x128xf32, #tpu.memory_space<hbm>>)
        %dma_wait3A_1122 = arith.constant 0 : i32
        %dma_wait3A_1123 = arith.constant 2 : i32
        %dma_wait3A_1124 = arith.constant 16 : i32
        %dma_wait3A_1125 = arith.constant 0 : i32
        %dma_wait3A_1126 = tpu.memref_slice %arg8[%dma_wait3A_1122, %dma_wait3A_1124, %dma_wait3A_1125] : memref<2x64x129xf32, #tpu.memory_space<vmem>> -> memref<1x8x128xf32, #tpu.memory_space<vmem>>
        %dma_wait3A_1127 = tpu.memref_squeeze %dma_wait3A_1126 : memref<1x8x128xf32, #tpu.memory_space<vmem>> -> memref<8x128xf32, #tpu.memory_space<vmem>>
        %dma_wait3A_1128 = arith.constant 0 : i32
        %dma_wait3A_1129 = arith.constant 0 : i32
        %dma_wait3A_1130 = tpu.memref_slice %arg4[%sub3A_1085, %dma_wait3A_1123, %add3A, %dma_wait3A_1128, %dma_wait3A_1129] : memref<200x8x32x8x128xf32, #tpu.memory_space<hbm>> -> memref<1x1x1x8x128xf32, #tpu.memory_space<hbm>>
        %dma_wait3A_1131 = tpu.memref_squeeze %dma_wait3A_1130 : memref<1x1x1x8x128xf32, #tpu.memory_space<hbm>> -> memref<8x128xf32, #tpu.memory_space<hbm>>
        %dma_wait3A_1132 = arith.constant 0 : i32
        %dma_wait3A_1133 = arith.constant 0 : i32
        %dma_wait3A_1134 = tpu.memref_slice %arg4[%sub3A_1085, %dma_wait3A_1123, %add3A, %dma_wait3A_1132, %dma_wait3A_1133] : memref<200x8x32x8x128xf32, #tpu.memory_space<hbm>> -> memref<1x1x1x8x128xf32, #tpu.memory_space<hbm>>
        %dma_wait3A_1135 = tpu.memref_squeeze %dma_wait3A_1134 : memref<1x1x1x8x128xf32, #tpu.memory_space<hbm>> -> memref<8x128xf32, #tpu.memory_space<hbm>>
        %dma_wait3A_1136 = arith.constant 16 : i32
        %dma_wait3A_1137 = arith.constant 0 : i32
        %dma_wait3A_1138 = tpu.memref_slice %arg8[%dma_wait3A_1122, %dma_wait3A_1136, %dma_wait3A_1137] : memref<2x64x129xf32, #tpu.memory_space<vmem>> -> memref<1x8x128xf32, #tpu.memory_space<vmem>>
        %dma_wait3A_1139 = tpu.memref_squeeze %dma_wait3A_1138 : memref<1x8x128xf32, #tpu.memory_space<vmem>> -> memref<8x128xf32, #tpu.memory_space<vmem>>
        tpu.wait_dma2 semaphore(%arg10 : memref<!tpu.dma_semaphore, #tpu.memory_space<semaphore_mem>>) src(%dma_wait3A_1139 : memref<8x128xf32, #tpu.memory_space<vmem>>) dst(%dma_wait3A_1135 : memref<8x128xf32, #tpu.memory_space<hbm>>)
        %dma_wait3A_1140 = arith.constant 0 : i32
        %dma_wait3A_1141 = arith.constant 3 : i32
        %dma_wait3A_1142 = arith.constant 24 : i32
        %dma_wait3A_1143 = arith.constant 0 : i32
        %dma_wait3A_1144 = tpu.memref_slice %arg8[%dma_wait3A_1140, %dma_wait3A_1142, %dma_wait3A_1143] : memref<2x64x129xf32, #tpu.memory_space<vmem>> -> memref<1x8x128xf32, #tpu.memory_space<vmem>>
        %dma_wait3A_1145 = tpu.memref_squeeze %dma_wait3A_1144 : memref<1x8x128xf32, #tpu.memory_space<vmem>> -> memref<8x128xf32, #tpu.memory_space<vmem>>
        %dma_wait3A_1146 = arith.constant 0 : i32
        %dma_wait3A_1147 = arith.constant 0 : i32
        %dma_wait3A_1148 = tpu.memref_slice %arg4[%sub3A_1085, %dma_wait3A_1141, %add3A, %dma_wait3A_1146, %dma_wait3A_1147] : memref<200x8x32x8x128xf32, #tpu.memory_space<hbm>> -> memref<1x1x1x8x128xf32, #tpu.memory_space<hbm>>
        %dma_wait3A_1149 = tpu.memref_squeeze %dma_wait3A_1148 : memref<1x1x1x8x128xf32, #tpu.memory_space<hbm>> -> memref<8x128xf32, #tpu.memory_space<hbm>>
        %dma_wait3A_1150 = arith.constant 0 : i32
        %dma_wait3A_1151 = arith.constant 0 : i32
        %dma_wait3A_1152 = tpu.memref_slice %arg4[%sub3A_1085, %dma_wait3A_1141, %add3A, %dma_wait3A_1150, %dma_wait3A_1151] : memref<200x8x32x8x128xf32, #tpu.memory_space<hbm>> -> memref<1x1x1x8x128xf32, #tpu.memory_space<hbm>>
        %dma_wait3A_1153 = tpu.memref_squeeze %dma_wait3A_1152 : memref<1x1x1x8x128xf32, #tpu.memory_space<hbm>> -> memref<8x128xf32, #tpu.memory_space<hbm>>
        %dma_wait3A_1154 = arith.constant 24 : i32
        %dma_wait3A_1155 = arith.constant 0 : i32
        %dma_wait3A_1156 = tpu.memref_slice %arg8[%dma_wait3A_1140, %dma_wait3A_1154, %dma_wait3A_1155] : memref<2x64x129xf32, #tpu.memory_space<vmem>> -> memref<1x8x128xf32, #tpu.memory_space<vmem>>
        %dma_wait3A_1157 = tpu.memref_squeeze %dma_wait3A_1156 : memref<1x8x128xf32, #tpu.memory_space<vmem>> -> memref<8x128xf32, #tpu.memory_space<vmem>>
        tpu.wait_dma2 semaphore(%arg10 : memref<!tpu.dma_semaphore, #tpu.memory_space<semaphore_mem>>) src(%dma_wait3A_1157 : memref<8x128xf32, #tpu.memory_space<vmem>>) dst(%dma_wait3A_1153 : memref<8x128xf32, #tpu.memory_space<hbm>>)
        %dma_wait3A_1158 = arith.constant 0 : i32
        %dma_wait3A_1159 = arith.constant 4 : i32
        %dma_wait3A_1160 = arith.constant 32 : i32
        %dma_wait3A_1161 = arith.constant 0 : i32
        %dma_wait3A_1162 = tpu.memref_slice %arg8[%dma_wait3A_1158, %dma_wait3A_1160, %dma_wait3A_1161] : memref<2x64x129xf32, #tpu.memory_space<vmem>> -> memref<1x8x128xf32, #tpu.memory_space<vmem>>
        %dma_wait3A_1163 = tpu.memref_squeeze %dma_wait3A_1162 : memref<1x8x128xf32, #tpu.memory_space<vmem>> -> memref<8x128xf32, #tpu.memory_space<vmem>>
        %dma_wait3A_1164 = arith.constant 0 : i32
        %dma_wait3A_1165 = arith.constant 0 : i32
        %dma_wait3A_1166 = tpu.memref_slice %arg4[%sub3A_1085, %dma_wait3A_1159, %add3A, %dma_wait3A_1164, %dma_wait3A_1165] : memref<200x8x32x8x128xf32, #tpu.memory_space<hbm>> -> memref<1x1x1x8x128xf32, #tpu.memory_space<hbm>>
        %dma_wait3A_1167 = tpu.memref_squeeze %dma_wait3A_1166 : memref<1x1x1x8x128xf32, #tpu.memory_space<hbm>> -> memref<8x128xf32, #tpu.memory_space<hbm>>
        %dma_wait3A_1168 = arith.constant 0 : i32
        %dma_wait3A_1169 = arith.constant 0 : i32
        %dma_wait3A_1170 = tpu.memref_slice %arg4[%sub3A_1085, %dma_wait3A_1159, %add3A, %dma_wait3A_1168, %dma_wait3A_1169] : memref<200x8x32x8x128xf32, #tpu.memory_space<hbm>> -> memref<1x1x1x8x128xf32, #tpu.memory_space<hbm>>
        %dma_wait3A_1171 = tpu.memref_squeeze %dma_wait3A_1170 : memref<1x1x1x8x128xf32, #tpu.memory_space<hbm>> -> memref<8x128xf32, #tpu.memory_space<hbm>>
        %dma_wait3A_1172 = arith.constant 32 : i32
        %dma_wait3A_1173 = arith.constant 0 : i32
        %dma_wait3A_1174 = tpu.memref_slice %arg8[%dma_wait3A_1158, %dma_wait3A_1172, %dma_wait3A_1173] : memref<2x64x129xf32, #tpu.memory_space<vmem>> -> memref<1x8x128xf32, #tpu.memory_space<vmem>>
        %dma_wait3A_1175 = tpu.memref_squeeze %dma_wait3A_1174 : memref<1x8x128xf32, #tpu.memory_space<vmem>> -> memref<8x128xf32, #tpu.memory_space<vmem>>
        tpu.wait_dma2 semaphore(%arg10 : memref<!tpu.dma_semaphore, #tpu.memory_space<semaphore_mem>>) src(%dma_wait3A_1175 : memref<8x128xf32, #tpu.memory_space<vmem>>) dst(%dma_wait3A_1171 : memref<8x128xf32, #tpu.memory_space<hbm>>)
        %dma_wait3A_1176 = arith.constant 0 : i32
        %dma_wait3A_1177 = arith.constant 5 : i32
        %dma_wait3A_1178 = arith.constant 40 : i32
        %dma_wait3A_1179 = arith.constant 0 : i32
        %dma_wait3A_1180 = tpu.memref_slice %arg8[%dma_wait3A_1176, %dma_wait3A_1178, %dma_wait3A_1179] : memref<2x64x129xf32, #tpu.memory_space<vmem>> -> memref<1x8x128xf32, #tpu.memory_space<vmem>>
        %dma_wait3A_1181 = tpu.memref_squeeze %dma_wait3A_1180 : memref<1x8x128xf32, #tpu.memory_space<vmem>> -> memref<8x128xf32, #tpu.memory_space<vmem>>
        %dma_wait3A_1182 = arith.constant 0 : i32
        %dma_wait3A_1183 = arith.constant 0 : i32
        %dma_wait3A_1184 = tpu.memref_slice %arg4[%sub3A_1085, %dma_wait3A_1177, %add3A, %dma_wait3A_1182, %dma_wait3A_1183] : memref<200x8x32x8x128xf32, #tpu.memory_space<hbm>> -> memref<1x1x1x8x128xf32, #tpu.memory_space<hbm>>
        %dma_wait3A_1185 = tpu.memref_squeeze %dma_wait3A_1184 : memref<1x1x1x8x128xf32, #tpu.memory_space<hbm>> -> memref<8x128xf32, #tpu.memory_space<hbm>>
        %dma_wait3A_1186 = arith.constant 0 : i32
        %dma_wait3A_1187 = arith.constant 0 : i32
        %dma_wait3A_1188 = tpu.memref_slice %arg4[%sub3A_1085, %dma_wait3A_1177, %add3A, %dma_wait3A_1186, %dma_wait3A_1187] : memref<200x8x32x8x128xf32, #tpu.memory_space<hbm>> -> memref<1x1x1x8x128xf32, #tpu.memory_space<hbm>>
        %dma_wait3A_1189 = tpu.memref_squeeze %dma_wait3A_1188 : memref<1x1x1x8x128xf32, #tpu.memory_space<hbm>> -> memref<8x128xf32, #tpu.memory_space<hbm>>
        %dma_wait3A_1190 = arith.constant 40 : i32
        %dma_wait3A_1191 = arith.constant 0 : i32
        %dma_wait3A_1192 = tpu.memref_slice %arg8[%dma_wait3A_1176, %dma_wait3A_1190, %dma_wait3A_1191] : memref<2x64x129xf32, #tpu.memory_space<vmem>> -> memref<1x8x128xf32, #tpu.memory_space<vmem>>
        %dma_wait3A_1193 = tpu.memref_squeeze %dma_wait3A_1192 : memref<1x8x128xf32, #tpu.memory_space<vmem>> -> memref<8x128xf32, #tpu.memory_space<vmem>>
        tpu.wait_dma2 semaphore(%arg10 : memref<!tpu.dma_semaphore, #tpu.memory_space<semaphore_mem>>) src(%dma_wait3A_1193 : memref<8x128xf32, #tpu.memory_space<vmem>>) dst(%dma_wait3A_1189 : memref<8x128xf32, #tpu.memory_space<hbm>>)
        %dma_wait3A_1194 = arith.constant 0 : i32
        %dma_wait3A_1195 = arith.constant 6 : i32
        %dma_wait3A_1196 = arith.constant 48 : i32
        %dma_wait3A_1197 = arith.constant 0 : i32
        %dma_wait3A_1198 = tpu.memref_slice %arg8[%dma_wait3A_1194, %dma_wait3A_1196, %dma_wait3A_1197] : memref<2x64x129xf32, #tpu.memory_space<vmem>> -> memref<1x8x128xf32, #tpu.memory_space<vmem>>
        %dma_wait3A_1199 = tpu.memref_squeeze %dma_wait3A_1198 : memref<1x8x128xf32, #tpu.memory_space<vmem>> -> memref<8x128xf32, #tpu.memory_space<vmem>>
        %dma_wait3A_1200 = arith.constant 0 : i32
        %dma_wait3A_1201 = arith.constant 0 : i32
        %dma_wait3A_1202 = tpu.memref_slice %arg4[%sub3A_1085, %dma_wait3A_1195, %add3A, %dma_wait3A_1200, %dma_wait3A_1201] : memref<200x8x32x8x128xf32, #tpu.memory_space<hbm>> -> memref<1x1x1x8x128xf32, #tpu.memory_space<hbm>>
        %dma_wait3A_1203 = tpu.memref_squeeze %dma_wait3A_1202 : memref<1x1x1x8x128xf32, #tpu.memory_space<hbm>> -> memref<8x128xf32, #tpu.memory_space<hbm>>
        %dma_wait3A_1204 = arith.constant 0 : i32
        %dma_wait3A_1205 = arith.constant 0 : i32
        %dma_wait3A_1206 = tpu.memref_slice %arg4[%sub3A_1085, %dma_wait3A_1195, %add3A, %dma_wait3A_1204, %dma_wait3A_1205] : memref<200x8x32x8x128xf32, #tpu.memory_space<hbm>> -> memref<1x1x1x8x128xf32, #tpu.memory_space<hbm>>
        %dma_wait3A_1207 = tpu.memref_squeeze %dma_wait3A_1206 : memref<1x1x1x8x128xf32, #tpu.memory_space<hbm>> -> memref<8x128xf32, #tpu.memory_space<hbm>>
        %dma_wait3A_1208 = arith.constant 48 : i32
        %dma_wait3A_1209 = arith.constant 0 : i32
        %dma_wait3A_1210 = tpu.memref_slice %arg8[%dma_wait3A_1194, %dma_wait3A_1208, %dma_wait3A_1209] : memref<2x64x129xf32, #tpu.memory_space<vmem>> -> memref<1x8x128xf32, #tpu.memory_space<vmem>>
        %dma_wait3A_1211 = tpu.memref_squeeze %dma_wait3A_1210 : memref<1x8x128xf32, #tpu.memory_space<vmem>> -> memref<8x128xf32, #tpu.memory_space<vmem>>
        tpu.wait_dma2 semaphore(%arg10 : memref<!tpu.dma_semaphore, #tpu.memory_space<semaphore_mem>>) src(%dma_wait3A_1211 : memref<8x128xf32, #tpu.memory_space<vmem>>) dst(%dma_wait3A_1207 : memref<8x128xf32, #tpu.memory_space<hbm>>)
        %dma_wait3A_1212 = arith.constant 0 : i32
        %dma_wait3A_1213 = arith.constant 7 : i32
        %dma_wait3A_1214 = arith.constant 56 : i32
        %dma_wait3A_1215 = arith.constant 0 : i32
        %dma_wait3A_1216 = tpu.memref_slice %arg8[%dma_wait3A_1212, %dma_wait3A_1214, %dma_wait3A_1215] : memref<2x64x129xf32, #tpu.memory_space<vmem>> -> memref<1x8x128xf32, #tpu.memory_space<vmem>>
        %dma_wait3A_1217 = tpu.memref_squeeze %dma_wait3A_1216 : memref<1x8x128xf32, #tpu.memory_space<vmem>> -> memref<8x128xf32, #tpu.memory_space<vmem>>
        %dma_wait3A_1218 = arith.constant 0 : i32
        %dma_wait3A_1219 = arith.constant 0 : i32
        %dma_wait3A_1220 = tpu.memref_slice %arg4[%sub3A_1085, %dma_wait3A_1213, %add3A, %dma_wait3A_1218, %dma_wait3A_1219] : memref<200x8x32x8x128xf32, #tpu.memory_space<hbm>> -> memref<1x1x1x8x128xf32, #tpu.memory_space<hbm>>
        %dma_wait3A_1221 = tpu.memref_squeeze %dma_wait3A_1220 : memref<1x1x1x8x128xf32, #tpu.memory_space<hbm>> -> memref<8x128xf32, #tpu.memory_space<hbm>>
        %dma_wait3A_1222 = arith.constant 0 : i32
        %dma_wait3A_1223 = arith.constant 0 : i32
        %dma_wait3A_1224 = tpu.memref_slice %arg4[%sub3A_1085, %dma_wait3A_1213, %add3A, %dma_wait3A_1222, %dma_wait3A_1223] : memref<200x8x32x8x128xf32, #tpu.memory_space<hbm>> -> memref<1x1x1x8x128xf32, #tpu.memory_space<hbm>>
        %dma_wait3A_1225 = tpu.memref_squeeze %dma_wait3A_1224 : memref<1x1x1x8x128xf32, #tpu.memory_space<hbm>> -> memref<8x128xf32, #tpu.memory_space<hbm>>
        %dma_wait3A_1226 = arith.constant 56 : i32
        %dma_wait3A_1227 = arith.constant 0 : i32
        %dma_wait3A_1228 = tpu.memref_slice %arg8[%dma_wait3A_1212, %dma_wait3A_1226, %dma_wait3A_1227] : memref<2x64x129xf32, #tpu.memory_space<vmem>> -> memref<1x8x128xf32, #tpu.memory_space<vmem>>
        %dma_wait3A_1229 = tpu.memref_squeeze %dma_wait3A_1228 : memref<1x8x128xf32, #tpu.memory_space<vmem>> -> memref<8x128xf32, #tpu.memory_space<vmem>>
        tpu.wait_dma2 semaphore(%arg10 : memref<!tpu.dma_semaphore, #tpu.memory_space<semaphore_mem>>) src(%dma_wait3A_1229 : memref<8x128xf32, #tpu.memory_space<vmem>>) dst(%dma_wait3A_1225 : memref<8x128xf32, #tpu.memory_space<hbm>>)
      } else {
      }
      %add3A_385 = arith.constant 4 : i32
      %add3A_386 = arith.addi %add3A_382, %add3A_385 : i32
      %sub3A = arith.constant 1 : i32
      %sub3A_387 = arith.subi %add3A_386, %sub3A : i32
      %lt3A = arith.constant 200 : i32
      %lt3A_388 = arith.cmpi slt, %sub3A_387, %lt3A : i32
      %convert_element_type3A_389 = arith.extui %lt3A_388 : i1 to i32
      %cond3A_390 = arith.constant 0 : i32
      %cond3A_391 = arith.cmpi ne, %convert_element_type3A_389, %cond3A_390 : i32
      scf.if %cond3A_391 {
        %add3A_1084 = arith.constant 4 : i32
        %add3A_1085 = arith.addi %add3A_382, %add3A_1084 : i32
        %sub3A_1086 = arith.constant 1 : i32
        %sub3A_1087 = arith.subi %add3A_1085, %sub3A_1086 : i32
        %dma_start3A_1088 = arith.constant 3 : i32
        %dma_start3A_1089 = arith.constant 0 : i32
        %dma_start3A_1090 = arith.constant 0 : i32
        %dma_start3A_1091 = tpu.memref_slice %arg7[%dma_start3A_1088, %dma_start3A_1089, %dma_start3A_1090] : memref<4x128x64xf32, #tpu.memory_space<vmem>> -> memref<1x128x64xf32, #tpu.memory_space<vmem>>
        %dma_start3A_1092 = tpu.memref_squeeze %dma_start3A_1091 : memref<1x128x64xf32, #tpu.memory_space<vmem>> -> memref<128x64xf32, #tpu.memory_space<vmem>>
        %dma_start3A_1093 = arith.constant 0 : i32
        %dma_start3A_1094 = tpu.memref_slice %arg6[%sub3A_1087, %dma_start3A_1093] : memref<200x128xi32, #tpu.memory_space<vmem>> -> memref<1x128xi32, #tpu.memory_space<vmem>>
        %dma_start3A_1095 = tpu.memref_squeeze %dma_start3A_1094 : memref<1x128xi32, #tpu.memory_space<vmem>> -> memref<128xi32, #tpu.memory_space<vmem>>
        %dma_start3A_1096 = arith.constant 0 : i32
        %dma_start3A_1097 = arith.constant 0 : i32
        %dma_start3A_1098 = tpu.memref_slice %arg3[%dma_start3A_1096, %dma_start3A_1097] : memref<1000000x64xf32, #tpu.memory_space<hbm>> -> memref<1000000x64xf32, #tpu.memory_space<hbm>>
        tpu.enqueue_indirect_dma source(%dma_start3A_1098 : memref<1000000x64xf32, #tpu.memory_space<hbm>>) target(%dma_start3A_1092 : memref<128x64xf32, #tpu.memory_space<vmem>>) offsets(%dma_start3A_1095 : memref<128xi32, #tpu.memory_space<vmem>>) semaphore(%arg9 : memref<!tpu.dma_semaphore, #tpu.memory_space<semaphore_mem>>)
      } else {
      }
      %dma_wait3A_392 = arith.constant 0 : i32
      %dma_wait3A_393 = arith.constant 0 : i32
      %dma_wait3A_394 = arith.constant 0 : i32
      %dma_wait3A_395 = arith.constant 0 : i32
      %dma_wait3A_396 = tpu.memref_slice %arg7[%dma_wait3A_393, %dma_wait3A_394, %dma_wait3A_395] : memref<4x128x64xf32, #tpu.memory_space<vmem>> -> memref<1x128x64xf32, #tpu.memory_space<vmem>>
      %dma_wait3A_397 = tpu.memref_squeeze %dma_wait3A_396 : memref<1x128x64xf32, #tpu.memory_space<vmem>> -> memref<128x64xf32, #tpu.memory_space<vmem>>
      %dma_wait3A_398 = arith.constant 0 : i32
      %dma_wait3A_399 = tpu.memref_slice %arg6[%dma_wait3A_392, %dma_wait3A_398] : memref<200x128xi32, #tpu.memory_space<vmem>> -> memref<1x128xi32, #tpu.memory_space<vmem>>
      %dma_wait3A_400 = tpu.memref_squeeze %dma_wait3A_399 : memref<1x128xi32, #tpu.memory_space<vmem>> -> memref<128xi32, #tpu.memory_space<vmem>>
      %dma_wait3A_401 = arith.constant 0 : i32
      %dma_wait3A_402 = arith.constant 0 : i32
      %dma_wait3A_403 = tpu.memref_slice %arg3[%dma_wait3A_401, %dma_wait3A_402] : memref<1000000x64xf32, #tpu.memory_space<hbm>> -> memref<1000000x64xf32, #tpu.memory_space<hbm>>
      tpu.wait_indirect_dma semaphore(%arg9 : memref<!tpu.dma_semaphore, #tpu.memory_space<semaphore_mem>>) src(%dma_wait3A_403 : memref<1000000x64xf32, #tpu.memory_space<hbm>>) dst(%dma_wait3A_397 : memref<128x64xf32, #tpu.memory_space<vmem>>)
      %scan3A_404 = arith.constant 0 : i32
      %scan3A_405 = arith.constant 128 : i32
      %scan3A_406 = arith.addi %scan3A_404, %scan3A_405 : i32
      %scan3A_407 = arith.constant 2 : i32
      scf.for %scan3A_1084 = %scan3A_404 to %scan3A_406 step %scan3A_407  : i32 {
        %mul3A_1085 = arith.constant 1 : i32
        %mul3A_1086 = arith.muli %scan3A_1084, %mul3A_1085 : i32
        %add3A_1087 = arith.constant 0 : i32
        %add3A_1088 = arith.addi %add3A_1087, %mul3A_1086 : i32
        %broadcast_in_dim3A = vector.broadcast %add3A_1088 : i32 to vector<16xi32>
        %get3A = arith.constant 0 : i32
        %get3A_1089 = arith.index_cast %get3A : i32 to index
        %get3A_1090 = arith.index_cast %add3A_1088 : i32 to index
        %get3A_1091 = arith.constant 0 : index
        %get3A_1092 = tpu.vector_load %arg7[%get3A_1089, %get3A_1090, %get3A_1091] {strides = array<i32>} : memref<4x128x64xf32, #tpu.memory_space<vmem>>, vector<16xf32>,
        %mul3A_1093 = arith.constant 8.000000e+00 : f32
        %mul3A_1094 = vector.broadcast %mul3A_1093 : f32 to vector<16xf32>
        %mul3A_1095 = arith.mulf %get3A_1092, %mul3A_1094 : vector<16xf32>
        %scatter3A = arith.constant 0 : i32
        %scatter3A_1096 = arith.constant 0 : i32
        %scatter3A_1097 = arith.constant 0 : i32
        %scatter3A_1098 = tpu.memref_slice %arg8[%scatter3A, %scatter3A_1096, %scatter3A_1097] : memref<2x64x129xf32, #tpu.memory_space<vmem>> -> memref<1x64x129xf32, #tpu.memory_space<vmem>>
        %scatter3A_1099 = tpu.memref_squeeze %scatter3A_1098 : memref<1x64x129xf32, #tpu.memory_space<vmem>> -> memref<64x129xf32, #tpu.memory_space<vmem>>
        tpu.vector_store_idx %scatter3A_1099[%add3A_7, %broadcast_in_dim3A], %mul3A_1095 : memref<64x129xf32, #tpu.memory_space<vmem>>[vector<16xi32>, vector<16xi32>], vector<16xf32>,
        %get3A_1100 = arith.constant 0 : i32
        %get3A_1101 = arith.index_cast %get3A_1100 : i32 to index
        %get3A_1102 = arith.index_cast %add3A_1088 : i32 to index
        %get3A_1103 = arith.constant 16 : index
        %get3A_1104 = tpu.vector_load %arg7[%get3A_1101, %get3A_1102, %get3A_1103] {strides = array<i32>} : memref<4x128x64xf32, #tpu.memory_space<vmem>>, vector<16xf32>,
        %mul3A_1105 = arith.constant 8.000000e+00 : f32
        %mul3A_1106 = vector.broadcast %mul3A_1105 : f32 to vector<16xf32>
        %mul3A_1107 = arith.mulf %get3A_1104, %mul3A_1106 : vector<16xf32>
        %scatter3A_1108 = arith.constant 0 : i32
        %scatter3A_1109 = arith.constant 0 : i32
        %scatter3A_1110 = arith.constant 0 : i32
        %scatter3A_1111 = tpu.memref_slice %arg8[%scatter3A_1108, %scatter3A_1109, %scatter3A_1110] : memref<2x64x129xf32, #tpu.memory_space<vmem>> -> memref<1x64x129xf32, #tpu.memory_space<vmem>>
        %scatter3A_1112 = tpu.memref_squeeze %scatter3A_1111 : memref<1x64x129xf32, #tpu.memory_space<vmem>> -> memref<64x129xf32, #tpu.memory_space<vmem>>
        tpu.vector_store_idx %scatter3A_1112[%add3A_10, %broadcast_in_dim3A], %mul3A_1107 : memref<64x129xf32, #tpu.memory_space<vmem>>[vector<16xi32>, vector<16xi32>], vector<16xf32>,
        %get3A_1113 = arith.constant 0 : i32
        %get3A_1114 = arith.index_cast %get3A_1113 : i32 to index
        %get3A_1115 = arith.index_cast %add3A_1088 : i32 to index
        %get3A_1116 = arith.constant 32 : index
        %get3A_1117 = tpu.vector_load %arg7[%get3A_1114, %get3A_1115, %get3A_1116] {strides = array<i32>} : memref<4x128x64xf32, #tpu.memory_space<vmem>>, vector<16xf32>,
        %mul3A_1118 = arith.constant 8.000000e+00 : f32
        %mul3A_1119 = vector.broadcast %mul3A_1118 : f32 to vector<16xf32>
        %mul3A_1120 = arith.mulf %get3A_1117, %mul3A_1119 : vector<16xf32>
        %scatter3A_1121 = arith.constant 0 : i32
        %scatter3A_1122 = arith.constant 0 : i32
        %scatter3A_1123 = arith.constant 0 : i32
        %scatter3A_1124 = tpu.memref_slice %arg8[%scatter3A_1121, %scatter3A_1122, %scatter3A_1123] : memref<2x64x129xf32, #tpu.memory_space<vmem>> -> memref<1x64x129xf32, #tpu.memory_space<vmem>>
        %scatter3A_1125 = tpu.memref_squeeze %scatter3A_1124 : memref<1x64x129xf32, #tpu.memory_space<vmem>> -> memref<64x129xf32, #tpu.memory_space<vmem>>
        tpu.vector_store_idx %scatter3A_1125[%add3A_13, %broadcast_in_dim3A], %mul3A_1120 : memref<64x129xf32, #tpu.memory_space<vmem>>[vector<16xi32>, vector<16xi32>], vector<16xf32>,
        %get3A_1126 = arith.constant 0 : i32
        %get3A_1127 = arith.index_cast %get3A_1126 : i32 to index
        %get3A_1128 = arith.index_cast %add3A_1088 : i32 to index
        %get3A_1129 = arith.constant 48 : index
        %get3A_1130 = tpu.vector_load %arg7[%get3A_1127, %get3A_1128, %get3A_1129] {strides = array<i32>} : memref<4x128x64xf32, #tpu.memory_space<vmem>>, vector<16xf32>,
        %mul3A_1131 = arith.constant 8.000000e+00 : f32
        %mul3A_1132 = vector.broadcast %mul3A_1131 : f32 to vector<16xf32>
        %mul3A_1133 = arith.mulf %get3A_1130, %mul3A_1132 : vector<16xf32>
        %scatter3A_1134 = arith.constant 0 : i32
        %scatter3A_1135 = arith.constant 0 : i32
        %scatter3A_1136 = arith.constant 0 : i32
        %scatter3A_1137 = tpu.memref_slice %arg8[%scatter3A_1134, %scatter3A_1135, %scatter3A_1136] : memref<2x64x129xf32, #tpu.memory_space<vmem>> -> memref<1x64x129xf32, #tpu.memory_space<vmem>>
        %scatter3A_1138 = tpu.memref_squeeze %scatter3A_1137 : memref<1x64x129xf32, #tpu.memory_space<vmem>> -> memref<64x129xf32, #tpu.memory_space<vmem>>
        tpu.vector_store_idx %scatter3A_1138[%add3A_16, %broadcast_in_dim3A], %mul3A_1133 : memref<64x129xf32, #tpu.memory_space<vmem>>[vector<16xi32>, vector<16xi32>], vector<16xf32>,
        %scan3A_1139 = arith.constant 1 : i32
        %scan3A_1140 = arith.addi %scan3A_1084, %scan3A_1139 : i32
        %mul3A_1141 = arith.constant 1 : i32
        %mul3A_1142 = arith.muli %scan3A_1140, %mul3A_1141 : i32
        %add3A_1143 = arith.constant 0 : i32
        %add3A_1144 = arith.addi %add3A_1143, %mul3A_1142 : i32
        %broadcast_in_dim3A_1145 = vector.broadcast %add3A_1144 : i32 to vector<16xi32>
        %get3A_1146 = arith.constant 0 : i32
        %get3A_1147 = arith.index_cast %get3A_1146 : i32 to index
        %get3A_1148 = arith.index_cast %add3A_1144 : i32 to index
        %get3A_1149 = arith.constant 0 : index
        %get3A_1150 = tpu.vector_load %arg7[%get3A_1147, %get3A_1148, %get3A_1149] {strides = array<i32>} : memref<4x128x64xf32, #tpu.memory_space<vmem>>, vector<16xf32>,
        %mul3A_1151 = arith.constant 8.000000e+00 : f32
        %mul3A_1152 = vector.broadcast %mul3A_1151 : f32 to vector<16xf32>
        %mul3A_1153 = arith.mulf %get3A_1150, %mul3A_1152 : vector<16xf32>
        %scatter3A_1154 = arith.constant 0 : i32
        %scatter3A_1155 = arith.constant 0 : i32
        %scatter3A_1156 = arith.constant 0 : i32
        %scatter3A_1157 = tpu.memref_slice %arg8[%scatter3A_1154, %scatter3A_1155, %scatter3A_1156] : memref<2x64x129xf32, #tpu.memory_space<vmem>> -> memref<1x64x129xf32, #tpu.memory_space<vmem>>
        %scatter3A_1158 = tpu.memref_squeeze %scatter3A_1157 : memref<1x64x129xf32, #tpu.memory_space<vmem>> -> memref<64x129xf32, #tpu.memory_space<vmem>>
        tpu.vector_store_idx %scatter3A_1158[%add3A_7, %broadcast_in_dim3A_1145], %mul3A_1153 : memref<64x129xf32, #tpu.memory_space<vmem>>[vector<16xi32>, vector<16xi32>], vector<16xf32>,
        %get3A_1159 = arith.constant 0 : i32
        %get3A_1160 = arith.index_cast %get3A_1159 : i32 to index
        %get3A_1161 = arith.index_cast %add3A_1144 : i32 to index
        %get3A_1162 = arith.constant 16 : index
        %get3A_1163 = tpu.vector_load %arg7[%get3A_1160, %get3A_1161, %get3A_1162] {strides = array<i32>} : memref<4x128x64xf32, #tpu.memory_space<vmem>>, vector<16xf32>,
        %mul3A_1164 = arith.constant 8.000000e+00 : f32
        %mul3A_1165 = vector.broadcast %mul3A_1164 : f32 to vector<16xf32>
        %mul3A_1166 = arith.mulf %get3A_1163, %mul3A_1165 : vector<16xf32>
        %scatter3A_1167 = arith.constant 0 : i32
        %scatter3A_1168 = arith.constant 0 : i32
        %scatter3A_1169 = arith.constant 0 : i32
        %scatter3A_1170 = tpu.memref_slice %arg8[%scatter3A_1167, %scatter3A_1168, %scatter3A_1169] : memref<2x64x129xf32, #tpu.memory_space<vmem>> -> memref<1x64x129xf32, #tpu.memory_space<vmem>>
        %scatter3A_1171 = tpu.memref_squeeze %scatter3A_1170 : memref<1x64x129xf32, #tpu.memory_space<vmem>> -> memref<64x129xf32, #tpu.memory_space<vmem>>
        tpu.vector_store_idx %scatter3A_1171[%add3A_10, %broadcast_in_dim3A_1145], %mul3A_1166 : memref<64x129xf32, #tpu.memory_space<vmem>>[vector<16xi32>, vector<16xi32>], vector<16xf32>,
        %get3A_1172 = arith.constant 0 : i32
        %get3A_1173 = arith.index_cast %get3A_1172 : i32 to index
        %get3A_1174 = arith.index_cast %add3A_1144 : i32 to index
        %get3A_1175 = arith.constant 32 : index
        %get3A_1176 = tpu.vector_load %arg7[%get3A_1173, %get3A_1174, %get3A_1175] {strides = array<i32>} : memref<4x128x64xf32, #tpu.memory_space<vmem>>, vector<16xf32>,
        %mul3A_1177 = arith.constant 8.000000e+00 : f32
        %mul3A_1178 = vector.broadcast %mul3A_1177 : f32 to vector<16xf32>
        %mul3A_1179 = arith.mulf %get3A_1176, %mul3A_1178 : vector<16xf32>
        %scatter3A_1180 = arith.constant 0 : i32
        %scatter3A_1181 = arith.constant 0 : i32
        %scatter3A_1182 = arith.constant 0 : i32
        %scatter3A_1183 = tpu.memref_slice %arg8[%scatter3A_1180, %scatter3A_1181, %scatter3A_1182] : memref<2x64x129xf32, #tpu.memory_space<vmem>> -> memref<1x64x129xf32, #tpu.memory_space<vmem>>
        %scatter3A_1184 = tpu.memref_squeeze %scatter3A_1183 : memref<1x64x129xf32, #tpu.memory_space<vmem>> -> memref<64x129xf32, #tpu.memory_space<vmem>>
        tpu.vector_store_idx %scatter3A_1184[%add3A_13, %broadcast_in_dim3A_1145], %mul3A_1179 : memref<64x129xf32, #tpu.memory_space<vmem>>[vector<16xi32>, vector<16xi32>], vector<16xf32>,
        %get3A_1185 = arith.constant 0 : i32
        %get3A_1186 = arith.index_cast %get3A_1185 : i32 to index
        %get3A_1187 = arith.index_cast %add3A_1144 : i32 to index
        %get3A_1188 = arith.constant 48 : index
        %get3A_1189 = tpu.vector_load %arg7[%get3A_1186, %get3A_1187, %get3A_1188] {strides = array<i32>} : memref<4x128x64xf32, #tpu.memory_space<vmem>>, vector<16xf32>,
        %mul3A_1190 = arith.constant 8.000000e+00 : f32
        %mul3A_1191 = vector.broadcast %mul3A_1190 : f32 to vector<16xf32>
        %mul3A_1192 = arith.mulf %get3A_1189, %mul3A_1191 : vector<16xf32>
        %scatter3A_1193 = arith.constant 0 : i32
        %scatter3A_1194 = arith.constant 0 : i32
        %scatter3A_1195 = arith.constant 0 : i32
        %scatter3A_1196 = tpu.memref_slice %arg8[%scatter3A_1193, %scatter3A_1194, %scatter3A_1195] : memref<2x64x129xf32, #tpu.memory_space<vmem>> -> memref<1x64x129xf32, #tpu.memory_space<vmem>>
        %scatter3A_1197 = tpu.memref_squeeze %scatter3A_1196 : memref<1x64x129xf32, #tpu.memory_space<vmem>> -> memref<64x129xf32, #tpu.memory_space<vmem>>
        tpu.vector_store_idx %scatter3A_1197[%add3A_16, %broadcast_in_dim3A_1145], %mul3A_1192 : memref<64x129xf32, #tpu.memory_space<vmem>>[vector<16xi32>, vector<16xi32>], vector<16xf32>,
      }
      %scan3A_408 = arith.constant 128 : i32
      %dma_start3A_409 = arith.constant 0 : i32
      %dma_start3A_410 = arith.constant 0 : i32
      %dma_start3A_411 = arith.constant 0 : i32
      %dma_start3A_412 = arith.constant 0 : i32
      %dma_start3A_413 = tpu.memref_slice %arg8[%dma_start3A_409, %dma_start3A_411, %dma_start3A_412] : memref<2x64x129xf32, #tpu.memory_space<vmem>> -> memref<1x8x128xf32, #tpu.memory_space<vmem>>
      %dma_start3A_414 = tpu.memref_squeeze %dma_start3A_413 : memref<1x8x128xf32, #tpu.memory_space<vmem>> -> memref<8x128xf32, #tpu.memory_space<vmem>>
      %dma_start3A_415 = arith.constant 0 : i32
      %dma_start3A_416 = arith.constant 0 : i32
      %dma_start3A_417 = tpu.memref_slice %arg4[%add3A_382, %dma_start3A_410, %add3A, %dma_start3A_415, %dma_start3A_416] : memref<200x8x32x8x128xf32, #tpu.memory_space<hbm>> -> memref<1x1x1x8x128xf32, #tpu.memory_space<hbm>>
      %dma_start3A_418 = tpu.memref_squeeze %dma_start3A_417 : memref<1x1x1x8x128xf32, #tpu.memory_space<hbm>> -> memref<8x128xf32, #tpu.memory_space<hbm>>
      %dma_start3A_419 = arith.constant 0 : i32
      %dma_start3A_420 = arith.constant 0 : i32
      %dma_start3A_421 = tpu.memref_slice %arg4[%add3A_382, %dma_start3A_410, %add3A, %dma_start3A_419, %dma_start3A_420] : memref<200x8x32x8x128xf32, #tpu.memory_space<hbm>> -> memref<1x1x1x8x128xf32, #tpu.memory_space<hbm>>
      %dma_start3A_422 = tpu.memref_squeeze %dma_start3A_421 : memref<1x1x1x8x128xf32, #tpu.memory_space<hbm>> -> memref<8x128xf32, #tpu.memory_space<hbm>>
      %dma_start3A_423 = arith.constant 0 : i32
      %dma_start3A_424 = arith.constant 0 : i32
      %dma_start3A_425 = tpu.memref_slice %arg8[%dma_start3A_409, %dma_start3A_423, %dma_start3A_424] : memref<2x64x129xf32, #tpu.memory_space<vmem>> -> memref<1x8x128xf32, #tpu.memory_space<vmem>>
      %dma_start3A_426 = tpu.memref_squeeze %dma_start3A_425 : memref<1x8x128xf32, #tpu.memory_space<vmem>> -> memref<8x128xf32, #tpu.memory_space<vmem>>
      tpu.enqueue_dma source(%dma_start3A_426 : memref<8x128xf32, #tpu.memory_space<vmem>>) target(%dma_start3A_422 : memref<8x128xf32, #tpu.memory_space<hbm>>) target_semaphore(%arg10 : memref<!tpu.dma_semaphore, #tpu.memory_space<semaphore_mem>>)
      %dma_start3A_427 = arith.constant 0 : i32
      %dma_start3A_428 = arith.constant 1 : i32
      %dma_start3A_429 = arith.constant 8 : i32
      %dma_start3A_430 = arith.constant 0 : i32
      %dma_start3A_431 = tpu.memref_slice %arg8[%dma_start3A_427, %dma_start3A_429, %dma_start3A_430] : memref<2x64x129xf32, #tpu.memory_space<vmem>> -> memref<1x8x128xf32, #tpu.memory_space<vmem>>
      %dma_start3A_432 = tpu.memref_squeeze %dma_start3A_431 : memref<1x8x128xf32, #tpu.memory_space<vmem>> -> memref<8x128xf32, #tpu.memory_space<vmem>>
      %dma_start3A_433 = arith.constant 0 : i32
      %dma_start3A_434 = arith.constant 0 : i32
      %dma_start3A_435 = tpu.memref_slice %arg4[%add3A_382, %dma_start3A_428, %add3A, %dma_start3A_433, %dma_start3A_434] : memref<200x8x32x8x128xf32, #tpu.memory_space<hbm>> -> memref<1x1x1x8x128xf32, #tpu.memory_space<hbm>>
      %dma_start3A_436 = tpu.memref_squeeze %dma_start3A_435 : memref<1x1x1x8x128xf32, #tpu.memory_space<hbm>> -> memref<8x128xf32, #tpu.memory_space<hbm>>
      %dma_start3A_437 = arith.constant 0 : i32
      %dma_start3A_438 = arith.constant 0 : i32
      %dma_start3A_439 = tpu.memref_slice %arg4[%add3A_382, %dma_start3A_428, %add3A, %dma_start3A_437, %dma_start3A_438] : memref<200x8x32x8x128xf32, #tpu.memory_space<hbm>> -> memref<1x1x1x8x128xf32, #tpu.memory_space<hbm>>
      %dma_start3A_440 = tpu.memref_squeeze %dma_start3A_439 : memref<1x1x1x8x128xf32, #tpu.memory_space<hbm>> -> memref<8x128xf32, #tpu.memory_space<hbm>>
      %dma_start3A_441 = arith.constant 8 : i32
      %dma_start3A_442 = arith.constant 0 : i32
      %dma_start3A_443 = tpu.memref_slice %arg8[%dma_start3A_427, %dma_start3A_441, %dma_start3A_442] : memref<2x64x129xf32, #tpu.memory_space<vmem>> -> memref<1x8x128xf32, #tpu.memory_space<vmem>>
      %dma_start3A_444 = tpu.memref_squeeze %dma_start3A_443 : memref<1x8x128xf32, #tpu.memory_space<vmem>> -> memref<8x128xf32, #tpu.memory_space<vmem>>
      tpu.enqueue_dma source(%dma_start3A_444 : memref<8x128xf32, #tpu.memory_space<vmem>>) target(%dma_start3A_440 : memref<8x128xf32, #tpu.memory_space<hbm>>) target_semaphore(%arg10 : memref<!tpu.dma_semaphore, #tpu.memory_space<semaphore_mem>>)
      %dma_start3A_445 = arith.constant 0 : i32
      %dma_start3A_446 = arith.constant 2 : i32
      %dma_start3A_447 = arith.constant 16 : i32
      %dma_start3A_448 = arith.constant 0 : i32
      %dma_start3A_449 = tpu.memref_slice %arg8[%dma_start3A_445, %dma_start3A_447, %dma_start3A_448] : memref<2x64x129xf32, #tpu.memory_space<vmem>> -> memref<1x8x128xf32, #tpu.memory_space<vmem>>
      %dma_start3A_450 = tpu.memref_squeeze %dma_start3A_449 : memref<1x8x128xf32, #tpu.memory_space<vmem>> -> memref<8x128xf32, #tpu.memory_space<vmem>>
      %dma_start3A_451 = arith.constant 0 : i32
      %dma_start3A_452 = arith.constant 0 : i32
      %dma_start3A_453 = tpu.memref_slice %arg4[%add3A_382, %dma_start3A_446, %add3A, %dma_start3A_451, %dma_start3A_452] : memref<200x8x32x8x128xf32, #tpu.memory_space<hbm>> -> memref<1x1x1x8x128xf32, #tpu.memory_space<hbm>>
      %dma_start3A_454 = tpu.memref_squeeze %dma_start3A_453 : memref<1x1x1x8x128xf32, #tpu.memory_space<hbm>> -> memref<8x128xf32, #tpu.memory_space<hbm>>
      %dma_start3A_455 = arith.constant 0 : i32
      %dma_start3A_456 = arith.constant 0 : i32
      %dma_start3A_457 = tpu.memref_slice %arg4[%add3A_382, %dma_start3A_446, %add3A, %dma_start3A_455, %dma_start3A_456] : memref<200x8x32x8x128xf32, #tpu.memory_space<hbm>> -> memref<1x1x1x8x128xf32, #tpu.memory_space<hbm>>
      %dma_start3A_458 = tpu.memref_squeeze %dma_start3A_457 : memref<1x1x1x8x128xf32, #tpu.memory_space<hbm>> -> memref<8x128xf32, #tpu.memory_space<hbm>>
      %dma_start3A_459 = arith.constant 16 : i32
      %dma_start3A_460 = arith.constant 0 : i32
      %dma_start3A_461 = tpu.memref_slice %arg8[%dma_start3A_445, %dma_start3A_459, %dma_start3A_460] : memref<2x64x129xf32, #tpu.memory_space<vmem>> -> memref<1x8x128xf32, #tpu.memory_space<vmem>>
      %dma_start3A_462 = tpu.memref_squeeze %dma_start3A_461 : memref<1x8x128xf32, #tpu.memory_space<vmem>> -> memref<8x128xf32, #tpu.memory_space<vmem>>
      tpu.enqueue_dma source(%dma_start3A_462 : memref<8x128xf32, #tpu.memory_space<vmem>>) target(%dma_start3A_458 : memref<8x128xf32, #tpu.memory_space<hbm>>) target_semaphore(%arg10 : memref<!tpu.dma_semaphore, #tpu.memory_space<semaphore_mem>>)
      %dma_start3A_463 = arith.constant 0 : i32
      %dma_start3A_464 = arith.constant 3 : i32
      %dma_start3A_465 = arith.constant 24 : i32
      %dma_start3A_466 = arith.constant 0 : i32
      %dma_start3A_467 = tpu.memref_slice %arg8[%dma_start3A_463, %dma_start3A_465, %dma_start3A_466] : memref<2x64x129xf32, #tpu.memory_space<vmem>> -> memref<1x8x128xf32, #tpu.memory_space<vmem>>
      %dma_start3A_468 = tpu.memref_squeeze %dma_start3A_467 : memref<1x8x128xf32, #tpu.memory_space<vmem>> -> memref<8x128xf32, #tpu.memory_space<vmem>>
      %dma_start3A_469 = arith.constant 0 : i32
      %dma_start3A_470 = arith.constant 0 : i32
      %dma_start3A_471 = tpu.memref_slice %arg4[%add3A_382, %dma_start3A_464, %add3A, %dma_start3A_469, %dma_start3A_470] : memref<200x8x32x8x128xf32, #tpu.memory_space<hbm>> -> memref<1x1x1x8x128xf32, #tpu.memory_space<hbm>>
      %dma_start3A_472 = tpu.memref_squeeze %dma_start3A_471 : memref<1x1x1x8x128xf32, #tpu.memory_space<hbm>> -> memref<8x128xf32, #tpu.memory_space<hbm>>
      %dma_start3A_473 = arith.constant 0 : i32
      %dma_start3A_474 = arith.constant 0 : i32
      %dma_start3A_475 = tpu.memref_slice %arg4[%add3A_382, %dma_start3A_464, %add3A, %dma_start3A_473, %dma_start3A_474] : memref<200x8x32x8x128xf32, #tpu.memory_space<hbm>> -> memref<1x1x1x8x128xf32, #tpu.memory_space<hbm>>
      %dma_start3A_476 = tpu.memref_squeeze %dma_start3A_475 : memref<1x1x1x8x128xf32, #tpu.memory_space<hbm>> -> memref<8x128xf32, #tpu.memory_space<hbm>>
      %dma_start3A_477 = arith.constant 24 : i32
      %dma_start3A_478 = arith.constant 0 : i32
      %dma_start3A_479 = tpu.memref_slice %arg8[%dma_start3A_463, %dma_start3A_477, %dma_start3A_478] : memref<2x64x129xf32, #tpu.memory_space<vmem>> -> memref<1x8x128xf32, #tpu.memory_space<vmem>>
      %dma_start3A_480 = tpu.memref_squeeze %dma_start3A_479 : memref<1x8x128xf32, #tpu.memory_space<vmem>> -> memref<8x128xf32, #tpu.memory_space<vmem>>
      tpu.enqueue_dma source(%dma_start3A_480 : memref<8x128xf32, #tpu.memory_space<vmem>>) target(%dma_start3A_476 : memref<8x128xf32, #tpu.memory_space<hbm>>) target_semaphore(%arg10 : memref<!tpu.dma_semaphore, #tpu.memory_space<semaphore_mem>>)
      %dma_start3A_481 = arith.constant 0 : i32
      %dma_start3A_482 = arith.constant 4 : i32
      %dma_start3A_483 = arith.constant 32 : i32
      %dma_start3A_484 = arith.constant 0 : i32
      %dma_start3A_485 = tpu.memref_slice %arg8[%dma_start3A_481, %dma_start3A_483, %dma_start3A_484] : memref<2x64x129xf32, #tpu.memory_space<vmem>> -> memref<1x8x128xf32, #tpu.memory_space<vmem>>
      %dma_start3A_486 = tpu.memref_squeeze %dma_start3A_485 : memref<1x8x128xf32, #tpu.memory_space<vmem>> -> memref<8x128xf32, #tpu.memory_space<vmem>>
      %dma_start3A_487 = arith.constant 0 : i32
      %dma_start3A_488 = arith.constant 0 : i32
      %dma_start3A_489 = tpu.memref_slice %arg4[%add3A_382, %dma_start3A_482, %add3A, %dma_start3A_487, %dma_start3A_488] : memref<200x8x32x8x128xf32, #tpu.memory_space<hbm>> -> memref<1x1x1x8x128xf32, #tpu.memory_space<hbm>>
      %dma_start3A_490 = tpu.memref_squeeze %dma_start3A_489 : memref<1x1x1x8x128xf32, #tpu.memory_space<hbm>> -> memref<8x128xf32, #tpu.memory_space<hbm>>
      %dma_start3A_491 = arith.constant 0 : i32
      %dma_start3A_492 = arith.constant 0 : i32
      %dma_start3A_493 = tpu.memref_slice %arg4[%add3A_382, %dma_start3A_482, %add3A, %dma_start3A_491, %dma_start3A_492] : memref<200x8x32x8x128xf32, #tpu.memory_space<hbm>> -> memref<1x1x1x8x128xf32, #tpu.memory_space<hbm>>
      %dma_start3A_494 = tpu.memref_squeeze %dma_start3A_493 : memref<1x1x1x8x128xf32, #tpu.memory_space<hbm>> -> memref<8x128xf32, #tpu.memory_space<hbm>>
      %dma_start3A_495 = arith.constant 32 : i32
      %dma_start3A_496 = arith.constant 0 : i32
      %dma_start3A_497 = tpu.memref_slice %arg8[%dma_start3A_481, %dma_start3A_495, %dma_start3A_496] : memref<2x64x129xf32, #tpu.memory_space<vmem>> -> memref<1x8x128xf32, #tpu.memory_space<vmem>>
      %dma_start3A_498 = tpu.memref_squeeze %dma_start3A_497 : memref<1x8x128xf32, #tpu.memory_space<vmem>> -> memref<8x128xf32, #tpu.memory_space<vmem>>
      tpu.enqueue_dma source(%dma_start3A_498 : memref<8x128xf32, #tpu.memory_space<vmem>>) target(%dma_start3A_494 : memref<8x128xf32, #tpu.memory_space<hbm>>) target_semaphore(%arg10 : memref<!tpu.dma_semaphore, #tpu.memory_space<semaphore_mem>>)
      %dma_start3A_499 = arith.constant 0 : i32
      %dma_start3A_500 = arith.constant 5 : i32
      %dma_start3A_501 = arith.constant 40 : i32
      %dma_start3A_502 = arith.constant 0 : i32
      %dma_start3A_503 = tpu.memref_slice %arg8[%dma_start3A_499, %dma_start3A_501, %dma_start3A_502] : memref<2x64x129xf32, #tpu.memory_space<vmem>> -> memref<1x8x128xf32, #tpu.memory_space<vmem>>
      %dma_start3A_504 = tpu.memref_squeeze %dma_start3A_503 : memref<1x8x128xf32, #tpu.memory_space<vmem>> -> memref<8x128xf32, #tpu.memory_space<vmem>>
      %dma_start3A_505 = arith.constant 0 : i32
      %dma_start3A_506 = arith.constant 0 : i32
      %dma_start3A_507 = tpu.memref_slice %arg4[%add3A_382, %dma_start3A_500, %add3A, %dma_start3A_505, %dma_start3A_506] : memref<200x8x32x8x128xf32, #tpu.memory_space<hbm>> -> memref<1x1x1x8x128xf32, #tpu.memory_space<hbm>>
      %dma_start3A_508 = tpu.memref_squeeze %dma_start3A_507 : memref<1x1x1x8x128xf32, #tpu.memory_space<hbm>> -> memref<8x128xf32, #tpu.memory_space<hbm>>
      %dma_start3A_509 = arith.constant 0 : i32
      %dma_start3A_510 = arith.constant 0 : i32
      %dma_start3A_511 = tpu.memref_slice %arg4[%add3A_382, %dma_start3A_500, %add3A, %dma_start3A_509, %dma_start3A_510] : memref<200x8x32x8x128xf32, #tpu.memory_space<hbm>> -> memref<1x1x1x8x128xf32, #tpu.memory_space<hbm>>
      %dma_start3A_512 = tpu.memref_squeeze %dma_start3A_511 : memref<1x1x1x8x128xf32, #tpu.memory_space<hbm>> -> memref<8x128xf32, #tpu.memory_space<hbm>>
      %dma_start3A_513 = arith.constant 40 : i32
      %dma_start3A_514 = arith.constant 0 : i32
      %dma_start3A_515 = tpu.memref_slice %arg8[%dma_start3A_499, %dma_start3A_513, %dma_start3A_514] : memref<2x64x129xf32, #tpu.memory_space<vmem>> -> memref<1x8x128xf32, #tpu.memory_space<vmem>>
      %dma_start3A_516 = tpu.memref_squeeze %dma_start3A_515 : memref<1x8x128xf32, #tpu.memory_space<vmem>> -> memref<8x128xf32, #tpu.memory_space<vmem>>
      tpu.enqueue_dma source(%dma_start3A_516 : memref<8x128xf32, #tpu.memory_space<vmem>>) target(%dma_start3A_512 : memref<8x128xf32, #tpu.memory_space<hbm>>) target_semaphore(%arg10 : memref<!tpu.dma_semaphore, #tpu.memory_space<semaphore_mem>>)
      %dma_start3A_517 = arith.constant 0 : i32
      %dma_start3A_518 = arith.constant 6 : i32
      %dma_start3A_519 = arith.constant 48 : i32
      %dma_start3A_520 = arith.constant 0 : i32
      %dma_start3A_521 = tpu.memref_slice %arg8[%dma_start3A_517, %dma_start3A_519, %dma_start3A_520] : memref<2x64x129xf32, #tpu.memory_space<vmem>> -> memref<1x8x128xf32, #tpu.memory_space<vmem>>
      %dma_start3A_522 = tpu.memref_squeeze %dma_start3A_521 : memref<1x8x128xf32, #tpu.memory_space<vmem>> -> memref<8x128xf32, #tpu.memory_space<vmem>>
      %dma_start3A_523 = arith.constant 0 : i32
      %dma_start3A_524 = arith.constant 0 : i32
      %dma_start3A_525 = tpu.memref_slice %arg4[%add3A_382, %dma_start3A_518, %add3A, %dma_start3A_523, %dma_start3A_524] : memref<200x8x32x8x128xf32, #tpu.memory_space<hbm>> -> memref<1x1x1x8x128xf32, #tpu.memory_space<hbm>>
      %dma_start3A_526 = tpu.memref_squeeze %dma_start3A_525 : memref<1x1x1x8x128xf32, #tpu.memory_space<hbm>> -> memref<8x128xf32, #tpu.memory_space<hbm>>
      %dma_start3A_527 = arith.constant 0 : i32
      %dma_start3A_528 = arith.constant 0 : i32
      %dma_start3A_529 = tpu.memref_slice %arg4[%add3A_382, %dma_start3A_518, %add3A, %dma_start3A_527, %dma_start3A_528] : memref<200x8x32x8x128xf32, #tpu.memory_space<hbm>> -> memref<1x1x1x8x128xf32, #tpu.memory_space<hbm>>
      %dma_start3A_530 = tpu.memref_squeeze %dma_start3A_529 : memref<1x1x1x8x128xf32, #tpu.memory_space<hbm>> -> memref<8x128xf32, #tpu.memory_space<hbm>>
      %dma_start3A_531 = arith.constant 48 : i32
      %dma_start3A_532 = arith.constant 0 : i32
      %dma_start3A_533 = tpu.memref_slice %arg8[%dma_start3A_517, %dma_start3A_531, %dma_start3A_532] : memref<2x64x129xf32, #tpu.memory_space<vmem>> -> memref<1x8x128xf32, #tpu.memory_space<vmem>>
      %dma_start3A_534 = tpu.memref_squeeze %dma_start3A_533 : memref<1x8x128xf32, #tpu.memory_space<vmem>> -> memref<8x128xf32, #tpu.memory_space<vmem>>
      tpu.enqueue_dma source(%dma_start3A_534 : memref<8x128xf32, #tpu.memory_space<vmem>>) target(%dma_start3A_530 : memref<8x128xf32, #tpu.memory_space<hbm>>) target_semaphore(%arg10 : memref<!tpu.dma_semaphore, #tpu.memory_space<semaphore_mem>>)
      %dma_start3A_535 = arith.constant 0 : i32
      %dma_start3A_536 = arith.constant 7 : i32
      %dma_start3A_537 = arith.constant 56 : i32
      %dma_start3A_538 = arith.constant 0 : i32
      %dma_start3A_539 = tpu.memref_slice %arg8[%dma_start3A_535, %dma_start3A_537, %dma_start3A_538] : memref<2x64x129xf32, #tpu.memory_space<vmem>> -> memref<1x8x128xf32, #tpu.memory_space<vmem>>
      %dma_start3A_540 = tpu.memref_squeeze %dma_start3A_539 : memref<1x8x128xf32, #tpu.memory_space<vmem>> -> memref<8x128xf32, #tpu.memory_space<vmem>>
      %dma_start3A_541 = arith.constant 0 : i32
      %dma_start3A_542 = arith.constant 0 : i32
      %dma_start3A_543 = tpu.memref_slice %arg4[%add3A_382, %dma_start3A_536, %add3A, %dma_start3A_541, %dma_start3A_542] : memref<200x8x32x8x128xf32, #tpu.memory_space<hbm>> -> memref<1x1x1x8x128xf32, #tpu.memory_space<hbm>>
      %dma_start3A_544 = tpu.memref_squeeze %dma_start3A_543 : memref<1x1x1x8x128xf32, #tpu.memory_space<hbm>> -> memref<8x128xf32, #tpu.memory_space<hbm>>
      %dma_start3A_545 = arith.constant 0 : i32
      %dma_start3A_546 = arith.constant 0 : i32
      %dma_start3A_547 = tpu.memref_slice %arg4[%add3A_382, %dma_start3A_536, %add3A, %dma_start3A_545, %dma_start3A_546] : memref<200x8x32x8x128xf32, #tpu.memory_space<hbm>> -> memref<1x1x1x8x128xf32, #tpu.memory_space<hbm>>
      %dma_start3A_548 = tpu.memref_squeeze %dma_start3A_547 : memref<1x1x1x8x128xf32, #tpu.memory_space<hbm>> -> memref<8x128xf32, #tpu.memory_space<hbm>>
      %dma_start3A_549 = arith.constant 56 : i32
      %dma_start3A_550 = arith.constant 0 : i32
      %dma_start3A_551 = tpu.memref_slice %arg8[%dma_start3A_535, %dma_start3A_549, %dma_start3A_550] : memref<2x64x129xf32, #tpu.memory_space<vmem>> -> memref<1x8x128xf32, #tpu.memory_space<vmem>>
      %dma_start3A_552 = tpu.memref_squeeze %dma_start3A_551 : memref<1x8x128xf32, #tpu.memory_space<vmem>> -> memref<8x128xf32, #tpu.memory_space<vmem>>
      tpu.enqueue_dma source(%dma_start3A_552 : memref<8x128xf32, #tpu.memory_space<vmem>>) target(%dma_start3A_548 : memref<8x128xf32, #tpu.memory_space<hbm>>) target_semaphore(%arg10 : memref<!tpu.dma_semaphore, #tpu.memory_space<semaphore_mem>>)
      %add3A_553 = arith.constant 1 : i32
      %add3A_554 = arith.addi %add3A_380, %add3A_553 : i32
      %ge3A_555 = arith.constant 2 : i32
      %ge3A_556 = arith.cmpi sge, %add3A_554, %ge3A_555 : i32
      %convert_element_type3A_557 = arith.extui %ge3A_556 : i1 to i32
      %cond3A_558 = arith.constant 0 : i32
      %cond3A_559 = arith.cmpi ne, %convert_element_type3A_557, %cond3A_558 : i32
      scf.if %cond3A_559 {
        %sub3A_1084 = arith.constant 2 : i32
        %sub3A_1085 = arith.subi %add3A_554, %sub3A_1084 : i32
        %dma_wait3A_1086 = arith.constant 1 : i32
        %dma_wait3A_1087 = arith.constant 0 : i32
        %dma_wait3A_1088 = arith.constant 0 : i32
        %dma_wait3A_1089 = arith.constant 0 : i32
        %dma_wait3A_1090 = tpu.memref_slice %arg8[%dma_wait3A_1086, %dma_wait3A_1088, %dma_wait3A_1089] : memref<2x64x129xf32, #tpu.memory_space<vmem>> -> memref<1x8x128xf32, #tpu.memory_space<vmem>>
        %dma_wait3A_1091 = tpu.memref_squeeze %dma_wait3A_1090 : memref<1x8x128xf32, #tpu.memory_space<vmem>> -> memref<8x128xf32, #tpu.memory_space<vmem>>
        %dma_wait3A_1092 = arith.constant 0 : i32
        %dma_wait3A_1093 = arith.constant 0 : i32
        %dma_wait3A_1094 = tpu.memref_slice %arg4[%sub3A_1085, %dma_wait3A_1087, %add3A, %dma_wait3A_1092, %dma_wait3A_1093] : memref<200x8x32x8x128xf32, #tpu.memory_space<hbm>> -> memref<1x1x1x8x128xf32, #tpu.memory_space<hbm>>
        %dma_wait3A_1095 = tpu.memref_squeeze %dma_wait3A_1094 : memref<1x1x1x8x128xf32, #tpu.memory_space<hbm>> -> memref<8x128xf32, #tpu.memory_space<hbm>>
        %dma_wait3A_1096 = arith.constant 0 : i32
        %dma_wait3A_1097 = arith.constant 0 : i32
        %dma_wait3A_1098 = tpu.memref_slice %arg4[%sub3A_1085, %dma_wait3A_1087, %add3A, %dma_wait3A_1096, %dma_wait3A_1097] : memref<200x8x32x8x128xf32, #tpu.memory_space<hbm>> -> memref<1x1x1x8x128xf32, #tpu.memory_space<hbm>>
        %dma_wait3A_1099 = tpu.memref_squeeze %dma_wait3A_1098 : memref<1x1x1x8x128xf32, #tpu.memory_space<hbm>> -> memref<8x128xf32, #tpu.memory_space<hbm>>
        %dma_wait3A_1100 = arith.constant 0 : i32
        %dma_wait3A_1101 = arith.constant 0 : i32
        %dma_wait3A_1102 = tpu.memref_slice %arg8[%dma_wait3A_1086, %dma_wait3A_1100, %dma_wait3A_1101] : memref<2x64x129xf32, #tpu.memory_space<vmem>> -> memref<1x8x128xf32, #tpu.memory_space<vmem>>
        %dma_wait3A_1103 = tpu.memref_squeeze %dma_wait3A_1102 : memref<1x8x128xf32, #tpu.memory_space<vmem>> -> memref<8x128xf32, #tpu.memory_space<vmem>>
        tpu.wait_dma2 semaphore(%arg10 : memref<!tpu.dma_semaphore, #tpu.memory_space<semaphore_mem>>) src(%dma_wait3A_1103 : memref<8x128xf32, #tpu.memory_space<vmem>>) dst(%dma_wait3A_1099 : memref<8x128xf32, #tpu.memory_space<hbm>>)
        %dma_wait3A_1104 = arith.constant 1 : i32
        %dma_wait3A_1105 = arith.constant 1 : i32
        %dma_wait3A_1106 = arith.constant 8 : i32
        %dma_wait3A_1107 = arith.constant 0 : i32
        %dma_wait3A_1108 = tpu.memref_slice %arg8[%dma_wait3A_1104, %dma_wait3A_1106, %dma_wait3A_1107] : memref<2x64x129xf32, #tpu.memory_space<vmem>> -> memref<1x8x128xf32, #tpu.memory_space<vmem>>
        %dma_wait3A_1109 = tpu.memref_squeeze %dma_wait3A_1108 : memref<1x8x128xf32, #tpu.memory_space<vmem>> -> memref<8x128xf32, #tpu.memory_space<vmem>>
        %dma_wait3A_1110 = arith.constant 0 : i32
        %dma_wait3A_1111 = arith.constant 0 : i32
        %dma_wait3A_1112 = tpu.memref_slice %arg4[%sub3A_1085, %dma_wait3A_1105, %add3A, %dma_wait3A_1110, %dma_wait3A_1111] : memref<200x8x32x8x128xf32, #tpu.memory_space<hbm>> -> memref<1x1x1x8x128xf32, #tpu.memory_space<hbm>>
        %dma_wait3A_1113 = tpu.memref_squeeze %dma_wait3A_1112 : memref<1x1x1x8x128xf32, #tpu.memory_space<hbm>> -> memref<8x128xf32, #tpu.memory_space<hbm>>
        %dma_wait3A_1114 = arith.constant 0 : i32
        %dma_wait3A_1115 = arith.constant 0 : i32
        %dma_wait3A_1116 = tpu.memref_slice %arg4[%sub3A_1085, %dma_wait3A_1105, %add3A, %dma_wait3A_1114, %dma_wait3A_1115] : memref<200x8x32x8x128xf32, #tpu.memory_space<hbm>> -> memref<1x1x1x8x128xf32, #tpu.memory_space<hbm>>
        %dma_wait3A_1117 = tpu.memref_squeeze %dma_wait3A_1116 : memref<1x1x1x8x128xf32, #tpu.memory_space<hbm>> -> memref<8x128xf32, #tpu.memory_space<hbm>>
        %dma_wait3A_1118 = arith.constant 8 : i32
        %dma_wait3A_1119 = arith.constant 0 : i32
        %dma_wait3A_1120 = tpu.memref_slice %arg8[%dma_wait3A_1104, %dma_wait3A_1118, %dma_wait3A_1119] : memref<2x64x129xf32, #tpu.memory_space<vmem>> -> memref<1x8x128xf32, #tpu.memory_space<vmem>>
        %dma_wait3A_1121 = tpu.memref_squeeze %dma_wait3A_1120 : memref<1x8x128xf32, #tpu.memory_space<vmem>> -> memref<8x128xf32, #tpu.memory_space<vmem>>
        tpu.wait_dma2 semaphore(%arg10 : memref<!tpu.dma_semaphore, #tpu.memory_space<semaphore_mem>>) src(%dma_wait3A_1121 : memref<8x128xf32, #tpu.memory_space<vmem>>) dst(%dma_wait3A_1117 : memref<8x128xf32, #tpu.memory_space<hbm>>)
        %dma_wait3A_1122 = arith.constant 1 : i32
        %dma_wait3A_1123 = arith.constant 2 : i32
        %dma_wait3A_1124 = arith.constant 16 : i32
        %dma_wait3A_1125 = arith.constant 0 : i32
        %dma_wait3A_1126 = tpu.memref_slice %arg8[%dma_wait3A_1122, %dma_wait3A_1124, %dma_wait3A_1125] : memref<2x64x129xf32, #tpu.memory_space<vmem>> -> memref<1x8x128xf32, #tpu.memory_space<vmem>>
        %dma_wait3A_1127 = tpu.memref_squeeze %dma_wait3A_1126 : memref<1x8x128xf32, #tpu.memory_space<vmem>> -> memref<8x128xf32, #tpu.memory_space<vmem>>
        %dma_wait3A_1128 = arith.constant 0 : i32
        %dma_wait3A_1129 = arith.constant 0 : i32
        %dma_wait3A_1130 = tpu.memref_slice %arg4[%sub3A_1085, %dma_wait3A_1123, %add3A, %dma_wait3A_1128, %dma_wait3A_1129] : memref<200x8x32x8x128xf32, #tpu.memory_space<hbm>> -> memref<1x1x1x8x128xf32, #tpu.memory_space<hbm>>
        %dma_wait3A_1131 = tpu.memref_squeeze %dma_wait3A_1130 : memref<1x1x1x8x128xf32, #tpu.memory_space<hbm>> -> memref<8x128xf32, #tpu.memory_space<hbm>>
        %dma_wait3A_1132 = arith.constant 0 : i32
        %dma_wait3A_1133 = arith.constant 0 : i32
        %dma_wait3A_1134 = tpu.memref_slice %arg4[%sub3A_1085, %dma_wait3A_1123, %add3A, %dma_wait3A_1132, %dma_wait3A_1133] : memref<200x8x32x8x128xf32, #tpu.memory_space<hbm>> -> memref<1x1x1x8x128xf32, #tpu.memory_space<hbm>>
        %dma_wait3A_1135 = tpu.memref_squeeze %dma_wait3A_1134 : memref<1x1x1x8x128xf32, #tpu.memory_space<hbm>> -> memref<8x128xf32, #tpu.memory_space<hbm>>
        %dma_wait3A_1136 = arith.constant 16 : i32
        %dma_wait3A_1137 = arith.constant 0 : i32
        %dma_wait3A_1138 = tpu.memref_slice %arg8[%dma_wait3A_1122, %dma_wait3A_1136, %dma_wait3A_1137] : memref<2x64x129xf32, #tpu.memory_space<vmem>> -> memref<1x8x128xf32, #tpu.memory_space<vmem>>
        %dma_wait3A_1139 = tpu.memref_squeeze %dma_wait3A_1138 : memref<1x8x128xf32, #tpu.memory_space<vmem>> -> memref<8x128xf32, #tpu.memory_space<vmem>>
        tpu.wait_dma2 semaphore(%arg10 : memref<!tpu.dma_semaphore, #tpu.memory_space<semaphore_mem>>) src(%dma_wait3A_1139 : memref<8x128xf32, #tpu.memory_space<vmem>>) dst(%dma_wait3A_1135 : memref<8x128xf32, #tpu.memory_space<hbm>>)
        %dma_wait3A_1140 = arith.constant 1 : i32
        %dma_wait3A_1141 = arith.constant 3 : i32
        %dma_wait3A_1142 = arith.constant 24 : i32
        %dma_wait3A_1143 = arith.constant 0 : i32
        %dma_wait3A_1144 = tpu.memref_slice %arg8[%dma_wait3A_1140, %dma_wait3A_1142, %dma_wait3A_1143] : memref<2x64x129xf32, #tpu.memory_space<vmem>> -> memref<1x8x128xf32, #tpu.memory_space<vmem>>
        %dma_wait3A_1145 = tpu.memref_squeeze %dma_wait3A_1144 : memref<1x8x128xf32, #tpu.memory_space<vmem>> -> memref<8x128xf32, #tpu.memory_space<vmem>>
        %dma_wait3A_1146 = arith.constant 0 : i32
        %dma_wait3A_1147 = arith.constant 0 : i32
        %dma_wait3A_1148 = tpu.memref_slice %arg4[%sub3A_1085, %dma_wait3A_1141, %add3A, %dma_wait3A_1146, %dma_wait3A_1147] : memref<200x8x32x8x128xf32, #tpu.memory_space<hbm>> -> memref<1x1x1x8x128xf32, #tpu.memory_space<hbm>>
        %dma_wait3A_1149 = tpu.memref_squeeze %dma_wait3A_1148 : memref<1x1x1x8x128xf32, #tpu.memory_space<hbm>> -> memref<8x128xf32, #tpu.memory_space<hbm>>
        %dma_wait3A_1150 = arith.constant 0 : i32
        %dma_wait3A_1151 = arith.constant 0 : i32
        %dma_wait3A_1152 = tpu.memref_slice %arg4[%sub3A_1085, %dma_wait3A_1141, %add3A, %dma_wait3A_1150, %dma_wait3A_1151] : memref<200x8x32x8x128xf32, #tpu.memory_space<hbm>> -> memref<1x1x1x8x128xf32, #tpu.memory_space<hbm>>
        %dma_wait3A_1153 = tpu.memref_squeeze %dma_wait3A_1152 : memref<1x1x1x8x128xf32, #tpu.memory_space<hbm>> -> memref<8x128xf32, #tpu.memory_space<hbm>>
        %dma_wait3A_1154 = arith.constant 24 : i32
        %dma_wait3A_1155 = arith.constant 0 : i32
        %dma_wait3A_1156 = tpu.memref_slice %arg8[%dma_wait3A_1140, %dma_wait3A_1154, %dma_wait3A_1155] : memref<2x64x129xf32, #tpu.memory_space<vmem>> -> memref<1x8x128xf32, #tpu.memory_space<vmem>>
        %dma_wait3A_1157 = tpu.memref_squeeze %dma_wait3A_1156 : memref<1x8x128xf32, #tpu.memory_space<vmem>> -> memref<8x128xf32, #tpu.memory_space<vmem>>
        tpu.wait_dma2 semaphore(%arg10 : memref<!tpu.dma_semaphore, #tpu.memory_space<semaphore_mem>>) src(%dma_wait3A_1157 : memref<8x128xf32, #tpu.memory_space<vmem>>) dst(%dma_wait3A_1153 : memref<8x128xf32, #tpu.memory_space<hbm>>)
        %dma_wait3A_1158 = arith.constant 1 : i32
        %dma_wait3A_1159 = arith.constant 4 : i32
        %dma_wait3A_1160 = arith.constant 32 : i32
        %dma_wait3A_1161 = arith.constant 0 : i32
        %dma_wait3A_1162 = tpu.memref_slice %arg8[%dma_wait3A_1158, %dma_wait3A_1160, %dma_wait3A_1161] : memref<2x64x129xf32, #tpu.memory_space<vmem>> -> memref<1x8x128xf32, #tpu.memory_space<vmem>>
        %dma_wait3A_1163 = tpu.memref_squeeze %dma_wait3A_1162 : memref<1x8x128xf32, #tpu.memory_space<vmem>> -> memref<8x128xf32, #tpu.memory_space<vmem>>
        %dma_wait3A_1164 = arith.constant 0 : i32
        %dma_wait3A_1165 = arith.constant 0 : i32
        %dma_wait3A_1166 = tpu.memref_slice %arg4[%sub3A_1085, %dma_wait3A_1159, %add3A, %dma_wait3A_1164, %dma_wait3A_1165] : memref<200x8x32x8x128xf32, #tpu.memory_space<hbm>> -> memref<1x1x1x8x128xf32, #tpu.memory_space<hbm>>
        %dma_wait3A_1167 = tpu.memref_squeeze %dma_wait3A_1166 : memref<1x1x1x8x128xf32, #tpu.memory_space<hbm>> -> memref<8x128xf32, #tpu.memory_space<hbm>>
        %dma_wait3A_1168 = arith.constant 0 : i32
        %dma_wait3A_1169 = arith.constant 0 : i32
        %dma_wait3A_1170 = tpu.memref_slice %arg4[%sub3A_1085, %dma_wait3A_1159, %add3A, %dma_wait3A_1168, %dma_wait3A_1169] : memref<200x8x32x8x128xf32, #tpu.memory_space<hbm>> -> memref<1x1x1x8x128xf32, #tpu.memory_space<hbm>>
        %dma_wait3A_1171 = tpu.memref_squeeze %dma_wait3A_1170 : memref<1x1x1x8x128xf32, #tpu.memory_space<hbm>> -> memref<8x128xf32, #tpu.memory_space<hbm>>
        %dma_wait3A_1172 = arith.constant 32 : i32
        %dma_wait3A_1173 = arith.constant 0 : i32
        %dma_wait3A_1174 = tpu.memref_slice %arg8[%dma_wait3A_1158, %dma_wait3A_1172, %dma_wait3A_1173] : memref<2x64x129xf32, #tpu.memory_space<vmem>> -> memref<1x8x128xf32, #tpu.memory_space<vmem>>
        %dma_wait3A_1175 = tpu.memref_squeeze %dma_wait3A_1174 : memref<1x8x128xf32, #tpu.memory_space<vmem>> -> memref<8x128xf32, #tpu.memory_space<vmem>>
        tpu.wait_dma2 semaphore(%arg10 : memref<!tpu.dma_semaphore, #tpu.memory_space<semaphore_mem>>) src(%dma_wait3A_1175 : memref<8x128xf32, #tpu.memory_space<vmem>>) dst(%dma_wait3A_1171 : memref<8x128xf32, #tpu.memory_space<hbm>>)
        %dma_wait3A_1176 = arith.constant 1 : i32
        %dma_wait3A_1177 = arith.constant 5 : i32
        %dma_wait3A_1178 = arith.constant 40 : i32
        %dma_wait3A_1179 = arith.constant 0 : i32
        %dma_wait3A_1180 = tpu.memref_slice %arg8[%dma_wait3A_1176, %dma_wait3A_1178, %dma_wait3A_1179] : memref<2x64x129xf32, #tpu.memory_space<vmem>> -> memref<1x8x128xf32, #tpu.memory_space<vmem>>
        %dma_wait3A_1181 = tpu.memref_squeeze %dma_wait3A_1180 : memref<1x8x128xf32, #tpu.memory_space<vmem>> -> memref<8x128xf32, #tpu.memory_space<vmem>>
        %dma_wait3A_1182 = arith.constant 0 : i32
        %dma_wait3A_1183 = arith.constant 0 : i32
        %dma_wait3A_1184 = tpu.memref_slice %arg4[%sub3A_1085, %dma_wait3A_1177, %add3A, %dma_wait3A_1182, %dma_wait3A_1183] : memref<200x8x32x8x128xf32, #tpu.memory_space<hbm>> -> memref<1x1x1x8x128xf32, #tpu.memory_space<hbm>>
        %dma_wait3A_1185 = tpu.memref_squeeze %dma_wait3A_1184 : memref<1x1x1x8x128xf32, #tpu.memory_space<hbm>> -> memref<8x128xf32, #tpu.memory_space<hbm>>
        %dma_wait3A_1186 = arith.constant 0 : i32
        %dma_wait3A_1187 = arith.constant 0 : i32
        %dma_wait3A_1188 = tpu.memref_slice %arg4[%sub3A_1085, %dma_wait3A_1177, %add3A, %dma_wait3A_1186, %dma_wait3A_1187] : memref<200x8x32x8x128xf32, #tpu.memory_space<hbm>> -> memref<1x1x1x8x128xf32, #tpu.memory_space<hbm>>
        %dma_wait3A_1189 = tpu.memref_squeeze %dma_wait3A_1188 : memref<1x1x1x8x128xf32, #tpu.memory_space<hbm>> -> memref<8x128xf32, #tpu.memory_space<hbm>>
        %dma_wait3A_1190 = arith.constant 40 : i32
        %dma_wait3A_1191 = arith.constant 0 : i32
        %dma_wait3A_1192 = tpu.memref_slice %arg8[%dma_wait3A_1176, %dma_wait3A_1190, %dma_wait3A_1191] : memref<2x64x129xf32, #tpu.memory_space<vmem>> -> memref<1x8x128xf32, #tpu.memory_space<vmem>>
        %dma_wait3A_1193 = tpu.memref_squeeze %dma_wait3A_1192 : memref<1x8x128xf32, #tpu.memory_space<vmem>> -> memref<8x128xf32, #tpu.memory_space<vmem>>
        tpu.wait_dma2 semaphore(%arg10 : memref<!tpu.dma_semaphore, #tpu.memory_space<semaphore_mem>>) src(%dma_wait3A_1193 : memref<8x128xf32, #tpu.memory_space<vmem>>) dst(%dma_wait3A_1189 : memref<8x128xf32, #tpu.memory_space<hbm>>)
        %dma_wait3A_1194 = arith.constant 1 : i32
        %dma_wait3A_1195 = arith.constant 6 : i32
        %dma_wait3A_1196 = arith.constant 48 : i32
        %dma_wait3A_1197 = arith.constant 0 : i32
        %dma_wait3A_1198 = tpu.memref_slice %arg8[%dma_wait3A_1194, %dma_wait3A_1196, %dma_wait3A_1197] : memref<2x64x129xf32, #tpu.memory_space<vmem>> -> memref<1x8x128xf32, #tpu.memory_space<vmem>>
        %dma_wait3A_1199 = tpu.memref_squeeze %dma_wait3A_1198 : memref<1x8x128xf32, #tpu.memory_space<vmem>> -> memref<8x128xf32, #tpu.memory_space<vmem>>
        %dma_wait3A_1200 = arith.constant 0 : i32
        %dma_wait3A_1201 = arith.constant 0 : i32
        %dma_wait3A_1202 = tpu.memref_slice %arg4[%sub3A_1085, %dma_wait3A_1195, %add3A, %dma_wait3A_1200, %dma_wait3A_1201] : memref<200x8x32x8x128xf32, #tpu.memory_space<hbm>> -> memref<1x1x1x8x128xf32, #tpu.memory_space<hbm>>
        %dma_wait3A_1203 = tpu.memref_squeeze %dma_wait3A_1202 : memref<1x1x1x8x128xf32, #tpu.memory_space<hbm>> -> memref<8x128xf32, #tpu.memory_space<hbm>>
        %dma_wait3A_1204 = arith.constant 0 : i32
        %dma_wait3A_1205 = arith.constant 0 : i32
        %dma_wait3A_1206 = tpu.memref_slice %arg4[%sub3A_1085, %dma_wait3A_1195, %add3A, %dma_wait3A_1204, %dma_wait3A_1205] : memref<200x8x32x8x128xf32, #tpu.memory_space<hbm>> -> memref<1x1x1x8x128xf32, #tpu.memory_space<hbm>>
        %dma_wait3A_1207 = tpu.memref_squeeze %dma_wait3A_1206 : memref<1x1x1x8x128xf32, #tpu.memory_space<hbm>> -> memref<8x128xf32, #tpu.memory_space<hbm>>
        %dma_wait3A_1208 = arith.constant 48 : i32
        %dma_wait3A_1209 = arith.constant 0 : i32
        %dma_wait3A_1210 = tpu.memref_slice %arg8[%dma_wait3A_1194, %dma_wait3A_1208, %dma_wait3A_1209] : memref<2x64x129xf32, #tpu.memory_space<vmem>> -> memref<1x8x128xf32, #tpu.memory_space<vmem>>
        %dma_wait3A_1211 = tpu.memref_squeeze %dma_wait3A_1210 : memref<1x8x128xf32, #tpu.memory_space<vmem>> -> memref<8x128xf32, #tpu.memory_space<vmem>>
        tpu.wait_dma2 semaphore(%arg10 : memref<!tpu.dma_semaphore, #tpu.memory_space<semaphore_mem>>) src(%dma_wait3A_1211 : memref<8x128xf32, #tpu.memory_space<vmem>>) dst(%dma_wait3A_1207 : memref<8x128xf32, #tpu.memory_space<hbm>>)
        %dma_wait3A_1212 = arith.constant 1 : i32
        %dma_wait3A_1213 = arith.constant 7 : i32
        %dma_wait3A_1214 = arith.constant 56 : i32
        %dma_wait3A_1215 = arith.constant 0 : i32
        %dma_wait3A_1216 = tpu.memref_slice %arg8[%dma_wait3A_1212, %dma_wait3A_1214, %dma_wait3A_1215] : memref<2x64x129xf32, #tpu.memory_space<vmem>> -> memref<1x8x128xf32, #tpu.memory_space<vmem>>
        %dma_wait3A_1217 = tpu.memref_squeeze %dma_wait3A_1216 : memref<1x8x128xf32, #tpu.memory_space<vmem>> -> memref<8x128xf32, #tpu.memory_space<vmem>>
        %dma_wait3A_1218 = arith.constant 0 : i32
        %dma_wait3A_1219 = arith.constant 0 : i32
        %dma_wait3A_1220 = tpu.memref_slice %arg4[%sub3A_1085, %dma_wait3A_1213, %add3A, %dma_wait3A_1218, %dma_wait3A_1219] : memref<200x8x32x8x128xf32, #tpu.memory_space<hbm>> -> memref<1x1x1x8x128xf32, #tpu.memory_space<hbm>>
        %dma_wait3A_1221 = tpu.memref_squeeze %dma_wait3A_1220 : memref<1x1x1x8x128xf32, #tpu.memory_space<hbm>> -> memref<8x128xf32, #tpu.memory_space<hbm>>
        %dma_wait3A_1222 = arith.constant 0 : i32
        %dma_wait3A_1223 = arith.constant 0 : i32
        %dma_wait3A_1224 = tpu.memref_slice %arg4[%sub3A_1085, %dma_wait3A_1213, %add3A, %dma_wait3A_1222, %dma_wait3A_1223] : memref<200x8x32x8x128xf32, #tpu.memory_space<hbm>> -> memref<1x1x1x8x128xf32, #tpu.memory_space<hbm>>
        %dma_wait3A_1225 = tpu.memref_squeeze %dma_wait3A_1224 : memref<1x1x1x8x128xf32, #tpu.memory_space<hbm>> -> memref<8x128xf32, #tpu.memory_space<hbm>>
        %dma_wait3A_1226 = arith.constant 56 : i32
        %dma_wait3A_1227 = arith.constant 0 : i32
        %dma_wait3A_1228 = tpu.memref_slice %arg8[%dma_wait3A_1212, %dma_wait3A_1226, %dma_wait3A_1227] : memref<2x64x129xf32, #tpu.memory_space<vmem>> -> memref<1x8x128xf32, #tpu.memory_space<vmem>>
        %dma_wait3A_1229 = tpu.memref_squeeze %dma_wait3A_1228 : memref<1x8x128xf32, #tpu.memory_space<vmem>> -> memref<8x128xf32, #tpu.memory_space<vmem>>
        tpu.wait_dma2 semaphore(%arg10 : memref<!tpu.dma_semaphore, #tpu.memory_space<semaphore_mem>>) src(%dma_wait3A_1229 : memref<8x128xf32, #tpu.memory_space<vmem>>) dst(%dma_wait3A_1225 : memref<8x128xf32, #tpu.memory_space<hbm>>)
      } else {
      }
      %add3A_560 = arith.constant 4 : i32
      %add3A_561 = arith.addi %add3A_554, %add3A_560 : i32
      %sub3A_562 = arith.constant 1 : i32
      %sub3A_563 = arith.subi %add3A_561, %sub3A_562 : i32
      %lt3A_564 = arith.constant 200 : i32
      %lt3A_565 = arith.cmpi slt, %sub3A_563, %lt3A_564 : i32
      %convert_element_type3A_566 = arith.extui %lt3A_565 : i1 to i32
      %cond3A_567 = arith.constant 0 : i32
      %cond3A_568 = arith.cmpi ne, %convert_element_type3A_566, %cond3A_567 : i32
      scf.if %cond3A_568 {
        %add3A_1084 = arith.constant 4 : i32
        %add3A_1085 = arith.addi %add3A_554, %add3A_1084 : i32
        %sub3A_1086 = arith.constant 1 : i32
        %sub3A_1087 = arith.subi %add3A_1085, %sub3A_1086 : i32
        %dma_start3A_1088 = arith.constant 0 : i32
        %dma_start3A_1089 = arith.constant 0 : i32
        %dma_start3A_1090 = arith.constant 0 : i32
        %dma_start3A_1091 = tpu.memref_slice %arg7[%dma_start3A_1088, %dma_start3A_1089, %dma_start3A_1090] : memref<4x128x64xf32, #tpu.memory_space<vmem>> -> memref<1x128x64xf32, #tpu.memory_space<vmem>>
        %dma_start3A_1092 = tpu.memref_squeeze %dma_start3A_1091 : memref<1x128x64xf32, #tpu.memory_space<vmem>> -> memref<128x64xf32, #tpu.memory_space<vmem>>
        %dma_start3A_1093 = arith.constant 0 : i32
        %dma_start3A_1094 = tpu.memref_slice %arg6[%sub3A_1087, %dma_start3A_1093] : memref<200x128xi32, #tpu.memory_space<vmem>> -> memref<1x128xi32, #tpu.memory_space<vmem>>
        %dma_start3A_1095 = tpu.memref_squeeze %dma_start3A_1094 : memref<1x128xi32, #tpu.memory_space<vmem>> -> memref<128xi32, #tpu.memory_space<vmem>>
        %dma_start3A_1096 = arith.constant 0 : i32
        %dma_start3A_1097 = arith.constant 0 : i32
        %dma_start3A_1098 = tpu.memref_slice %arg3[%dma_start3A_1096, %dma_start3A_1097] : memref<1000000x64xf32, #tpu.memory_space<hbm>> -> memref<1000000x64xf32, #tpu.memory_space<hbm>>
        tpu.enqueue_indirect_dma source(%dma_start3A_1098 : memref<1000000x64xf32, #tpu.memory_space<hbm>>) target(%dma_start3A_1092 : memref<128x64xf32, #tpu.memory_space<vmem>>) offsets(%dma_start3A_1095 : memref<128xi32, #tpu.memory_space<vmem>>) semaphore(%arg9 : memref<!tpu.dma_semaphore, #tpu.memory_space<semaphore_mem>>)
      } else {
      }
      %dma_wait3A_569 = arith.constant 0 : i32
      %dma_wait3A_570 = arith.constant 1 : i32
      %dma_wait3A_571 = arith.constant 0 : i32
      %dma_wait3A_572 = arith.constant 0 : i32
      %dma_wait3A_573 = tpu.memref_slice %arg7[%dma_wait3A_570, %dma_wait3A_571, %dma_wait3A_572] : memref<4x128x64xf32, #tpu.memory_space<vmem>> -> memref<1x128x64xf32, #tpu.memory_space<vmem>>
      %dma_wait3A_574 = tpu.memref_squeeze %dma_wait3A_573 : memref<1x128x64xf32, #tpu.memory_space<vmem>> -> memref<128x64xf32, #tpu.memory_space<vmem>>
      %dma_wait3A_575 = arith.constant 0 : i32
      %dma_wait3A_576 = tpu.memref_slice %arg6[%dma_wait3A_569, %dma_wait3A_575] : memref<200x128xi32, #tpu.memory_space<vmem>> -> memref<1x128xi32, #tpu.memory_space<vmem>>
      %dma_wait3A_577 = tpu.memref_squeeze %dma_wait3A_576 : memref<1x128xi32, #tpu.memory_space<vmem>> -> memref<128xi32, #tpu.memory_space<vmem>>
      %dma_wait3A_578 = arith.constant 0 : i32
      %dma_wait3A_579 = arith.constant 0 : i32
      %dma_wait3A_580 = tpu.memref_slice %arg3[%dma_wait3A_578, %dma_wait3A_579] : memref<1000000x64xf32, #tpu.memory_space<hbm>> -> memref<1000000x64xf32, #tpu.memory_space<hbm>>
      tpu.wait_indirect_dma semaphore(%arg9 : memref<!tpu.dma_semaphore, #tpu.memory_space<semaphore_mem>>) src(%dma_wait3A_580 : memref<1000000x64xf32, #tpu.memory_space<hbm>>) dst(%dma_wait3A_574 : memref<128x64xf32, #tpu.memory_space<vmem>>)
      %scan3A_581 = arith.constant 0 : i32
      %scan3A_582 = arith.constant 128 : i32
      %scan3A_583 = arith.addi %scan3A_581, %scan3A_582 : i32
      %scan3A_584 = arith.constant 2 : i32
      scf.for %scan3A_1084 = %scan3A_581 to %scan3A_583 step %scan3A_584  : i32 {
        %mul3A_1085 = arith.constant 1 : i32
        %mul3A_1086 = arith.muli %scan3A_1084, %mul3A_1085 : i32
        %add3A_1087 = arith.constant 0 : i32
        %add3A_1088 = arith.addi %add3A_1087, %mul3A_1086 : i32
        %broadcast_in_dim3A = vector.broadcast %add3A_1088 : i32 to vector<16xi32>
        %get3A = arith.constant 1 : i32
        %get3A_1089 = arith.index_cast %get3A : i32 to index
        %get3A_1090 = arith.index_cast %add3A_1088 : i32 to index
        %get3A_1091 = arith.constant 0 : index
        %get3A_1092 = tpu.vector_load %arg7[%get3A_1089, %get3A_1090, %get3A_1091] {strides = array<i32>} : memref<4x128x64xf32, #tpu.memory_space<vmem>>, vector<16xf32>,
        %mul3A_1093 = arith.constant 8.000000e+00 : f32
        %mul3A_1094 = vector.broadcast %mul3A_1093 : f32 to vector<16xf32>
        %mul3A_1095 = arith.mulf %get3A_1092, %mul3A_1094 : vector<16xf32>
        %scatter3A = arith.constant 1 : i32
        %scatter3A_1096 = arith.constant 0 : i32
        %scatter3A_1097 = arith.constant 0 : i32
        %scatter3A_1098 = tpu.memref_slice %arg8[%scatter3A, %scatter3A_1096, %scatter3A_1097] : memref<2x64x129xf32, #tpu.memory_space<vmem>> -> memref<1x64x129xf32, #tpu.memory_space<vmem>>
        %scatter3A_1099 = tpu.memref_squeeze %scatter3A_1098 : memref<1x64x129xf32, #tpu.memory_space<vmem>> -> memref<64x129xf32, #tpu.memory_space<vmem>>
        tpu.vector_store_idx %scatter3A_1099[%add3A_7, %broadcast_in_dim3A], %mul3A_1095 : memref<64x129xf32, #tpu.memory_space<vmem>>[vector<16xi32>, vector<16xi32>], vector<16xf32>,
        %get3A_1100 = arith.constant 1 : i32
        %get3A_1101 = arith.index_cast %get3A_1100 : i32 to index
        %get3A_1102 = arith.index_cast %add3A_1088 : i32 to index
        %get3A_1103 = arith.constant 16 : index
        %get3A_1104 = tpu.vector_load %arg7[%get3A_1101, %get3A_1102, %get3A_1103] {strides = array<i32>} : memref<4x128x64xf32, #tpu.memory_space<vmem>>, vector<16xf32>,
        %mul3A_1105 = arith.constant 8.000000e+00 : f32
        %mul3A_1106 = vector.broadcast %mul3A_1105 : f32 to vector<16xf32>
        %mul3A_1107 = arith.mulf %get3A_1104, %mul3A_1106 : vector<16xf32>
        %scatter3A_1108 = arith.constant 1 : i32
        %scatter3A_1109 = arith.constant 0 : i32
        %scatter3A_1110 = arith.constant 0 : i32
        %scatter3A_1111 = tpu.memref_slice %arg8[%scatter3A_1108, %scatter3A_1109, %scatter3A_1110] : memref<2x64x129xf32, #tpu.memory_space<vmem>> -> memref<1x64x129xf32, #tpu.memory_space<vmem>>
        %scatter3A_1112 = tpu.memref_squeeze %scatter3A_1111 : memref<1x64x129xf32, #tpu.memory_space<vmem>> -> memref<64x129xf32, #tpu.memory_space<vmem>>
        tpu.vector_store_idx %scatter3A_1112[%add3A_10, %broadcast_in_dim3A], %mul3A_1107 : memref<64x129xf32, #tpu.memory_space<vmem>>[vector<16xi32>, vector<16xi32>], vector<16xf32>,
        %get3A_1113 = arith.constant 1 : i32
        %get3A_1114 = arith.index_cast %get3A_1113 : i32 to index
        %get3A_1115 = arith.index_cast %add3A_1088 : i32 to index
        %get3A_1116 = arith.constant 32 : index
        %get3A_1117 = tpu.vector_load %arg7[%get3A_1114, %get3A_1115, %get3A_1116] {strides = array<i32>} : memref<4x128x64xf32, #tpu.memory_space<vmem>>, vector<16xf32>,
        %mul3A_1118 = arith.constant 8.000000e+00 : f32
        %mul3A_1119 = vector.broadcast %mul3A_1118 : f32 to vector<16xf32>
        %mul3A_1120 = arith.mulf %get3A_1117, %mul3A_1119 : vector<16xf32>
        %scatter3A_1121 = arith.constant 1 : i32
        %scatter3A_1122 = arith.constant 0 : i32
        %scatter3A_1123 = arith.constant 0 : i32
        %scatter3A_1124 = tpu.memref_slice %arg8[%scatter3A_1121, %scatter3A_1122, %scatter3A_1123] : memref<2x64x129xf32, #tpu.memory_space<vmem>> -> memref<1x64x129xf32, #tpu.memory_space<vmem>>
        %scatter3A_1125 = tpu.memref_squeeze %scatter3A_1124 : memref<1x64x129xf32, #tpu.memory_space<vmem>> -> memref<64x129xf32, #tpu.memory_space<vmem>>
        tpu.vector_store_idx %scatter3A_1125[%add3A_13, %broadcast_in_dim3A], %mul3A_1120 : memref<64x129xf32, #tpu.memory_space<vmem>>[vector<16xi32>, vector<16xi32>], vector<16xf32>,
        %get3A_1126 = arith.constant 1 : i32
        %get3A_1127 = arith.index_cast %get3A_1126 : i32 to index
        %get3A_1128 = arith.index_cast %add3A_1088 : i32 to index
        %get3A_1129 = arith.constant 48 : index
        %get3A_1130 = tpu.vector_load %arg7[%get3A_1127, %get3A_1128, %get3A_1129] {strides = array<i32>} : memref<4x128x64xf32, #tpu.memory_space<vmem>>, vector<16xf32>,
        %mul3A_1131 = arith.constant 8.000000e+00 : f32
        %mul3A_1132 = vector.broadcast %mul3A_1131 : f32 to vector<16xf32>
        %mul3A_1133 = arith.mulf %get3A_1130, %mul3A_1132 : vector<16xf32>
        %scatter3A_1134 = arith.constant 1 : i32
        %scatter3A_1135 = arith.constant 0 : i32
        %scatter3A_1136 = arith.constant 0 : i32
        %scatter3A_1137 = tpu.memref_slice %arg8[%scatter3A_1134, %scatter3A_1135, %scatter3A_1136] : memref<2x64x129xf32, #tpu.memory_space<vmem>> -> memref<1x64x129xf32, #tpu.memory_space<vmem>>
        %scatter3A_1138 = tpu.memref_squeeze %scatter3A_1137 : memref<1x64x129xf32, #tpu.memory_space<vmem>> -> memref<64x129xf32, #tpu.memory_space<vmem>>
        tpu.vector_store_idx %scatter3A_1138[%add3A_16, %broadcast_in_dim3A], %mul3A_1133 : memref<64x129xf32, #tpu.memory_space<vmem>>[vector<16xi32>, vector<16xi32>], vector<16xf32>,
        %scan3A_1139 = arith.constant 1 : i32
        %scan3A_1140 = arith.addi %scan3A_1084, %scan3A_1139 : i32
        %mul3A_1141 = arith.constant 1 : i32
        %mul3A_1142 = arith.muli %scan3A_1140, %mul3A_1141 : i32
        %add3A_1143 = arith.constant 0 : i32
        %add3A_1144 = arith.addi %add3A_1143, %mul3A_1142 : i32
        %broadcast_in_dim3A_1145 = vector.broadcast %add3A_1144 : i32 to vector<16xi32>
        %get3A_1146 = arith.constant 1 : i32
        %get3A_1147 = arith.index_cast %get3A_1146 : i32 to index
        %get3A_1148 = arith.index_cast %add3A_1144 : i32 to index
        %get3A_1149 = arith.constant 0 : index
        %get3A_1150 = tpu.vector_load %arg7[%get3A_1147, %get3A_1148, %get3A_1149] {strides = array<i32>} : memref<4x128x64xf32, #tpu.memory_space<vmem>>, vector<16xf32>,
        %mul3A_1151 = arith.constant 8.000000e+00 : f32
        %mul3A_1152 = vector.broadcast %mul3A_1151 : f32 to vector<16xf32>
        %mul3A_1153 = arith.mulf %get3A_1150, %mul3A_1152 : vector<16xf32>
        %scatter3A_1154 = arith.constant 1 : i32
        %scatter3A_1155 = arith.constant 0 : i32
        %scatter3A_1156 = arith.constant 0 : i32
        %scatter3A_1157 = tpu.memref_slice %arg8[%scatter3A_1154, %scatter3A_1155, %scatter3A_1156] : memref<2x64x129xf32, #tpu.memory_space<vmem>> -> memref<1x64x129xf32, #tpu.memory_space<vmem>>
        %scatter3A_1158 = tpu.memref_squeeze %scatter3A_1157 : memref<1x64x129xf32, #tpu.memory_space<vmem>> -> memref<64x129xf32, #tpu.memory_space<vmem>>
        tpu.vector_store_idx %scatter3A_1158[%add3A_7, %broadcast_in_dim3A_1145], %mul3A_1153 : memref<64x129xf32, #tpu.memory_space<vmem>>[vector<16xi32>, vector<16xi32>], vector<16xf32>,
        %get3A_1159 = arith.constant 1 : i32
        %get3A_1160 = arith.index_cast %get3A_1159 : i32 to index
        %get3A_1161 = arith.index_cast %add3A_1144 : i32 to index
        %get3A_1162 = arith.constant 16 : index
        %get3A_1163 = tpu.vector_load %arg7[%get3A_1160, %get3A_1161, %get3A_1162] {strides = array<i32>} : memref<4x128x64xf32, #tpu.memory_space<vmem>>, vector<16xf32>,
        %mul3A_1164 = arith.constant 8.000000e+00 : f32
        %mul3A_1165 = vector.broadcast %mul3A_1164 : f32 to vector<16xf32>
        %mul3A_1166 = arith.mulf %get3A_1163, %mul3A_1165 : vector<16xf32>
        %scatter3A_1167 = arith.constant 1 : i32
        %scatter3A_1168 = arith.constant 0 : i32
        %scatter3A_1169 = arith.constant 0 : i32
        %scatter3A_1170 = tpu.memref_slice %arg8[%scatter3A_1167, %scatter3A_1168, %scatter3A_1169] : memref<2x64x129xf32, #tpu.memory_space<vmem>> -> memref<1x64x129xf32, #tpu.memory_space<vmem>>
        %scatter3A_1171 = tpu.memref_squeeze %scatter3A_1170 : memref<1x64x129xf32, #tpu.memory_space<vmem>> -> memref<64x129xf32, #tpu.memory_space<vmem>>
        tpu.vector_store_idx %scatter3A_1171[%add3A_10, %broadcast_in_dim3A_1145], %mul3A_1166 : memref<64x129xf32, #tpu.memory_space<vmem>>[vector<16xi32>, vector<16xi32>], vector<16xf32>,
        %get3A_1172 = arith.constant 1 : i32
        %get3A_1173 = arith.index_cast %get3A_1172 : i32 to index
        %get3A_1174 = arith.index_cast %add3A_1144 : i32 to index
        %get3A_1175 = arith.constant 32 : index
        %get3A_1176 = tpu.vector_load %arg7[%get3A_1173, %get3A_1174, %get3A_1175] {strides = array<i32>} : memref<4x128x64xf32, #tpu.memory_space<vmem>>, vector<16xf32>,
        %mul3A_1177 = arith.constant 8.000000e+00 : f32
        %mul3A_1178 = vector.broadcast %mul3A_1177 : f32 to vector<16xf32>
        %mul3A_1179 = arith.mulf %get3A_1176, %mul3A_1178 : vector<16xf32>
        %scatter3A_1180 = arith.constant 1 : i32
        %scatter3A_1181 = arith.constant 0 : i32
        %scatter3A_1182 = arith.constant 0 : i32
        %scatter3A_1183 = tpu.memref_slice %arg8[%scatter3A_1180, %scatter3A_1181, %scatter3A_1182] : memref<2x64x129xf32, #tpu.memory_space<vmem>> -> memref<1x64x129xf32, #tpu.memory_space<vmem>>
        %scatter3A_1184 = tpu.memref_squeeze %scatter3A_1183 : memref<1x64x129xf32, #tpu.memory_space<vmem>> -> memref<64x129xf32, #tpu.memory_space<vmem>>
        tpu.vector_store_idx %scatter3A_1184[%add3A_13, %broadcast_in_dim3A_1145], %mul3A_1179 : memref<64x129xf32, #tpu.memory_space<vmem>>[vector<16xi32>, vector<16xi32>], vector<16xf32>,
        %get3A_1185 = arith.constant 1 : i32
        %get3A_1186 = arith.index_cast %get3A_1185 : i32 to index
        %get3A_1187 = arith.index_cast %add3A_1144 : i32 to index
        %get3A_1188 = arith.constant 48 : index
        %get3A_1189 = tpu.vector_load %arg7[%get3A_1186, %get3A_1187, %get3A_1188] {strides = array<i32>} : memref<4x128x64xf32, #tpu.memory_space<vmem>>, vector<16xf32>,
        %mul3A_1190 = arith.constant 8.000000e+00 : f32
        %mul3A_1191 = vector.broadcast %mul3A_1190 : f32 to vector<16xf32>
        %mul3A_1192 = arith.mulf %get3A_1189, %mul3A_1191 : vector<16xf32>
        %scatter3A_1193 = arith.constant 1 : i32
        %scatter3A_1194 = arith.constant 0 : i32
        %scatter3A_1195 = arith.constant 0 : i32
        %scatter3A_1196 = tpu.memref_slice %arg8[%scatter3A_1193, %scatter3A_1194, %scatter3A_1195] : memref<2x64x129xf32, #tpu.memory_space<vmem>> -> memref<1x64x129xf32, #tpu.memory_space<vmem>>
        %scatter3A_1197 = tpu.memref_squeeze %scatter3A_1196 : memref<1x64x129xf32, #tpu.memory_space<vmem>> -> memref<64x129xf32, #tpu.memory_space<vmem>>
        tpu.vector_store_idx %scatter3A_1197[%add3A_16, %broadcast_in_dim3A_1145], %mul3A_1192 : memref<64x129xf32, #tpu.memory_space<vmem>>[vector<16xi32>, vector<16xi32>], vector<16xf32>,
      }
      %scan3A_585 = arith.constant 128 : i32
      %dma_start3A_586 = arith.constant 1 : i32
      %dma_start3A_587 = arith.constant 0 : i32
      %dma_start3A_588 = arith.constant 0 : i32
      %dma_start3A_589 = arith.constant 0 : i32
      %dma_start3A_590 = tpu.memref_slice %arg8[%dma_start3A_586, %dma_start3A_588, %dma_start3A_589] : memref<2x64x129xf32, #tpu.memory_space<vmem>> -> memref<1x8x128xf32, #tpu.memory_space<vmem>>
      %dma_start3A_591 = tpu.memref_squeeze %dma_start3A_590 : memref<1x8x128xf32, #tpu.memory_space<vmem>> -> memref<8x128xf32, #tpu.memory_space<vmem>>
      %dma_start3A_592 = arith.constant 0 : i32
      %dma_start3A_593 = arith.constant 0 : i32
      %dma_start3A_594 = tpu.memref_slice %arg4[%add3A_554, %dma_start3A_587, %add3A, %dma_start3A_592, %dma_start3A_593] : memref<200x8x32x8x128xf32, #tpu.memory_space<hbm>> -> memref<1x1x1x8x128xf32, #tpu.memory_space<hbm>>
      %dma_start3A_595 = tpu.memref_squeeze %dma_start3A_594 : memref<1x1x1x8x128xf32, #tpu.memory_space<hbm>> -> memref<8x128xf32, #tpu.memory_space<hbm>>
      %dma_start3A_596 = arith.constant 0 : i32
      %dma_start3A_597 = arith.constant 0 : i32
      %dma_start3A_598 = tpu.memref_slice %arg4[%add3A_554, %dma_start3A_587, %add3A, %dma_start3A_596, %dma_start3A_597] : memref<200x8x32x8x128xf32, #tpu.memory_space<hbm>> -> memref<1x1x1x8x128xf32, #tpu.memory_space<hbm>>
      %dma_start3A_599 = tpu.memref_squeeze %dma_start3A_598 : memref<1x1x1x8x128xf32, #tpu.memory_space<hbm>> -> memref<8x128xf32, #tpu.memory_space<hbm>>
      %dma_start3A_600 = arith.constant 0 : i32
      %dma_start3A_601 = arith.constant 0 : i32
      %dma_start3A_602 = tpu.memref_slice %arg8[%dma_start3A_586, %dma_start3A_600, %dma_start3A_601] : memref<2x64x129xf32, #tpu.memory_space<vmem>> -> memref<1x8x128xf32, #tpu.memory_space<vmem>>
      %dma_start3A_603 = tpu.memref_squeeze %dma_start3A_602 : memref<1x8x128xf32, #tpu.memory_space<vmem>> -> memref<8x128xf32, #tpu.memory_space<vmem>>
      tpu.enqueue_dma source(%dma_start3A_603 : memref<8x128xf32, #tpu.memory_space<vmem>>) target(%dma_start3A_599 : memref<8x128xf32, #tpu.memory_space<hbm>>) target_semaphore(%arg10 : memref<!tpu.dma_semaphore, #tpu.memory_space<semaphore_mem>>)
      %dma_start3A_604 = arith.constant 1 : i32
      %dma_start3A_605 = arith.constant 1 : i32
      %dma_start3A_606 = arith.constant 8 : i32
      %dma_start3A_607 = arith.constant 0 : i32
      %dma_start3A_608 = tpu.memref_slice %arg8[%dma_start3A_604, %dma_start3A_606, %dma_start3A_607] : memref<2x64x129xf32, #tpu.memory_space<vmem>> -> memref<1x8x128xf32, #tpu.memory_space<vmem>>
      %dma_start3A_609 = tpu.memref_squeeze %dma_start3A_608 : memref<1x8x128xf32, #tpu.memory_space<vmem>> -> memref<8x128xf32, #tpu.memory_space<vmem>>
      %dma_start3A_610 = arith.constant 0 : i32
      %dma_start3A_611 = arith.constant 0 : i32
      %dma_start3A_612 = tpu.memref_slice %arg4[%add3A_554, %dma_start3A_605, %add3A, %dma_start3A_610, %dma_start3A_611] : memref<200x8x32x8x128xf32, #tpu.memory_space<hbm>> -> memref<1x1x1x8x128xf32, #tpu.memory_space<hbm>>
      %dma_start3A_613 = tpu.memref_squeeze %dma_start3A_612 : memref<1x1x1x8x128xf32, #tpu.memory_space<hbm>> -> memref<8x128xf32, #tpu.memory_space<hbm>>
      %dma_start3A_614 = arith.constant 0 : i32
      %dma_start3A_615 = arith.constant 0 : i32
      %dma_start3A_616 = tpu.memref_slice %arg4[%add3A_554, %dma_start3A_605, %add3A, %dma_start3A_614, %dma_start3A_615] : memref<200x8x32x8x128xf32, #tpu.memory_space<hbm>> -> memref<1x1x1x8x128xf32, #tpu.memory_space<hbm>>
      %dma_start3A_617 = tpu.memref_squeeze %dma_start3A_616 : memref<1x1x1x8x128xf32, #tpu.memory_space<hbm>> -> memref<8x128xf32, #tpu.memory_space<hbm>>
      %dma_start3A_618 = arith.constant 8 : i32
      %dma_start3A_619 = arith.constant 0 : i32
      %dma_start3A_620 = tpu.memref_slice %arg8[%dma_start3A_604, %dma_start3A_618, %dma_start3A_619] : memref<2x64x129xf32, #tpu.memory_space<vmem>> -> memref<1x8x128xf32, #tpu.memory_space<vmem>>
      %dma_start3A_621 = tpu.memref_squeeze %dma_start3A_620 : memref<1x8x128xf32, #tpu.memory_space<vmem>> -> memref<8x128xf32, #tpu.memory_space<vmem>>
      tpu.enqueue_dma source(%dma_start3A_621 : memref<8x128xf32, #tpu.memory_space<vmem>>) target(%dma_start3A_617 : memref<8x128xf32, #tpu.memory_space<hbm>>) target_semaphore(%arg10 : memref<!tpu.dma_semaphore, #tpu.memory_space<semaphore_mem>>)
      %dma_start3A_622 = arith.constant 1 : i32
      %dma_start3A_623 = arith.constant 2 : i32
      %dma_start3A_624 = arith.constant 16 : i32
      %dma_start3A_625 = arith.constant 0 : i32
      %dma_start3A_626 = tpu.memref_slice %arg8[%dma_start3A_622, %dma_start3A_624, %dma_start3A_625] : memref<2x64x129xf32, #tpu.memory_space<vmem>> -> memref<1x8x128xf32, #tpu.memory_space<vmem>>
      %dma_start3A_627 = tpu.memref_squeeze %dma_start3A_626 : memref<1x8x128xf32, #tpu.memory_space<vmem>> -> memref<8x128xf32, #tpu.memory_space<vmem>>
      %dma_start3A_628 = arith.constant 0 : i32
      %dma_start3A_629 = arith.constant 0 : i32
      %dma_start3A_630 = tpu.memref_slice %arg4[%add3A_554, %dma_start3A_623, %add3A, %dma_start3A_628, %dma_start3A_629] : memref<200x8x32x8x128xf32, #tpu.memory_space<hbm>> -> memref<1x1x1x8x128xf32, #tpu.memory_space<hbm>>
      %dma_start3A_631 = tpu.memref_squeeze %dma_start3A_630 : memref<1x1x1x8x128xf32, #tpu.memory_space<hbm>> -> memref<8x128xf32, #tpu.memory_space<hbm>>
      %dma_start3A_632 = arith.constant 0 : i32
      %dma_start3A_633 = arith.constant 0 : i32
      %dma_start3A_634 = tpu.memref_slice %arg4[%add3A_554, %dma_start3A_623, %add3A, %dma_start3A_632, %dma_start3A_633] : memref<200x8x32x8x128xf32, #tpu.memory_space<hbm>> -> memref<1x1x1x8x128xf32, #tpu.memory_space<hbm>>
      %dma_start3A_635 = tpu.memref_squeeze %dma_start3A_634 : memref<1x1x1x8x128xf32, #tpu.memory_space<hbm>> -> memref<8x128xf32, #tpu.memory_space<hbm>>
      %dma_start3A_636 = arith.constant 16 : i32
      %dma_start3A_637 = arith.constant 0 : i32
      %dma_start3A_638 = tpu.memref_slice %arg8[%dma_start3A_622, %dma_start3A_636, %dma_start3A_637] : memref<2x64x129xf32, #tpu.memory_space<vmem>> -> memref<1x8x128xf32, #tpu.memory_space<vmem>>
      %dma_start3A_639 = tpu.memref_squeeze %dma_start3A_638 : memref<1x8x128xf32, #tpu.memory_space<vmem>> -> memref<8x128xf32, #tpu.memory_space<vmem>>
      tpu.enqueue_dma source(%dma_start3A_639 : memref<8x128xf32, #tpu.memory_space<vmem>>) target(%dma_start3A_635 : memref<8x128xf32, #tpu.memory_space<hbm>>) target_semaphore(%arg10 : memref<!tpu.dma_semaphore, #tpu.memory_space<semaphore_mem>>)
      %dma_start3A_640 = arith.constant 1 : i32
      %dma_start3A_641 = arith.constant 3 : i32
      %dma_start3A_642 = arith.constant 24 : i32
      %dma_start3A_643 = arith.constant 0 : i32
      %dma_start3A_644 = tpu.memref_slice %arg8[%dma_start3A_640, %dma_start3A_642, %dma_start3A_643] : memref<2x64x129xf32, #tpu.memory_space<vmem>> -> memref<1x8x128xf32, #tpu.memory_space<vmem>>
      %dma_start3A_645 = tpu.memref_squeeze %dma_start3A_644 : memref<1x8x128xf32, #tpu.memory_space<vmem>> -> memref<8x128xf32, #tpu.memory_space<vmem>>
      %dma_start3A_646 = arith.constant 0 : i32
      %dma_start3A_647 = arith.constant 0 : i32
      %dma_start3A_648 = tpu.memref_slice %arg4[%add3A_554, %dma_start3A_641, %add3A, %dma_start3A_646, %dma_start3A_647] : memref<200x8x32x8x128xf32, #tpu.memory_space<hbm>> -> memref<1x1x1x8x128xf32, #tpu.memory_space<hbm>>
      %dma_start3A_649 = tpu.memref_squeeze %dma_start3A_648 : memref<1x1x1x8x128xf32, #tpu.memory_space<hbm>> -> memref<8x128xf32, #tpu.memory_space<hbm>>
      %dma_start3A_650 = arith.constant 0 : i32
      %dma_start3A_651 = arith.constant 0 : i32
      %dma_start3A_652 = tpu.memref_slice %arg4[%add3A_554, %dma_start3A_641, %add3A, %dma_start3A_650, %dma_start3A_651] : memref<200x8x32x8x128xf32, #tpu.memory_space<hbm>> -> memref<1x1x1x8x128xf32, #tpu.memory_space<hbm>>
      %dma_start3A_653 = tpu.memref_squeeze %dma_start3A_652 : memref<1x1x1x8x128xf32, #tpu.memory_space<hbm>> -> memref<8x128xf32, #tpu.memory_space<hbm>>
      %dma_start3A_654 = arith.constant 24 : i32
      %dma_start3A_655 = arith.constant 0 : i32
      %dma_start3A_656 = tpu.memref_slice %arg8[%dma_start3A_640, %dma_start3A_654, %dma_start3A_655] : memref<2x64x129xf32, #tpu.memory_space<vmem>> -> memref<1x8x128xf32, #tpu.memory_space<vmem>>
      %dma_start3A_657 = tpu.memref_squeeze %dma_start3A_656 : memref<1x8x128xf32, #tpu.memory_space<vmem>> -> memref<8x128xf32, #tpu.memory_space<vmem>>
      tpu.enqueue_dma source(%dma_start3A_657 : memref<8x128xf32, #tpu.memory_space<vmem>>) target(%dma_start3A_653 : memref<8x128xf32, #tpu.memory_space<hbm>>) target_semaphore(%arg10 : memref<!tpu.dma_semaphore, #tpu.memory_space<semaphore_mem>>)
      %dma_start3A_658 = arith.constant 1 : i32
      %dma_start3A_659 = arith.constant 4 : i32
      %dma_start3A_660 = arith.constant 32 : i32
      %dma_start3A_661 = arith.constant 0 : i32
      %dma_start3A_662 = tpu.memref_slice %arg8[%dma_start3A_658, %dma_start3A_660, %dma_start3A_661] : memref<2x64x129xf32, #tpu.memory_space<vmem>> -> memref<1x8x128xf32, #tpu.memory_space<vmem>>
      %dma_start3A_663 = tpu.memref_squeeze %dma_start3A_662 : memref<1x8x128xf32, #tpu.memory_space<vmem>> -> memref<8x128xf32, #tpu.memory_space<vmem>>
      %dma_start3A_664 = arith.constant 0 : i32
      %dma_start3A_665 = arith.constant 0 : i32
      %dma_start3A_666 = tpu.memref_slice %arg4[%add3A_554, %dma_start3A_659, %add3A, %dma_start3A_664, %dma_start3A_665] : memref<200x8x32x8x128xf32, #tpu.memory_space<hbm>> -> memref<1x1x1x8x128xf32, #tpu.memory_space<hbm>>
      %dma_start3A_667 = tpu.memref_squeeze %dma_start3A_666 : memref<1x1x1x8x128xf32, #tpu.memory_space<hbm>> -> memref<8x128xf32, #tpu.memory_space<hbm>>
      %dma_start3A_668 = arith.constant 0 : i32
      %dma_start3A_669 = arith.constant 0 : i32
      %dma_start3A_670 = tpu.memref_slice %arg4[%add3A_554, %dma_start3A_659, %add3A, %dma_start3A_668, %dma_start3A_669] : memref<200x8x32x8x128xf32, #tpu.memory_space<hbm>> -> memref<1x1x1x8x128xf32, #tpu.memory_space<hbm>>
      %dma_start3A_671 = tpu.memref_squeeze %dma_start3A_670 : memref<1x1x1x8x128xf32, #tpu.memory_space<hbm>> -> memref<8x128xf32, #tpu.memory_space<hbm>>
      %dma_start3A_672 = arith.constant 32 : i32
      %dma_start3A_673 = arith.constant 0 : i32
      %dma_start3A_674 = tpu.memref_slice %arg8[%dma_start3A_658, %dma_start3A_672, %dma_start3A_673] : memref<2x64x129xf32, #tpu.memory_space<vmem>> -> memref<1x8x128xf32, #tpu.memory_space<vmem>>
      %dma_start3A_675 = tpu.memref_squeeze %dma_start3A_674 : memref<1x8x128xf32, #tpu.memory_space<vmem>> -> memref<8x128xf32, #tpu.memory_space<vmem>>
      tpu.enqueue_dma source(%dma_start3A_675 : memref<8x128xf32, #tpu.memory_space<vmem>>) target(%dma_start3A_671 : memref<8x128xf32, #tpu.memory_space<hbm>>) target_semaphore(%arg10 : memref<!tpu.dma_semaphore, #tpu.memory_space<semaphore_mem>>)
      %dma_start3A_676 = arith.constant 1 : i32
      %dma_start3A_677 = arith.constant 5 : i32
      %dma_start3A_678 = arith.constant 40 : i32
      %dma_start3A_679 = arith.constant 0 : i32
      %dma_start3A_680 = tpu.memref_slice %arg8[%dma_start3A_676, %dma_start3A_678, %dma_start3A_679] : memref<2x64x129xf32, #tpu.memory_space<vmem>> -> memref<1x8x128xf32, #tpu.memory_space<vmem>>
      %dma_start3A_681 = tpu.memref_squeeze %dma_start3A_680 : memref<1x8x128xf32, #tpu.memory_space<vmem>> -> memref<8x128xf32, #tpu.memory_space<vmem>>
      %dma_start3A_682 = arith.constant 0 : i32
      %dma_start3A_683 = arith.constant 0 : i32
      %dma_start3A_684 = tpu.memref_slice %arg4[%add3A_554, %dma_start3A_677, %add3A, %dma_start3A_682, %dma_start3A_683] : memref<200x8x32x8x128xf32, #tpu.memory_space<hbm>> -> memref<1x1x1x8x128xf32, #tpu.memory_space<hbm>>
      %dma_start3A_685 = tpu.memref_squeeze %dma_start3A_684 : memref<1x1x1x8x128xf32, #tpu.memory_space<hbm>> -> memref<8x128xf32, #tpu.memory_space<hbm>>
      %dma_start3A_686 = arith.constant 0 : i32
      %dma_start3A_687 = arith.constant 0 : i32
      %dma_start3A_688 = tpu.memref_slice %arg4[%add3A_554, %dma_start3A_677, %add3A, %dma_start3A_686, %dma_start3A_687] : memref<200x8x32x8x128xf32, #tpu.memory_space<hbm>> -> memref<1x1x1x8x128xf32, #tpu.memory_space<hbm>>
      %dma_start3A_689 = tpu.memref_squeeze %dma_start3A_688 : memref<1x1x1x8x128xf32, #tpu.memory_space<hbm>> -> memref<8x128xf32, #tpu.memory_space<hbm>>
      %dma_start3A_690 = arith.constant 40 : i32
      %dma_start3A_691 = arith.constant 0 : i32
      %dma_start3A_692 = tpu.memref_slice %arg8[%dma_start3A_676, %dma_start3A_690, %dma_start3A_691] : memref<2x64x129xf32, #tpu.memory_space<vmem>> -> memref<1x8x128xf32, #tpu.memory_space<vmem>>
      %dma_start3A_693 = tpu.memref_squeeze %dma_start3A_692 : memref<1x8x128xf32, #tpu.memory_space<vmem>> -> memref<8x128xf32, #tpu.memory_space<vmem>>
      tpu.enqueue_dma source(%dma_start3A_693 : memref<8x128xf32, #tpu.memory_space<vmem>>) target(%dma_start3A_689 : memref<8x128xf32, #tpu.memory_space<hbm>>) target_semaphore(%arg10 : memref<!tpu.dma_semaphore, #tpu.memory_space<semaphore_mem>>)
      %dma_start3A_694 = arith.constant 1 : i32
      %dma_start3A_695 = arith.constant 6 : i32
      %dma_start3A_696 = arith.constant 48 : i32
      %dma_start3A_697 = arith.constant 0 : i32
      %dma_start3A_698 = tpu.memref_slice %arg8[%dma_start3A_694, %dma_start3A_696, %dma_start3A_697] : memref<2x64x129xf32, #tpu.memory_space<vmem>> -> memref<1x8x128xf32, #tpu.memory_space<vmem>>
      %dma_start3A_699 = tpu.memref_squeeze %dma_start3A_698 : memref<1x8x128xf32, #tpu.memory_space<vmem>> -> memref<8x128xf32, #tpu.memory_space<vmem>>
      %dma_start3A_700 = arith.constant 0 : i32
      %dma_start3A_701 = arith.constant 0 : i32
      %dma_start3A_702 = tpu.memref_slice %arg4[%add3A_554, %dma_start3A_695, %add3A, %dma_start3A_700, %dma_start3A_701] : memref<200x8x32x8x128xf32, #tpu.memory_space<hbm>> -> memref<1x1x1x8x128xf32, #tpu.memory_space<hbm>>
      %dma_start3A_703 = tpu.memref_squeeze %dma_start3A_702 : memref<1x1x1x8x128xf32, #tpu.memory_space<hbm>> -> memref<8x128xf32, #tpu.memory_space<hbm>>
      %dma_start3A_704 = arith.constant 0 : i32
      %dma_start3A_705 = arith.constant 0 : i32
      %dma_start3A_706 = tpu.memref_slice %arg4[%add3A_554, %dma_start3A_695, %add3A, %dma_start3A_704, %dma_start3A_705] : memref<200x8x32x8x128xf32, #tpu.memory_space<hbm>> -> memref<1x1x1x8x128xf32, #tpu.memory_space<hbm>>
      %dma_start3A_707 = tpu.memref_squeeze %dma_start3A_706 : memref<1x1x1x8x128xf32, #tpu.memory_space<hbm>> -> memref<8x128xf32, #tpu.memory_space<hbm>>
      %dma_start3A_708 = arith.constant 48 : i32
      %dma_start3A_709 = arith.constant 0 : i32
      %dma_start3A_710 = tpu.memref_slice %arg8[%dma_start3A_694, %dma_start3A_708, %dma_start3A_709] : memref<2x64x129xf32, #tpu.memory_space<vmem>> -> memref<1x8x128xf32, #tpu.memory_space<vmem>>
      %dma_start3A_711 = tpu.memref_squeeze %dma_start3A_710 : memref<1x8x128xf32, #tpu.memory_space<vmem>> -> memref<8x128xf32, #tpu.memory_space<vmem>>
      tpu.enqueue_dma source(%dma_start3A_711 : memref<8x128xf32, #tpu.memory_space<vmem>>) target(%dma_start3A_707 : memref<8x128xf32, #tpu.memory_space<hbm>>) target_semaphore(%arg10 : memref<!tpu.dma_semaphore, #tpu.memory_space<semaphore_mem>>)
      %dma_start3A_712 = arith.constant 1 : i32
      %dma_start3A_713 = arith.constant 7 : i32
      %dma_start3A_714 = arith.constant 56 : i32
      %dma_start3A_715 = arith.constant 0 : i32
      %dma_start3A_716 = tpu.memref_slice %arg8[%dma_start3A_712, %dma_start3A_714, %dma_start3A_715] : memref<2x64x129xf32, #tpu.memory_space<vmem>> -> memref<1x8x128xf32, #tpu.memory_space<vmem>>
      %dma_start3A_717 = tpu.memref_squeeze %dma_start3A_716 : memref<1x8x128xf32, #tpu.memory_space<vmem>> -> memref<8x128xf32, #tpu.memory_space<vmem>>
      %dma_start3A_718 = arith.constant 0 : i32
      %dma_start3A_719 = arith.constant 0 : i32
      %dma_start3A_720 = tpu.memref_slice %arg4[%add3A_554, %dma_start3A_713, %add3A, %dma_start3A_718, %dma_start3A_719] : memref<200x8x32x8x128xf32, #tpu.memory_space<hbm>> -> memref<1x1x1x8x128xf32, #tpu.memory_space<hbm>>
      %dma_start3A_721 = tpu.memref_squeeze %dma_start3A_720 : memref<1x1x1x8x128xf32, #tpu.memory_space<hbm>> -> memref<8x128xf32, #tpu.memory_space<hbm>>
      %dma_start3A_722 = arith.constant 0 : i32
      %dma_start3A_723 = arith.constant 0 : i32
      %dma_start3A_724 = tpu.memref_slice %arg4[%add3A_554, %dma_start3A_713, %add3A, %dma_start3A_722, %dma_start3A_723] : memref<200x8x32x8x128xf32, #tpu.memory_space<hbm>> -> memref<1x1x1x8x128xf32, #tpu.memory_space<hbm>>
      %dma_start3A_725 = tpu.memref_squeeze %dma_start3A_724 : memref<1x1x1x8x128xf32, #tpu.memory_space<hbm>> -> memref<8x128xf32, #tpu.memory_space<hbm>>
      %dma_start3A_726 = arith.constant 56 : i32
      %dma_start3A_727 = arith.constant 0 : i32
      %dma_start3A_728 = tpu.memref_slice %arg8[%dma_start3A_712, %dma_start3A_726, %dma_start3A_727] : memref<2x64x129xf32, #tpu.memory_space<vmem>> -> memref<1x8x128xf32, #tpu.memory_space<vmem>>
      %dma_start3A_729 = tpu.memref_squeeze %dma_start3A_728 : memref<1x8x128xf32, #tpu.memory_space<vmem>> -> memref<8x128xf32, #tpu.memory_space<vmem>>
      tpu.enqueue_dma source(%dma_start3A_729 : memref<8x128xf32, #tpu.memory_space<vmem>>) target(%dma_start3A_725 : memref<8x128xf32, #tpu.memory_space<hbm>>) target_semaphore(%arg10 : memref<!tpu.dma_semaphore, #tpu.memory_space<semaphore_mem>>)
      %add3A_730 = arith.constant 2 : i32
      %add3A_731 = arith.addi %add3A_380, %add3A_730 : i32
      %ge3A_732 = arith.constant 2 : i32
      %ge3A_733 = arith.cmpi sge, %add3A_731, %ge3A_732 : i32
      %convert_element_type3A_734 = arith.extui %ge3A_733 : i1 to i32
      %cond3A_735 = arith.constant 0 : i32
      %cond3A_736 = arith.cmpi ne, %convert_element_type3A_734, %cond3A_735 : i32
      scf.if %cond3A_736 {
        %sub3A_1084 = arith.constant 2 : i32
        %sub3A_1085 = arith.subi %add3A_731, %sub3A_1084 : i32
        %dma_wait3A_1086 = arith.constant 0 : i32
        %dma_wait3A_1087 = arith.constant 0 : i32
        %dma_wait3A_1088 = arith.constant 0 : i32
        %dma_wait3A_1089 = arith.constant 0 : i32
        %dma_wait3A_1090 = tpu.memref_slice %arg8[%dma_wait3A_1086, %dma_wait3A_1088, %dma_wait3A_1089] : memref<2x64x129xf32, #tpu.memory_space<vmem>> -> memref<1x8x128xf32, #tpu.memory_space<vmem>>
        %dma_wait3A_1091 = tpu.memref_squeeze %dma_wait3A_1090 : memref<1x8x128xf32, #tpu.memory_space<vmem>> -> memref<8x128xf32, #tpu.memory_space<vmem>>
        %dma_wait3A_1092 = arith.constant 0 : i32
        %dma_wait3A_1093 = arith.constant 0 : i32
        %dma_wait3A_1094 = tpu.memref_slice %arg4[%sub3A_1085, %dma_wait3A_1087, %add3A, %dma_wait3A_1092, %dma_wait3A_1093] : memref<200x8x32x8x128xf32, #tpu.memory_space<hbm>> -> memref<1x1x1x8x128xf32, #tpu.memory_space<hbm>>
        %dma_wait3A_1095 = tpu.memref_squeeze %dma_wait3A_1094 : memref<1x1x1x8x128xf32, #tpu.memory_space<hbm>> -> memref<8x128xf32, #tpu.memory_space<hbm>>
        %dma_wait3A_1096 = arith.constant 0 : i32
        %dma_wait3A_1097 = arith.constant 0 : i32
        %dma_wait3A_1098 = tpu.memref_slice %arg4[%sub3A_1085, %dma_wait3A_1087, %add3A, %dma_wait3A_1096, %dma_wait3A_1097] : memref<200x8x32x8x128xf32, #tpu.memory_space<hbm>> -> memref<1x1x1x8x128xf32, #tpu.memory_space<hbm>>
        %dma_wait3A_1099 = tpu.memref_squeeze %dma_wait3A_1098 : memref<1x1x1x8x128xf32, #tpu.memory_space<hbm>> -> memref<8x128xf32, #tpu.memory_space<hbm>>
        %dma_wait3A_1100 = arith.constant 0 : i32
        %dma_wait3A_1101 = arith.constant 0 : i32
        %dma_wait3A_1102 = tpu.memref_slice %arg8[%dma_wait3A_1086, %dma_wait3A_1100, %dma_wait3A_1101] : memref<2x64x129xf32, #tpu.memory_space<vmem>> -> memref<1x8x128xf32, #tpu.memory_space<vmem>>
        %dma_wait3A_1103 = tpu.memref_squeeze %dma_wait3A_1102 : memref<1x8x128xf32, #tpu.memory_space<vmem>> -> memref<8x128xf32, #tpu.memory_space<vmem>>
        tpu.wait_dma2 semaphore(%arg10 : memref<!tpu.dma_semaphore, #tpu.memory_space<semaphore_mem>>) src(%dma_wait3A_1103 : memref<8x128xf32, #tpu.memory_space<vmem>>) dst(%dma_wait3A_1099 : memref<8x128xf32, #tpu.memory_space<hbm>>)
        %dma_wait3A_1104 = arith.constant 0 : i32
        %dma_wait3A_1105 = arith.constant 1 : i32
        %dma_wait3A_1106 = arith.constant 8 : i32
        %dma_wait3A_1107 = arith.constant 0 : i32
        %dma_wait3A_1108 = tpu.memref_slice %arg8[%dma_wait3A_1104, %dma_wait3A_1106, %dma_wait3A_1107] : memref<2x64x129xf32, #tpu.memory_space<vmem>> -> memref<1x8x128xf32, #tpu.memory_space<vmem>>
        %dma_wait3A_1109 = tpu.memref_squeeze %dma_wait3A_1108 : memref<1x8x128xf32, #tpu.memory_space<vmem>> -> memref<8x128xf32, #tpu.memory_space<vmem>>
        %dma_wait3A_1110 = arith.constant 0 : i32
        %dma_wait3A_1111 = arith.constant 0 : i32
        %dma_wait3A_1112 = tpu.memref_slice %arg4[%sub3A_1085, %dma_wait3A_1105, %add3A, %dma_wait3A_1110, %dma_wait3A_1111] : memref<200x8x32x8x128xf32, #tpu.memory_space<hbm>> -> memref<1x1x1x8x128xf32, #tpu.memory_space<hbm>>
        %dma_wait3A_1113 = tpu.memref_squeeze %dma_wait3A_1112 : memref<1x1x1x8x128xf32, #tpu.memory_space<hbm>> -> memref<8x128xf32, #tpu.memory_space<hbm>>
        %dma_wait3A_1114 = arith.constant 0 : i32
        %dma_wait3A_1115 = arith.constant 0 : i32
        %dma_wait3A_1116 = tpu.memref_slice %arg4[%sub3A_1085, %dma_wait3A_1105, %add3A, %dma_wait3A_1114, %dma_wait3A_1115] : memref<200x8x32x8x128xf32, #tpu.memory_space<hbm>> -> memref<1x1x1x8x128xf32, #tpu.memory_space<hbm>>
        %dma_wait3A_1117 = tpu.memref_squeeze %dma_wait3A_1116 : memref<1x1x1x8x128xf32, #tpu.memory_space<hbm>> -> memref<8x128xf32, #tpu.memory_space<hbm>>
        %dma_wait3A_1118 = arith.constant 8 : i32
        %dma_wait3A_1119 = arith.constant 0 : i32
        %dma_wait3A_1120 = tpu.memref_slice %arg8[%dma_wait3A_1104, %dma_wait3A_1118, %dma_wait3A_1119] : memref<2x64x129xf32, #tpu.memory_space<vmem>> -> memref<1x8x128xf32, #tpu.memory_space<vmem>>
        %dma_wait3A_1121 = tpu.memref_squeeze %dma_wait3A_1120 : memref<1x8x128xf32, #tpu.memory_space<vmem>> -> memref<8x128xf32, #tpu.memory_space<vmem>>
        tpu.wait_dma2 semaphore(%arg10 : memref<!tpu.dma_semaphore, #tpu.memory_space<semaphore_mem>>) src(%dma_wait3A_1121 : memref<8x128xf32, #tpu.memory_space<vmem>>) dst(%dma_wait3A_1117 : memref<8x128xf32, #tpu.memory_space<hbm>>)
        %dma_wait3A_1122 = arith.constant 0 : i32
        %dma_wait3A_1123 = arith.constant 2 : i32
        %dma_wait3A_1124 = arith.constant 16 : i32
        %dma_wait3A_1125 = arith.constant 0 : i32
        %dma_wait3A_1126 = tpu.memref_slice %arg8[%dma_wait3A_1122, %dma_wait3A_1124, %dma_wait3A_1125] : memref<2x64x129xf32, #tpu.memory_space<vmem>> -> memref<1x8x128xf32, #tpu.memory_space<vmem>>
        %dma_wait3A_1127 = tpu.memref_squeeze %dma_wait3A_1126 : memref<1x8x128xf32, #tpu.memory_space<vmem>> -> memref<8x128xf32, #tpu.memory_space<vmem>>
        %dma_wait3A_1128 = arith.constant 0 : i32
        %dma_wait3A_1129 = arith.constant 0 : i32
        %dma_wait3A_1130 = tpu.memref_slice %arg4[%sub3A_1085, %dma_wait3A_1123, %add3A, %dma_wait3A_1128, %dma_wait3A_1129] : memref<200x8x32x8x128xf32, #tpu.memory_space<hbm>> -> memref<1x1x1x8x128xf32, #tpu.memory_space<hbm>>
        %dma_wait3A_1131 = tpu.memref_squeeze %dma_wait3A_1130 : memref<1x1x1x8x128xf32, #tpu.memory_space<hbm>> -> memref<8x128xf32, #tpu.memory_space<hbm>>
        %dma_wait3A_1132 = arith.constant 0 : i32
        %dma_wait3A_1133 = arith.constant 0 : i32
        %dma_wait3A_1134 = tpu.memref_slice %arg4[%sub3A_1085, %dma_wait3A_1123, %add3A, %dma_wait3A_1132, %dma_wait3A_1133] : memref<200x8x32x8x128xf32, #tpu.memory_space<hbm>> -> memref<1x1x1x8x128xf32, #tpu.memory_space<hbm>>
        %dma_wait3A_1135 = tpu.memref_squeeze %dma_wait3A_1134 : memref<1x1x1x8x128xf32, #tpu.memory_space<hbm>> -> memref<8x128xf32, #tpu.memory_space<hbm>>
        %dma_wait3A_1136 = arith.constant 16 : i32
        %dma_wait3A_1137 = arith.constant 0 : i32
        %dma_wait3A_1138 = tpu.memref_slice %arg8[%dma_wait3A_1122, %dma_wait3A_1136, %dma_wait3A_1137] : memref<2x64x129xf32, #tpu.memory_space<vmem>> -> memref<1x8x128xf32, #tpu.memory_space<vmem>>
        %dma_wait3A_1139 = tpu.memref_squeeze %dma_wait3A_1138 : memref<1x8x128xf32, #tpu.memory_space<vmem>> -> memref<8x128xf32, #tpu.memory_space<vmem>>
        tpu.wait_dma2 semaphore(%arg10 : memref<!tpu.dma_semaphore, #tpu.memory_space<semaphore_mem>>) src(%dma_wait3A_1139 : memref<8x128xf32, #tpu.memory_space<vmem>>) dst(%dma_wait3A_1135 : memref<8x128xf32, #tpu.memory_space<hbm>>)
        %dma_wait3A_1140 = arith.constant 0 : i32
        %dma_wait3A_1141 = arith.constant 3 : i32
        %dma_wait3A_1142 = arith.constant 24 : i32
        %dma_wait3A_1143 = arith.constant 0 : i32
        %dma_wait3A_1144 = tpu.memref_slice %arg8[%dma_wait3A_1140, %dma_wait3A_1142, %dma_wait3A_1143] : memref<2x64x129xf32, #tpu.memory_space<vmem>> -> memref<1x8x128xf32, #tpu.memory_space<vmem>>
        %dma_wait3A_1145 = tpu.memref_squeeze %dma_wait3A_1144 : memref<1x8x128xf32, #tpu.memory_space<vmem>> -> memref<8x128xf32, #tpu.memory_space<vmem>>
        %dma_wait3A_1146 = arith.constant 0 : i32
        %dma_wait3A_1147 = arith.constant 0 : i32
        %dma_wait3A_1148 = tpu.memref_slice %arg4[%sub3A_1085, %dma_wait3A_1141, %add3A, %dma_wait3A_1146, %dma_wait3A_1147] : memref<200x8x32x8x128xf32, #tpu.memory_space<hbm>> -> memref<1x1x1x8x128xf32, #tpu.memory_space<hbm>>
        %dma_wait3A_1149 = tpu.memref_squeeze %dma_wait3A_1148 : memref<1x1x1x8x128xf32, #tpu.memory_space<hbm>> -> memref<8x128xf32, #tpu.memory_space<hbm>>
        %dma_wait3A_1150 = arith.constant 0 : i32
        %dma_wait3A_1151 = arith.constant 0 : i32
        %dma_wait3A_1152 = tpu.memref_slice %arg4[%sub3A_1085, %dma_wait3A_1141, %add3A, %dma_wait3A_1150, %dma_wait3A_1151] : memref<200x8x32x8x128xf32, #tpu.memory_space<hbm>> -> memref<1x1x1x8x128xf32, #tpu.memory_space<hbm>>
        %dma_wait3A_1153 = tpu.memref_squeeze %dma_wait3A_1152 : memref<1x1x1x8x128xf32, #tpu.memory_space<hbm>> -> memref<8x128xf32, #tpu.memory_space<hbm>>
        %dma_wait3A_1154 = arith.constant 24 : i32
        %dma_wait3A_1155 = arith.constant 0 : i32
        %dma_wait3A_1156 = tpu.memref_slice %arg8[%dma_wait3A_1140, %dma_wait3A_1154, %dma_wait3A_1155] : memref<2x64x129xf32, #tpu.memory_space<vmem>> -> memref<1x8x128xf32, #tpu.memory_space<vmem>>
        %dma_wait3A_1157 = tpu.memref_squeeze %dma_wait3A_1156 : memref<1x8x128xf32, #tpu.memory_space<vmem>> -> memref<8x128xf32, #tpu.memory_space<vmem>>
        tpu.wait_dma2 semaphore(%arg10 : memref<!tpu.dma_semaphore, #tpu.memory_space<semaphore_mem>>) src(%dma_wait3A_1157 : memref<8x128xf32, #tpu.memory_space<vmem>>) dst(%dma_wait3A_1153 : memref<8x128xf32, #tpu.memory_space<hbm>>)
        %dma_wait3A_1158 = arith.constant 0 : i32
        %dma_wait3A_1159 = arith.constant 4 : i32
        %dma_wait3A_1160 = arith.constant 32 : i32
        %dma_wait3A_1161 = arith.constant 0 : i32
        %dma_wait3A_1162 = tpu.memref_slice %arg8[%dma_wait3A_1158, %dma_wait3A_1160, %dma_wait3A_1161] : memref<2x64x129xf32, #tpu.memory_space<vmem>> -> memref<1x8x128xf32, #tpu.memory_space<vmem>>
        %dma_wait3A_1163 = tpu.memref_squeeze %dma_wait3A_1162 : memref<1x8x128xf32, #tpu.memory_space<vmem>> -> memref<8x128xf32, #tpu.memory_space<vmem>>
        %dma_wait3A_1164 = arith.constant 0 : i32
        %dma_wait3A_1165 = arith.constant 0 : i32
        %dma_wait3A_1166 = tpu.memref_slice %arg4[%sub3A_1085, %dma_wait3A_1159, %add3A, %dma_wait3A_1164, %dma_wait3A_1165] : memref<200x8x32x8x128xf32, #tpu.memory_space<hbm>> -> memref<1x1x1x8x128xf32, #tpu.memory_space<hbm>>
        %dma_wait3A_1167 = tpu.memref_squeeze %dma_wait3A_1166 : memref<1x1x1x8x128xf32, #tpu.memory_space<hbm>> -> memref<8x128xf32, #tpu.memory_space<hbm>>
        %dma_wait3A_1168 = arith.constant 0 : i32
        %dma_wait3A_1169 = arith.constant 0 : i32
        %dma_wait3A_1170 = tpu.memref_slice %arg4[%sub3A_1085, %dma_wait3A_1159, %add3A, %dma_wait3A_1168, %dma_wait3A_1169] : memref<200x8x32x8x128xf32, #tpu.memory_space<hbm>> -> memref<1x1x1x8x128xf32, #tpu.memory_space<hbm>>
        %dma_wait3A_1171 = tpu.memref_squeeze %dma_wait3A_1170 : memref<1x1x1x8x128xf32, #tpu.memory_space<hbm>> -> memref<8x128xf32, #tpu.memory_space<hbm>>
        %dma_wait3A_1172 = arith.constant 32 : i32
        %dma_wait3A_1173 = arith.constant 0 : i32
        %dma_wait3A_1174 = tpu.memref_slice %arg8[%dma_wait3A_1158, %dma_wait3A_1172, %dma_wait3A_1173] : memref<2x64x129xf32, #tpu.memory_space<vmem>> -> memref<1x8x128xf32, #tpu.memory_space<vmem>>
        %dma_wait3A_1175 = tpu.memref_squeeze %dma_wait3A_1174 : memref<1x8x128xf32, #tpu.memory_space<vmem>> -> memref<8x128xf32, #tpu.memory_space<vmem>>
        tpu.wait_dma2 semaphore(%arg10 : memref<!tpu.dma_semaphore, #tpu.memory_space<semaphore_mem>>) src(%dma_wait3A_1175 : memref<8x128xf32, #tpu.memory_space<vmem>>) dst(%dma_wait3A_1171 : memref<8x128xf32, #tpu.memory_space<hbm>>)
        %dma_wait3A_1176 = arith.constant 0 : i32
        %dma_wait3A_1177 = arith.constant 5 : i32
        %dma_wait3A_1178 = arith.constant 40 : i32
        %dma_wait3A_1179 = arith.constant 0 : i32
        %dma_wait3A_1180 = tpu.memref_slice %arg8[%dma_wait3A_1176, %dma_wait3A_1178, %dma_wait3A_1179] : memref<2x64x129xf32, #tpu.memory_space<vmem>> -> memref<1x8x128xf32, #tpu.memory_space<vmem>>
        %dma_wait3A_1181 = tpu.memref_squeeze %dma_wait3A_1180 : memref<1x8x128xf32, #tpu.memory_space<vmem>> -> memref<8x128xf32, #tpu.memory_space<vmem>>
        %dma_wait3A_1182 = arith.constant 0 : i32
        %dma_wait3A_1183 = arith.constant 0 : i32
        %dma_wait3A_1184 = tpu.memref_slice %arg4[%sub3A_1085, %dma_wait3A_1177, %add3A, %dma_wait3A_1182, %dma_wait3A_1183] : memref<200x8x32x8x128xf32, #tpu.memory_space<hbm>> -> memref<1x1x1x8x128xf32, #tpu.memory_space<hbm>>
        %dma_wait3A_1185 = tpu.memref_squeeze %dma_wait3A_1184 : memref<1x1x1x8x128xf32, #tpu.memory_space<hbm>> -> memref<8x128xf32, #tpu.memory_space<hbm>>
        %dma_wait3A_1186 = arith.constant 0 : i32
        %dma_wait3A_1187 = arith.constant 0 : i32
        %dma_wait3A_1188 = tpu.memref_slice %arg4[%sub3A_1085, %dma_wait3A_1177, %add3A, %dma_wait3A_1186, %dma_wait3A_1187] : memref<200x8x32x8x128xf32, #tpu.memory_space<hbm>> -> memref<1x1x1x8x128xf32, #tpu.memory_space<hbm>>
        %dma_wait3A_1189 = tpu.memref_squeeze %dma_wait3A_1188 : memref<1x1x1x8x128xf32, #tpu.memory_space<hbm>> -> memref<8x128xf32, #tpu.memory_space<hbm>>
        %dma_wait3A_1190 = arith.constant 40 : i32
        %dma_wait3A_1191 = arith.constant 0 : i32
        %dma_wait3A_1192 = tpu.memref_slice %arg8[%dma_wait3A_1176, %dma_wait3A_1190, %dma_wait3A_1191] : memref<2x64x129xf32, #tpu.memory_space<vmem>> -> memref<1x8x128xf32, #tpu.memory_space<vmem>>
        %dma_wait3A_1193 = tpu.memref_squeeze %dma_wait3A_1192 : memref<1x8x128xf32, #tpu.memory_space<vmem>> -> memref<8x128xf32, #tpu.memory_space<vmem>>
        tpu.wait_dma2 semaphore(%arg10 : memref<!tpu.dma_semaphore, #tpu.memory_space<semaphore_mem>>) src(%dma_wait3A_1193 : memref<8x128xf32, #tpu.memory_space<vmem>>) dst(%dma_wait3A_1189 : memref<8x128xf32, #tpu.memory_space<hbm>>)
        %dma_wait3A_1194 = arith.constant 0 : i32
        %dma_wait3A_1195 = arith.constant 6 : i32
        %dma_wait3A_1196 = arith.constant 48 : i32
        %dma_wait3A_1197 = arith.constant 0 : i32
        %dma_wait3A_1198 = tpu.memref_slice %arg8[%dma_wait3A_1194, %dma_wait3A_1196, %dma_wait3A_1197] : memref<2x64x129xf32, #tpu.memory_space<vmem>> -> memref<1x8x128xf32, #tpu.memory_space<vmem>>
        %dma_wait3A_1199 = tpu.memref_squeeze %dma_wait3A_1198 : memref<1x8x128xf32, #tpu.memory_space<vmem>> -> memref<8x128xf32, #tpu.memory_space<vmem>>
        %dma_wait3A_1200 = arith.constant 0 : i32
        %dma_wait3A_1201 = arith.constant 0 : i32
        %dma_wait3A_1202 = tpu.memref_slice %arg4[%sub3A_1085, %dma_wait3A_1195, %add3A, %dma_wait3A_1200, %dma_wait3A_1201] : memref<200x8x32x8x128xf32, #tpu.memory_space<hbm>> -> memref<1x1x1x8x128xf32, #tpu.memory_space<hbm>>
        %dma_wait3A_1203 = tpu.memref_squeeze %dma_wait3A_1202 : memref<1x1x1x8x128xf32, #tpu.memory_space<hbm>> -> memref<8x128xf32, #tpu.memory_space<hbm>>
        %dma_wait3A_1204 = arith.constant 0 : i32
        %dma_wait3A_1205 = arith.constant 0 : i32
        %dma_wait3A_1206 = tpu.memref_slice %arg4[%sub3A_1085, %dma_wait3A_1195, %add3A, %dma_wait3A_1204, %dma_wait3A_1205] : memref<200x8x32x8x128xf32, #tpu.memory_space<hbm>> -> memref<1x1x1x8x128xf32, #tpu.memory_space<hbm>>
        %dma_wait3A_1207 = tpu.memref_squeeze %dma_wait3A_1206 : memref<1x1x1x8x128xf32, #tpu.memory_space<hbm>> -> memref<8x128xf32, #tpu.memory_space<hbm>>
        %dma_wait3A_1208 = arith.constant 48 : i32
        %dma_wait3A_1209 = arith.constant 0 : i32
        %dma_wait3A_1210 = tpu.memref_slice %arg8[%dma_wait3A_1194, %dma_wait3A_1208, %dma_wait3A_1209] : memref<2x64x129xf32, #tpu.memory_space<vmem>> -> memref<1x8x128xf32, #tpu.memory_space<vmem>>
        %dma_wait3A_1211 = tpu.memref_squeeze %dma_wait3A_1210 : memref<1x8x128xf32, #tpu.memory_space<vmem>> -> memref<8x128xf32, #tpu.memory_space<vmem>>
        tpu.wait_dma2 semaphore(%arg10 : memref<!tpu.dma_semaphore, #tpu.memory_space<semaphore_mem>>) src(%dma_wait3A_1211 : memref<8x128xf32, #tpu.memory_space<vmem>>) dst(%dma_wait3A_1207 : memref<8x128xf32, #tpu.memory_space<hbm>>)
        %dma_wait3A_1212 = arith.constant 0 : i32
        %dma_wait3A_1213 = arith.constant 7 : i32
        %dma_wait3A_1214 = arith.constant 56 : i32
        %dma_wait3A_1215 = arith.constant 0 : i32
        %dma_wait3A_1216 = tpu.memref_slice %arg8[%dma_wait3A_1212, %dma_wait3A_1214, %dma_wait3A_1215] : memref<2x64x129xf32, #tpu.memory_space<vmem>> -> memref<1x8x128xf32, #tpu.memory_space<vmem>>
        %dma_wait3A_1217 = tpu.memref_squeeze %dma_wait3A_1216 : memref<1x8x128xf32, #tpu.memory_space<vmem>> -> memref<8x128xf32, #tpu.memory_space<vmem>>
        %dma_wait3A_1218 = arith.constant 0 : i32
        %dma_wait3A_1219 = arith.constant 0 : i32
        %dma_wait3A_1220 = tpu.memref_slice %arg4[%sub3A_1085, %dma_wait3A_1213, %add3A, %dma_wait3A_1218, %dma_wait3A_1219] : memref<200x8x32x8x128xf32, #tpu.memory_space<hbm>> -> memref<1x1x1x8x128xf32, #tpu.memory_space<hbm>>
        %dma_wait3A_1221 = tpu.memref_squeeze %dma_wait3A_1220 : memref<1x1x1x8x128xf32, #tpu.memory_space<hbm>> -> memref<8x128xf32, #tpu.memory_space<hbm>>
        %dma_wait3A_1222 = arith.constant 0 : i32
        %dma_wait3A_1223 = arith.constant 0 : i32
        %dma_wait3A_1224 = tpu.memref_slice %arg4[%sub3A_1085, %dma_wait3A_1213, %add3A, %dma_wait3A_1222, %dma_wait3A_1223] : memref<200x8x32x8x128xf32, #tpu.memory_space<hbm>> -> memref<1x1x1x8x128xf32, #tpu.memory_space<hbm>>
        %dma_wait3A_1225 = tpu.memref_squeeze %dma_wait3A_1224 : memref<1x1x1x8x128xf32, #tpu.memory_space<hbm>> -> memref<8x128xf32, #tpu.memory_space<hbm>>
        %dma_wait3A_1226 = arith.constant 56 : i32
        %dma_wait3A_1227 = arith.constant 0 : i32
        %dma_wait3A_1228 = tpu.memref_slice %arg8[%dma_wait3A_1212, %dma_wait3A_1226, %dma_wait3A_1227] : memref<2x64x129xf32, #tpu.memory_space<vmem>> -> memref<1x8x128xf32, #tpu.memory_space<vmem>>
        %dma_wait3A_1229 = tpu.memref_squeeze %dma_wait3A_1228 : memref<1x8x128xf32, #tpu.memory_space<vmem>> -> memref<8x128xf32, #tpu.memory_space<vmem>>
        tpu.wait_dma2 semaphore(%arg10 : memref<!tpu.dma_semaphore, #tpu.memory_space<semaphore_mem>>) src(%dma_wait3A_1229 : memref<8x128xf32, #tpu.memory_space<vmem>>) dst(%dma_wait3A_1225 : memref<8x128xf32, #tpu.memory_space<hbm>>)
      } else {
      }
      %add3A_737 = arith.constant 4 : i32
      %add3A_738 = arith.addi %add3A_731, %add3A_737 : i32
      %sub3A_739 = arith.constant 1 : i32
      %sub3A_740 = arith.subi %add3A_738, %sub3A_739 : i32
      %lt3A_741 = arith.constant 200 : i32
      %lt3A_742 = arith.cmpi slt, %sub3A_740, %lt3A_741 : i32
      %convert_element_type3A_743 = arith.extui %lt3A_742 : i1 to i32
      %cond3A_744 = arith.constant 0 : i32
      %cond3A_745 = arith.cmpi ne, %convert_element_type3A_743, %cond3A_744 : i32
      scf.if %cond3A_745 {
        %add3A_1084 = arith.constant 4 : i32
        %add3A_1085 = arith.addi %add3A_731, %add3A_1084 : i32
        %sub3A_1086 = arith.constant 1 : i32
        %sub3A_1087 = arith.subi %add3A_1085, %sub3A_1086 : i32
        %dma_start3A_1088 = arith.constant 1 : i32
        %dma_start3A_1089 = arith.constant 0 : i32
        %dma_start3A_1090 = arith.constant 0 : i32
        %dma_start3A_1091 = tpu.memref_slice %arg7[%dma_start3A_1088, %dma_start3A_1089, %dma_start3A_1090] : memref<4x128x64xf32, #tpu.memory_space<vmem>> -> memref<1x128x64xf32, #tpu.memory_space<vmem>>
        %dma_start3A_1092 = tpu.memref_squeeze %dma_start3A_1091 : memref<1x128x64xf32, #tpu.memory_space<vmem>> -> memref<128x64xf32, #tpu.memory_space<vmem>>
        %dma_start3A_1093 = arith.constant 0 : i32
        %dma_start3A_1094 = tpu.memref_slice %arg6[%sub3A_1087, %dma_start3A_1093] : memref<200x128xi32, #tpu.memory_space<vmem>> -> memref<1x128xi32, #tpu.memory_space<vmem>>
        %dma_start3A_1095 = tpu.memref_squeeze %dma_start3A_1094 : memref<1x128xi32, #tpu.memory_space<vmem>> -> memref<128xi32, #tpu.memory_space<vmem>>
        %dma_start3A_1096 = arith.constant 0 : i32
        %dma_start3A_1097 = arith.constant 0 : i32
        %dma_start3A_1098 = tpu.memref_slice %arg3[%dma_start3A_1096, %dma_start3A_1097] : memref<1000000x64xf32, #tpu.memory_space<hbm>> -> memref<1000000x64xf32, #tpu.memory_space<hbm>>
        tpu.enqueue_indirect_dma source(%dma_start3A_1098 : memref<1000000x64xf32, #tpu.memory_space<hbm>>) target(%dma_start3A_1092 : memref<128x64xf32, #tpu.memory_space<vmem>>) offsets(%dma_start3A_1095 : memref<128xi32, #tpu.memory_space<vmem>>) semaphore(%arg9 : memref<!tpu.dma_semaphore, #tpu.memory_space<semaphore_mem>>)
      } else {
      }
      %dma_wait3A_746 = arith.constant 0 : i32
      %dma_wait3A_747 = arith.constant 2 : i32
      %dma_wait3A_748 = arith.constant 0 : i32
      %dma_wait3A_749 = arith.constant 0 : i32
      %dma_wait3A_750 = tpu.memref_slice %arg7[%dma_wait3A_747, %dma_wait3A_748, %dma_wait3A_749] : memref<4x128x64xf32, #tpu.memory_space<vmem>> -> memref<1x128x64xf32, #tpu.memory_space<vmem>>
      %dma_wait3A_751 = tpu.memref_squeeze %dma_wait3A_750 : memref<1x128x64xf32, #tpu.memory_space<vmem>> -> memref<128x64xf32, #tpu.memory_space<vmem>>
      %dma_wait3A_752 = arith.constant 0 : i32
      %dma_wait3A_753 = tpu.memref_slice %arg6[%dma_wait3A_746, %dma_wait3A_752] : memref<200x128xi32, #tpu.memory_space<vmem>> -> memref<1x128xi32, #tpu.memory_space<vmem>>
      %dma_wait3A_754 = tpu.memref_squeeze %dma_wait3A_753 : memref<1x128xi32, #tpu.memory_space<vmem>> -> memref<128xi32, #tpu.memory_space<vmem>>
      %dma_wait3A_755 = arith.constant 0 : i32
      %dma_wait3A_756 = arith.constant 0 : i32
      %dma_wait3A_757 = tpu.memref_slice %arg3[%dma_wait3A_755, %dma_wait3A_756] : memref<1000000x64xf32, #tpu.memory_space<hbm>> -> memref<1000000x64xf32, #tpu.memory_space<hbm>>
      tpu.wait_indirect_dma semaphore(%arg9 : memref<!tpu.dma_semaphore, #tpu.memory_space<semaphore_mem>>) src(%dma_wait3A_757 : memref<1000000x64xf32, #tpu.memory_space<hbm>>) dst(%dma_wait3A_751 : memref<128x64xf32, #tpu.memory_space<vmem>>)
      %scan3A_758 = arith.constant 0 : i32
      %scan3A_759 = arith.constant 128 : i32
      %scan3A_760 = arith.addi %scan3A_758, %scan3A_759 : i32
      %scan3A_761 = arith.constant 2 : i32
      scf.for %scan3A_1084 = %scan3A_758 to %scan3A_760 step %scan3A_761  : i32 {
        %mul3A_1085 = arith.constant 1 : i32
        %mul3A_1086 = arith.muli %scan3A_1084, %mul3A_1085 : i32
        %add3A_1087 = arith.constant 0 : i32
        %add3A_1088 = arith.addi %add3A_1087, %mul3A_1086 : i32
        %broadcast_in_dim3A = vector.broadcast %add3A_1088 : i32 to vector<16xi32>
        %get3A = arith.constant 2 : i32
        %get3A_1089 = arith.index_cast %get3A : i32 to index
        %get3A_1090 = arith.index_cast %add3A_1088 : i32 to index
        %get3A_1091 = arith.constant 0 : index
        %get3A_1092 = tpu.vector_load %arg7[%get3A_1089, %get3A_1090, %get3A_1091] {strides = array<i32>} : memref<4x128x64xf32, #tpu.memory_space<vmem>>, vector<16xf32>,
        %mul3A_1093 = arith.constant 8.000000e+00 : f32
        %mul3A_1094 = vector.broadcast %mul3A_1093 : f32 to vector<16xf32>
        %mul3A_1095 = arith.mulf %get3A_1092, %mul3A_1094 : vector<16xf32>
        %scatter3A = arith.constant 0 : i32
        %scatter3A_1096 = arith.constant 0 : i32
        %scatter3A_1097 = arith.constant 0 : i32
        %scatter3A_1098 = tpu.memref_slice %arg8[%scatter3A, %scatter3A_1096, %scatter3A_1097] : memref<2x64x129xf32, #tpu.memory_space<vmem>> -> memref<1x64x129xf32, #tpu.memory_space<vmem>>
        %scatter3A_1099 = tpu.memref_squeeze %scatter3A_1098 : memref<1x64x129xf32, #tpu.memory_space<vmem>> -> memref<64x129xf32, #tpu.memory_space<vmem>>
        tpu.vector_store_idx %scatter3A_1099[%add3A_7, %broadcast_in_dim3A], %mul3A_1095 : memref<64x129xf32, #tpu.memory_space<vmem>>[vector<16xi32>, vector<16xi32>], vector<16xf32>,
        %get3A_1100 = arith.constant 2 : i32
        %get3A_1101 = arith.index_cast %get3A_1100 : i32 to index
        %get3A_1102 = arith.index_cast %add3A_1088 : i32 to index
        %get3A_1103 = arith.constant 16 : index
        %get3A_1104 = tpu.vector_load %arg7[%get3A_1101, %get3A_1102, %get3A_1103] {strides = array<i32>} : memref<4x128x64xf32, #tpu.memory_space<vmem>>, vector<16xf32>,
        %mul3A_1105 = arith.constant 8.000000e+00 : f32
        %mul3A_1106 = vector.broadcast %mul3A_1105 : f32 to vector<16xf32>
        %mul3A_1107 = arith.mulf %get3A_1104, %mul3A_1106 : vector<16xf32>
        %scatter3A_1108 = arith.constant 0 : i32
        %scatter3A_1109 = arith.constant 0 : i32
        %scatter3A_1110 = arith.constant 0 : i32
        %scatter3A_1111 = tpu.memref_slice %arg8[%scatter3A_1108, %scatter3A_1109, %scatter3A_1110] : memref<2x64x129xf32, #tpu.memory_space<vmem>> -> memref<1x64x129xf32, #tpu.memory_space<vmem>>
        %scatter3A_1112 = tpu.memref_squeeze %scatter3A_1111 : memref<1x64x129xf32, #tpu.memory_space<vmem>> -> memref<64x129xf32, #tpu.memory_space<vmem>>
        tpu.vector_store_idx %scatter3A_1112[%add3A_10, %broadcast_in_dim3A], %mul3A_1107 : memref<64x129xf32, #tpu.memory_space<vmem>>[vector<16xi32>, vector<16xi32>], vector<16xf32>,
        %get3A_1113 = arith.constant 2 : i32
        %get3A_1114 = arith.index_cast %get3A_1113 : i32 to index
        %get3A_1115 = arith.index_cast %add3A_1088 : i32 to index
        %get3A_1116 = arith.constant 32 : index
        %get3A_1117 = tpu.vector_load %arg7[%get3A_1114, %get3A_1115, %get3A_1116] {strides = array<i32>} : memref<4x128x64xf32, #tpu.memory_space<vmem>>, vector<16xf32>,
        %mul3A_1118 = arith.constant 8.000000e+00 : f32
        %mul3A_1119 = vector.broadcast %mul3A_1118 : f32 to vector<16xf32>
        %mul3A_1120 = arith.mulf %get3A_1117, %mul3A_1119 : vector<16xf32>
        %scatter3A_1121 = arith.constant 0 : i32
        %scatter3A_1122 = arith.constant 0 : i32
        %scatter3A_1123 = arith.constant 0 : i32
        %scatter3A_1124 = tpu.memref_slice %arg8[%scatter3A_1121, %scatter3A_1122, %scatter3A_1123] : memref<2x64x129xf32, #tpu.memory_space<vmem>> -> memref<1x64x129xf32, #tpu.memory_space<vmem>>
        %scatter3A_1125 = tpu.memref_squeeze %scatter3A_1124 : memref<1x64x129xf32, #tpu.memory_space<vmem>> -> memref<64x129xf32, #tpu.memory_space<vmem>>
        tpu.vector_store_idx %scatter3A_1125[%add3A_13, %broadcast_in_dim3A], %mul3A_1120 : memref<64x129xf32, #tpu.memory_space<vmem>>[vector<16xi32>, vector<16xi32>], vector<16xf32>,
        %get3A_1126 = arith.constant 2 : i32
        %get3A_1127 = arith.index_cast %get3A_1126 : i32 to index
        %get3A_1128 = arith.index_cast %add3A_1088 : i32 to index
        %get3A_1129 = arith.constant 48 : index
        %get3A_1130 = tpu.vector_load %arg7[%get3A_1127, %get3A_1128, %get3A_1129] {strides = array<i32>} : memref<4x128x64xf32, #tpu.memory_space<vmem>>, vector<16xf32>,
        %mul3A_1131 = arith.constant 8.000000e+00 : f32
        %mul3A_1132 = vector.broadcast %mul3A_1131 : f32 to vector<16xf32>
        %mul3A_1133 = arith.mulf %get3A_1130, %mul3A_1132 : vector<16xf32>
        %scatter3A_1134 = arith.constant 0 : i32
        %scatter3A_1135 = arith.constant 0 : i32
        %scatter3A_1136 = arith.constant 0 : i32
        %scatter3A_1137 = tpu.memref_slice %arg8[%scatter3A_1134, %scatter3A_1135, %scatter3A_1136] : memref<2x64x129xf32, #tpu.memory_space<vmem>> -> memref<1x64x129xf32, #tpu.memory_space<vmem>>
        %scatter3A_1138 = tpu.memref_squeeze %scatter3A_1137 : memref<1x64x129xf32, #tpu.memory_space<vmem>> -> memref<64x129xf32, #tpu.memory_space<vmem>>
        tpu.vector_store_idx %scatter3A_1138[%add3A_16, %broadcast_in_dim3A], %mul3A_1133 : memref<64x129xf32, #tpu.memory_space<vmem>>[vector<16xi32>, vector<16xi32>], vector<16xf32>,
        %scan3A_1139 = arith.constant 1 : i32
        %scan3A_1140 = arith.addi %scan3A_1084, %scan3A_1139 : i32
        %mul3A_1141 = arith.constant 1 : i32
        %mul3A_1142 = arith.muli %scan3A_1140, %mul3A_1141 : i32
        %add3A_1143 = arith.constant 0 : i32
        %add3A_1144 = arith.addi %add3A_1143, %mul3A_1142 : i32
        %broadcast_in_dim3A_1145 = vector.broadcast %add3A_1144 : i32 to vector<16xi32>
        %get3A_1146 = arith.constant 2 : i32
        %get3A_1147 = arith.index_cast %get3A_1146 : i32 to index
        %get3A_1148 = arith.index_cast %add3A_1144 : i32 to index
        %get3A_1149 = arith.constant 0 : index
        %get3A_1150 = tpu.vector_load %arg7[%get3A_1147, %get3A_1148, %get3A_1149] {strides = array<i32>} : memref<4x128x64xf32, #tpu.memory_space<vmem>>, vector<16xf32>,
        %mul3A_1151 = arith.constant 8.000000e+00 : f32
        %mul3A_1152 = vector.broadcast %mul3A_1151 : f32 to vector<16xf32>
        %mul3A_1153 = arith.mulf %get3A_1150, %mul3A_1152 : vector<16xf32>
        %scatter3A_1154 = arith.constant 0 : i32
        %scatter3A_1155 = arith.constant 0 : i32
        %scatter3A_1156 = arith.constant 0 : i32
        %scatter3A_1157 = tpu.memref_slice %arg8[%scatter3A_1154, %scatter3A_1155, %scatter3A_1156] : memref<2x64x129xf32, #tpu.memory_space<vmem>> -> memref<1x64x129xf32, #tpu.memory_space<vmem>>
        %scatter3A_1158 = tpu.memref_squeeze %scatter3A_1157 : memref<1x64x129xf32, #tpu.memory_space<vmem>> -> memref<64x129xf32, #tpu.memory_space<vmem>>
        tpu.vector_store_idx %scatter3A_1158[%add3A_7, %broadcast_in_dim3A_1145], %mul3A_1153 : memref<64x129xf32, #tpu.memory_space<vmem>>[vector<16xi32>, vector<16xi32>], vector<16xf32>,
        %get3A_1159 = arith.constant 2 : i32
        %get3A_1160 = arith.index_cast %get3A_1159 : i32 to index
        %get3A_1161 = arith.index_cast %add3A_1144 : i32 to index
        %get3A_1162 = arith.constant 16 : index
        %get3A_1163 = tpu.vector_load %arg7[%get3A_1160, %get3A_1161, %get3A_1162] {strides = array<i32>} : memref<4x128x64xf32, #tpu.memory_space<vmem>>, vector<16xf32>,
        %mul3A_1164 = arith.constant 8.000000e+00 : f32
        %mul3A_1165 = vector.broadcast %mul3A_1164 : f32 to vector<16xf32>
        %mul3A_1166 = arith.mulf %get3A_1163, %mul3A_1165 : vector<16xf32>
        %scatter3A_1167 = arith.constant 0 : i32
        %scatter3A_1168 = arith.constant 0 : i32
        %scatter3A_1169 = arith.constant 0 : i32
        %scatter3A_1170 = tpu.memref_slice %arg8[%scatter3A_1167, %scatter3A_1168, %scatter3A_1169] : memref<2x64x129xf32, #tpu.memory_space<vmem>> -> memref<1x64x129xf32, #tpu.memory_space<vmem>>
        %scatter3A_1171 = tpu.memref_squeeze %scatter3A_1170 : memref<1x64x129xf32, #tpu.memory_space<vmem>> -> memref<64x129xf32, #tpu.memory_space<vmem>>
        tpu.vector_store_idx %scatter3A_1171[%add3A_10, %broadcast_in_dim3A_1145], %mul3A_1166 : memref<64x129xf32, #tpu.memory_space<vmem>>[vector<16xi32>, vector<16xi32>], vector<16xf32>,
        %get3A_1172 = arith.constant 2 : i32
        %get3A_1173 = arith.index_cast %get3A_1172 : i32 to index
        %get3A_1174 = arith.index_cast %add3A_1144 : i32 to index
        %get3A_1175 = arith.constant 32 : index
        %get3A_1176 = tpu.vector_load %arg7[%get3A_1173, %get3A_1174, %get3A_1175] {strides = array<i32>} : memref<4x128x64xf32, #tpu.memory_space<vmem>>, vector<16xf32>,
        %mul3A_1177 = arith.constant 8.000000e+00 : f32
        %mul3A_1178 = vector.broadcast %mul3A_1177 : f32 to vector<16xf32>
        %mul3A_1179 = arith.mulf %get3A_1176, %mul3A_1178 : vector<16xf32>
        %scatter3A_1180 = arith.constant 0 : i32
        %scatter3A_1181 = arith.constant 0 : i32
        %scatter3A_1182 = arith.constant 0 : i32
        %scatter3A_1183 = tpu.memref_slice %arg8[%scatter3A_1180, %scatter3A_1181, %scatter3A_1182] : memref<2x64x129xf32, #tpu.memory_space<vmem>> -> memref<1x64x129xf32, #tpu.memory_space<vmem>>
        %scatter3A_1184 = tpu.memref_squeeze %scatter3A_1183 : memref<1x64x129xf32, #tpu.memory_space<vmem>> -> memref<64x129xf32, #tpu.memory_space<vmem>>
        tpu.vector_store_idx %scatter3A_1184[%add3A_13, %broadcast_in_dim3A_1145], %mul3A_1179 : memref<64x129xf32, #tpu.memory_space<vmem>>[vector<16xi32>, vector<16xi32>], vector<16xf32>,
        %get3A_1185 = arith.constant 2 : i32
        %get3A_1186 = arith.index_cast %get3A_1185 : i32 to index
        %get3A_1187 = arith.index_cast %add3A_1144 : i32 to index
        %get3A_1188 = arith.constant 48 : index
        %get3A_1189 = tpu.vector_load %arg7[%get3A_1186, %get3A_1187, %get3A_1188] {strides = array<i32>} : memref<4x128x64xf32, #tpu.memory_space<vmem>>, vector<16xf32>,
        %mul3A_1190 = arith.constant 8.000000e+00 : f32
        %mul3A_1191 = vector.broadcast %mul3A_1190 : f32 to vector<16xf32>
        %mul3A_1192 = arith.mulf %get3A_1189, %mul3A_1191 : vector<16xf32>
        %scatter3A_1193 = arith.constant 0 : i32
        %scatter3A_1194 = arith.constant 0 : i32
        %scatter3A_1195 = arith.constant 0 : i32
        %scatter3A_1196 = tpu.memref_slice %arg8[%scatter3A_1193, %scatter3A_1194, %scatter3A_1195] : memref<2x64x129xf32, #tpu.memory_space<vmem>> -> memref<1x64x129xf32, #tpu.memory_space<vmem>>
        %scatter3A_1197 = tpu.memref_squeeze %scatter3A_1196 : memref<1x64x129xf32, #tpu.memory_space<vmem>> -> memref<64x129xf32, #tpu.memory_space<vmem>>
        tpu.vector_store_idx %scatter3A_1197[%add3A_16, %broadcast_in_dim3A_1145], %mul3A_1192 : memref<64x129xf32, #tpu.memory_space<vmem>>[vector<16xi32>, vector<16xi32>], vector<16xf32>,
      }
      %scan3A_762 = arith.constant 128 : i32
      %dma_start3A_763 = arith.constant 0 : i32
      %dma_start3A_764 = arith.constant 0 : i32
      %dma_start3A_765 = arith.constant 0 : i32
      %dma_start3A_766 = arith.constant 0 : i32
      %dma_start3A_767 = tpu.memref_slice %arg8[%dma_start3A_763, %dma_start3A_765, %dma_start3A_766] : memref<2x64x129xf32, #tpu.memory_space<vmem>> -> memref<1x8x128xf32, #tpu.memory_space<vmem>>
      %dma_start3A_768 = tpu.memref_squeeze %dma_start3A_767 : memref<1x8x128xf32, #tpu.memory_space<vmem>> -> memref<8x128xf32, #tpu.memory_space<vmem>>
      %dma_start3A_769 = arith.constant 0 : i32
      %dma_start3A_770 = arith.constant 0 : i32
      %dma_start3A_771 = tpu.memref_slice %arg4[%add3A_731, %dma_start3A_764, %add3A, %dma_start3A_769, %dma_start3A_770] : memref<200x8x32x8x128xf32, #tpu.memory_space<hbm>> -> memref<1x1x1x8x128xf32, #tpu.memory_space<hbm>>
      %dma_start3A_772 = tpu.memref_squeeze %dma_start3A_771 : memref<1x1x1x8x128xf32, #tpu.memory_space<hbm>> -> memref<8x128xf32, #tpu.memory_space<hbm>>
      %dma_start3A_773 = arith.constant 0 : i32
      %dma_start3A_774 = arith.constant 0 : i32
      %dma_start3A_775 = tpu.memref_slice %arg4[%add3A_731, %dma_start3A_764, %add3A, %dma_start3A_773, %dma_start3A_774] : memref<200x8x32x8x128xf32, #tpu.memory_space<hbm>> -> memref<1x1x1x8x128xf32, #tpu.memory_space<hbm>>
      %dma_start3A_776 = tpu.memref_squeeze %dma_start3A_775 : memref<1x1x1x8x128xf32, #tpu.memory_space<hbm>> -> memref<8x128xf32, #tpu.memory_space<hbm>>
      %dma_start3A_777 = arith.constant 0 : i32
      %dma_start3A_778 = arith.constant 0 : i32
      %dma_start3A_779 = tpu.memref_slice %arg8[%dma_start3A_763, %dma_start3A_777, %dma_start3A_778] : memref<2x64x129xf32, #tpu.memory_space<vmem>> -> memref<1x8x128xf32, #tpu.memory_space<vmem>>
      %dma_start3A_780 = tpu.memref_squeeze %dma_start3A_779 : memref<1x8x128xf32, #tpu.memory_space<vmem>> -> memref<8x128xf32, #tpu.memory_space<vmem>>
      tpu.enqueue_dma source(%dma_start3A_780 : memref<8x128xf32, #tpu.memory_space<vmem>>) target(%dma_start3A_776 : memref<8x128xf32, #tpu.memory_space<hbm>>) target_semaphore(%arg10 : memref<!tpu.dma_semaphore, #tpu.memory_space<semaphore_mem>>)
      %dma_start3A_781 = arith.constant 0 : i32
      %dma_start3A_782 = arith.constant 1 : i32
      %dma_start3A_783 = arith.constant 8 : i32
      %dma_start3A_784 = arith.constant 0 : i32
      %dma_start3A_785 = tpu.memref_slice %arg8[%dma_start3A_781, %dma_start3A_783, %dma_start3A_784] : memref<2x64x129xf32, #tpu.memory_space<vmem>> -> memref<1x8x128xf32, #tpu.memory_space<vmem>>
      %dma_start3A_786 = tpu.memref_squeeze %dma_start3A_785 : memref<1x8x128xf32, #tpu.memory_space<vmem>> -> memref<8x128xf32, #tpu.memory_space<vmem>>
      %dma_start3A_787 = arith.constant 0 : i32
      %dma_start3A_788 = arith.constant 0 : i32
      %dma_start3A_789 = tpu.memref_slice %arg4[%add3A_731, %dma_start3A_782, %add3A, %dma_start3A_787, %dma_start3A_788] : memref<200x8x32x8x128xf32, #tpu.memory_space<hbm>> -> memref<1x1x1x8x128xf32, #tpu.memory_space<hbm>>
      %dma_start3A_790 = tpu.memref_squeeze %dma_start3A_789 : memref<1x1x1x8x128xf32, #tpu.memory_space<hbm>> -> memref<8x128xf32, #tpu.memory_space<hbm>>
      %dma_start3A_791 = arith.constant 0 : i32
      %dma_start3A_792 = arith.constant 0 : i32
      %dma_start3A_793 = tpu.memref_slice %arg4[%add3A_731, %dma_start3A_782, %add3A, %dma_start3A_791, %dma_start3A_792] : memref<200x8x32x8x128xf32, #tpu.memory_space<hbm>> -> memref<1x1x1x8x128xf32, #tpu.memory_space<hbm>>
      %dma_start3A_794 = tpu.memref_squeeze %dma_start3A_793 : memref<1x1x1x8x128xf32, #tpu.memory_space<hbm>> -> memref<8x128xf32, #tpu.memory_space<hbm>>
      %dma_start3A_795 = arith.constant 8 : i32
      %dma_start3A_796 = arith.constant 0 : i32
      %dma_start3A_797 = tpu.memref_slice %arg8[%dma_start3A_781, %dma_start3A_795, %dma_start3A_796] : memref<2x64x129xf32, #tpu.memory_space<vmem>> -> memref<1x8x128xf32, #tpu.memory_space<vmem>>
      %dma_start3A_798 = tpu.memref_squeeze %dma_start3A_797 : memref<1x8x128xf32, #tpu.memory_space<vmem>> -> memref<8x128xf32, #tpu.memory_space<vmem>>
      tpu.enqueue_dma source(%dma_start3A_798 : memref<8x128xf32, #tpu.memory_space<vmem>>) target(%dma_start3A_794 : memref<8x128xf32, #tpu.memory_space<hbm>>) target_semaphore(%arg10 : memref<!tpu.dma_semaphore, #tpu.memory_space<semaphore_mem>>)
      %dma_start3A_799 = arith.constant 0 : i32
      %dma_start3A_800 = arith.constant 2 : i32
      %dma_start3A_801 = arith.constant 16 : i32
      %dma_start3A_802 = arith.constant 0 : i32
      %dma_start3A_803 = tpu.memref_slice %arg8[%dma_start3A_799, %dma_start3A_801, %dma_start3A_802] : memref<2x64x129xf32, #tpu.memory_space<vmem>> -> memref<1x8x128xf32, #tpu.memory_space<vmem>>
      %dma_start3A_804 = tpu.memref_squeeze %dma_start3A_803 : memref<1x8x128xf32, #tpu.memory_space<vmem>> -> memref<8x128xf32, #tpu.memory_space<vmem>>
      %dma_start3A_805 = arith.constant 0 : i32
      %dma_start3A_806 = arith.constant 0 : i32
      %dma_start3A_807 = tpu.memref_slice %arg4[%add3A_731, %dma_start3A_800, %add3A, %dma_start3A_805, %dma_start3A_806] : memref<200x8x32x8x128xf32, #tpu.memory_space<hbm>> -> memref<1x1x1x8x128xf32, #tpu.memory_space<hbm>>
      %dma_start3A_808 = tpu.memref_squeeze %dma_start3A_807 : memref<1x1x1x8x128xf32, #tpu.memory_space<hbm>> -> memref<8x128xf32, #tpu.memory_space<hbm>>
      %dma_start3A_809 = arith.constant 0 : i32
      %dma_start3A_810 = arith.constant 0 : i32
      %dma_start3A_811 = tpu.memref_slice %arg4[%add3A_731, %dma_start3A_800, %add3A, %dma_start3A_809, %dma_start3A_810] : memref<200x8x32x8x128xf32, #tpu.memory_space<hbm>> -> memref<1x1x1x8x128xf32, #tpu.memory_space<hbm>>
      %dma_start3A_812 = tpu.memref_squeeze %dma_start3A_811 : memref<1x1x1x8x128xf32, #tpu.memory_space<hbm>> -> memref<8x128xf32, #tpu.memory_space<hbm>>
      %dma_start3A_813 = arith.constant 16 : i32
      %dma_start3A_814 = arith.constant 0 : i32
      %dma_start3A_815 = tpu.memref_slice %arg8[%dma_start3A_799, %dma_start3A_813, %dma_start3A_814] : memref<2x64x129xf32, #tpu.memory_space<vmem>> -> memref<1x8x128xf32, #tpu.memory_space<vmem>>
      %dma_start3A_816 = tpu.memref_squeeze %dma_start3A_815 : memref<1x8x128xf32, #tpu.memory_space<vmem>> -> memref<8x128xf32, #tpu.memory_space<vmem>>
      tpu.enqueue_dma source(%dma_start3A_816 : memref<8x128xf32, #tpu.memory_space<vmem>>) target(%dma_start3A_812 : memref<8x128xf32, #tpu.memory_space<hbm>>) target_semaphore(%arg10 : memref<!tpu.dma_semaphore, #tpu.memory_space<semaphore_mem>>)
      %dma_start3A_817 = arith.constant 0 : i32
      %dma_start3A_818 = arith.constant 3 : i32
      %dma_start3A_819 = arith.constant 24 : i32
      %dma_start3A_820 = arith.constant 0 : i32
      %dma_start3A_821 = tpu.memref_slice %arg8[%dma_start3A_817, %dma_start3A_819, %dma_start3A_820] : memref<2x64x129xf32, #tpu.memory_space<vmem>> -> memref<1x8x128xf32, #tpu.memory_space<vmem>>
      %dma_start3A_822 = tpu.memref_squeeze %dma_start3A_821 : memref<1x8x128xf32, #tpu.memory_space<vmem>> -> memref<8x128xf32, #tpu.memory_space<vmem>>
      %dma_start3A_823 = arith.constant 0 : i32
      %dma_start3A_824 = arith.constant 0 : i32
      %dma_start3A_825 = tpu.memref_slice %arg4[%add3A_731, %dma_start3A_818, %add3A, %dma_start3A_823, %dma_start3A_824] : memref<200x8x32x8x128xf32, #tpu.memory_space<hbm>> -> memref<1x1x1x8x128xf32, #tpu.memory_space<hbm>>
      %dma_start3A_826 = tpu.memref_squeeze %dma_start3A_825 : memref<1x1x1x8x128xf32, #tpu.memory_space<hbm>> -> memref<8x128xf32, #tpu.memory_space<hbm>>
      %dma_start3A_827 = arith.constant 0 : i32
      %dma_start3A_828 = arith.constant 0 : i32
      %dma_start3A_829 = tpu.memref_slice %arg4[%add3A_731, %dma_start3A_818, %add3A, %dma_start3A_827, %dma_start3A_828] : memref<200x8x32x8x128xf32, #tpu.memory_space<hbm>> -> memref<1x1x1x8x128xf32, #tpu.memory_space<hbm>>
      %dma_start3A_830 = tpu.memref_squeeze %dma_start3A_829 : memref<1x1x1x8x128xf32, #tpu.memory_space<hbm>> -> memref<8x128xf32, #tpu.memory_space<hbm>>
      %dma_start3A_831 = arith.constant 24 : i32
      %dma_start3A_832 = arith.constant 0 : i32
      %dma_start3A_833 = tpu.memref_slice %arg8[%dma_start3A_817, %dma_start3A_831, %dma_start3A_832] : memref<2x64x129xf32, #tpu.memory_space<vmem>> -> memref<1x8x128xf32, #tpu.memory_space<vmem>>
      %dma_start3A_834 = tpu.memref_squeeze %dma_start3A_833 : memref<1x8x128xf32, #tpu.memory_space<vmem>> -> memref<8x128xf32, #tpu.memory_space<vmem>>
      tpu.enqueue_dma source(%dma_start3A_834 : memref<8x128xf32, #tpu.memory_space<vmem>>) target(%dma_start3A_830 : memref<8x128xf32, #tpu.memory_space<hbm>>) target_semaphore(%arg10 : memref<!tpu.dma_semaphore, #tpu.memory_space<semaphore_mem>>)
      %dma_start3A_835 = arith.constant 0 : i32
      %dma_start3A_836 = arith.constant 4 : i32
      %dma_start3A_837 = arith.constant 32 : i32
      %dma_start3A_838 = arith.constant 0 : i32
      %dma_start3A_839 = tpu.memref_slice %arg8[%dma_start3A_835, %dma_start3A_837, %dma_start3A_838] : memref<2x64x129xf32, #tpu.memory_space<vmem>> -> memref<1x8x128xf32, #tpu.memory_space<vmem>>
      %dma_start3A_840 = tpu.memref_squeeze %dma_start3A_839 : memref<1x8x128xf32, #tpu.memory_space<vmem>> -> memref<8x128xf32, #tpu.memory_space<vmem>>
      %dma_start3A_841 = arith.constant 0 : i32
      %dma_start3A_842 = arith.constant 0 : i32
      %dma_start3A_843 = tpu.memref_slice %arg4[%add3A_731, %dma_start3A_836, %add3A, %dma_start3A_841, %dma_start3A_842] : memref<200x8x32x8x128xf32, #tpu.memory_space<hbm>> -> memref<1x1x1x8x128xf32, #tpu.memory_space<hbm>>
      %dma_start3A_844 = tpu.memref_squeeze %dma_start3A_843 : memref<1x1x1x8x128xf32, #tpu.memory_space<hbm>> -> memref<8x128xf32, #tpu.memory_space<hbm>>
      %dma_start3A_845 = arith.constant 0 : i32
      %dma_start3A_846 = arith.constant 0 : i32
      %dma_start3A_847 = tpu.memref_slice %arg4[%add3A_731, %dma_start3A_836, %add3A, %dma_start3A_845, %dma_start3A_846] : memref<200x8x32x8x128xf32, #tpu.memory_space<hbm>> -> memref<1x1x1x8x128xf32, #tpu.memory_space<hbm>>
      %dma_start3A_848 = tpu.memref_squeeze %dma_start3A_847 : memref<1x1x1x8x128xf32, #tpu.memory_space<hbm>> -> memref<8x128xf32, #tpu.memory_space<hbm>>
      %dma_start3A_849 = arith.constant 32 : i32
      %dma_start3A_850 = arith.constant 0 : i32
      %dma_start3A_851 = tpu.memref_slice %arg8[%dma_start3A_835, %dma_start3A_849, %dma_start3A_850] : memref<2x64x129xf32, #tpu.memory_space<vmem>> -> memref<1x8x128xf32, #tpu.memory_space<vmem>>
      %dma_start3A_852 = tpu.memref_squeeze %dma_start3A_851 : memref<1x8x128xf32, #tpu.memory_space<vmem>> -> memref<8x128xf32, #tpu.memory_space<vmem>>
      tpu.enqueue_dma source(%dma_start3A_852 : memref<8x128xf32, #tpu.memory_space<vmem>>) target(%dma_start3A_848 : memref<8x128xf32, #tpu.memory_space<hbm>>) target_semaphore(%arg10 : memref<!tpu.dma_semaphore, #tpu.memory_space<semaphore_mem>>)
      %dma_start3A_853 = arith.constant 0 : i32
      %dma_start3A_854 = arith.constant 5 : i32
      %dma_start3A_855 = arith.constant 40 : i32
      %dma_start3A_856 = arith.constant 0 : i32
      %dma_start3A_857 = tpu.memref_slice %arg8[%dma_start3A_853, %dma_start3A_855, %dma_start3A_856] : memref<2x64x129xf32, #tpu.memory_space<vmem>> -> memref<1x8x128xf32, #tpu.memory_space<vmem>>
      %dma_start3A_858 = tpu.memref_squeeze %dma_start3A_857 : memref<1x8x128xf32, #tpu.memory_space<vmem>> -> memref<8x128xf32, #tpu.memory_space<vmem>>
      %dma_start3A_859 = arith.constant 0 : i32
      %dma_start3A_860 = arith.constant 0 : i32
      %dma_start3A_861 = tpu.memref_slice %arg4[%add3A_731, %dma_start3A_854, %add3A, %dma_start3A_859, %dma_start3A_860] : memref<200x8x32x8x128xf32, #tpu.memory_space<hbm>> -> memref<1x1x1x8x128xf32, #tpu.memory_space<hbm>>
      %dma_start3A_862 = tpu.memref_squeeze %dma_start3A_861 : memref<1x1x1x8x128xf32, #tpu.memory_space<hbm>> -> memref<8x128xf32, #tpu.memory_space<hbm>>
      %dma_start3A_863 = arith.constant 0 : i32
      %dma_start3A_864 = arith.constant 0 : i32
      %dma_start3A_865 = tpu.memref_slice %arg4[%add3A_731, %dma_start3A_854, %add3A, %dma_start3A_863, %dma_start3A_864] : memref<200x8x32x8x128xf32, #tpu.memory_space<hbm>> -> memref<1x1x1x8x128xf32, #tpu.memory_space<hbm>>
      %dma_start3A_866 = tpu.memref_squeeze %dma_start3A_865 : memref<1x1x1x8x128xf32, #tpu.memory_space<hbm>> -> memref<8x128xf32, #tpu.memory_space<hbm>>
      %dma_start3A_867 = arith.constant 40 : i32
      %dma_start3A_868 = arith.constant 0 : i32
      %dma_start3A_869 = tpu.memref_slice %arg8[%dma_start3A_853, %dma_start3A_867, %dma_start3A_868] : memref<2x64x129xf32, #tpu.memory_space<vmem>> -> memref<1x8x128xf32, #tpu.memory_space<vmem>>
      %dma_start3A_870 = tpu.memref_squeeze %dma_start3A_869 : memref<1x8x128xf32, #tpu.memory_space<vmem>> -> memref<8x128xf32, #tpu.memory_space<vmem>>
      tpu.enqueue_dma source(%dma_start3A_870 : memref<8x128xf32, #tpu.memory_space<vmem>>) target(%dma_start3A_866 : memref<8x128xf32, #tpu.memory_space<hbm>>) target_semaphore(%arg10 : memref<!tpu.dma_semaphore, #tpu.memory_space<semaphore_mem>>)
      %dma_start3A_871 = arith.constant 0 : i32
      %dma_start3A_872 = arith.constant 6 : i32
      %dma_start3A_873 = arith.constant 48 : i32
      %dma_start3A_874 = arith.constant 0 : i32
      %dma_start3A_875 = tpu.memref_slice %arg8[%dma_start3A_871, %dma_start3A_873, %dma_start3A_874] : memref<2x64x129xf32, #tpu.memory_space<vmem>> -> memref<1x8x128xf32, #tpu.memory_space<vmem>>
      %dma_start3A_876 = tpu.memref_squeeze %dma_start3A_875 : memref<1x8x128xf32, #tpu.memory_space<vmem>> -> memref<8x128xf32, #tpu.memory_space<vmem>>
      %dma_start3A_877 = arith.constant 0 : i32
      %dma_start3A_878 = arith.constant 0 : i32
      %dma_start3A_879 = tpu.memref_slice %arg4[%add3A_731, %dma_start3A_872, %add3A, %dma_start3A_877, %dma_start3A_878] : memref<200x8x32x8x128xf32, #tpu.memory_space<hbm>> -> memref<1x1x1x8x128xf32, #tpu.memory_space<hbm>>
      %dma_start3A_880 = tpu.memref_squeeze %dma_start3A_879 : memref<1x1x1x8x128xf32, #tpu.memory_space<hbm>> -> memref<8x128xf32, #tpu.memory_space<hbm>>
      %dma_start3A_881 = arith.constant 0 : i32
      %dma_start3A_882 = arith.constant 0 : i32
      %dma_start3A_883 = tpu.memref_slice %arg4[%add3A_731, %dma_start3A_872, %add3A, %dma_start3A_881, %dma_start3A_882] : memref<200x8x32x8x128xf32, #tpu.memory_space<hbm>> -> memref<1x1x1x8x128xf32, #tpu.memory_space<hbm>>
      %dma_start3A_884 = tpu.memref_squeeze %dma_start3A_883 : memref<1x1x1x8x128xf32, #tpu.memory_space<hbm>> -> memref<8x128xf32, #tpu.memory_space<hbm>>
      %dma_start3A_885 = arith.constant 48 : i32
      %dma_start3A_886 = arith.constant 0 : i32
      %dma_start3A_887 = tpu.memref_slice %arg8[%dma_start3A_871, %dma_start3A_885, %dma_start3A_886] : memref<2x64x129xf32, #tpu.memory_space<vmem>> -> memref<1x8x128xf32, #tpu.memory_space<vmem>>
      %dma_start3A_888 = tpu.memref_squeeze %dma_start3A_887 : memref<1x8x128xf32, #tpu.memory_space<vmem>> -> memref<8x128xf32, #tpu.memory_space<vmem>>
      tpu.enqueue_dma source(%dma_start3A_888 : memref<8x128xf32, #tpu.memory_space<vmem>>) target(%dma_start3A_884 : memref<8x128xf32, #tpu.memory_space<hbm>>) target_semaphore(%arg10 : memref<!tpu.dma_semaphore, #tpu.memory_space<semaphore_mem>>)
      %dma_start3A_889 = arith.constant 0 : i32
      %dma_start3A_890 = arith.constant 7 : i32
      %dma_start3A_891 = arith.constant 56 : i32
      %dma_start3A_892 = arith.constant 0 : i32
      %dma_start3A_893 = tpu.memref_slice %arg8[%dma_start3A_889, %dma_start3A_891, %dma_start3A_892] : memref<2x64x129xf32, #tpu.memory_space<vmem>> -> memref<1x8x128xf32, #tpu.memory_space<vmem>>
      %dma_start3A_894 = tpu.memref_squeeze %dma_start3A_893 : memref<1x8x128xf32, #tpu.memory_space<vmem>> -> memref<8x128xf32, #tpu.memory_space<vmem>>
      %dma_start3A_895 = arith.constant 0 : i32
      %dma_start3A_896 = arith.constant 0 : i32
      %dma_start3A_897 = tpu.memref_slice %arg4[%add3A_731, %dma_start3A_890, %add3A, %dma_start3A_895, %dma_start3A_896] : memref<200x8x32x8x128xf32, #tpu.memory_space<hbm>> -> memref<1x1x1x8x128xf32, #tpu.memory_space<hbm>>
      %dma_start3A_898 = tpu.memref_squeeze %dma_start3A_897 : memref<1x1x1x8x128xf32, #tpu.memory_space<hbm>> -> memref<8x128xf32, #tpu.memory_space<hbm>>
      %dma_start3A_899 = arith.constant 0 : i32
      %dma_start3A_900 = arith.constant 0 : i32
      %dma_start3A_901 = tpu.memref_slice %arg4[%add3A_731, %dma_start3A_890, %add3A, %dma_start3A_899, %dma_start3A_900] : memref<200x8x32x8x128xf32, #tpu.memory_space<hbm>> -> memref<1x1x1x8x128xf32, #tpu.memory_space<hbm>>
      %dma_start3A_902 = tpu.memref_squeeze %dma_start3A_901 : memref<1x1x1x8x128xf32, #tpu.memory_space<hbm>> -> memref<8x128xf32, #tpu.memory_space<hbm>>
      %dma_start3A_903 = arith.constant 56 : i32
      %dma_start3A_904 = arith.constant 0 : i32
      %dma_start3A_905 = tpu.memref_slice %arg8[%dma_start3A_889, %dma_start3A_903, %dma_start3A_904] : memref<2x64x129xf32, #tpu.memory_space<vmem>> -> memref<1x8x128xf32, #tpu.memory_space<vmem>>
      %dma_start3A_906 = tpu.memref_squeeze %dma_start3A_905 : memref<1x8x128xf32, #tpu.memory_space<vmem>> -> memref<8x128xf32, #tpu.memory_space<vmem>>
      tpu.enqueue_dma source(%dma_start3A_906 : memref<8x128xf32, #tpu.memory_space<vmem>>) target(%dma_start3A_902 : memref<8x128xf32, #tpu.memory_space<hbm>>) target_semaphore(%arg10 : memref<!tpu.dma_semaphore, #tpu.memory_space<semaphore_mem>>)
      %add3A_907 = arith.constant 3 : i32
      %add3A_908 = arith.addi %add3A_380, %add3A_907 : i32
      %ge3A_909 = arith.constant 2 : i32
      %ge3A_910 = arith.cmpi sge, %add3A_908, %ge3A_909 : i32
      %convert_element_type3A_911 = arith.extui %ge3A_910 : i1 to i32
      %cond3A_912 = arith.constant 0 : i32
      %cond3A_913 = arith.cmpi ne, %convert_element_type3A_911, %cond3A_912 : i32
      scf.if %cond3A_913 {
        %sub3A_1084 = arith.constant 2 : i32
        %sub3A_1085 = arith.subi %add3A_908, %sub3A_1084 : i32
        %dma_wait3A_1086 = arith.constant 1 : i32
        %dma_wait3A_1087 = arith.constant 0 : i32
        %dma_wait3A_1088 = arith.constant 0 : i32
        %dma_wait3A_1089 = arith.constant 0 : i32
        %dma_wait3A_1090 = tpu.memref_slice %arg8[%dma_wait3A_1086, %dma_wait3A_1088, %dma_wait3A_1089] : memref<2x64x129xf32, #tpu.memory_space<vmem>> -> memref<1x8x128xf32, #tpu.memory_space<vmem>>
        %dma_wait3A_1091 = tpu.memref_squeeze %dma_wait3A_1090 : memref<1x8x128xf32, #tpu.memory_space<vmem>> -> memref<8x128xf32, #tpu.memory_space<vmem>>
        %dma_wait3A_1092 = arith.constant 0 : i32
        %dma_wait3A_1093 = arith.constant 0 : i32
        %dma_wait3A_1094 = tpu.memref_slice %arg4[%sub3A_1085, %dma_wait3A_1087, %add3A, %dma_wait3A_1092, %dma_wait3A_1093] : memref<200x8x32x8x128xf32, #tpu.memory_space<hbm>> -> memref<1x1x1x8x128xf32, #tpu.memory_space<hbm>>
        %dma_wait3A_1095 = tpu.memref_squeeze %dma_wait3A_1094 : memref<1x1x1x8x128xf32, #tpu.memory_space<hbm>> -> memref<8x128xf32, #tpu.memory_space<hbm>>
        %dma_wait3A_1096 = arith.constant 0 : i32
        %dma_wait3A_1097 = arith.constant 0 : i32
        %dma_wait3A_1098 = tpu.memref_slice %arg4[%sub3A_1085, %dma_wait3A_1087, %add3A, %dma_wait3A_1096, %dma_wait3A_1097] : memref<200x8x32x8x128xf32, #tpu.memory_space<hbm>> -> memref<1x1x1x8x128xf32, #tpu.memory_space<hbm>>
        %dma_wait3A_1099 = tpu.memref_squeeze %dma_wait3A_1098 : memref<1x1x1x8x128xf32, #tpu.memory_space<hbm>> -> memref<8x128xf32, #tpu.memory_space<hbm>>
        %dma_wait3A_1100 = arith.constant 0 : i32
        %dma_wait3A_1101 = arith.constant 0 : i32
        %dma_wait3A_1102 = tpu.memref_slice %arg8[%dma_wait3A_1086, %dma_wait3A_1100, %dma_wait3A_1101] : memref<2x64x129xf32, #tpu.memory_space<vmem>> -> memref<1x8x128xf32, #tpu.memory_space<vmem>>
        %dma_wait3A_1103 = tpu.memref_squeeze %dma_wait3A_1102 : memref<1x8x128xf32, #tpu.memory_space<vmem>> -> memref<8x128xf32, #tpu.memory_space<vmem>>
        tpu.wait_dma2 semaphore(%arg10 : memref<!tpu.dma_semaphore, #tpu.memory_space<semaphore_mem>>) src(%dma_wait3A_1103 : memref<8x128xf32, #tpu.memory_space<vmem>>) dst(%dma_wait3A_1099 : memref<8x128xf32, #tpu.memory_space<hbm>>)
        %dma_wait3A_1104 = arith.constant 1 : i32
        %dma_wait3A_1105 = arith.constant 1 : i32
        %dma_wait3A_1106 = arith.constant 8 : i32
        %dma_wait3A_1107 = arith.constant 0 : i32
        %dma_wait3A_1108 = tpu.memref_slice %arg8[%dma_wait3A_1104, %dma_wait3A_1106, %dma_wait3A_1107] : memref<2x64x129xf32, #tpu.memory_space<vmem>> -> memref<1x8x128xf32, #tpu.memory_space<vmem>>
        %dma_wait3A_1109 = tpu.memref_squeeze %dma_wait3A_1108 : memref<1x8x128xf32, #tpu.memory_space<vmem>> -> memref<8x128xf32, #tpu.memory_space<vmem>>
        %dma_wait3A_1110 = arith.constant 0 : i32
        %dma_wait3A_1111 = arith.constant 0 : i32
        %dma_wait3A_1112 = tpu.memref_slice %arg4[%sub3A_1085, %dma_wait3A_1105, %add3A, %dma_wait3A_1110, %dma_wait3A_1111] : memref<200x8x32x8x128xf32, #tpu.memory_space<hbm>> -> memref<1x1x1x8x128xf32, #tpu.memory_space<hbm>>
        %dma_wait3A_1113 = tpu.memref_squeeze %dma_wait3A_1112 : memref<1x1x1x8x128xf32, #tpu.memory_space<hbm>> -> memref<8x128xf32, #tpu.memory_space<hbm>>
        %dma_wait3A_1114 = arith.constant 0 : i32
        %dma_wait3A_1115 = arith.constant 0 : i32
        %dma_wait3A_1116 = tpu.memref_slice %arg4[%sub3A_1085, %dma_wait3A_1105, %add3A, %dma_wait3A_1114, %dma_wait3A_1115] : memref<200x8x32x8x128xf32, #tpu.memory_space<hbm>> -> memref<1x1x1x8x128xf32, #tpu.memory_space<hbm>>
        %dma_wait3A_1117 = tpu.memref_squeeze %dma_wait3A_1116 : memref<1x1x1x8x128xf32, #tpu.memory_space<hbm>> -> memref<8x128xf32, #tpu.memory_space<hbm>>
        %dma_wait3A_1118 = arith.constant 8 : i32
        %dma_wait3A_1119 = arith.constant 0 : i32
        %dma_wait3A_1120 = tpu.memref_slice %arg8[%dma_wait3A_1104, %dma_wait3A_1118, %dma_wait3A_1119] : memref<2x64x129xf32, #tpu.memory_space<vmem>> -> memref<1x8x128xf32, #tpu.memory_space<vmem>>
        %dma_wait3A_1121 = tpu.memref_squeeze %dma_wait3A_1120 : memref<1x8x128xf32, #tpu.memory_space<vmem>> -> memref<8x128xf32, #tpu.memory_space<vmem>>
        tpu.wait_dma2 semaphore(%arg10 : memref<!tpu.dma_semaphore, #tpu.memory_space<semaphore_mem>>) src(%dma_wait3A_1121 : memref<8x128xf32, #tpu.memory_space<vmem>>) dst(%dma_wait3A_1117 : memref<8x128xf32, #tpu.memory_space<hbm>>)
        %dma_wait3A_1122 = arith.constant 1 : i32
        %dma_wait3A_1123 = arith.constant 2 : i32
        %dma_wait3A_1124 = arith.constant 16 : i32
        %dma_wait3A_1125 = arith.constant 0 : i32
        %dma_wait3A_1126 = tpu.memref_slice %arg8[%dma_wait3A_1122, %dma_wait3A_1124, %dma_wait3A_1125] : memref<2x64x129xf32, #tpu.memory_space<vmem>> -> memref<1x8x128xf32, #tpu.memory_space<vmem>>
        %dma_wait3A_1127 = tpu.memref_squeeze %dma_wait3A_1126 : memref<1x8x128xf32, #tpu.memory_space<vmem>> -> memref<8x128xf32, #tpu.memory_space<vmem>>
        %dma_wait3A_1128 = arith.constant 0 : i32
        %dma_wait3A_1129 = arith.constant 0 : i32
        %dma_wait3A_1130 = tpu.memref_slice %arg4[%sub3A_1085, %dma_wait3A_1123, %add3A, %dma_wait3A_1128, %dma_wait3A_1129] : memref<200x8x32x8x128xf32, #tpu.memory_space<hbm>> -> memref<1x1x1x8x128xf32, #tpu.memory_space<hbm>>
        %dma_wait3A_1131 = tpu.memref_squeeze %dma_wait3A_1130 : memref<1x1x1x8x128xf32, #tpu.memory_space<hbm>> -> memref<8x128xf32, #tpu.memory_space<hbm>>
        %dma_wait3A_1132 = arith.constant 0 : i32
        %dma_wait3A_1133 = arith.constant 0 : i32
        %dma_wait3A_1134 = tpu.memref_slice %arg4[%sub3A_1085, %dma_wait3A_1123, %add3A, %dma_wait3A_1132, %dma_wait3A_1133] : memref<200x8x32x8x128xf32, #tpu.memory_space<hbm>> -> memref<1x1x1x8x128xf32, #tpu.memory_space<hbm>>
        %dma_wait3A_1135 = tpu.memref_squeeze %dma_wait3A_1134 : memref<1x1x1x8x128xf32, #tpu.memory_space<hbm>> -> memref<8x128xf32, #tpu.memory_space<hbm>>
        %dma_wait3A_1136 = arith.constant 16 : i32
        %dma_wait3A_1137 = arith.constant 0 : i32
        %dma_wait3A_1138 = tpu.memref_slice %arg8[%dma_wait3A_1122, %dma_wait3A_1136, %dma_wait3A_1137] : memref<2x64x129xf32, #tpu.memory_space<vmem>> -> memref<1x8x128xf32, #tpu.memory_space<vmem>>
        %dma_wait3A_1139 = tpu.memref_squeeze %dma_wait3A_1138 : memref<1x8x128xf32, #tpu.memory_space<vmem>> -> memref<8x128xf32, #tpu.memory_space<vmem>>
        tpu.wait_dma2 semaphore(%arg10 : memref<!tpu.dma_semaphore, #tpu.memory_space<semaphore_mem>>) src(%dma_wait3A_1139 : memref<8x128xf32, #tpu.memory_space<vmem>>) dst(%dma_wait3A_1135 : memref<8x128xf32, #tpu.memory_space<hbm>>)
        %dma_wait3A_1140 = arith.constant 1 : i32
        %dma_wait3A_1141 = arith.constant 3 : i32
        %dma_wait3A_1142 = arith.constant 24 : i32
        %dma_wait3A_1143 = arith.constant 0 : i32
        %dma_wait3A_1144 = tpu.memref_slice %arg8[%dma_wait3A_1140, %dma_wait3A_1142, %dma_wait3A_1143] : memref<2x64x129xf32, #tpu.memory_space<vmem>> -> memref<1x8x128xf32, #tpu.memory_space<vmem>>
        %dma_wait3A_1145 = tpu.memref_squeeze %dma_wait3A_1144 : memref<1x8x128xf32, #tpu.memory_space<vmem>> -> memref<8x128xf32, #tpu.memory_space<vmem>>
        %dma_wait3A_1146 = arith.constant 0 : i32
        %dma_wait3A_1147 = arith.constant 0 : i32
        %dma_wait3A_1148 = tpu.memref_slice %arg4[%sub3A_1085, %dma_wait3A_1141, %add3A, %dma_wait3A_1146, %dma_wait3A_1147] : memref<200x8x32x8x128xf32, #tpu.memory_space<hbm>> -> memref<1x1x1x8x128xf32, #tpu.memory_space<hbm>>
        %dma_wait3A_1149 = tpu.memref_squeeze %dma_wait3A_1148 : memref<1x1x1x8x128xf32, #tpu.memory_space<hbm>> -> memref<8x128xf32, #tpu.memory_space<hbm>>
        %dma_wait3A_1150 = arith.constant 0 : i32
        %dma_wait3A_1151 = arith.constant 0 : i32
        %dma_wait3A_1152 = tpu.memref_slice %arg4[%sub3A_1085, %dma_wait3A_1141, %add3A, %dma_wait3A_1150, %dma_wait3A_1151] : memref<200x8x32x8x128xf32, #tpu.memory_space<hbm>> -> memref<1x1x1x8x128xf32, #tpu.memory_space<hbm>>
        %dma_wait3A_1153 = tpu.memref_squeeze %dma_wait3A_1152 : memref<1x1x1x8x128xf32, #tpu.memory_space<hbm>> -> memref<8x128xf32, #tpu.memory_space<hbm>>
        %dma_wait3A_1154 = arith.constant 24 : i32
        %dma_wait3A_1155 = arith.constant 0 : i32
        %dma_wait3A_1156 = tpu.memref_slice %arg8[%dma_wait3A_1140, %dma_wait3A_1154, %dma_wait3A_1155] : memref<2x64x129xf32, #tpu.memory_space<vmem>> -> memref<1x8x128xf32, #tpu.memory_space<vmem>>
        %dma_wait3A_1157 = tpu.memref_squeeze %dma_wait3A_1156 : memref<1x8x128xf32, #tpu.memory_space<vmem>> -> memref<8x128xf32, #tpu.memory_space<vmem>>
        tpu.wait_dma2 semaphore(%arg10 : memref<!tpu.dma_semaphore, #tpu.memory_space<semaphore_mem>>) src(%dma_wait3A_1157 : memref<8x128xf32, #tpu.memory_space<vmem>>) dst(%dma_wait3A_1153 : memref<8x128xf32, #tpu.memory_space<hbm>>)
        %dma_wait3A_1158 = arith.constant 1 : i32
        %dma_wait3A_1159 = arith.constant 4 : i32
        %dma_wait3A_1160 = arith.constant 32 : i32
        %dma_wait3A_1161 = arith.constant 0 : i32
        %dma_wait3A_1162 = tpu.memref_slice %arg8[%dma_wait3A_1158, %dma_wait3A_1160, %dma_wait3A_1161] : memref<2x64x129xf32, #tpu.memory_space<vmem>> -> memref<1x8x128xf32, #tpu.memory_space<vmem>>
        %dma_wait3A_1163 = tpu.memref_squeeze %dma_wait3A_1162 : memref<1x8x128xf32, #tpu.memory_space<vmem>> -> memref<8x128xf32, #tpu.memory_space<vmem>>
        %dma_wait3A_1164 = arith.constant 0 : i32
        %dma_wait3A_1165 = arith.constant 0 : i32
        %dma_wait3A_1166 = tpu.memref_slice %arg4[%sub3A_1085, %dma_wait3A_1159, %add3A, %dma_wait3A_1164, %dma_wait3A_1165] : memref<200x8x32x8x128xf32, #tpu.memory_space<hbm>> -> memref<1x1x1x8x128xf32, #tpu.memory_space<hbm>>
        %dma_wait3A_1167 = tpu.memref_squeeze %dma_wait3A_1166 : memref<1x1x1x8x128xf32, #tpu.memory_space<hbm>> -> memref<8x128xf32, #tpu.memory_space<hbm>>
        %dma_wait3A_1168 = arith.constant 0 : i32
        %dma_wait3A_1169 = arith.constant 0 : i32
        %dma_wait3A_1170 = tpu.memref_slice %arg4[%sub3A_1085, %dma_wait3A_1159, %add3A, %dma_wait3A_1168, %dma_wait3A_1169] : memref<200x8x32x8x128xf32, #tpu.memory_space<hbm>> -> memref<1x1x1x8x128xf32, #tpu.memory_space<hbm>>
        %dma_wait3A_1171 = tpu.memref_squeeze %dma_wait3A_1170 : memref<1x1x1x8x128xf32, #tpu.memory_space<hbm>> -> memref<8x128xf32, #tpu.memory_space<hbm>>
        %dma_wait3A_1172 = arith.constant 32 : i32
        %dma_wait3A_1173 = arith.constant 0 : i32
        %dma_wait3A_1174 = tpu.memref_slice %arg8[%dma_wait3A_1158, %dma_wait3A_1172, %dma_wait3A_1173] : memref<2x64x129xf32, #tpu.memory_space<vmem>> -> memref<1x8x128xf32, #tpu.memory_space<vmem>>
        %dma_wait3A_1175 = tpu.memref_squeeze %dma_wait3A_1174 : memref<1x8x128xf32, #tpu.memory_space<vmem>> -> memref<8x128xf32, #tpu.memory_space<vmem>>
        tpu.wait_dma2 semaphore(%arg10 : memref<!tpu.dma_semaphore, #tpu.memory_space<semaphore_mem>>) src(%dma_wait3A_1175 : memref<8x128xf32, #tpu.memory_space<vmem>>) dst(%dma_wait3A_1171 : memref<8x128xf32, #tpu.memory_space<hbm>>)
        %dma_wait3A_1176 = arith.constant 1 : i32
        %dma_wait3A_1177 = arith.constant 5 : i32
        %dma_wait3A_1178 = arith.constant 40 : i32
        %dma_wait3A_1179 = arith.constant 0 : i32
        %dma_wait3A_1180 = tpu.memref_slice %arg8[%dma_wait3A_1176, %dma_wait3A_1178, %dma_wait3A_1179] : memref<2x64x129xf32, #tpu.memory_space<vmem>> -> memref<1x8x128xf32, #tpu.memory_space<vmem>>
        %dma_wait3A_1181 = tpu.memref_squeeze %dma_wait3A_1180 : memref<1x8x128xf32, #tpu.memory_space<vmem>> -> memref<8x128xf32, #tpu.memory_space<vmem>>
        %dma_wait3A_1182 = arith.constant 0 : i32
        %dma_wait3A_1183 = arith.constant 0 : i32
        %dma_wait3A_1184 = tpu.memref_slice %arg4[%sub3A_1085, %dma_wait3A_1177, %add3A, %dma_wait3A_1182, %dma_wait3A_1183] : memref<200x8x32x8x128xf32, #tpu.memory_space<hbm>> -> memref<1x1x1x8x128xf32, #tpu.memory_space<hbm>>
        %dma_wait3A_1185 = tpu.memref_squeeze %dma_wait3A_1184 : memref<1x1x1x8x128xf32, #tpu.memory_space<hbm>> -> memref<8x128xf32, #tpu.memory_space<hbm>>
        %dma_wait3A_1186 = arith.constant 0 : i32
        %dma_wait3A_1187 = arith.constant 0 : i32
        %dma_wait3A_1188 = tpu.memref_slice %arg4[%sub3A_1085, %dma_wait3A_1177, %add3A, %dma_wait3A_1186, %dma_wait3A_1187] : memref<200x8x32x8x128xf32, #tpu.memory_space<hbm>> -> memref<1x1x1x8x128xf32, #tpu.memory_space<hbm>>
        %dma_wait3A_1189 = tpu.memref_squeeze %dma_wait3A_1188 : memref<1x1x1x8x128xf32, #tpu.memory_space<hbm>> -> memref<8x128xf32, #tpu.memory_space<hbm>>
        %dma_wait3A_1190 = arith.constant 40 : i32
        %dma_wait3A_1191 = arith.constant 0 : i32
        %dma_wait3A_1192 = tpu.memref_slice %arg8[%dma_wait3A_1176, %dma_wait3A_1190, %dma_wait3A_1191] : memref<2x64x129xf32, #tpu.memory_space<vmem>> -> memref<1x8x128xf32, #tpu.memory_space<vmem>>
        %dma_wait3A_1193 = tpu.memref_squeeze %dma_wait3A_1192 : memref<1x8x128xf32, #tpu.memory_space<vmem>> -> memref<8x128xf32, #tpu.memory_space<vmem>>
        tpu.wait_dma2 semaphore(%arg10 : memref<!tpu.dma_semaphore, #tpu.memory_space<semaphore_mem>>) src(%dma_wait3A_1193 : memref<8x128xf32, #tpu.memory_space<vmem>>) dst(%dma_wait3A_1189 : memref<8x128xf32, #tpu.memory_space<hbm>>)
        %dma_wait3A_1194 = arith.constant 1 : i32
        %dma_wait3A_1195 = arith.constant 6 : i32
        %dma_wait3A_1196 = arith.constant 48 : i32
        %dma_wait3A_1197 = arith.constant 0 : i32
        %dma_wait3A_1198 = tpu.memref_slice %arg8[%dma_wait3A_1194, %dma_wait3A_1196, %dma_wait3A_1197] : memref<2x64x129xf32, #tpu.memory_space<vmem>> -> memref<1x8x128xf32, #tpu.memory_space<vmem>>
        %dma_wait3A_1199 = tpu.memref_squeeze %dma_wait3A_1198 : memref<1x8x128xf32, #tpu.memory_space<vmem>> -> memref<8x128xf32, #tpu.memory_space<vmem>>
        %dma_wait3A_1200 = arith.constant 0 : i32
        %dma_wait3A_1201 = arith.constant 0 : i32
        %dma_wait3A_1202 = tpu.memref_slice %arg4[%sub3A_1085, %dma_wait3A_1195, %add3A, %dma_wait3A_1200, %dma_wait3A_1201] : memref<200x8x32x8x128xf32, #tpu.memory_space<hbm>> -> memref<1x1x1x8x128xf32, #tpu.memory_space<hbm>>
        %dma_wait3A_1203 = tpu.memref_squeeze %dma_wait3A_1202 : memref<1x1x1x8x128xf32, #tpu.memory_space<hbm>> -> memref<8x128xf32, #tpu.memory_space<hbm>>
        %dma_wait3A_1204 = arith.constant 0 : i32
        %dma_wait3A_1205 = arith.constant 0 : i32
        %dma_wait3A_1206 = tpu.memref_slice %arg4[%sub3A_1085, %dma_wait3A_1195, %add3A, %dma_wait3A_1204, %dma_wait3A_1205] : memref<200x8x32x8x128xf32, #tpu.memory_space<hbm>> -> memref<1x1x1x8x128xf32, #tpu.memory_space<hbm>>
        %dma_wait3A_1207 = tpu.memref_squeeze %dma_wait3A_1206 : memref<1x1x1x8x128xf32, #tpu.memory_space<hbm>> -> memref<8x128xf32, #tpu.memory_space<hbm>>
        %dma_wait3A_1208 = arith.constant 48 : i32
        %dma_wait3A_1209 = arith.constant 0 : i32
        %dma_wait3A_1210 = tpu.memref_slice %arg8[%dma_wait3A_1194, %dma_wait3A_1208, %dma_wait3A_1209] : memref<2x64x129xf32, #tpu.memory_space<vmem>> -> memref<1x8x128xf32, #tpu.memory_space<vmem>>
        %dma_wait3A_1211 = tpu.memref_squeeze %dma_wait3A_1210 : memref<1x8x128xf32, #tpu.memory_space<vmem>> -> memref<8x128xf32, #tpu.memory_space<vmem>>
        tpu.wait_dma2 semaphore(%arg10 : memref<!tpu.dma_semaphore, #tpu.memory_space<semaphore_mem>>) src(%dma_wait3A_1211 : memref<8x128xf32, #tpu.memory_space<vmem>>) dst(%dma_wait3A_1207 : memref<8x128xf32, #tpu.memory_space<hbm>>)
        %dma_wait3A_1212 = arith.constant 1 : i32
        %dma_wait3A_1213 = arith.constant 7 : i32
        %dma_wait3A_1214 = arith.constant 56 : i32
        %dma_wait3A_1215 = arith.constant 0 : i32
        %dma_wait3A_1216 = tpu.memref_slice %arg8[%dma_wait3A_1212, %dma_wait3A_1214, %dma_wait3A_1215] : memref<2x64x129xf32, #tpu.memory_space<vmem>> -> memref<1x8x128xf32, #tpu.memory_space<vmem>>
        %dma_wait3A_1217 = tpu.memref_squeeze %dma_wait3A_1216 : memref<1x8x128xf32, #tpu.memory_space<vmem>> -> memref<8x128xf32, #tpu.memory_space<vmem>>
        %dma_wait3A_1218 = arith.constant 0 : i32
        %dma_wait3A_1219 = arith.constant 0 : i32
        %dma_wait3A_1220 = tpu.memref_slice %arg4[%sub3A_1085, %dma_wait3A_1213, %add3A, %dma_wait3A_1218, %dma_wait3A_1219] : memref<200x8x32x8x128xf32, #tpu.memory_space<hbm>> -> memref<1x1x1x8x128xf32, #tpu.memory_space<hbm>>
        %dma_wait3A_1221 = tpu.memref_squeeze %dma_wait3A_1220 : memref<1x1x1x8x128xf32, #tpu.memory_space<hbm>> -> memref<8x128xf32, #tpu.memory_space<hbm>>
        %dma_wait3A_1222 = arith.constant 0 : i32
        %dma_wait3A_1223 = arith.constant 0 : i32
        %dma_wait3A_1224 = tpu.memref_slice %arg4[%sub3A_1085, %dma_wait3A_1213, %add3A, %dma_wait3A_1222, %dma_wait3A_1223] : memref<200x8x32x8x128xf32, #tpu.memory_space<hbm>> -> memref<1x1x1x8x128xf32, #tpu.memory_space<hbm>>
        %dma_wait3A_1225 = tpu.memref_squeeze %dma_wait3A_1224 : memref<1x1x1x8x128xf32, #tpu.memory_space<hbm>> -> memref<8x128xf32, #tpu.memory_space<hbm>>
        %dma_wait3A_1226 = arith.constant 56 : i32
        %dma_wait3A_1227 = arith.constant 0 : i32
        %dma_wait3A_1228 = tpu.memref_slice %arg8[%dma_wait3A_1212, %dma_wait3A_1226, %dma_wait3A_1227] : memref<2x64x129xf32, #tpu.memory_space<vmem>> -> memref<1x8x128xf32, #tpu.memory_space<vmem>>
        %dma_wait3A_1229 = tpu.memref_squeeze %dma_wait3A_1228 : memref<1x8x128xf32, #tpu.memory_space<vmem>> -> memref<8x128xf32, #tpu.memory_space<vmem>>
        tpu.wait_dma2 semaphore(%arg10 : memref<!tpu.dma_semaphore, #tpu.memory_space<semaphore_mem>>) src(%dma_wait3A_1229 : memref<8x128xf32, #tpu.memory_space<vmem>>) dst(%dma_wait3A_1225 : memref<8x128xf32, #tpu.memory_space<hbm>>)
      } else {
      }
      %add3A_914 = arith.constant 4 : i32
      %add3A_915 = arith.addi %add3A_908, %add3A_914 : i32
      %sub3A_916 = arith.constant 1 : i32
      %sub3A_917 = arith.subi %add3A_915, %sub3A_916 : i32
      %lt3A_918 = arith.constant 200 : i32
      %lt3A_919 = arith.cmpi slt, %sub3A_917, %lt3A_918 : i32
      %convert_element_type3A_920 = arith.extui %lt3A_919 : i1 to i32
      %cond3A_921 = arith.constant 0 : i32
      %cond3A_922 = arith.cmpi ne, %convert_element_type3A_920, %cond3A_921 : i32
      scf.if %cond3A_922 {
        %add3A_1084 = arith.constant 4 : i32
        %add3A_1085 = arith.addi %add3A_908, %add3A_1084 : i32
        %sub3A_1086 = arith.constant 1 : i32
        %sub3A_1087 = arith.subi %add3A_1085, %sub3A_1086 : i32
        %dma_start3A_1088 = arith.constant 2 : i32
        %dma_start3A_1089 = arith.constant 0 : i32
        %dma_start3A_1090 = arith.constant 0 : i32
        %dma_start3A_1091 = tpu.memref_slice %arg7[%dma_start3A_1088, %dma_start3A_1089, %dma_start3A_1090] : memref<4x128x64xf32, #tpu.memory_space<vmem>> -> memref<1x128x64xf32, #tpu.memory_space<vmem>>
        %dma_start3A_1092 = tpu.memref_squeeze %dma_start3A_1091 : memref<1x128x64xf32, #tpu.memory_space<vmem>> -> memref<128x64xf32, #tpu.memory_space<vmem>>
        %dma_start3A_1093 = arith.constant 0 : i32
        %dma_start3A_1094 = tpu.memref_slice %arg6[%sub3A_1087, %dma_start3A_1093] : memref<200x128xi32, #tpu.memory_space<vmem>> -> memref<1x128xi32, #tpu.memory_space<vmem>>
        %dma_start3A_1095 = tpu.memref_squeeze %dma_start3A_1094 : memref<1x128xi32, #tpu.memory_space<vmem>> -> memref<128xi32, #tpu.memory_space<vmem>>
        %dma_start3A_1096 = arith.constant 0 : i32
        %dma_start3A_1097 = arith.constant 0 : i32
        %dma_start3A_1098 = tpu.memref_slice %arg3[%dma_start3A_1096, %dma_start3A_1097] : memref<1000000x64xf32, #tpu.memory_space<hbm>> -> memref<1000000x64xf32, #tpu.memory_space<hbm>>
        tpu.enqueue_indirect_dma source(%dma_start3A_1098 : memref<1000000x64xf32, #tpu.memory_space<hbm>>) target(%dma_start3A_1092 : memref<128x64xf32, #tpu.memory_space<vmem>>) offsets(%dma_start3A_1095 : memref<128xi32, #tpu.memory_space<vmem>>) semaphore(%arg9 : memref<!tpu.dma_semaphore, #tpu.memory_space<semaphore_mem>>)
      } else {
      }
      %dma_wait3A_923 = arith.constant 0 : i32
      %dma_wait3A_924 = arith.constant 3 : i32
      %dma_wait3A_925 = arith.constant 0 : i32
      %dma_wait3A_926 = arith.constant 0 : i32
      %dma_wait3A_927 = tpu.memref_slice %arg7[%dma_wait3A_924, %dma_wait3A_925, %dma_wait3A_926] : memref<4x128x64xf32, #tpu.memory_space<vmem>> -> memref<1x128x64xf32, #tpu.memory_space<vmem>>
      %dma_wait3A_928 = tpu.memref_squeeze %dma_wait3A_927 : memref<1x128x64xf32, #tpu.memory_space<vmem>> -> memref<128x64xf32, #tpu.memory_space<vmem>>
      %dma_wait3A_929 = arith.constant 0 : i32
      %dma_wait3A_930 = tpu.memref_slice %arg6[%dma_wait3A_923, %dma_wait3A_929] : memref<200x128xi32, #tpu.memory_space<vmem>> -> memref<1x128xi32, #tpu.memory_space<vmem>>
      %dma_wait3A_931 = tpu.memref_squeeze %dma_wait3A_930 : memref<1x128xi32, #tpu.memory_space<vmem>> -> memref<128xi32, #tpu.memory_space<vmem>>
      %dma_wait3A_932 = arith.constant 0 : i32
      %dma_wait3A_933 = arith.constant 0 : i32
      %dma_wait3A_934 = tpu.memref_slice %arg3[%dma_wait3A_932, %dma_wait3A_933] : memref<1000000x64xf32, #tpu.memory_space<hbm>> -> memref<1000000x64xf32, #tpu.memory_space<hbm>>
      tpu.wait_indirect_dma semaphore(%arg9 : memref<!tpu.dma_semaphore, #tpu.memory_space<semaphore_mem>>) src(%dma_wait3A_934 : memref<1000000x64xf32, #tpu.memory_space<hbm>>) dst(%dma_wait3A_928 : memref<128x64xf32, #tpu.memory_space<vmem>>)
      %scan3A_935 = arith.constant 0 : i32
      %scan3A_936 = arith.constant 128 : i32
      %scan3A_937 = arith.addi %scan3A_935, %scan3A_936 : i32
      %scan3A_938 = arith.constant 2 : i32
      scf.for %scan3A_1084 = %scan3A_935 to %scan3A_937 step %scan3A_938  : i32 {
        %mul3A_1085 = arith.constant 1 : i32
        %mul3A_1086 = arith.muli %scan3A_1084, %mul3A_1085 : i32
        %add3A_1087 = arith.constant 0 : i32
        %add3A_1088 = arith.addi %add3A_1087, %mul3A_1086 : i32
        %broadcast_in_dim3A = vector.broadcast %add3A_1088 : i32 to vector<16xi32>
        %get3A = arith.constant 3 : i32
        %get3A_1089 = arith.index_cast %get3A : i32 to index
        %get3A_1090 = arith.index_cast %add3A_1088 : i32 to index
        %get3A_1091 = arith.constant 0 : index
        %get3A_1092 = tpu.vector_load %arg7[%get3A_1089, %get3A_1090, %get3A_1091] {strides = array<i32>} : memref<4x128x64xf32, #tpu.memory_space<vmem>>, vector<16xf32>,
        %mul3A_1093 = arith.constant 8.000000e+00 : f32
        %mul3A_1094 = vector.broadcast %mul3A_1093 : f32 to vector<16xf32>
        %mul3A_1095 = arith.mulf %get3A_1092, %mul3A_1094 : vector<16xf32>
        %scatter3A = arith.constant 1 : i32
        %scatter3A_1096 = arith.constant 0 : i32
        %scatter3A_1097 = arith.constant 0 : i32
        %scatter3A_1098 = tpu.memref_slice %arg8[%scatter3A, %scatter3A_1096, %scatter3A_1097] : memref<2x64x129xf32, #tpu.memory_space<vmem>> -> memref<1x64x129xf32, #tpu.memory_space<vmem>>
        %scatter3A_1099 = tpu.memref_squeeze %scatter3A_1098 : memref<1x64x129xf32, #tpu.memory_space<vmem>> -> memref<64x129xf32, #tpu.memory_space<vmem>>
        tpu.vector_store_idx %scatter3A_1099[%add3A_7, %broadcast_in_dim3A], %mul3A_1095 : memref<64x129xf32, #tpu.memory_space<vmem>>[vector<16xi32>, vector<16xi32>], vector<16xf32>,
        %get3A_1100 = arith.constant 3 : i32
        %get3A_1101 = arith.index_cast %get3A_1100 : i32 to index
        %get3A_1102 = arith.index_cast %add3A_1088 : i32 to index
        %get3A_1103 = arith.constant 16 : index
        %get3A_1104 = tpu.vector_load %arg7[%get3A_1101, %get3A_1102, %get3A_1103] {strides = array<i32>} : memref<4x128x64xf32, #tpu.memory_space<vmem>>, vector<16xf32>,
        %mul3A_1105 = arith.constant 8.000000e+00 : f32
        %mul3A_1106 = vector.broadcast %mul3A_1105 : f32 to vector<16xf32>
        %mul3A_1107 = arith.mulf %get3A_1104, %mul3A_1106 : vector<16xf32>
        %scatter3A_1108 = arith.constant 1 : i32
        %scatter3A_1109 = arith.constant 0 : i32
        %scatter3A_1110 = arith.constant 0 : i32
        %scatter3A_1111 = tpu.memref_slice %arg8[%scatter3A_1108, %scatter3A_1109, %scatter3A_1110] : memref<2x64x129xf32, #tpu.memory_space<vmem>> -> memref<1x64x129xf32, #tpu.memory_space<vmem>>
        %scatter3A_1112 = tpu.memref_squeeze %scatter3A_1111 : memref<1x64x129xf32, #tpu.memory_space<vmem>> -> memref<64x129xf32, #tpu.memory_space<vmem>>
        tpu.vector_store_idx %scatter3A_1112[%add3A_10, %broadcast_in_dim3A], %mul3A_1107 : memref<64x129xf32, #tpu.memory_space<vmem>>[vector<16xi32>, vector<16xi32>], vector<16xf32>,
        %get3A_1113 = arith.constant 3 : i32
        %get3A_1114 = arith.index_cast %get3A_1113 : i32 to index
        %get3A_1115 = arith.index_cast %add3A_1088 : i32 to index
        %get3A_1116 = arith.constant 32 : index
        %get3A_1117 = tpu.vector_load %arg7[%get3A_1114, %get3A_1115, %get3A_1116] {strides = array<i32>} : memref<4x128x64xf32, #tpu.memory_space<vmem>>, vector<16xf32>,
        %mul3A_1118 = arith.constant 8.000000e+00 : f32
        %mul3A_1119 = vector.broadcast %mul3A_1118 : f32 to vector<16xf32>
        %mul3A_1120 = arith.mulf %get3A_1117, %mul3A_1119 : vector<16xf32>
        %scatter3A_1121 = arith.constant 1 : i32
        %scatter3A_1122 = arith.constant 0 : i32
        %scatter3A_1123 = arith.constant 0 : i32
        %scatter3A_1124 = tpu.memref_slice %arg8[%scatter3A_1121, %scatter3A_1122, %scatter3A_1123] : memref<2x64x129xf32, #tpu.memory_space<vmem>> -> memref<1x64x129xf32, #tpu.memory_space<vmem>>
        %scatter3A_1125 = tpu.memref_squeeze %scatter3A_1124 : memref<1x64x129xf32, #tpu.memory_space<vmem>> -> memref<64x129xf32, #tpu.memory_space<vmem>>
        tpu.vector_store_idx %scatter3A_1125[%add3A_13, %broadcast_in_dim3A], %mul3A_1120 : memref<64x129xf32, #tpu.memory_space<vmem>>[vector<16xi32>, vector<16xi32>], vector<16xf32>,
        %get3A_1126 = arith.constant 3 : i32
        %get3A_1127 = arith.index_cast %get3A_1126 : i32 to index
        %get3A_1128 = arith.index_cast %add3A_1088 : i32 to index
        %get3A_1129 = arith.constant 48 : index
        %get3A_1130 = tpu.vector_load %arg7[%get3A_1127, %get3A_1128, %get3A_1129] {strides = array<i32>} : memref<4x128x64xf32, #tpu.memory_space<vmem>>, vector<16xf32>,
        %mul3A_1131 = arith.constant 8.000000e+00 : f32
        %mul3A_1132 = vector.broadcast %mul3A_1131 : f32 to vector<16xf32>
        %mul3A_1133 = arith.mulf %get3A_1130, %mul3A_1132 : vector<16xf32>
        %scatter3A_1134 = arith.constant 1 : i32
        %scatter3A_1135 = arith.constant 0 : i32
        %scatter3A_1136 = arith.constant 0 : i32
        %scatter3A_1137 = tpu.memref_slice %arg8[%scatter3A_1134, %scatter3A_1135, %scatter3A_1136] : memref<2x64x129xf32, #tpu.memory_space<vmem>> -> memref<1x64x129xf32, #tpu.memory_space<vmem>>
        %scatter3A_1138 = tpu.memref_squeeze %scatter3A_1137 : memref<1x64x129xf32, #tpu.memory_space<vmem>> -> memref<64x129xf32, #tpu.memory_space<vmem>>
        tpu.vector_store_idx %scatter3A_1138[%add3A_16, %broadcast_in_dim3A], %mul3A_1133 : memref<64x129xf32, #tpu.memory_space<vmem>>[vector<16xi32>, vector<16xi32>], vector<16xf32>,
        %scan3A_1139 = arith.constant 1 : i32
        %scan3A_1140 = arith.addi %scan3A_1084, %scan3A_1139 : i32
        %mul3A_1141 = arith.constant 1 : i32
        %mul3A_1142 = arith.muli %scan3A_1140, %mul3A_1141 : i32
        %add3A_1143 = arith.constant 0 : i32
        %add3A_1144 = arith.addi %add3A_1143, %mul3A_1142 : i32
        %broadcast_in_dim3A_1145 = vector.broadcast %add3A_1144 : i32 to vector<16xi32>
        %get3A_1146 = arith.constant 3 : i32
        %get3A_1147 = arith.index_cast %get3A_1146 : i32 to index
        %get3A_1148 = arith.index_cast %add3A_1144 : i32 to index
        %get3A_1149 = arith.constant 0 : index
        %get3A_1150 = tpu.vector_load %arg7[%get3A_1147, %get3A_1148, %get3A_1149] {strides = array<i32>} : memref<4x128x64xf32, #tpu.memory_space<vmem>>, vector<16xf32>,
        %mul3A_1151 = arith.constant 8.000000e+00 : f32
        %mul3A_1152 = vector.broadcast %mul3A_1151 : f32 to vector<16xf32>
        %mul3A_1153 = arith.mulf %get3A_1150, %mul3A_1152 : vector<16xf32>
        %scatter3A_1154 = arith.constant 1 : i32
        %scatter3A_1155 = arith.constant 0 : i32
        %scatter3A_1156 = arith.constant 0 : i32
        %scatter3A_1157 = tpu.memref_slice %arg8[%scatter3A_1154, %scatter3A_1155, %scatter3A_1156] : memref<2x64x129xf32, #tpu.memory_space<vmem>> -> memref<1x64x129xf32, #tpu.memory_space<vmem>>
        %scatter3A_1158 = tpu.memref_squeeze %scatter3A_1157 : memref<1x64x129xf32, #tpu.memory_space<vmem>> -> memref<64x129xf32, #tpu.memory_space<vmem>>
        tpu.vector_store_idx %scatter3A_1158[%add3A_7, %broadcast_in_dim3A_1145], %mul3A_1153 : memref<64x129xf32, #tpu.memory_space<vmem>>[vector<16xi32>, vector<16xi32>], vector<16xf32>,
        %get3A_1159 = arith.constant 3 : i32
        %get3A_1160 = arith.index_cast %get3A_1159 : i32 to index
        %get3A_1161 = arith.index_cast %add3A_1144 : i32 to index
        %get3A_1162 = arith.constant 16 : index
        %get3A_1163 = tpu.vector_load %arg7[%get3A_1160, %get3A_1161, %get3A_1162] {strides = array<i32>} : memref<4x128x64xf32, #tpu.memory_space<vmem>>, vector<16xf32>,
        %mul3A_1164 = arith.constant 8.000000e+00 : f32
        %mul3A_1165 = vector.broadcast %mul3A_1164 : f32 to vector<16xf32>
        %mul3A_1166 = arith.mulf %get3A_1163, %mul3A_1165 : vector<16xf32>
        %scatter3A_1167 = arith.constant 1 : i32
        %scatter3A_1168 = arith.constant 0 : i32
        %scatter3A_1169 = arith.constant 0 : i32
        %scatter3A_1170 = tpu.memref_slice %arg8[%scatter3A_1167, %scatter3A_1168, %scatter3A_1169] : memref<2x64x129xf32, #tpu.memory_space<vmem>> -> memref<1x64x129xf32, #tpu.memory_space<vmem>>
        %scatter3A_1171 = tpu.memref_squeeze %scatter3A_1170 : memref<1x64x129xf32, #tpu.memory_space<vmem>> -> memref<64x129xf32, #tpu.memory_space<vmem>>
        tpu.vector_store_idx %scatter3A_1171[%add3A_10, %broadcast_in_dim3A_1145], %mul3A_1166 : memref<64x129xf32, #tpu.memory_space<vmem>>[vector<16xi32>, vector<16xi32>], vector<16xf32>,
        %get3A_1172 = arith.constant 3 : i32
        %get3A_1173 = arith.index_cast %get3A_1172 : i32 to index
        %get3A_1174 = arith.index_cast %add3A_1144 : i32 to index
        %get3A_1175 = arith.constant 32 : index
        %get3A_1176 = tpu.vector_load %arg7[%get3A_1173, %get3A_1174, %get3A_1175] {strides = array<i32>} : memref<4x128x64xf32, #tpu.memory_space<vmem>>, vector<16xf32>,
        %mul3A_1177 = arith.constant 8.000000e+00 : f32
        %mul3A_1178 = vector.broadcast %mul3A_1177 : f32 to vector<16xf32>
        %mul3A_1179 = arith.mulf %get3A_1176, %mul3A_1178 : vector<16xf32>
        %scatter3A_1180 = arith.constant 1 : i32
        %scatter3A_1181 = arith.constant 0 : i32
        %scatter3A_1182 = arith.constant 0 : i32
        %scatter3A_1183 = tpu.memref_slice %arg8[%scatter3A_1180, %scatter3A_1181, %scatter3A_1182] : memref<2x64x129xf32, #tpu.memory_space<vmem>> -> memref<1x64x129xf32, #tpu.memory_space<vmem>>
        %scatter3A_1184 = tpu.memref_squeeze %scatter3A_1183 : memref<1x64x129xf32, #tpu.memory_space<vmem>> -> memref<64x129xf32, #tpu.memory_space<vmem>>
        tpu.vector_store_idx %scatter3A_1184[%add3A_13, %broadcast_in_dim3A_1145], %mul3A_1179 : memref<64x129xf32, #tpu.memory_space<vmem>>[vector<16xi32>, vector<16xi32>], vector<16xf32>,
        %get3A_1185 = arith.constant 3 : i32
        %get3A_1186 = arith.index_cast %get3A_1185 : i32 to index
        %get3A_1187 = arith.index_cast %add3A_1144 : i32 to index
        %get3A_1188 = arith.constant 48 : index
        %get3A_1189 = tpu.vector_load %arg7[%get3A_1186, %get3A_1187, %get3A_1188] {strides = array<i32>} : memref<4x128x64xf32, #tpu.memory_space<vmem>>, vector<16xf32>,
        %mul3A_1190 = arith.constant 8.000000e+00 : f32
        %mul3A_1191 = vector.broadcast %mul3A_1190 : f32 to vector<16xf32>
        %mul3A_1192 = arith.mulf %get3A_1189, %mul3A_1191 : vector<16xf32>
        %scatter3A_1193 = arith.constant 1 : i32
        %scatter3A_1194 = arith.constant 0 : i32
        %scatter3A_1195 = arith.constant 0 : i32
        %scatter3A_1196 = tpu.memref_slice %arg8[%scatter3A_1193, %scatter3A_1194, %scatter3A_1195] : memref<2x64x129xf32, #tpu.memory_space<vmem>> -> memref<1x64x129xf32, #tpu.memory_space<vmem>>
        %scatter3A_1197 = tpu.memref_squeeze %scatter3A_1196 : memref<1x64x129xf32, #tpu.memory_space<vmem>> -> memref<64x129xf32, #tpu.memory_space<vmem>>
        tpu.vector_store_idx %scatter3A_1197[%add3A_16, %broadcast_in_dim3A_1145], %mul3A_1192 : memref<64x129xf32, #tpu.memory_space<vmem>>[vector<16xi32>, vector<16xi32>], vector<16xf32>,
      }
      %scan3A_939 = arith.constant 128 : i32
      %dma_start3A_940 = arith.constant 1 : i32
      %dma_start3A_941 = arith.constant 0 : i32
      %dma_start3A_942 = arith.constant 0 : i32
      %dma_start3A_943 = arith.constant 0 : i32
      %dma_start3A_944 = tpu.memref_slice %arg8[%dma_start3A_940, %dma_start3A_942, %dma_start3A_943] : memref<2x64x129xf32, #tpu.memory_space<vmem>> -> memref<1x8x128xf32, #tpu.memory_space<vmem>>
      %dma_start3A_945 = tpu.memref_squeeze %dma_start3A_944 : memref<1x8x128xf32, #tpu.memory_space<vmem>> -> memref<8x128xf32, #tpu.memory_space<vmem>>
      %dma_start3A_946 = arith.constant 0 : i32
      %dma_start3A_947 = arith.constant 0 : i32
      %dma_start3A_948 = tpu.memref_slice %arg4[%add3A_908, %dma_start3A_941, %add3A, %dma_start3A_946, %dma_start3A_947] : memref<200x8x32x8x128xf32, #tpu.memory_space<hbm>> -> memref<1x1x1x8x128xf32, #tpu.memory_space<hbm>>
      %dma_start3A_949 = tpu.memref_squeeze %dma_start3A_948 : memref<1x1x1x8x128xf32, #tpu.memory_space<hbm>> -> memref<8x128xf32, #tpu.memory_space<hbm>>
      %dma_start3A_950 = arith.constant 0 : i32
      %dma_start3A_951 = arith.constant 0 : i32
      %dma_start3A_952 = tpu.memref_slice %arg4[%add3A_908, %dma_start3A_941, %add3A, %dma_start3A_950, %dma_start3A_951] : memref<200x8x32x8x128xf32, #tpu.memory_space<hbm>> -> memref<1x1x1x8x128xf32, #tpu.memory_space<hbm>>
      %dma_start3A_953 = tpu.memref_squeeze %dma_start3A_952 : memref<1x1x1x8x128xf32, #tpu.memory_space<hbm>> -> memref<8x128xf32, #tpu.memory_space<hbm>>
      %dma_start3A_954 = arith.constant 0 : i32
      %dma_start3A_955 = arith.constant 0 : i32
      %dma_start3A_956 = tpu.memref_slice %arg8[%dma_start3A_940, %dma_start3A_954, %dma_start3A_955] : memref<2x64x129xf32, #tpu.memory_space<vmem>> -> memref<1x8x128xf32, #tpu.memory_space<vmem>>
      %dma_start3A_957 = tpu.memref_squeeze %dma_start3A_956 : memref<1x8x128xf32, #tpu.memory_space<vmem>> -> memref<8x128xf32, #tpu.memory_space<vmem>>
      tpu.enqueue_dma source(%dma_start3A_957 : memref<8x128xf32, #tpu.memory_space<vmem>>) target(%dma_start3A_953 : memref<8x128xf32, #tpu.memory_space<hbm>>) target_semaphore(%arg10 : memref<!tpu.dma_semaphore, #tpu.memory_space<semaphore_mem>>)
      %dma_start3A_958 = arith.constant 1 : i32
      %dma_start3A_959 = arith.constant 1 : i32
      %dma_start3A_960 = arith.constant 8 : i32
      %dma_start3A_961 = arith.constant 0 : i32
      %dma_start3A_962 = tpu.memref_slice %arg8[%dma_start3A_958, %dma_start3A_960, %dma_start3A_961] : memref<2x64x129xf32, #tpu.memory_space<vmem>> -> memref<1x8x128xf32, #tpu.memory_space<vmem>>
      %dma_start3A_963 = tpu.memref_squeeze %dma_start3A_962 : memref<1x8x128xf32, #tpu.memory_space<vmem>> -> memref<8x128xf32, #tpu.memory_space<vmem>>
      %dma_start3A_964 = arith.constant 0 : i32
      %dma_start3A_965 = arith.constant 0 : i32
      %dma_start3A_966 = tpu.memref_slice %arg4[%add3A_908, %dma_start3A_959, %add3A, %dma_start3A_964, %dma_start3A_965] : memref<200x8x32x8x128xf32, #tpu.memory_space<hbm>> -> memref<1x1x1x8x128xf32, #tpu.memory_space<hbm>>
      %dma_start3A_967 = tpu.memref_squeeze %dma_start3A_966 : memref<1x1x1x8x128xf32, #tpu.memory_space<hbm>> -> memref<8x128xf32, #tpu.memory_space<hbm>>
      %dma_start3A_968 = arith.constant 0 : i32
      %dma_start3A_969 = arith.constant 0 : i32
      %dma_start3A_970 = tpu.memref_slice %arg4[%add3A_908, %dma_start3A_959, %add3A, %dma_start3A_968, %dma_start3A_969] : memref<200x8x32x8x128xf32, #tpu.memory_space<hbm>> -> memref<1x1x1x8x128xf32, #tpu.memory_space<hbm>>
      %dma_start3A_971 = tpu.memref_squeeze %dma_start3A_970 : memref<1x1x1x8x128xf32, #tpu.memory_space<hbm>> -> memref<8x128xf32, #tpu.memory_space<hbm>>
      %dma_start3A_972 = arith.constant 8 : i32
      %dma_start3A_973 = arith.constant 0 : i32
      %dma_start3A_974 = tpu.memref_slice %arg8[%dma_start3A_958, %dma_start3A_972, %dma_start3A_973] : memref<2x64x129xf32, #tpu.memory_space<vmem>> -> memref<1x8x128xf32, #tpu.memory_space<vmem>>
      %dma_start3A_975 = tpu.memref_squeeze %dma_start3A_974 : memref<1x8x128xf32, #tpu.memory_space<vmem>> -> memref<8x128xf32, #tpu.memory_space<vmem>>
      tpu.enqueue_dma source(%dma_start3A_975 : memref<8x128xf32, #tpu.memory_space<vmem>>) target(%dma_start3A_971 : memref<8x128xf32, #tpu.memory_space<hbm>>) target_semaphore(%arg10 : memref<!tpu.dma_semaphore, #tpu.memory_space<semaphore_mem>>)
      %dma_start3A_976 = arith.constant 1 : i32
      %dma_start3A_977 = arith.constant 2 : i32
      %dma_start3A_978 = arith.constant 16 : i32
      %dma_start3A_979 = arith.constant 0 : i32
      %dma_start3A_980 = tpu.memref_slice %arg8[%dma_start3A_976, %dma_start3A_978, %dma_start3A_979] : memref<2x64x129xf32, #tpu.memory_space<vmem>> -> memref<1x8x128xf32, #tpu.memory_space<vmem>>
      %dma_start3A_981 = tpu.memref_squeeze %dma_start3A_980 : memref<1x8x128xf32, #tpu.memory_space<vmem>> -> memref<8x128xf32, #tpu.memory_space<vmem>>
      %dma_start3A_982 = arith.constant 0 : i32
      %dma_start3A_983 = arith.constant 0 : i32
      %dma_start3A_984 = tpu.memref_slice %arg4[%add3A_908, %dma_start3A_977, %add3A, %dma_start3A_982, %dma_start3A_983] : memref<200x8x32x8x128xf32, #tpu.memory_space<hbm>> -> memref<1x1x1x8x128xf32, #tpu.memory_space<hbm>>
      %dma_start3A_985 = tpu.memref_squeeze %dma_start3A_984 : memref<1x1x1x8x128xf32, #tpu.memory_space<hbm>> -> memref<8x128xf32, #tpu.memory_space<hbm>>
      %dma_start3A_986 = arith.constant 0 : i32
      %dma_start3A_987 = arith.constant 0 : i32
      %dma_start3A_988 = tpu.memref_slice %arg4[%add3A_908, %dma_start3A_977, %add3A, %dma_start3A_986, %dma_start3A_987] : memref<200x8x32x8x128xf32, #tpu.memory_space<hbm>> -> memref<1x1x1x8x128xf32, #tpu.memory_space<hbm>>
      %dma_start3A_989 = tpu.memref_squeeze %dma_start3A_988 : memref<1x1x1x8x128xf32, #tpu.memory_space<hbm>> -> memref<8x128xf32, #tpu.memory_space<hbm>>
      %dma_start3A_990 = arith.constant 16 : i32
      %dma_start3A_991 = arith.constant 0 : i32
      %dma_start3A_992 = tpu.memref_slice %arg8[%dma_start3A_976, %dma_start3A_990, %dma_start3A_991] : memref<2x64x129xf32, #tpu.memory_space<vmem>> -> memref<1x8x128xf32, #tpu.memory_space<vmem>>
      %dma_start3A_993 = tpu.memref_squeeze %dma_start3A_992 : memref<1x8x128xf32, #tpu.memory_space<vmem>> -> memref<8x128xf32, #tpu.memory_space<vmem>>
      tpu.enqueue_dma source(%dma_start3A_993 : memref<8x128xf32, #tpu.memory_space<vmem>>) target(%dma_start3A_989 : memref<8x128xf32, #tpu.memory_space<hbm>>) target_semaphore(%arg10 : memref<!tpu.dma_semaphore, #tpu.memory_space<semaphore_mem>>)
      %dma_start3A_994 = arith.constant 1 : i32
      %dma_start3A_995 = arith.constant 3 : i32
      %dma_start3A_996 = arith.constant 24 : i32
      %dma_start3A_997 = arith.constant 0 : i32
      %dma_start3A_998 = tpu.memref_slice %arg8[%dma_start3A_994, %dma_start3A_996, %dma_start3A_997] : memref<2x64x129xf32, #tpu.memory_space<vmem>> -> memref<1x8x128xf32, #tpu.memory_space<vmem>>
      %dma_start3A_999 = tpu.memref_squeeze %dma_start3A_998 : memref<1x8x128xf32, #tpu.memory_space<vmem>> -> memref<8x128xf32, #tpu.memory_space<vmem>>
      %dma_start3A_1000 = arith.constant 0 : i32
      %dma_start3A_1001 = arith.constant 0 : i32
      %dma_start3A_1002 = tpu.memref_slice %arg4[%add3A_908, %dma_start3A_995, %add3A, %dma_start3A_1000, %dma_start3A_1001] : memref<200x8x32x8x128xf32, #tpu.memory_space<hbm>> -> memref<1x1x1x8x128xf32, #tpu.memory_space<hbm>>
      %dma_start3A_1003 = tpu.memref_squeeze %dma_start3A_1002 : memref<1x1x1x8x128xf32, #tpu.memory_space<hbm>> -> memref<8x128xf32, #tpu.memory_space<hbm>>
      %dma_start3A_1004 = arith.constant 0 : i32
      %dma_start3A_1005 = arith.constant 0 : i32
      %dma_start3A_1006 = tpu.memref_slice %arg4[%add3A_908, %dma_start3A_995, %add3A, %dma_start3A_1004, %dma_start3A_1005] : memref<200x8x32x8x128xf32, #tpu.memory_space<hbm>> -> memref<1x1x1x8x128xf32, #tpu.memory_space<hbm>>
      %dma_start3A_1007 = tpu.memref_squeeze %dma_start3A_1006 : memref<1x1x1x8x128xf32, #tpu.memory_space<hbm>> -> memref<8x128xf32, #tpu.memory_space<hbm>>
      %dma_start3A_1008 = arith.constant 24 : i32
      %dma_start3A_1009 = arith.constant 0 : i32
      %dma_start3A_1010 = tpu.memref_slice %arg8[%dma_start3A_994, %dma_start3A_1008, %dma_start3A_1009] : memref<2x64x129xf32, #tpu.memory_space<vmem>> -> memref<1x8x128xf32, #tpu.memory_space<vmem>>
      %dma_start3A_1011 = tpu.memref_squeeze %dma_start3A_1010 : memref<1x8x128xf32, #tpu.memory_space<vmem>> -> memref<8x128xf32, #tpu.memory_space<vmem>>
      tpu.enqueue_dma source(%dma_start3A_1011 : memref<8x128xf32, #tpu.memory_space<vmem>>) target(%dma_start3A_1007 : memref<8x128xf32, #tpu.memory_space<hbm>>) target_semaphore(%arg10 : memref<!tpu.dma_semaphore, #tpu.memory_space<semaphore_mem>>)
      %dma_start3A_1012 = arith.constant 1 : i32
      %dma_start3A_1013 = arith.constant 4 : i32
      %dma_start3A_1014 = arith.constant 32 : i32
      %dma_start3A_1015 = arith.constant 0 : i32
      %dma_start3A_1016 = tpu.memref_slice %arg8[%dma_start3A_1012, %dma_start3A_1014, %dma_start3A_1015] : memref<2x64x129xf32, #tpu.memory_space<vmem>> -> memref<1x8x128xf32, #tpu.memory_space<vmem>>
      %dma_start3A_1017 = tpu.memref_squeeze %dma_start3A_1016 : memref<1x8x128xf32, #tpu.memory_space<vmem>> -> memref<8x128xf32, #tpu.memory_space<vmem>>
      %dma_start3A_1018 = arith.constant 0 : i32
      %dma_start3A_1019 = arith.constant 0 : i32
      %dma_start3A_1020 = tpu.memref_slice %arg4[%add3A_908, %dma_start3A_1013, %add3A, %dma_start3A_1018, %dma_start3A_1019] : memref<200x8x32x8x128xf32, #tpu.memory_space<hbm>> -> memref<1x1x1x8x128xf32, #tpu.memory_space<hbm>>
      %dma_start3A_1021 = tpu.memref_squeeze %dma_start3A_1020 : memref<1x1x1x8x128xf32, #tpu.memory_space<hbm>> -> memref<8x128xf32, #tpu.memory_space<hbm>>
      %dma_start3A_1022 = arith.constant 0 : i32
      %dma_start3A_1023 = arith.constant 0 : i32
      %dma_start3A_1024 = tpu.memref_slice %arg4[%add3A_908, %dma_start3A_1013, %add3A, %dma_start3A_1022, %dma_start3A_1023] : memref<200x8x32x8x128xf32, #tpu.memory_space<hbm>> -> memref<1x1x1x8x128xf32, #tpu.memory_space<hbm>>
      %dma_start3A_1025 = tpu.memref_squeeze %dma_start3A_1024 : memref<1x1x1x8x128xf32, #tpu.memory_space<hbm>> -> memref<8x128xf32, #tpu.memory_space<hbm>>
      %dma_start3A_1026 = arith.constant 32 : i32
      %dma_start3A_1027 = arith.constant 0 : i32
      %dma_start3A_1028 = tpu.memref_slice %arg8[%dma_start3A_1012, %dma_start3A_1026, %dma_start3A_1027] : memref<2x64x129xf32, #tpu.memory_space<vmem>> -> memref<1x8x128xf32, #tpu.memory_space<vmem>>
      %dma_start3A_1029 = tpu.memref_squeeze %dma_start3A_1028 : memref<1x8x128xf32, #tpu.memory_space<vmem>> -> memref<8x128xf32, #tpu.memory_space<vmem>>
      tpu.enqueue_dma source(%dma_start3A_1029 : memref<8x128xf32, #tpu.memory_space<vmem>>) target(%dma_start3A_1025 : memref<8x128xf32, #tpu.memory_space<hbm>>) target_semaphore(%arg10 : memref<!tpu.dma_semaphore, #tpu.memory_space<semaphore_mem>>)
      %dma_start3A_1030 = arith.constant 1 : i32
      %dma_start3A_1031 = arith.constant 5 : i32
      %dma_start3A_1032 = arith.constant 40 : i32
      %dma_start3A_1033 = arith.constant 0 : i32
      %dma_start3A_1034 = tpu.memref_slice %arg8[%dma_start3A_1030, %dma_start3A_1032, %dma_start3A_1033] : memref<2x64x129xf32, #tpu.memory_space<vmem>> -> memref<1x8x128xf32, #tpu.memory_space<vmem>>
      %dma_start3A_1035 = tpu.memref_squeeze %dma_start3A_1034 : memref<1x8x128xf32, #tpu.memory_space<vmem>> -> memref<8x128xf32, #tpu.memory_space<vmem>>
      %dma_start3A_1036 = arith.constant 0 : i32
      %dma_start3A_1037 = arith.constant 0 : i32
      %dma_start3A_1038 = tpu.memref_slice %arg4[%add3A_908, %dma_start3A_1031, %add3A, %dma_start3A_1036, %dma_start3A_1037] : memref<200x8x32x8x128xf32, #tpu.memory_space<hbm>> -> memref<1x1x1x8x128xf32, #tpu.memory_space<hbm>>
      %dma_start3A_1039 = tpu.memref_squeeze %dma_start3A_1038 : memref<1x1x1x8x128xf32, #tpu.memory_space<hbm>> -> memref<8x128xf32, #tpu.memory_space<hbm>>
      %dma_start3A_1040 = arith.constant 0 : i32
      %dma_start3A_1041 = arith.constant 0 : i32
      %dma_start3A_1042 = tpu.memref_slice %arg4[%add3A_908, %dma_start3A_1031, %add3A, %dma_start3A_1040, %dma_start3A_1041] : memref<200x8x32x8x128xf32, #tpu.memory_space<hbm>> -> memref<1x1x1x8x128xf32, #tpu.memory_space<hbm>>
      %dma_start3A_1043 = tpu.memref_squeeze %dma_start3A_1042 : memref<1x1x1x8x128xf32, #tpu.memory_space<hbm>> -> memref<8x128xf32, #tpu.memory_space<hbm>>
      %dma_start3A_1044 = arith.constant 40 : i32
      %dma_start3A_1045 = arith.constant 0 : i32
      %dma_start3A_1046 = tpu.memref_slice %arg8[%dma_start3A_1030, %dma_start3A_1044, %dma_start3A_1045] : memref<2x64x129xf32, #tpu.memory_space<vmem>> -> memref<1x8x128xf32, #tpu.memory_space<vmem>>
      %dma_start3A_1047 = tpu.memref_squeeze %dma_start3A_1046 : memref<1x8x128xf32, #tpu.memory_space<vmem>> -> memref<8x128xf32, #tpu.memory_space<vmem>>
      tpu.enqueue_dma source(%dma_start3A_1047 : memref<8x128xf32, #tpu.memory_space<vmem>>) target(%dma_start3A_1043 : memref<8x128xf32, #tpu.memory_space<hbm>>) target_semaphore(%arg10 : memref<!tpu.dma_semaphore, #tpu.memory_space<semaphore_mem>>)
      %dma_start3A_1048 = arith.constant 1 : i32
      %dma_start3A_1049 = arith.constant 6 : i32
      %dma_start3A_1050 = arith.constant 48 : i32
      %dma_start3A_1051 = arith.constant 0 : i32
      %dma_start3A_1052 = tpu.memref_slice %arg8[%dma_start3A_1048, %dma_start3A_1050, %dma_start3A_1051] : memref<2x64x129xf32, #tpu.memory_space<vmem>> -> memref<1x8x128xf32, #tpu.memory_space<vmem>>
      %dma_start3A_1053 = tpu.memref_squeeze %dma_start3A_1052 : memref<1x8x128xf32, #tpu.memory_space<vmem>> -> memref<8x128xf32, #tpu.memory_space<vmem>>
      %dma_start3A_1054 = arith.constant 0 : i32
      %dma_start3A_1055 = arith.constant 0 : i32
      %dma_start3A_1056 = tpu.memref_slice %arg4[%add3A_908, %dma_start3A_1049, %add3A, %dma_start3A_1054, %dma_start3A_1055] : memref<200x8x32x8x128xf32, #tpu.memory_space<hbm>> -> memref<1x1x1x8x128xf32, #tpu.memory_space<hbm>>
      %dma_start3A_1057 = tpu.memref_squeeze %dma_start3A_1056 : memref<1x1x1x8x128xf32, #tpu.memory_space<hbm>> -> memref<8x128xf32, #tpu.memory_space<hbm>>
      %dma_start3A_1058 = arith.constant 0 : i32
      %dma_start3A_1059 = arith.constant 0 : i32
      %dma_start3A_1060 = tpu.memref_slice %arg4[%add3A_908, %dma_start3A_1049, %add3A, %dma_start3A_1058, %dma_start3A_1059] : memref<200x8x32x8x128xf32, #tpu.memory_space<hbm>> -> memref<1x1x1x8x128xf32, #tpu.memory_space<hbm>>
      %dma_start3A_1061 = tpu.memref_squeeze %dma_start3A_1060 : memref<1x1x1x8x128xf32, #tpu.memory_space<hbm>> -> memref<8x128xf32, #tpu.memory_space<hbm>>
      %dma_start3A_1062 = arith.constant 48 : i32
      %dma_start3A_1063 = arith.constant 0 : i32
      %dma_start3A_1064 = tpu.memref_slice %arg8[%dma_start3A_1048, %dma_start3A_1062, %dma_start3A_1063] : memref<2x64x129xf32, #tpu.memory_space<vmem>> -> memref<1x8x128xf32, #tpu.memory_space<vmem>>
      %dma_start3A_1065 = tpu.memref_squeeze %dma_start3A_1064 : memref<1x8x128xf32, #tpu.memory_space<vmem>> -> memref<8x128xf32, #tpu.memory_space<vmem>>
      tpu.enqueue_dma source(%dma_start3A_1065 : memref<8x128xf32, #tpu.memory_space<vmem>>) target(%dma_start3A_1061 : memref<8x128xf32, #tpu.memory_space<hbm>>) target_semaphore(%arg10 : memref<!tpu.dma_semaphore, #tpu.memory_space<semaphore_mem>>)
      %dma_start3A_1066 = arith.constant 1 : i32
      %dma_start3A_1067 = arith.constant 7 : i32
      %dma_start3A_1068 = arith.constant 56 : i32
      %dma_start3A_1069 = arith.constant 0 : i32
      %dma_start3A_1070 = tpu.memref_slice %arg8[%dma_start3A_1066, %dma_start3A_1068, %dma_start3A_1069] : memref<2x64x129xf32, #tpu.memory_space<vmem>> -> memref<1x8x128xf32, #tpu.memory_space<vmem>>
      %dma_start3A_1071 = tpu.memref_squeeze %dma_start3A_1070 : memref<1x8x128xf32, #tpu.memory_space<vmem>> -> memref<8x128xf32, #tpu.memory_space<vmem>>
      %dma_start3A_1072 = arith.constant 0 : i32
      %dma_start3A_1073 = arith.constant 0 : i32
      %dma_start3A_1074 = tpu.memref_slice %arg4[%add3A_908, %dma_start3A_1067, %add3A, %dma_start3A_1072, %dma_start3A_1073] : memref<200x8x32x8x128xf32, #tpu.memory_space<hbm>> -> memref<1x1x1x8x128xf32, #tpu.memory_space<hbm>>
      %dma_start3A_1075 = tpu.memref_squeeze %dma_start3A_1074 : memref<1x1x1x8x128xf32, #tpu.memory_space<hbm>> -> memref<8x128xf32, #tpu.memory_space<hbm>>
      %dma_start3A_1076 = arith.constant 0 : i32
      %dma_start3A_1077 = arith.constant 0 : i32
      %dma_start3A_1078 = tpu.memref_slice %arg4[%add3A_908, %dma_start3A_1067, %add3A, %dma_start3A_1076, %dma_start3A_1077] : memref<200x8x32x8x128xf32, #tpu.memory_space<hbm>> -> memref<1x1x1x8x128xf32, #tpu.memory_space<hbm>>
      %dma_start3A_1079 = tpu.memref_squeeze %dma_start3A_1078 : memref<1x1x1x8x128xf32, #tpu.memory_space<hbm>> -> memref<8x128xf32, #tpu.memory_space<hbm>>
      %dma_start3A_1080 = arith.constant 56 : i32
      %dma_start3A_1081 = arith.constant 0 : i32
      %dma_start3A_1082 = tpu.memref_slice %arg8[%dma_start3A_1066, %dma_start3A_1080, %dma_start3A_1081] : memref<2x64x129xf32, #tpu.memory_space<vmem>> -> memref<1x8x128xf32, #tpu.memory_space<vmem>>
      %dma_start3A_1083 = tpu.memref_squeeze %dma_start3A_1082 : memref<1x8x128xf32, #tpu.memory_space<vmem>> -> memref<8x128xf32, #tpu.memory_space<vmem>>
      tpu.enqueue_dma source(%dma_start3A_1083 : memref<8x128xf32, #tpu.memory_space<vmem>>) target(%dma_start3A_1079 : memref<8x128xf32, #tpu.memory_space<hbm>>) target_semaphore(%arg10 : memref<!tpu.dma_semaphore, #tpu.memory_space<semaphore_mem>>)
    }
    %scan3A_72 = arith.constant 50 : i32
    %dma_wait3A = arith.constant 0 : i32
    %dma_wait3A_73 = arith.constant 198 : i32
    %dma_wait3A_74 = arith.constant 0 : i32
    %dma_wait3A_75 = arith.constant 0 : i32
    %dma_wait3A_76 = arith.constant 0 : i32
    %dma_wait3A_77 = tpu.memref_slice %arg8[%dma_wait3A, %dma_wait3A_75, %dma_wait3A_76] : memref<2x64x129xf32, #tpu.memory_space<vmem>> -> memref<1x8x128xf32, #tpu.memory_space<vmem>>
    %dma_wait3A_78 = tpu.memref_squeeze %dma_wait3A_77 : memref<1x8x128xf32, #tpu.memory_space<vmem>> -> memref<8x128xf32, #tpu.memory_space<vmem>>
    %dma_wait3A_79 = arith.constant 0 : i32
    %dma_wait3A_80 = arith.constant 0 : i32
    %dma_wait3A_81 = tpu.memref_slice %arg4[%dma_wait3A_73, %dma_wait3A_74, %add3A, %dma_wait3A_79, %dma_wait3A_80] : memref<200x8x32x8x128xf32, #tpu.memory_space<hbm>> -> memref<1x1x1x8x128xf32, #tpu.memory_space<hbm>>
    %dma_wait3A_82 = tpu.memref_squeeze %dma_wait3A_81 : memref<1x1x1x8x128xf32, #tpu.memory_space<hbm>> -> memref<8x128xf32, #tpu.memory_space<hbm>>
    %dma_wait3A_83 = arith.constant 0 : i32
    %dma_wait3A_84 = arith.constant 0 : i32
    %dma_wait3A_85 = tpu.memref_slice %arg4[%dma_wait3A_73, %dma_wait3A_74, %add3A, %dma_wait3A_83, %dma_wait3A_84] : memref<200x8x32x8x128xf32, #tpu.memory_space<hbm>> -> memref<1x1x1x8x128xf32, #tpu.memory_space<hbm>>
    %dma_wait3A_86 = tpu.memref_squeeze %dma_wait3A_85 : memref<1x1x1x8x128xf32, #tpu.memory_space<hbm>> -> memref<8x128xf32, #tpu.memory_space<hbm>>
    %dma_wait3A_87 = arith.constant 0 : i32
    %dma_wait3A_88 = arith.constant 0 : i32
    %dma_wait3A_89 = tpu.memref_slice %arg8[%dma_wait3A, %dma_wait3A_87, %dma_wait3A_88] : memref<2x64x129xf32, #tpu.memory_space<vmem>> -> memref<1x8x128xf32, #tpu.memory_space<vmem>>
    %dma_wait3A_90 = tpu.memref_squeeze %dma_wait3A_89 : memref<1x8x128xf32, #tpu.memory_space<vmem>> -> memref<8x128xf32, #tpu.memory_space<vmem>>
    tpu.wait_dma2 semaphore(%arg10 : memref<!tpu.dma_semaphore, #tpu.memory_space<semaphore_mem>>) src(%dma_wait3A_90 : memref<8x128xf32, #tpu.memory_space<vmem>>) dst(%dma_wait3A_86 : memref<8x128xf32, #tpu.memory_space<hbm>>)
    %dma_wait3A_91 = arith.constant 0 : i32
    %dma_wait3A_92 = arith.constant 198 : i32
    %dma_wait3A_93 = arith.constant 1 : i32
    %dma_wait3A_94 = arith.constant 8 : i32
    %dma_wait3A_95 = arith.constant 0 : i32
    %dma_wait3A_96 = tpu.memref_slice %arg8[%dma_wait3A_91, %dma_wait3A_94, %dma_wait3A_95] : memref<2x64x129xf32, #tpu.memory_space<vmem>> -> memref<1x8x128xf32, #tpu.memory_space<vmem>>
    %dma_wait3A_97 = tpu.memref_squeeze %dma_wait3A_96 : memref<1x8x128xf32, #tpu.memory_space<vmem>> -> memref<8x128xf32, #tpu.memory_space<vmem>>
    %dma_wait3A_98 = arith.constant 0 : i32
    %dma_wait3A_99 = arith.constant 0 : i32
    %dma_wait3A_100 = tpu.memref_slice %arg4[%dma_wait3A_92, %dma_wait3A_93, %add3A, %dma_wait3A_98, %dma_wait3A_99] : memref<200x8x32x8x128xf32, #tpu.memory_space<hbm>> -> memref<1x1x1x8x128xf32, #tpu.memory_space<hbm>>
    %dma_wait3A_101 = tpu.memref_squeeze %dma_wait3A_100 : memref<1x1x1x8x128xf32, #tpu.memory_space<hbm>> -> memref<8x128xf32, #tpu.memory_space<hbm>>
    %dma_wait3A_102 = arith.constant 0 : i32
    %dma_wait3A_103 = arith.constant 0 : i32
    %dma_wait3A_104 = tpu.memref_slice %arg4[%dma_wait3A_92, %dma_wait3A_93, %add3A, %dma_wait3A_102, %dma_wait3A_103] : memref<200x8x32x8x128xf32, #tpu.memory_space<hbm>> -> memref<1x1x1x8x128xf32, #tpu.memory_space<hbm>>
    %dma_wait3A_105 = tpu.memref_squeeze %dma_wait3A_104 : memref<1x1x1x8x128xf32, #tpu.memory_space<hbm>> -> memref<8x128xf32, #tpu.memory_space<hbm>>
    %dma_wait3A_106 = arith.constant 8 : i32
    %dma_wait3A_107 = arith.constant 0 : i32
    %dma_wait3A_108 = tpu.memref_slice %arg8[%dma_wait3A_91, %dma_wait3A_106, %dma_wait3A_107] : memref<2x64x129xf32, #tpu.memory_space<vmem>> -> memref<1x8x128xf32, #tpu.memory_space<vmem>>
    %dma_wait3A_109 = tpu.memref_squeeze %dma_wait3A_108 : memref<1x8x128xf32, #tpu.memory_space<vmem>> -> memref<8x128xf32, #tpu.memory_space<vmem>>
    tpu.wait_dma2 semaphore(%arg10 : memref<!tpu.dma_semaphore, #tpu.memory_space<semaphore_mem>>) src(%dma_wait3A_109 : memref<8x128xf32, #tpu.memory_space<vmem>>) dst(%dma_wait3A_105 : memref<8x128xf32, #tpu.memory_space<hbm>>)
    %dma_wait3A_110 = arith.constant 0 : i32
    %dma_wait3A_111 = arith.constant 198 : i32
    %dma_wait3A_112 = arith.constant 2 : i32
    %dma_wait3A_113 = arith.constant 16 : i32
    %dma_wait3A_114 = arith.constant 0 : i32
    %dma_wait3A_115 = tpu.memref_slice %arg8[%dma_wait3A_110, %dma_wait3A_113, %dma_wait3A_114] : memref<2x64x129xf32, #tpu.memory_space<vmem>> -> memref<1x8x128xf32, #tpu.memory_space<vmem>>
    %dma_wait3A_116 = tpu.memref_squeeze %dma_wait3A_115 : memref<1x8x128xf32, #tpu.memory_space<vmem>> -> memref<8x128xf32, #tpu.memory_space<vmem>>
    %dma_wait3A_117 = arith.constant 0 : i32
    %dma_wait3A_118 = arith.constant 0 : i32
    %dma_wait3A_119 = tpu.memref_slice %arg4[%dma_wait3A_111, %dma_wait3A_112, %add3A, %dma_wait3A_117, %dma_wait3A_118] : memref<200x8x32x8x128xf32, #tpu.memory_space<hbm>> -> memref<1x1x1x8x128xf32, #tpu.memory_space<hbm>>
    %dma_wait3A_120 = tpu.memref_squeeze %dma_wait3A_119 : memref<1x1x1x8x128xf32, #tpu.memory_space<hbm>> -> memref<8x128xf32, #tpu.memory_space<hbm>>
    %dma_wait3A_121 = arith.constant 0 : i32
    %dma_wait3A_122 = arith.constant 0 : i32
    %dma_wait3A_123 = tpu.memref_slice %arg4[%dma_wait3A_111, %dma_wait3A_112, %add3A, %dma_wait3A_121, %dma_wait3A_122] : memref<200x8x32x8x128xf32, #tpu.memory_space<hbm>> -> memref<1x1x1x8x128xf32, #tpu.memory_space<hbm>>
    %dma_wait3A_124 = tpu.memref_squeeze %dma_wait3A_123 : memref<1x1x1x8x128xf32, #tpu.memory_space<hbm>> -> memref<8x128xf32, #tpu.memory_space<hbm>>
    %dma_wait3A_125 = arith.constant 16 : i32
    %dma_wait3A_126 = arith.constant 0 : i32
    %dma_wait3A_127 = tpu.memref_slice %arg8[%dma_wait3A_110, %dma_wait3A_125, %dma_wait3A_126] : memref<2x64x129xf32, #tpu.memory_space<vmem>> -> memref<1x8x128xf32, #tpu.memory_space<vmem>>
    %dma_wait3A_128 = tpu.memref_squeeze %dma_wait3A_127 : memref<1x8x128xf32, #tpu.memory_space<vmem>> -> memref<8x128xf32, #tpu.memory_space<vmem>>
    tpu.wait_dma2 semaphore(%arg10 : memref<!tpu.dma_semaphore, #tpu.memory_space<semaphore_mem>>) src(%dma_wait3A_128 : memref<8x128xf32, #tpu.memory_space<vmem>>) dst(%dma_wait3A_124 : memref<8x128xf32, #tpu.memory_space<hbm>>)
    %dma_wait3A_129 = arith.constant 0 : i32
    %dma_wait3A_130 = arith.constant 198 : i32
    %dma_wait3A_131 = arith.constant 3 : i32
    %dma_wait3A_132 = arith.constant 24 : i32
    %dma_wait3A_133 = arith.constant 0 : i32
    %dma_wait3A_134 = tpu.memref_slice %arg8[%dma_wait3A_129, %dma_wait3A_132, %dma_wait3A_133] : memref<2x64x129xf32, #tpu.memory_space<vmem>> -> memref<1x8x128xf32, #tpu.memory_space<vmem>>
    %dma_wait3A_135 = tpu.memref_squeeze %dma_wait3A_134 : memref<1x8x128xf32, #tpu.memory_space<vmem>> -> memref<8x128xf32, #tpu.memory_space<vmem>>
    %dma_wait3A_136 = arith.constant 0 : i32
    %dma_wait3A_137 = arith.constant 0 : i32
    %dma_wait3A_138 = tpu.memref_slice %arg4[%dma_wait3A_130, %dma_wait3A_131, %add3A, %dma_wait3A_136, %dma_wait3A_137] : memref<200x8x32x8x128xf32, #tpu.memory_space<hbm>> -> memref<1x1x1x8x128xf32, #tpu.memory_space<hbm>>
    %dma_wait3A_139 = tpu.memref_squeeze %dma_wait3A_138 : memref<1x1x1x8x128xf32, #tpu.memory_space<hbm>> -> memref<8x128xf32, #tpu.memory_space<hbm>>
    %dma_wait3A_140 = arith.constant 0 : i32
    %dma_wait3A_141 = arith.constant 0 : i32
    %dma_wait3A_142 = tpu.memref_slice %arg4[%dma_wait3A_130, %dma_wait3A_131, %add3A, %dma_wait3A_140, %dma_wait3A_141] : memref<200x8x32x8x128xf32, #tpu.memory_space<hbm>> -> memref<1x1x1x8x128xf32, #tpu.memory_space<hbm>>
    %dma_wait3A_143 = tpu.memref_squeeze %dma_wait3A_142 : memref<1x1x1x8x128xf32, #tpu.memory_space<hbm>> -> memref<8x128xf32, #tpu.memory_space<hbm>>
    %dma_wait3A_144 = arith.constant 24 : i32
    %dma_wait3A_145 = arith.constant 0 : i32
    %dma_wait3A_146 = tpu.memref_slice %arg8[%dma_wait3A_129, %dma_wait3A_144, %dma_wait3A_145] : memref<2x64x129xf32, #tpu.memory_space<vmem>> -> memref<1x8x128xf32, #tpu.memory_space<vmem>>
    %dma_wait3A_147 = tpu.memref_squeeze %dma_wait3A_146 : memref<1x8x128xf32, #tpu.memory_space<vmem>> -> memref<8x128xf32, #tpu.memory_space<vmem>>
    tpu.wait_dma2 semaphore(%arg10 : memref<!tpu.dma_semaphore, #tpu.memory_space<semaphore_mem>>) src(%dma_wait3A_147 : memref<8x128xf32, #tpu.memory_space<vmem>>) dst(%dma_wait3A_143 : memref<8x128xf32, #tpu.memory_space<hbm>>)
    %dma_wait3A_148 = arith.constant 0 : i32
    %dma_wait3A_149 = arith.constant 198 : i32
    %dma_wait3A_150 = arith.constant 4 : i32
    %dma_wait3A_151 = arith.constant 32 : i32
    %dma_wait3A_152 = arith.constant 0 : i32
    %dma_wait3A_153 = tpu.memref_slice %arg8[%dma_wait3A_148, %dma_wait3A_151, %dma_wait3A_152] : memref<2x64x129xf32, #tpu.memory_space<vmem>> -> memref<1x8x128xf32, #tpu.memory_space<vmem>>
    %dma_wait3A_154 = tpu.memref_squeeze %dma_wait3A_153 : memref<1x8x128xf32, #tpu.memory_space<vmem>> -> memref<8x128xf32, #tpu.memory_space<vmem>>
    %dma_wait3A_155 = arith.constant 0 : i32
    %dma_wait3A_156 = arith.constant 0 : i32
    %dma_wait3A_157 = tpu.memref_slice %arg4[%dma_wait3A_149, %dma_wait3A_150, %add3A, %dma_wait3A_155, %dma_wait3A_156] : memref<200x8x32x8x128xf32, #tpu.memory_space<hbm>> -> memref<1x1x1x8x128xf32, #tpu.memory_space<hbm>>
    %dma_wait3A_158 = tpu.memref_squeeze %dma_wait3A_157 : memref<1x1x1x8x128xf32, #tpu.memory_space<hbm>> -> memref<8x128xf32, #tpu.memory_space<hbm>>
    %dma_wait3A_159 = arith.constant 0 : i32
    %dma_wait3A_160 = arith.constant 0 : i32
    %dma_wait3A_161 = tpu.memref_slice %arg4[%dma_wait3A_149, %dma_wait3A_150, %add3A, %dma_wait3A_159, %dma_wait3A_160] : memref<200x8x32x8x128xf32, #tpu.memory_space<hbm>> -> memref<1x1x1x8x128xf32, #tpu.memory_space<hbm>>
    %dma_wait3A_162 = tpu.memref_squeeze %dma_wait3A_161 : memref<1x1x1x8x128xf32, #tpu.memory_space<hbm>> -> memref<8x128xf32, #tpu.memory_space<hbm>>
    %dma_wait3A_163 = arith.constant 32 : i32
    %dma_wait3A_164 = arith.constant 0 : i32
    %dma_wait3A_165 = tpu.memref_slice %arg8[%dma_wait3A_148, %dma_wait3A_163, %dma_wait3A_164] : memref<2x64x129xf32, #tpu.memory_space<vmem>> -> memref<1x8x128xf32, #tpu.memory_space<vmem>>
    %dma_wait3A_166 = tpu.memref_squeeze %dma_wait3A_165 : memref<1x8x128xf32, #tpu.memory_space<vmem>> -> memref<8x128xf32, #tpu.memory_space<vmem>>
    tpu.wait_dma2 semaphore(%arg10 : memref<!tpu.dma_semaphore, #tpu.memory_space<semaphore_mem>>) src(%dma_wait3A_166 : memref<8x128xf32, #tpu.memory_space<vmem>>) dst(%dma_wait3A_162 : memref<8x128xf32, #tpu.memory_space<hbm>>)
    %dma_wait3A_167 = arith.constant 0 : i32
    %dma_wait3A_168 = arith.constant 198 : i32
    %dma_wait3A_169 = arith.constant 5 : i32
    %dma_wait3A_170 = arith.constant 40 : i32
    %dma_wait3A_171 = arith.constant 0 : i32
    %dma_wait3A_172 = tpu.memref_slice %arg8[%dma_wait3A_167, %dma_wait3A_170, %dma_wait3A_171] : memref<2x64x129xf32, #tpu.memory_space<vmem>> -> memref<1x8x128xf32, #tpu.memory_space<vmem>>
    %dma_wait3A_173 = tpu.memref_squeeze %dma_wait3A_172 : memref<1x8x128xf32, #tpu.memory_space<vmem>> -> memref<8x128xf32, #tpu.memory_space<vmem>>
    %dma_wait3A_174 = arith.constant 0 : i32
    %dma_wait3A_175 = arith.constant 0 : i32
    %dma_wait3A_176 = tpu.memref_slice %arg4[%dma_wait3A_168, %dma_wait3A_169, %add3A, %dma_wait3A_174, %dma_wait3A_175] : memref<200x8x32x8x128xf32, #tpu.memory_space<hbm>> -> memref<1x1x1x8x128xf32, #tpu.memory_space<hbm>>
    %dma_wait3A_177 = tpu.memref_squeeze %dma_wait3A_176 : memref<1x1x1x8x128xf32, #tpu.memory_space<hbm>> -> memref<8x128xf32, #tpu.memory_space<hbm>>
    %dma_wait3A_178 = arith.constant 0 : i32
    %dma_wait3A_179 = arith.constant 0 : i32
    %dma_wait3A_180 = tpu.memref_slice %arg4[%dma_wait3A_168, %dma_wait3A_169, %add3A, %dma_wait3A_178, %dma_wait3A_179] : memref<200x8x32x8x128xf32, #tpu.memory_space<hbm>> -> memref<1x1x1x8x128xf32, #tpu.memory_space<hbm>>
    %dma_wait3A_181 = tpu.memref_squeeze %dma_wait3A_180 : memref<1x1x1x8x128xf32, #tpu.memory_space<hbm>> -> memref<8x128xf32, #tpu.memory_space<hbm>>
    %dma_wait3A_182 = arith.constant 40 : i32
    %dma_wait3A_183 = arith.constant 0 : i32
    %dma_wait3A_184 = tpu.memref_slice %arg8[%dma_wait3A_167, %dma_wait3A_182, %dma_wait3A_183] : memref<2x64x129xf32, #tpu.memory_space<vmem>> -> memref<1x8x128xf32, #tpu.memory_space<vmem>>
    %dma_wait3A_185 = tpu.memref_squeeze %dma_wait3A_184 : memref<1x8x128xf32, #tpu.memory_space<vmem>> -> memref<8x128xf32, #tpu.memory_space<vmem>>
    tpu.wait_dma2 semaphore(%arg10 : memref<!tpu.dma_semaphore, #tpu.memory_space<semaphore_mem>>) src(%dma_wait3A_185 : memref<8x128xf32, #tpu.memory_space<vmem>>) dst(%dma_wait3A_181 : memref<8x128xf32, #tpu.memory_space<hbm>>)
    %dma_wait3A_186 = arith.constant 0 : i32
    %dma_wait3A_187 = arith.constant 198 : i32
    %dma_wait3A_188 = arith.constant 6 : i32
    %dma_wait3A_189 = arith.constant 48 : i32
    %dma_wait3A_190 = arith.constant 0 : i32
    %dma_wait3A_191 = tpu.memref_slice %arg8[%dma_wait3A_186, %dma_wait3A_189, %dma_wait3A_190] : memref<2x64x129xf32, #tpu.memory_space<vmem>> -> memref<1x8x128xf32, #tpu.memory_space<vmem>>
    %dma_wait3A_192 = tpu.memref_squeeze %dma_wait3A_191 : memref<1x8x128xf32, #tpu.memory_space<vmem>> -> memref<8x128xf32, #tpu.memory_space<vmem>>
    %dma_wait3A_193 = arith.constant 0 : i32
    %dma_wait3A_194 = arith.constant 0 : i32
    %dma_wait3A_195 = tpu.memref_slice %arg4[%dma_wait3A_187, %dma_wait3A_188, %add3A, %dma_wait3A_193, %dma_wait3A_194] : memref<200x8x32x8x128xf32, #tpu.memory_space<hbm>> -> memref<1x1x1x8x128xf32, #tpu.memory_space<hbm>>
    %dma_wait3A_196 = tpu.memref_squeeze %dma_wait3A_195 : memref<1x1x1x8x128xf32, #tpu.memory_space<hbm>> -> memref<8x128xf32, #tpu.memory_space<hbm>>
    %dma_wait3A_197 = arith.constant 0 : i32
    %dma_wait3A_198 = arith.constant 0 : i32
    %dma_wait3A_199 = tpu.memref_slice %arg4[%dma_wait3A_187, %dma_wait3A_188, %add3A, %dma_wait3A_197, %dma_wait3A_198] : memref<200x8x32x8x128xf32, #tpu.memory_space<hbm>> -> memref<1x1x1x8x128xf32, #tpu.memory_space<hbm>>
    %dma_wait3A_200 = tpu.memref_squeeze %dma_wait3A_199 : memref<1x1x1x8x128xf32, #tpu.memory_space<hbm>> -> memref<8x128xf32, #tpu.memory_space<hbm>>
    %dma_wait3A_201 = arith.constant 48 : i32
    %dma_wait3A_202 = arith.constant 0 : i32
    %dma_wait3A_203 = tpu.memref_slice %arg8[%dma_wait3A_186, %dma_wait3A_201, %dma_wait3A_202] : memref<2x64x129xf32, #tpu.memory_space<vmem>> -> memref<1x8x128xf32, #tpu.memory_space<vmem>>
    %dma_wait3A_204 = tpu.memref_squeeze %dma_wait3A_203 : memref<1x8x128xf32, #tpu.memory_space<vmem>> -> memref<8x128xf32, #tpu.memory_space<vmem>>
    tpu.wait_dma2 semaphore(%arg10 : memref<!tpu.dma_semaphore, #tpu.memory_space<semaphore_mem>>) src(%dma_wait3A_204 : memref<8x128xf32, #tpu.memory_space<vmem>>) dst(%dma_wait3A_200 : memref<8x128xf32, #tpu.memory_space<hbm>>)
    %dma_wait3A_205 = arith.constant 0 : i32
    %dma_wait3A_206 = arith.constant 198 : i32
    %dma_wait3A_207 = arith.constant 7 : i32
    %dma_wait3A_208 = arith.constant 56 : i32
    %dma_wait3A_209 = arith.constant 0 : i32
    %dma_wait3A_210 = tpu.memref_slice %arg8[%dma_wait3A_205, %dma_wait3A_208, %dma_wait3A_209] : memref<2x64x129xf32, #tpu.memory_space<vmem>> -> memref<1x8x128xf32, #tpu.memory_space<vmem>>
    %dma_wait3A_211 = tpu.memref_squeeze %dma_wait3A_210 : memref<1x8x128xf32, #tpu.memory_space<vmem>> -> memref<8x128xf32, #tpu.memory_space<vmem>>
    %dma_wait3A_212 = arith.constant 0 : i32
    %dma_wait3A_213 = arith.constant 0 : i32
    %dma_wait3A_214 = tpu.memref_slice %arg4[%dma_wait3A_206, %dma_wait3A_207, %add3A, %dma_wait3A_212, %dma_wait3A_213] : memref<200x8x32x8x128xf32, #tpu.memory_space<hbm>> -> memref<1x1x1x8x128xf32, #tpu.memory_space<hbm>>
    %dma_wait3A_215 = tpu.memref_squeeze %dma_wait3A_214 : memref<1x1x1x8x128xf32, #tpu.memory_space<hbm>> -> memref<8x128xf32, #tpu.memory_space<hbm>>
    %dma_wait3A_216 = arith.constant 0 : i32
    %dma_wait3A_217 = arith.constant 0 : i32
    %dma_wait3A_218 = tpu.memref_slice %arg4[%dma_wait3A_206, %dma_wait3A_207, %add3A, %dma_wait3A_216, %dma_wait3A_217] : memref<200x8x32x8x128xf32, #tpu.memory_space<hbm>> -> memref<1x1x1x8x128xf32, #tpu.memory_space<hbm>>
    %dma_wait3A_219 = tpu.memref_squeeze %dma_wait3A_218 : memref<1x1x1x8x128xf32, #tpu.memory_space<hbm>> -> memref<8x128xf32, #tpu.memory_space<hbm>>
    %dma_wait3A_220 = arith.constant 56 : i32
    %dma_wait3A_221 = arith.constant 0 : i32
    %dma_wait3A_222 = tpu.memref_slice %arg8[%dma_wait3A_205, %dma_wait3A_220, %dma_wait3A_221] : memref<2x64x129xf32, #tpu.memory_space<vmem>> -> memref<1x8x128xf32, #tpu.memory_space<vmem>>
    %dma_wait3A_223 = tpu.memref_squeeze %dma_wait3A_222 : memref<1x8x128xf32, #tpu.memory_space<vmem>> -> memref<8x128xf32, #tpu.memory_space<vmem>>
    tpu.wait_dma2 semaphore(%arg10 : memref<!tpu.dma_semaphore, #tpu.memory_space<semaphore_mem>>) src(%dma_wait3A_223 : memref<8x128xf32, #tpu.memory_space<vmem>>) dst(%dma_wait3A_219 : memref<8x128xf32, #tpu.memory_space<hbm>>)
    %dma_wait3A_224 = arith.constant 1 : i32
    %dma_wait3A_225 = arith.constant 199 : i32
    %dma_wait3A_226 = arith.constant 0 : i32
    %dma_wait3A_227 = arith.constant 0 : i32
    %dma_wait3A_228 = arith.constant 0 : i32
    %dma_wait3A_229 = tpu.memref_slice %arg8[%dma_wait3A_224, %dma_wait3A_227, %dma_wait3A_228] : memref<2x64x129xf32, #tpu.memory_space<vmem>> -> memref<1x8x128xf32, #tpu.memory_space<vmem>>
    %dma_wait3A_230 = tpu.memref_squeeze %dma_wait3A_229 : memref<1x8x128xf32, #tpu.memory_space<vmem>> -> memref<8x128xf32, #tpu.memory_space<vmem>>
    %dma_wait3A_231 = arith.constant 0 : i32
    %dma_wait3A_232 = arith.constant 0 : i32
    %dma_wait3A_233 = tpu.memref_slice %arg4[%dma_wait3A_225, %dma_wait3A_226, %add3A, %dma_wait3A_231, %dma_wait3A_232] : memref<200x8x32x8x128xf32, #tpu.memory_space<hbm>> -> memref<1x1x1x8x128xf32, #tpu.memory_space<hbm>>
    %dma_wait3A_234 = tpu.memref_squeeze %dma_wait3A_233 : memref<1x1x1x8x128xf32, #tpu.memory_space<hbm>> -> memref<8x128xf32, #tpu.memory_space<hbm>>
    %dma_wait3A_235 = arith.constant 0 : i32
    %dma_wait3A_236 = arith.constant 0 : i32
    %dma_wait3A_237 = tpu.memref_slice %arg4[%dma_wait3A_225, %dma_wait3A_226, %add3A, %dma_wait3A_235, %dma_wait3A_236] : memref<200x8x32x8x128xf32, #tpu.memory_space<hbm>> -> memref<1x1x1x8x128xf32, #tpu.memory_space<hbm>>
    %dma_wait3A_238 = tpu.memref_squeeze %dma_wait3A_237 : memref<1x1x1x8x128xf32, #tpu.memory_space<hbm>> -> memref<8x128xf32, #tpu.memory_space<hbm>>
    %dma_wait3A_239 = arith.constant 0 : i32
    %dma_wait3A_240 = arith.constant 0 : i32
    %dma_wait3A_241 = tpu.memref_slice %arg8[%dma_wait3A_224, %dma_wait3A_239, %dma_wait3A_240] : memref<2x64x129xf32, #tpu.memory_space<vmem>> -> memref<1x8x128xf32, #tpu.memory_space<vmem>>
    %dma_wait3A_242 = tpu.memref_squeeze %dma_wait3A_241 : memref<1x8x128xf32, #tpu.memory_space<vmem>> -> memref<8x128xf32, #tpu.memory_space<vmem>>
    tpu.wait_dma2 semaphore(%arg10 : memref<!tpu.dma_semaphore, #tpu.memory_space<semaphore_mem>>) src(%dma_wait3A_242 : memref<8x128xf32, #tpu.memory_space<vmem>>) dst(%dma_wait3A_238 : memref<8x128xf32, #tpu.memory_space<hbm>>)
    %dma_wait3A_243 = arith.constant 1 : i32
    %dma_wait3A_244 = arith.constant 199 : i32
    %dma_wait3A_245 = arith.constant 1 : i32
    %dma_wait3A_246 = arith.constant 8 : i32
    %dma_wait3A_247 = arith.constant 0 : i32
    %dma_wait3A_248 = tpu.memref_slice %arg8[%dma_wait3A_243, %dma_wait3A_246, %dma_wait3A_247] : memref<2x64x129xf32, #tpu.memory_space<vmem>> -> memref<1x8x128xf32, #tpu.memory_space<vmem>>
    %dma_wait3A_249 = tpu.memref_squeeze %dma_wait3A_248 : memref<1x8x128xf32, #tpu.memory_space<vmem>> -> memref<8x128xf32, #tpu.memory_space<vmem>>
    %dma_wait3A_250 = arith.constant 0 : i32
    %dma_wait3A_251 = arith.constant 0 : i32
    %dma_wait3A_252 = tpu.memref_slice %arg4[%dma_wait3A_244, %dma_wait3A_245, %add3A, %dma_wait3A_250, %dma_wait3A_251] : memref<200x8x32x8x128xf32, #tpu.memory_space<hbm>> -> memref<1x1x1x8x128xf32, #tpu.memory_space<hbm>>
    %dma_wait3A_253 = tpu.memref_squeeze %dma_wait3A_252 : memref<1x1x1x8x128xf32, #tpu.memory_space<hbm>> -> memref<8x128xf32, #tpu.memory_space<hbm>>
    %dma_wait3A_254 = arith.constant 0 : i32
    %dma_wait3A_255 = arith.constant 0 : i32
    %dma_wait3A_256 = tpu.memref_slice %arg4[%dma_wait3A_244, %dma_wait3A_245, %add3A, %dma_wait3A_254, %dma_wait3A_255] : memref<200x8x32x8x128xf32, #tpu.memory_space<hbm>> -> memref<1x1x1x8x128xf32, #tpu.memory_space<hbm>>
    %dma_wait3A_257 = tpu.memref_squeeze %dma_wait3A_256 : memref<1x1x1x8x128xf32, #tpu.memory_space<hbm>> -> memref<8x128xf32, #tpu.memory_space<hbm>>
    %dma_wait3A_258 = arith.constant 8 : i32
    %dma_wait3A_259 = arith.constant 0 : i32
    %dma_wait3A_260 = tpu.memref_slice %arg8[%dma_wait3A_243, %dma_wait3A_258, %dma_wait3A_259] : memref<2x64x129xf32, #tpu.memory_space<vmem>> -> memref<1x8x128xf32, #tpu.memory_space<vmem>>
    %dma_wait3A_261 = tpu.memref_squeeze %dma_wait3A_260 : memref<1x8x128xf32, #tpu.memory_space<vmem>> -> memref<8x128xf32, #tpu.memory_space<vmem>>
    tpu.wait_dma2 semaphore(%arg10 : memref<!tpu.dma_semaphore, #tpu.memory_space<semaphore_mem>>) src(%dma_wait3A_261 : memref<8x128xf32, #tpu.memory_space<vmem>>) dst(%dma_wait3A_257 : memref<8x128xf32, #tpu.memory_space<hbm>>)
    %dma_wait3A_262 = arith.constant 1 : i32
    %dma_wait3A_263 = arith.constant 199 : i32
    %dma_wait3A_264 = arith.constant 2 : i32
    %dma_wait3A_265 = arith.constant 16 : i32
    %dma_wait3A_266 = arith.constant 0 : i32
    %dma_wait3A_267 = tpu.memref_slice %arg8[%dma_wait3A_262, %dma_wait3A_265, %dma_wait3A_266] : memref<2x64x129xf32, #tpu.memory_space<vmem>> -> memref<1x8x128xf32, #tpu.memory_space<vmem>>
    %dma_wait3A_268 = tpu.memref_squeeze %dma_wait3A_267 : memref<1x8x128xf32, #tpu.memory_space<vmem>> -> memref<8x128xf32, #tpu.memory_space<vmem>>
    %dma_wait3A_269 = arith.constant 0 : i32
    %dma_wait3A_270 = arith.constant 0 : i32
    %dma_wait3A_271 = tpu.memref_slice %arg4[%dma_wait3A_263, %dma_wait3A_264, %add3A, %dma_wait3A_269, %dma_wait3A_270] : memref<200x8x32x8x128xf32, #tpu.memory_space<hbm>> -> memref<1x1x1x8x128xf32, #tpu.memory_space<hbm>>
    %dma_wait3A_272 = tpu.memref_squeeze %dma_wait3A_271 : memref<1x1x1x8x128xf32, #tpu.memory_space<hbm>> -> memref<8x128xf32, #tpu.memory_space<hbm>>
    %dma_wait3A_273 = arith.constant 0 : i32
    %dma_wait3A_274 = arith.constant 0 : i32
    %dma_wait3A_275 = tpu.memref_slice %arg4[%dma_wait3A_263, %dma_wait3A_264, %add3A, %dma_wait3A_273, %dma_wait3A_274] : memref<200x8x32x8x128xf32, #tpu.memory_space<hbm>> -> memref<1x1x1x8x128xf32, #tpu.memory_space<hbm>>
    %dma_wait3A_276 = tpu.memref_squeeze %dma_wait3A_275 : memref<1x1x1x8x128xf32, #tpu.memory_space<hbm>> -> memref<8x128xf32, #tpu.memory_space<hbm>>
    %dma_wait3A_277 = arith.constant 16 : i32
    %dma_wait3A_278 = arith.constant 0 : i32
    %dma_wait3A_279 = tpu.memref_slice %arg8[%dma_wait3A_262, %dma_wait3A_277, %dma_wait3A_278] : memref<2x64x129xf32, #tpu.memory_space<vmem>> -> memref<1x8x128xf32, #tpu.memory_space<vmem>>
    %dma_wait3A_280 = tpu.memref_squeeze %dma_wait3A_279 : memref<1x8x128xf32, #tpu.memory_space<vmem>> -> memref<8x128xf32, #tpu.memory_space<vmem>>
    tpu.wait_dma2 semaphore(%arg10 : memref<!tpu.dma_semaphore, #tpu.memory_space<semaphore_mem>>) src(%dma_wait3A_280 : memref<8x128xf32, #tpu.memory_space<vmem>>) dst(%dma_wait3A_276 : memref<8x128xf32, #tpu.memory_space<hbm>>)
    %dma_wait3A_281 = arith.constant 1 : i32
    %dma_wait3A_282 = arith.constant 199 : i32
    %dma_wait3A_283 = arith.constant 3 : i32
    %dma_wait3A_284 = arith.constant 24 : i32
    %dma_wait3A_285 = arith.constant 0 : i32
    %dma_wait3A_286 = tpu.memref_slice %arg8[%dma_wait3A_281, %dma_wait3A_284, %dma_wait3A_285] : memref<2x64x129xf32, #tpu.memory_space<vmem>> -> memref<1x8x128xf32, #tpu.memory_space<vmem>>
    %dma_wait3A_287 = tpu.memref_squeeze %dma_wait3A_286 : memref<1x8x128xf32, #tpu.memory_space<vmem>> -> memref<8x128xf32, #tpu.memory_space<vmem>>
    %dma_wait3A_288 = arith.constant 0 : i32
    %dma_wait3A_289 = arith.constant 0 : i32
    %dma_wait3A_290 = tpu.memref_slice %arg4[%dma_wait3A_282, %dma_wait3A_283, %add3A, %dma_wait3A_288, %dma_wait3A_289] : memref<200x8x32x8x128xf32, #tpu.memory_space<hbm>> -> memref<1x1x1x8x128xf32, #tpu.memory_space<hbm>>
    %dma_wait3A_291 = tpu.memref_squeeze %dma_wait3A_290 : memref<1x1x1x8x128xf32, #tpu.memory_space<hbm>> -> memref<8x128xf32, #tpu.memory_space<hbm>>
    %dma_wait3A_292 = arith.constant 0 : i32
    %dma_wait3A_293 = arith.constant 0 : i32
    %dma_wait3A_294 = tpu.memref_slice %arg4[%dma_wait3A_282, %dma_wait3A_283, %add3A, %dma_wait3A_292, %dma_wait3A_293] : memref<200x8x32x8x128xf32, #tpu.memory_space<hbm>> -> memref<1x1x1x8x128xf32, #tpu.memory_space<hbm>>
    %dma_wait3A_295 = tpu.memref_squeeze %dma_wait3A_294 : memref<1x1x1x8x128xf32, #tpu.memory_space<hbm>> -> memref<8x128xf32, #tpu.memory_space<hbm>>
    %dma_wait3A_296 = arith.constant 24 : i32
    %dma_wait3A_297 = arith.constant 0 : i32
    %dma_wait3A_298 = tpu.memref_slice %arg8[%dma_wait3A_281, %dma_wait3A_296, %dma_wait3A_297] : memref<2x64x129xf32, #tpu.memory_space<vmem>> -> memref<1x8x128xf32, #tpu.memory_space<vmem>>
    %dma_wait3A_299 = tpu.memref_squeeze %dma_wait3A_298 : memref<1x8x128xf32, #tpu.memory_space<vmem>> -> memref<8x128xf32, #tpu.memory_space<vmem>>
    tpu.wait_dma2 semaphore(%arg10 : memref<!tpu.dma_semaphore, #tpu.memory_space<semaphore_mem>>) src(%dma_wait3A_299 : memref<8x128xf32, #tpu.memory_space<vmem>>) dst(%dma_wait3A_295 : memref<8x128xf32, #tpu.memory_space<hbm>>)
    %dma_wait3A_300 = arith.constant 1 : i32
    %dma_wait3A_301 = arith.constant 199 : i32
    %dma_wait3A_302 = arith.constant 4 : i32
    %dma_wait3A_303 = arith.constant 32 : i32
    %dma_wait3A_304 = arith.constant 0 : i32
    %dma_wait3A_305 = tpu.memref_slice %arg8[%dma_wait3A_300, %dma_wait3A_303, %dma_wait3A_304] : memref<2x64x129xf32, #tpu.memory_space<vmem>> -> memref<1x8x128xf32, #tpu.memory_space<vmem>>
    %dma_wait3A_306 = tpu.memref_squeeze %dma_wait3A_305 : memref<1x8x128xf32, #tpu.memory_space<vmem>> -> memref<8x128xf32, #tpu.memory_space<vmem>>
    %dma_wait3A_307 = arith.constant 0 : i32
    %dma_wait3A_308 = arith.constant 0 : i32
    %dma_wait3A_309 = tpu.memref_slice %arg4[%dma_wait3A_301, %dma_wait3A_302, %add3A, %dma_wait3A_307, %dma_wait3A_308] : memref<200x8x32x8x128xf32, #tpu.memory_space<hbm>> -> memref<1x1x1x8x128xf32, #tpu.memory_space<hbm>>
    %dma_wait3A_310 = tpu.memref_squeeze %dma_wait3A_309 : memref<1x1x1x8x128xf32, #tpu.memory_space<hbm>> -> memref<8x128xf32, #tpu.memory_space<hbm>>
    %dma_wait3A_311 = arith.constant 0 : i32
    %dma_wait3A_312 = arith.constant 0 : i32
    %dma_wait3A_313 = tpu.memref_slice %arg4[%dma_wait3A_301, %dma_wait3A_302, %add3A, %dma_wait3A_311, %dma_wait3A_312] : memref<200x8x32x8x128xf32, #tpu.memory_space<hbm>> -> memref<1x1x1x8x128xf32, #tpu.memory_space<hbm>>
    %dma_wait3A_314 = tpu.memref_squeeze %dma_wait3A_313 : memref<1x1x1x8x128xf32, #tpu.memory_space<hbm>> -> memref<8x128xf32, #tpu.memory_space<hbm>>
    %dma_wait3A_315 = arith.constant 32 : i32
    %dma_wait3A_316 = arith.constant 0 : i32
    %dma_wait3A_317 = tpu.memref_slice %arg8[%dma_wait3A_300, %dma_wait3A_315, %dma_wait3A_316] : memref<2x64x129xf32, #tpu.memory_space<vmem>> -> memref<1x8x128xf32, #tpu.memory_space<vmem>>
    %dma_wait3A_318 = tpu.memref_squeeze %dma_wait3A_317 : memref<1x8x128xf32, #tpu.memory_space<vmem>> -> memref<8x128xf32, #tpu.memory_space<vmem>>
    tpu.wait_dma2 semaphore(%arg10 : memref<!tpu.dma_semaphore, #tpu.memory_space<semaphore_mem>>) src(%dma_wait3A_318 : memref<8x128xf32, #tpu.memory_space<vmem>>) dst(%dma_wait3A_314 : memref<8x128xf32, #tpu.memory_space<hbm>>)
    %dma_wait3A_319 = arith.constant 1 : i32
    %dma_wait3A_320 = arith.constant 199 : i32
    %dma_wait3A_321 = arith.constant 5 : i32
    %dma_wait3A_322 = arith.constant 40 : i32
    %dma_wait3A_323 = arith.constant 0 : i32
    %dma_wait3A_324 = tpu.memref_slice %arg8[%dma_wait3A_319, %dma_wait3A_322, %dma_wait3A_323] : memref<2x64x129xf32, #tpu.memory_space<vmem>> -> memref<1x8x128xf32, #tpu.memory_space<vmem>>
    %dma_wait3A_325 = tpu.memref_squeeze %dma_wait3A_324 : memref<1x8x128xf32, #tpu.memory_space<vmem>> -> memref<8x128xf32, #tpu.memory_space<vmem>>
    %dma_wait3A_326 = arith.constant 0 : i32
    %dma_wait3A_327 = arith.constant 0 : i32
    %dma_wait3A_328 = tpu.memref_slice %arg4[%dma_wait3A_320, %dma_wait3A_321, %add3A, %dma_wait3A_326, %dma_wait3A_327] : memref<200x8x32x8x128xf32, #tpu.memory_space<hbm>> -> memref<1x1x1x8x128xf32, #tpu.memory_space<hbm>>
    %dma_wait3A_329 = tpu.memref_squeeze %dma_wait3A_328 : memref<1x1x1x8x128xf32, #tpu.memory_space<hbm>> -> memref<8x128xf32, #tpu.memory_space<hbm>>
    %dma_wait3A_330 = arith.constant 0 : i32
    %dma_wait3A_331 = arith.constant 0 : i32
    %dma_wait3A_332 = tpu.memref_slice %arg4[%dma_wait3A_320, %dma_wait3A_321, %add3A, %dma_wait3A_330, %dma_wait3A_331] : memref<200x8x32x8x128xf32, #tpu.memory_space<hbm>> -> memref<1x1x1x8x128xf32, #tpu.memory_space<hbm>>
    %dma_wait3A_333 = tpu.memref_squeeze %dma_wait3A_332 : memref<1x1x1x8x128xf32, #tpu.memory_space<hbm>> -> memref<8x128xf32, #tpu.memory_space<hbm>>
    %dma_wait3A_334 = arith.constant 40 : i32
    %dma_wait3A_335 = arith.constant 0 : i32
    %dma_wait3A_336 = tpu.memref_slice %arg8[%dma_wait3A_319, %dma_wait3A_334, %dma_wait3A_335] : memref<2x64x129xf32, #tpu.memory_space<vmem>> -> memref<1x8x128xf32, #tpu.memory_space<vmem>>
    %dma_wait3A_337 = tpu.memref_squeeze %dma_wait3A_336 : memref<1x8x128xf32, #tpu.memory_space<vmem>> -> memref<8x128xf32, #tpu.memory_space<vmem>>
    tpu.wait_dma2 semaphore(%arg10 : memref<!tpu.dma_semaphore, #tpu.memory_space<semaphore_mem>>) src(%dma_wait3A_337 : memref<8x128xf32, #tpu.memory_space<vmem>>) dst(%dma_wait3A_333 : memref<8x128xf32, #tpu.memory_space<hbm>>)
    %dma_wait3A_338 = arith.constant 1 : i32
    %dma_wait3A_339 = arith.constant 199 : i32
    %dma_wait3A_340 = arith.constant 6 : i32
    %dma_wait3A_341 = arith.constant 48 : i32
    %dma_wait3A_342 = arith.constant 0 : i32
    %dma_wait3A_343 = tpu.memref_slice %arg8[%dma_wait3A_338, %dma_wait3A_341, %dma_wait3A_342] : memref<2x64x129xf32, #tpu.memory_space<vmem>> -> memref<1x8x128xf32, #tpu.memory_space<vmem>>
    %dma_wait3A_344 = tpu.memref_squeeze %dma_wait3A_343 : memref<1x8x128xf32, #tpu.memory_space<vmem>> -> memref<8x128xf32, #tpu.memory_space<vmem>>
    %dma_wait3A_345 = arith.constant 0 : i32
    %dma_wait3A_346 = arith.constant 0 : i32
    %dma_wait3A_347 = tpu.memref_slice %arg4[%dma_wait3A_339, %dma_wait3A_340, %add3A, %dma_wait3A_345, %dma_wait3A_346] : memref<200x8x32x8x128xf32, #tpu.memory_space<hbm>> -> memref<1x1x1x8x128xf32, #tpu.memory_space<hbm>>
    %dma_wait3A_348 = tpu.memref_squeeze %dma_wait3A_347 : memref<1x1x1x8x128xf32, #tpu.memory_space<hbm>> -> memref<8x128xf32, #tpu.memory_space<hbm>>
    %dma_wait3A_349 = arith.constant 0 : i32
    %dma_wait3A_350 = arith.constant 0 : i32
    %dma_wait3A_351 = tpu.memref_slice %arg4[%dma_wait3A_339, %dma_wait3A_340, %add3A, %dma_wait3A_349, %dma_wait3A_350] : memref<200x8x32x8x128xf32, #tpu.memory_space<hbm>> -> memref<1x1x1x8x128xf32, #tpu.memory_space<hbm>>
    %dma_wait3A_352 = tpu.memref_squeeze %dma_wait3A_351 : memref<1x1x1x8x128xf32, #tpu.memory_space<hbm>> -> memref<8x128xf32, #tpu.memory_space<hbm>>
    %dma_wait3A_353 = arith.constant 48 : i32
    %dma_wait3A_354 = arith.constant 0 : i32
    %dma_wait3A_355 = tpu.memref_slice %arg8[%dma_wait3A_338, %dma_wait3A_353, %dma_wait3A_354] : memref<2x64x129xf32, #tpu.memory_space<vmem>> -> memref<1x8x128xf32, #tpu.memory_space<vmem>>
    %dma_wait3A_356 = tpu.memref_squeeze %dma_wait3A_355 : memref<1x8x128xf32, #tpu.memory_space<vmem>> -> memref<8x128xf32, #tpu.memory_space<vmem>>
    tpu.wait_dma2 semaphore(%arg10 : memref<!tpu.dma_semaphore, #tpu.memory_space<semaphore_mem>>) src(%dma_wait3A_356 : memref<8x128xf32, #tpu.memory_space<vmem>>) dst(%dma_wait3A_352 : memref<8x128xf32, #tpu.memory_space<hbm>>)
    %dma_wait3A_357 = arith.constant 1 : i32
    %dma_wait3A_358 = arith.constant 199 : i32
    %dma_wait3A_359 = arith.constant 7 : i32
    %dma_wait3A_360 = arith.constant 56 : i32
    %dma_wait3A_361 = arith.constant 0 : i32
    %dma_wait3A_362 = tpu.memref_slice %arg8[%dma_wait3A_357, %dma_wait3A_360, %dma_wait3A_361] : memref<2x64x129xf32, #tpu.memory_space<vmem>> -> memref<1x8x128xf32, #tpu.memory_space<vmem>>
    %dma_wait3A_363 = tpu.memref_squeeze %dma_wait3A_362 : memref<1x8x128xf32, #tpu.memory_space<vmem>> -> memref<8x128xf32, #tpu.memory_space<vmem>>
    %dma_wait3A_364 = arith.constant 0 : i32
    %dma_wait3A_365 = arith.constant 0 : i32
    %dma_wait3A_366 = tpu.memref_slice %arg4[%dma_wait3A_358, %dma_wait3A_359, %add3A, %dma_wait3A_364, %dma_wait3A_365] : memref<200x8x32x8x128xf32, #tpu.memory_space<hbm>> -> memref<1x1x1x8x128xf32, #tpu.memory_space<hbm>>
    %dma_wait3A_367 = tpu.memref_squeeze %dma_wait3A_366 : memref<1x1x1x8x128xf32, #tpu.memory_space<hbm>> -> memref<8x128xf32, #tpu.memory_space<hbm>>
    %dma_wait3A_368 = arith.constant 0 : i32
    %dma_wait3A_369 = arith.constant 0 : i32
    %dma_wait3A_370 = tpu.memref_slice %arg4[%dma_wait3A_358, %dma_wait3A_359, %add3A, %dma_wait3A_368, %dma_wait3A_369] : memref<200x8x32x8x128xf32, #tpu.memory_space<hbm>> -> memref<1x1x1x8x128xf32, #tpu.memory_space<hbm>>
    %dma_wait3A_371 = tpu.memref_squeeze %dma_wait3A_370 : memref<1x1x1x8x128xf32, #tpu.memory_space<hbm>> -> memref<8x128xf32, #tpu.memory_space<hbm>>
    %dma_wait3A_372 = arith.constant 56 : i32
    %dma_wait3A_373 = arith.constant 0 : i32
    %dma_wait3A_374 = tpu.memref_slice %arg8[%dma_wait3A_357, %dma_wait3A_372, %dma_wait3A_373] : memref<2x64x129xf32, #tpu.memory_space<vmem>> -> memref<1x8x128xf32, #tpu.memory_space<vmem>>
    %dma_wait3A_375 = tpu.memref_squeeze %dma_wait3A_374 : memref<1x8x128xf32, #tpu.memory_space<vmem>> -> memref<8x128xf32, #tpu.memory_space<vmem>>
    tpu.wait_dma2 semaphore(%arg10 : memref<!tpu.dma_semaphore, #tpu.memory_space<semaphore_mem>>) src(%dma_wait3A_375 : memref<8x128xf32, #tpu.memory_space<vmem>>) dst(%dma_wait3A_371 : memref<8x128xf32, #tpu.memory_space<hbm>>)
    return
  }
}

</mosaic_0001>

<sc_bundles>
// kernel: _embed.3.cloned.1.call-start
scs
__scs_entry_jumppad:
0x0: {  	(pc) =	sbr.rel $0x88, $3  }
0x1: {  	(tag) =	ssettag $0x0;
	lr =	simm.s32 $0x1  }
0x2: {  	[smem:$0x3F9F] =	sst lr;
	_ =	strace $0xD0000000  }
0x3: {  	_ = 	snop  }
0x4: {  	_ = 	snop  }
0x5: {  	_ = 	snop  }
0x6: {  	_ = 	snop  }
0x7: {  	_ = 	snop  }
__scs_overlays_trampoline_lowered:
0x8: {  	[smem:$0x3FAE] =	sst s0  }
0x9: {  	[smem:$0x3FAF] =	sst s1  }
0xa: {  	[smem:$0x3FB0] =	sst s2  }
0xb: {  	[smem:$0x3FB1] =	sst s3  }
0xc: {  	[smem:$0x3FB2] =	sst s4  }
0xd: {  	[smem:$0x3FB3] =	sst s5  }
0xe: {  	[smem:$0x3FB4] =	sst s6  }
0xf: {  	[smem:$0x3FB5] =	sst s7  }
0x10: {  	[smem:$0x3FB6] =	sst s8  }
0x11: {  	[smem:$0x3FB7] =	sst s9;
	s0 =	simm.s32 @!p0 $0x0  }
0x12: {  	s1 =	sld [smem:$0x3F9D];
	s0 =	simm.s32 @p0 $0x1  }
0x13: {  	[smem:$0x3FB8] =	sst s0;
	s0 =	simm.s32 @!p1 $0x0  }
0x14: {  	s2 =	sld [smem:$0x3F9C];
	s0 =	simm.s32 @p1 $0x1  }
0x15: {  	[smem:$0x3FB9] =	sst s0;
	s0 =	simm.s32 @!p2 $0x0  }
0x16: {  	s3 =	sld [smem:$0x3FDB];
	s0 =	simm.s32 @p2 $0x1  }
0x17: {  	s4 =	simm.s32 $0x1BF5;
	[smem:$0x3FBB] =	sst s0  }
0x18: {  	s0 =	sld [smem:$0x3F9E];
	_ =	swait.ge [sflag:s4], $0x0  }
0x19: {  	s7 =	sld [smem:$0x3F9F]  }
0x1a: {  	s8 =	sadd.s32 $0xFFFFE003, lr  }
0x1b: {  	s9 =	sadd.s32 $0xFFFFFEF7, lr;
	s5 =	simm.s32 $0xFFFFFFFF;
	p2 =	slt.u32 s8, $0xFFFFF086  }
0x1c: {  	p1 =	slt.u32 s9, $0xF7A;
	s5 =	simm.s32 @!p2 $0x0  }
0x1d: {  	s5 =	simm.s32 @p1 $0x1;
	p0 =	seq.s32 s7, s2  }
0x1e: {  	s7 =	smul.u32 @!p0 $0xF7A, s2;
	p2 =	seq.s32 @!p0 s5, $0x0  }
0x1f: {  	s9 =	smul.u32 $0xF7A, s1;
	s8 =	simm.s32 @!p0 $0x1BF5;
	p2 =	por !p2, p0  }
0x20: {  	[sflag:s8] =	ssyncset.s32 @!p0 $0xFFFFF086;
	s6 =	sadd.s32 @!p0 s3, s7;
	s7 =	simm.s32 @!p0 $0x108  }
0x21: {  	s3 =	sadd.s32 s3, s9;
	s6 =	sadd.s32 @!p0 $0x88, s6;
	s7 =	simm.s32 @p2 $0x1082  }
0x22: {  	[simem:s7], [sflag:s8] =	dma.local @!p0 [hbm:s6], $0xF7A  }
0x23: {  	s9 =	sor.u32 $0xD0000000, s2;
	s6 =	simm.s32 $0x108;
	_ =	swait.ge @!p0 [sflag:s8], $0x0  }
0x24: {  	s3 =	sadd.s32 $0x88, s3;
	s6 =	simm.s32 @!p1 $0x1082;
	[sflag:s4] =	ssyncset.s32 $0xFFFFF086  }
0x25: {  	[simem:s6], [sflag:s4] =	dma.local [hbm:s3], $0xF7A  }
0x26: {  	[smem:$0x3F9F] =	sst s1;
	(tag) =	ssettag s2;
	_ =	strace s9  }
0x27: {  	s1 =	sld [smem:$0x3FAF]  }
0x28: {  	s2 =	sld [smem:$0x3FB0]  }
0x29: {  	s4 =	sld [smem:$0x3FB2]  }
0x2a: {  	p0 =	seq.s32 s5, $0x0;
	s5 =	sld [smem:$0x3FB3]  }
0x2b: {  	s6 =	sld [smem:$0x3FB4]  }
0x2c: {  	s7 =	sld [smem:$0x3FB5]  }
0x2d: {  	s3 =	simm.s32 $0x108;
	s8 =	sld [smem:$0x3FB6]  }
0x2e: {  	s3 =	simm.s32 @!p0 $0x1082;
	s9 =	sld [smem:$0x3FB7]  }
0x2f: {  	lr =	sadd.s32 s0, s3;
	s0 =	sld [smem:$0x3FAE]  }
0x30: {  	s3 =	sld [smem:$0x3FB1]  }
0x31: {  	[smem:$0x3FBA] =	sst s10  }
0x32: {  	s10 =	sld [smem:$0x3FB8];
	_ =	sdelay $0x3  }
0x33: {  	p0 =	seq.s32 s10, $0x1;
	s10 =	sld [smem:$0x3FBA];
	_ =	sdelay $0x3  }
0x34: {  	[smem:$0x3FBA] =	sst s10  }
0x35: {  	s10 =	sld [smem:$0x3FB9];
	_ =	sdelay $0x3  }
0x36: {  	p1 =	seq.s32 s10, $0x1;
	s10 =	sld [smem:$0x3FBA];
	_ =	sdelay $0x3  }
0x37: {  	[smem:$0x3FBA] =	sst s10  }
0x38: {  	s10 =	sld [smem:$0x3FBB]  }
0x39: {  	_ = 	snop;
	(pc) =	sbr.ind lr, $3  }
0x3a: {  	_ = 	snop  }
0x3b: {  	_ = 	snop  }
0x3c: {  	p2 =	seq.s32 s10, $0x1;
	s10 =	sld [smem:$0x3FBA]  }
0x3d: {  	_ =	shalt  }
0x3e: {  	_ =	shalt  }
0x3f: {  	_ =	shalt  }
0x40: {  	_ =	shalt  }
0x41: {  	_ =	shalt  }
0x42: {  	_ =	shalt  }
0x43: {  	_ =	shalt  }
0x44: {  	_ =	shalt  }
0x45: {  	_ =	shalt  }
0x46: {  	_ =	shalt  }
0x47: {  	_ =	shalt  }
0x48: {  	_ =	shalt  }
0x49: {  	_ =	shalt  }
0x4a: {  	_ =	shalt  }
0x4b: {  	_ =	shalt  }
0x4c: {  	_ =	shalt  }
0x4d: {  	_ =	shalt  }
0x4e: {  	_ =	shalt  }
0x4f: {  	_ =	shalt  }
0x50: {  	_ =	shalt  }
0x51: {  	_ =	shalt  }
0x52: {  	_ =	shalt  }
0x53: {  	_ =	shalt  }
0x54: {  	_ =	shalt  }
0x55: {  	_ =	shalt  }
0x56: {  	_ =	shalt  }
0x57: {  	_ =	shalt  }
0x58: {  	_ =	shalt  }
0x59: {  	_ =	shalt  }
0x5a: {  	_ =	shalt  }
0x5b: {  	_ =	shalt  }
0x5c: {  	_ =	shalt  }
0x5d: {  	_ =	shalt  }
0x5e: {  	_ =	shalt  }
0x5f: {  	_ =	shalt  }
0x60: {  	_ =	shalt  }
0x61: {  	_ =	shalt  }
0x62: {  	_ =	shalt  }
0x63: {  	_ =	shalt  }
0x64: {  	_ =	shalt  }
0x65: {  	_ =	shalt  }
0x66: {  	_ =	shalt  }
0x67: {  	_ =	shalt  }
0x68: {  	_ =	shalt  }
0x69: {  	_ =	shalt  }
0x6a: {  	_ =	shalt  }
0x6b: {  	_ =	shalt  }
0x6c: {  	_ =	shalt  }
0x6d: {  	_ =	shalt  }
0x6e: {  	_ =	shalt  }
0x6f: {  	_ =	shalt  }
0x70: {  	_ =	shalt  }
0x71: {  	_ =	shalt  }
0x72: {  	_ =	shalt  }
0x73: {  	_ =	shalt  }
0x74: {  	_ =	shalt  }
0x75: {  	_ =	shalt  }
0x76: {  	_ =	shalt  }
0x77: {  	_ =	shalt  }
0x78: {  	_ =	shalt  }
0x79: {  	_ =	shalt  }
0x7a: {  	_ =	shalt  }
0x7b: {  	_ =	shalt  }
0x7c: {  	_ =	shalt  }
0x7d: {  	_ =	shalt  }
0x7e: {  	_ =	shalt  }
0x7f: {  	_ =	shalt  }
0x80: {  	_ =	shalt  }
0x81: {  	_ =	shalt  }
0x82: {  	_ =	shalt  }
0x83: {  	_ =	shalt  }
0x84: {  	_ =	shalt  }
0x85: {  	_ =	shalt  }
0x86: {  	_ =	shalt  }
0x87: {  	_ =	shalt  }
.Lfunc_end0:
.L_simem_size_0:
called_computation_lowered:
.L_overlay_start_0:
0x88: {  	s2 =	sld [smem:$0x3FD9]  }
0x89: {  	s3 =	sld [smem:$0x3FFE];
	_ =	sdelay $0x1  }
0x8a: {  	s1 =	srdreg.scid  }
0x8b: {  	s0 =	sand.u32 $0x1, s1  }
0x8c: {  	s17 =	sshll.u32 s0, $0xA;
	s2 =	sadd.s32 s3, s2  }
0x8d: {  	s2 =	sadd.s32 s2, s17  }
0x8e: {  	[smem:$0x3FC6] =	sst s2  }
0x8f: {  	_ = 	snop  }
0x90: {  	s2 =	sld [smem:$0x3FC9]  }
0x91: {  	s18 =	sld [smem:$0x3FD0];
	(tm) =	ssettm $0x1  }
0x92: {  	s4 =	sld [smem:$0x3FFB];
	_ =	sdelay $0x3  }
0x93: {  	_ =	strace s4  }
0x94: {  	s4 =	sld [smem:$0x3FFC];
	_ =	sdelay $0x3  }
0x95: {  	_ =	strace s4  }
0x96: {  	s4 =	sld [smem:$0x3FFD];
	_ =	sdelay $0x3  }
0x97: {  	_ =	strace s4  }
0x98: {  	_ =	strace $0x8FFFFFFF  }
0x99: {  	s19 =	sld [smem:$0x3FDB];
	_ =	sdelay $0x1  }
0x9a: {  	s5 =	simm.s32 $_scs_section_size  }
0x9b: {  	s6 =	simm.s32 $_size__tile_overlayer_lowered;
	s7 =	simm.s32 $_tile_overlayer_lowered  }
0x9c: {  	s22 =	simm.s32 $0x1BFF;
	s21 =	sshll.u32 s7, $0x1;
	s4 =	sadd.s32 s5, s19  }
0x9d: {  	s8 =	simm.s32 $0x0;
	s20 =	sshll.u32 s6, $0x1;
	s6 =	sadd.s32 s21, s4  }
0x9e: {  	[timem:s8], [sflag:s22] =	dma.local [hbm:s6], s20  }
0x9f: {  	_ =	swait.ge [sflag:s22], s20  }
0xa0: {  	s5 =	ssub.s32 $0x0, s20;
	[sflag:s22] =	ssyncset.done $0x0  }
0xa1: {  	[sflag:s22] =	ssyncadd.s32 s5;
	_ =	sdelay $0x1  }
0xa2: {  	s23 =	simm.s32 $0x1B8B  }
0xa3: {  	_ =	swait.ge [sflag:s23], $0x1  }
0xa4: {  	[sflag:s23] =	ssyncset.done $0x0  }
0xa5: {  	s25 =	simm.s32 $0x1B8E;
	s24 =	sld [smem:$0x3FFE];
	[sflag:s23] =	ssyncadd.s32 $0xFFFFFFFF  }
0xa6: {  	s26 =	simm.s32 $execute0_lowered;
	[smem:$0x3FD2] =	sst s25  }
0xa7: {  	s6 =	sshll.u32 s26, $0x1;
	_ =	strace $0x80000046;
	[dreg:$0x1] =	wrdreg $0xFFFFFFFF  }
0xa8: {  	s28 =	simm.s32 $_size_execute0_lowered;
	s4 =	sadd.s32 s4, s6;
	[dreg:$0x0] =	wrdreg $0x0  }
0xa9: {  	s6 =	sshll.u32 s28, $0x1;
	[dreg:$0x2] =	wrdreg s4  }
0xaa: {  	[dreg:$0x3] =	wrdreg s6  }
0xab: {  	[dreg:$0x4] =	wrdreg $0xC0  }
0xac: {  	_ =	task [dreg:s8], $0x5FFFF  }
0xad: {  	[dreg:$0x1] =	wrdreg $0xFFFFFFFF  }
0xae: {  	[dreg:$0x0] =	wrdreg $0x60  }
0xaf: {  	[dreg:$0x2] =	wrdreg s2  }
0xb0: {  	[dreg:$0x3] =	wrdreg s24  }
0xb1: {  	[dreg:$0x4] =	wrdreg s18  }
0xb2: {  	[dreg:$0x5] =	wrdreg $0x9  }
0xb3: {  	_ =	task.clear_ibuf [dreg:s8], $0x6FFFF;
	_ =	strace $0x90000046  }
0xb4: {  	s29 =	simm.s32 $0x9;
	_ =	strace $0x80000048  }
0xb5: {  	_ =	swait.ge [sflag:s29], $0x1  }
0xb6: {  	[sflag:s29] =	ssyncadd.s32 $0xFFFFFFFF  }
0xb7: {  	_ =	strace $0x90000048  }
0xb8: {  	_ =	sfence  }
0xb9: {  	s30 =	sld [smem:$0x0];
	_ =	sdelay $0x2  }
0xba: {  	s31 =	sshll.u32 s1, $0xD;
	s1 =	sshrl.u32 s1, $0x2  }
0xbb: {  	s3 =	sand.u32 $0x4000, s31;
	s1 =	sadd.s32 s1, s30  }
0xbc: {  	s0 =	sor.u32 s3, s0;
	s1 =	sshll.u32 s1, $0x11  }
0xbd: {  	s0 =	sor.u32 s1, s0  }
0xbe: {  	s0 =	sadd.s32 $0x8F2B, s0  }
0xbf: {  	[sflag:s0] =	ssyncadd.remote.s32 $0x1  }
0xc0: {  	_ =	sfence.sel $0xFFFF  }
0xc1: {  	[dreg:$0x0] =	wrdreg $0xFFFFFFFF;
	(pc) =	sbr.abs _section_cstart, $3  }
0xc2: {  	[dreg:$0x1] =	wrdreg $0xFFFFFFFF  }
0xc3: {  	_ =	task.clear_ibuf [dreg:s8], $0x2FFFF;
	_ =	strace $0x9FFFFFFF  }
0xc4: {  	(tm) =	ssettm $0x7FFFFFFF  }
0xc5: {  	_ =	shalt  }
tec
execute0_lowered:
.L_overlay_start_1:
0x0: {  	(tag) =	ssettag $0x1  }
0x1: {  	s0 =	rddreg [dreg:$0x0]  }
0x2: {  	s1 =	rddreg [dreg:$0x1];
	s2 =	srdreg.scid  }
0x3: {  	s3 =	stileid.u32;
	s15 =	rddreg [dreg:$0x2]  }
0x4: {  	s28 =	simm.s32 $0x18B78;
	s29 =	simm.s32 $0x2;
	s2 =	sand.u32 $0x1, s2  }
0x5: {  	s4 =	sshll.u32 s3, $0x1;
	s3 =	simm.s32 $0x0;
	s8 =	sadd.s32 $0x2000, s15  }
0x6: {  	s9 =	sadd.s32 $0x3000, s15;
	s31 =	sadd.s32 $0x8000, s15;
	[smem:$0x7FF] =	sst s3  }
0x7: {  	s14 =	sadd.s32 $0xB000, s15;
	_ =	strace $0x80000047;
	[dreg:$0x5] =	wrdreg s31  }
0x8: {  	s10 =	sadd.s32 $0x4000, s15;
	s16 =	sadd.s32 $0xC000, s15;
	[dreg:$0x8] =	wrdreg s14  }
0x9: {  	s11 =	sadd.s32 $0x5000, s15;
	s17 =	sadd.s32 $0xD000, s15;
	[dreg:$0x9] =	wrdreg s16  }
0xa: {  	s12 =	sadd.s32 $0x6000, s15;
	s18 =	sadd.s32 $0xE000, s15;
	[dreg:$0xa] =	wrdreg s17  }
0xb: {  	s13 =	sadd.s32 $0x7000, s15;
	s19 =	sadd.s32 $0xF000, s15;
	[dreg:$0xb] =	wrdreg s18  }
0xc: {  	s20 =	sadd.s32 $0x10000, s15;
	s21 =	sadd.s32 $0x11000, s15;
	[dreg:$0xc] =	wrdreg s19  }
0xd: {  	s22 =	sadd.s32 $0x12000, s15;
	s24 =	sadd.s32 $0x13000, s15;
	[dreg:$0xd] =	wrdreg s20  }
0xe: {  	s25 =	sadd.s32 $0x14000, s15;
	s26 =	sadd.s32 $0x15000, s15;
	[dreg:$0xe] =	wrdreg s21  }
0xf: {  	s5 =	sor.u32 s2, s4;
	s2 =	ssub.s32 $0x2, s2;
	[dreg:$0xf] =	wrdreg s22  }
0x10: {  	s4 =	sadd.s32 $0xF42800, s1;
	s1 =	simm.s32 $0x1;
	[dreg:$0x11] =	wrdreg s24  }
0x11: {  	s6 =	smul.u32 $0xC80, s5;
	s7 =	sshrl.u32 s2, $0x1;
	[dreg:$0x12] =	wrdreg s25  }
0x12: {  	[dreg:$0x13] =	wrdreg s26;
	s31 =	sadd.s32 $0x17000, s15;
	s17 =	simm.s32 $0x16A00  }
0x13: {  	s18 =	simm.s32 $0x18738;
	s19 =	simm.s32 $0x187C0;
	s20 =	simm.s32 $0x18848  }
0x14: {  	v5 =	vlaneseq.u32;
	s21 =	simm.s32 $0x188D0;
	s22 =	simm.s32 $0x18958;
	s24 =	simm.s32 $0x18A68  }
0x15: {  	v0 =	vmul.u32 $0xC8, v5;
	s30 =	ssub.s32 s2, s7;
	s2 =	sadd.s32 $0x9000, s15;
	[dreg:$0x15] =	wrdreg s31  }
0x16: {  	s26 =	simm.s32 $0x18AF0;
	s0 =	sadd.s32 s0, s6;
	[dreg:$0x6] =	wrdreg s2  }
0x17: {  	v5 =	vmul.u32 $0x88, v5;
	v1 =	vadd.s32 $0xC80, v0;
	s6 =	sshll.u32 s5, $0xA;
	s5 =	sadd.s32 $0xA000, s15;
	[dreg:$0x4] =	wrdreg s0  }
0x18: {  	v2 =	vadd.s32 $0x1900, v0;
	v3 =	vadd.s32 $0x2580, v0;
	v4 =	vadd.s32 $0x3200, v0;
	s7 =	sadd.s32 $0x1000, s15;
	s23 =	smax.u32 s30, $0x1;
	[dreg:$0x7] =	wrdreg s5  }
0x19: {  	v6 =	vadd.s32 $0x3E80, v0;
	v7 =	vadd.s32 $0x4B00, v0;
	v8 =	vadd.s32 $0x5780, v0;
	s30 =	sadd.s32 $0x16000, s15;
	s2 =	simm.s32 $0x0;
	[dreg:$0x10] =	wrdreg s23  }
0x1a: {  	v9 =	vadd.s32 $0x880, v5;
	v10 =	vadd.s32 $0x1100, v5;
	v11 =	vadd.s32 $0x1980, v5;
	[dreg:$0x14] =	wrdreg s30;
	s5 =	simm.s32 $0x14800;
	s23 =	simm.s32 $0x189E0  }
.LBB2_1:
0x1b: {  	[dreg:$0x16] =	wrdreg s2  }
0x1c: {  	v12 =	vadd.s32 s3, v0;
	s0 =	rddreg [dreg:$0x4];
	s31 =	simm.s32 $0x3  }
0x1d: {  	[tilespmem:s3], [sflag:$0x3] =	stream.linear.gather [hbm4b:s0+s3], $0x6400, $0x38;
	[tilespmem:$0x18C00] =	vst v63  }
0x1e: {  	_ =	swait.ge [sflag:s31], $0x6400  }
0x1f: {  	[sflag:s31] =	ssyncset.done $0x0  }
0x20: {  	[sflag:s31] =	ssyncadd.s32 $0xFFFF9C00  }
0x21: {  	v12 =	vld.idx.msk [tilespmem:v12+s3+$0x0], $0xffff  }
0x22: {  	v13 =	vadd.s32 s3, v1;
	_ =	sdelay $0x2  }
0x23: {  	s0 =	simm.s32 $0x6440  }
0x24: {  	[tilespmem:s0+$0xFFFFFFC0] =	vst v12  }
0x25: {  	v12 =	vld.idx.msk [tilespmem:v13+s3+$0x0], $0xffff  }
0x26: {  	v13 =	vadd.s32 s3, v2;
	_ =	sdelay $0x3  }
0x27: {  	[tilespmem:s0+$0xFFFFFFD0] =	vst v12  }
0x28: {  	v12 =	vld.idx.msk [tilespmem:v13+s3+$0x0], $0xffff  }
0x29: {  	v13 =	vadd.s32 s3, v3;
	_ =	sdelay $0x3  }
0x2a: {  	[tilespmem:s0+$0xFFFFFFE0] =	vst v12  }
0x2b: {  	v12 =	vld.idx.msk [tilespmem:v13+s3+$0x0], $0xffff  }
0x2c: {  	v13 =	vadd.s32 s3, v4;
	_ =	sdelay $0x3  }
0x2d: {  	[tilespmem:s0+$0xFFFFFFF0] =	vst v12  }
0x2e: {  	v12 =	vld.idx.msk [tilespmem:v13+s3+$0x0], $0xffff  }
0x2f: {  	v13 =	vadd.s32 s3, v6;
	_ =	sdelay $0x3  }
0x30: {  	[tilespmem:s0+$0x0] =	vst v12  }
0x31: {  	v12 =	vld.idx.msk [tilespmem:v13+s3+$0x0], $0xffff  }
0x32: {  	v13 =	vadd.s32 s3, v7;
	_ =	sdelay $0x3  }
0x33: {  	[tilespmem:s0+$0x10] =	vst v12  }
0x34: {  	v12 =	vld.idx.msk [tilespmem:v13+s3+$0x0], $0xffff  }
0x35: {  	v13 =	vadd.s32 s3, v8;
	_ =	sdelay $0x3  }
0x36: {  	[tilespmem:s0+$0x20] =	vst v12  }
0x37: {  	s2 =	simm.s32 $0x1;
	v12 =	vld.idx.msk [tilespmem:v13+s3+$0x0], $0xffff  }
0x38: {  	s14 =	simm.s32 $0x2;
	v13 =	vadd.s32 s2, v0  }
.LBB2_2:
0x39: {  	p0 =	sne.s32 s14, $0xC7;
	_ =	sdelay $0x2  }
0x3a: {  	[tilespmem:s0+$0x30] =	vst v12  }
0x3b: {  	v12 =	vld.idx.msk [tilespmem:v13+s3+$0x0], $0xffff;
	_ =	sdelay $0x1  }
0x3c: {  	v13 =	vadd.s32 s2, v1;
	_ =	sdelay $0x2  }
0x3d: {  	s0 =	sadd.s32 $0x80, s0  }
0x3e: {  	[tilespmem:s0+$0xFFFFFFC0] =	vst v12  }
0x3f: {  	v12 =	vld.idx.msk [tilespmem:v13+s3+$0x0], $0xffff;
	_ =	sdelay $0x1  }
0x40: {  	v13 =	vadd.s32 s2, v2;
	_ =	sdelay $0x3  }
0x41: {  	[tilespmem:s0+$0xFFFFFFD0] =	vst v12  }
0x42: {  	v12 =	vld.idx.msk [tilespmem:v13+s3+$0x0], $0xffff;
	_ =	sdelay $0x1  }
0x43: {  	v13 =	vadd.s32 s2, v3;
	_ =	sdelay $0x3  }
0x44: {  	[tilespmem:s0+$0xFFFFFFE0] =	vst v12  }
0x45: {  	v12 =	vld.idx.msk [tilespmem:v13+s3+$0x0], $0xffff;
	_ =	sdelay $0x1  }
0x46: {  	v13 =	vadd.s32 s2, v4;
	_ =	sdelay $0x3  }
0x47: {  	[tilespmem:s0+$0xFFFFFFF0] =	vst v12  }
0x48: {  	v12 =	vld.idx.msk [tilespmem:v13+s3+$0x0], $0xffff;
	_ =	sdelay $0x1  }
0x49: {  	v13 =	vadd.s32 s2, v6;
	_ =	sdelay $0x3  }
0x4a: {  	[tilespmem:s0+$0x0] =	vst v12  }
0x4b: {  	v12 =	vld.idx.msk [tilespmem:v13+s3+$0x0], $0xffff;
	_ =	sdelay $0x1  }
0x4c: {  	v13 =	vadd.s32 s2, v7;
	_ =	sdelay $0x3  }
0x4d: {  	[tilespmem:s0+$0x10] =	vst v12  }
0x4e: {  	v12 =	vld.idx.msk [tilespmem:v13+s3+$0x0], $0xffff;
	_ =	sdelay $0x1  }
0x4f: {  	v13 =	vadd.s32 s2, v8;
	s2 =	smov.u32 s14;
	_ =	sdelay $0x2  }
.Ltmp0:
0x50: {  	(pc) =	sbr.rel @p0 .LBB2_2-.Ltmp0, $3  }
0x51: {  	[tilespmem:s0+$0x20] =	vst v12  }
0x52: {  	v12 =	vld.idx.msk [tilespmem:v13+s3+$0x0], $0xffff;
	_ =	sdelay $0x1  }
0x53: {  	s14 =	sadd.s32 $0x1, s14;
	v13 =	vadd.s32 s2, v0  }
0x54: {  	_ =	sdelay $0x2  }
0x55: {  	[tilespmem:s0+$0x30] =	vst v12  }
0x56: {  	v12 =	vld.idx.msk [tilespmem:v13+s3+$0x0], $0xffff  }
0x57: {  	v57 =	vadd.s32 s2, v1;
	_ =	sdelay $0x2  }
0x58: {  	s25 =	sadd.s32 $0x80, s0  }
0x59: {  	[tilespmem:s25+$0xFFFFFFC0] =	vst v12  }
0x5a: {  	v12 =	vld.idx.msk [tilespmem:v57+s3+$0x0], $0xffff  }
0x5b: {  	v58 =	vadd.s32 s2, v2;
	_ =	sdelay $0x3  }
0x5c: {  	[tilespmem:s25+$0xFFFFFFD0] =	vst v12  }
0x5d: {  	v12 =	vld.idx.msk [tilespmem:v58+s3+$0x0], $0xffff  }
0x5e: {  	v59 =	vadd.s32 s2, v3;
	_ =	sdelay $0x3  }
0x5f: {  	[tilespmem:s25+$0xFFFFFFE0] =	vst v12  }
0x60: {  	v12 =	vld.idx.msk [tilespmem:v59+s3+$0x0], $0xffff  }
0x61: {  	v60 =	vadd.s32 s2, v4;
	_ =	sdelay $0x3  }
0x62: {  	[tilespmem:s25+$0xFFFFFFF0] =	vst v12  }
0x63: {  	v12 =	vld.idx.msk [tilespmem:v60+s3+$0x0], $0xffff  }
0x64: {  	v61 =	vadd.s32 s2, v6;
	_ =	sdelay $0x3  }
0x65: {  	[tilespmem:s25+$0x0] =	vst v12  }
0x66: {  	v12 =	vld.idx.msk [tilespmem:v61+s3+$0x0], $0xffff  }
0x67: {  	v62 =	vadd.s32 s2, v7;
	_ =	sdelay $0x3  }
0x68: {  	[tilespmem:s25+$0x10] =	vst v12  }
0x69: {  	v12 =	vld.idx.msk [tilespmem:v62+s3+$0x0], $0xffff  }
0x6a: {  	v63 =	vadd.s32 s2, v8;
	_ =	sdelay $0x3  }
0x6b: {  	[tilespmem:s25+$0x20] =	vst v12  }
0x6c: {  	v12 =	vld.idx.msk [tilespmem:v63+s3+$0x0], $0xffff;
	_ =	sdelay $0x4  }
0x6d: {  	s31 =	simm.s32 $0x6400;
	s14 =	simm.s32 $0xC800;
	s0 =	simm.s32 $0x80;
	[tilespmem:s25+$0x30] =	vst v12  }
0x6e: {  	[tilespmem:s14], [sflag:$0x1] =	stream.indirect.gather [hbm4b:s4+s0], $0x40, s31, s0, $0xb8;
	[tilespmem:$0x18C00] =	vst v63  }
0x6f: {  	s16 =	simm.s32 $0xE800;
	s14 =	simm.s32 $0x6480  }
0x70: {  	[tilespmem:s16], [sflag:$0x1] =	stream.indirect.gather [hbm4b:s4+s0], $0x40, s14, s0, $0xb8;
	[tilespmem:$0x18C00] =	vst v63  }
0x71: {  	s30 =	simm.s32 $0x0;
	s25 =	simm.s32 $0x6500;
	s31 =	simm.s32 $0x10800  }
0x72: {  	[tilespmem:s31], [sflag:$0x1] =	stream.indirect.gather [hbm4b:s4+s0], $0x40, s25, s0, $0xb8;
	[tilespmem:$0x18C00] =	vst v63  }
.LBB2_4:
0x73: {  	p0 =	seq.s32 s30, $0x0  }
0x74: {  	s0 =	simm.s32 @!p0 $0x2  }
0x75: {  	_ =	swait.ge @!p0 [sflag:s0], $0x400  }
0x76: {  	[sflag:s0] =	ssyncset.done @!p0 $0x0  }
0x77: {  	[sflag:s0] =	ssyncadd.s32 @!p0 $0xFFFFFC00  }
0x78: {  	_ =	swait.ge @!p0 [sflag:s0], $0x400  }
0x79: {  	[sflag:s0] =	ssyncset.done @!p0 $0x0  }
0x7a: {  	[sflag:s0] =	ssyncadd.s32 @!p0 $0xFFFFFC00  }
0x7b: {  	_ =	swait.ge @!p0 [sflag:s0], $0x400  }
0x7c: {  	[sflag:s0] =	ssyncset.done @!p0 $0x0  }
0x7d: {  	[sflag:s0] =	ssyncadd.s32 @!p0 $0xFFFFFC00  }
0x7e: {  	_ =	swait.ge @!p0 [sflag:s0], $0x400  }
0x7f: {  	[sflag:s0] =	ssyncset.done @!p0 $0x0  }
0x80: {  	[sflag:s0] =	ssyncadd.s32 @!p0 $0xFFFFFC00  }
0x81: {  	_ =	swait.ge @!p0 [sflag:s0], $0x400  }
0x82: {  	[sflag:s0] =	ssyncset.done @!p0 $0x0  }
0x83: {  	[sflag:s0] =	ssyncadd.s32 @!p0 $0xFFFFFC00  }
0x84: {  	_ =	swait.ge @!p0 [sflag:s0], $0x400  }
0x85: {  	[sflag:s0] =	ssyncset.done @!p0 $0x0  }
0x86: {  	[sflag:s0] =	ssyncadd.s32 @!p0 $0xFFFFFC00  }
0x87: {  	_ =	swait.ge @!p0 [sflag:s0], $0x400  }
0x88: {  	s2 =	sshll.u32 s30, $0x2;
	[sflag:s0] =	ssyncset.done @!p0 $0x0  }
0x89: {  	s31 =	sor.u32 $0x3, s2;
	[sflag:s0] =	ssyncadd.s32 @!p0 $0xFFFFFC00  }
0x8a: {  	s2 =	sshll.u32 s31, $0x7;
	_ =	swait.ge @!p0 [sflag:s0], $0x400  }
0x8b: {  	s25 =	simm.s32 $0x80;
	s2 =	sand.u32 $0x3FFFFF80, s2;
	[sflag:s0] =	ssyncset.done @!p0 $0x0  }
0x8c: {  	s14 =	simm.s32 $0x12800;
	s16 =	sadd.s32 $0x6400, s2;
	[sflag:s0] =	ssyncadd.s32 @!p0 $0xFFFFFC00  }
0x8d: {  	[tilespmem:s14], [sflag:$0x1] =	stream.indirect.gather [hbm4b:s4+s25], $0x40, s16, s25, $0xb8;
	[tilespmem:$0x18C00] =	vst v63  }
0x8e: {  	_ =	swait.ge [sflag:s1], $0x2000  }
0x8f: {  	[sflag:s1] =	ssyncset.done $0x0  }
0x90: {  	s0 =	simm.s32 $0xC840;
	s16 =	simm.s32 $0x0;
	[sflag:s1] =	ssyncadd.s32 $0xFFFFE000  }
0x91: {  	v12 =	vmov s16;
	v13 =	vld [tilespmem:s0+$0xFFFFFFC0]  }
0x92: {  	v12 =	vand.u32 $0x7E, v12  }
0x93: {  	v14 =	vadd.s32 v5, v12;
	_ =	sdelay $0x2  }
0x94: {  	v13 =	vmul.f32 $8.000000000e+00, v13;
	_ =	sdelay $0x1  }
0x95: {  	[tilespmem:v14+s5+$0x0] =	vst.idx.msk $0xffff, v13  }
0x96: {  	v13 =	vld [tilespmem:s0+$0xFFFFFFD0];
	_ =	sdelay $0x1  }
0x97: {  	v14 =	vadd.s32 v9, v12;
	_ =	sdelay $0x2  }
0x98: {  	v13 =	vmul.f32 $8.000000000e+00, v13;
	_ =	sdelay $0x1  }
0x99: {  	[tilespmem:v14+s5+$0x0] =	vst.idx.msk $0xffff, v13  }
0x9a: {  	v13 =	vld [tilespmem:s0+$0xFFFFFFE0];
	_ =	sdelay $0x1  }
0x9b: {  	v14 =	vadd.s32 v10, v12;
	_ =	sdelay $0x2  }
0x9c: {  	v13 =	vmul.f32 $8.000000000e+00, v13;
	_ =	sdelay $0x1  }
0x9d: {  	[tilespmem:v14+s5+$0x0] =	vst.idx.msk $0xffff, v13  }
0x9e: {  	v13 =	vld [tilespmem:s0+$0xFFFFFFF0];
	_ =	sdelay $0x1  }
0x9f: {  	v12 =	vadd.s32 v11, v12;
	_ =	sdelay $0x2  }
0xa0: {  	v13 =	vmul.f32 $8.000000000e+00, v13;
	_ =	sdelay $0x1  }
0xa1: {  	s25 =	simm.s32 $0x1;
	[tilespmem:v12+s5+$0x0] =	vst.idx.msk $0xffff, v13  }
0xa2: {  	v12 =	vmov s25;
	v13 =	vld [tilespmem:s0+$0x0]  }
0xa3: {  	v12 =	vand.u32 $0x7F, v12  }
0xa4: {  	v14 =	vadd.s32 v5, v12;
	_ =	sdelay $0x2  }
0xa5: {  	v13 =	vmul.f32 $8.000000000e+00, v13;
	_ =	sdelay $0x1  }
0xa6: {  	[tilespmem:v14+s5+$0x0] =	vst.idx.msk $0xffff, v13  }
0xa7: {  	v13 =	vld [tilespmem:s0+$0x10];
	_ =	sdelay $0x1  }
0xa8: {  	v14 =	vadd.s32 v9, v12;
	_ =	sdelay $0x2  }
0xa9: {  	v13 =	vmul.f32 $8.000000000e+00, v13;
	_ =	sdelay $0x1  }
0xaa: {  	[tilespmem:v14+s5+$0x0] =	vst.idx.msk $0xffff, v13  }
0xab: {  	v13 =	vld [tilespmem:s0+$0x20];
	_ =	sdelay $0x1  }
0xac: {  	v14 =	vadd.s32 v10, v12;
	_ =	sdelay $0x2  }
0xad: {  	v13 =	vmul.f32 $8.000000000e+00, v13;
	_ =	sdelay $0x1  }
0xae: {  	[tilespmem:v14+s5+$0x0] =	vst.idx.msk $0xffff, v13  }
0xaf: {  	v13 =	vld [tilespmem:s0+$0x30];
	_ =	sdelay $0x1  }
0xb0: {  	v12 =	vadd.s32 v11, v12;
	_ =	sdelay $0x2  }
0xb1: {  	s2 =	simm.s32 $0x2;
	v13 =	vmul.f32 $8.000000000e+00, v13  }
.LBB2_5:
0xb2: {  	p1 =	slt.u32 s2, $0x7E  }
0xb3: {  	s0 =	sadd.s32 $0x80, s0;
	s14 =	smov.u32 s2;
	s2 =	sadd.s32 $0x2, s2;
	[tilespmem:v12+s5+$0x0] =	vst.idx.msk $0xffff, v13  }
0xb4: {  	v12 =	vmov s14;
	v13 =	vld [tilespmem:s0+$0xFFFFFFC0]  }
0xb5: {  	v12 =	vand.u32 $0x7E, v12  }
0xb6: {  	v14 =	vadd.s32 v5, v12;
	_ =	sdelay $0x2  }
0xb7: {  	v13 =	vmul.f32 $8.000000000e+00, v13;
	_ =	sdelay $0x1  }
0xb8: {  	[tilespmem:v14+s5+$0x0] =	vst.idx.msk $0xffff, v13  }
0xb9: {  	v13 =	vld [tilespmem:s0+$0xFFFFFFD0];
	_ =	sdelay $0x1  }
0xba: {  	v14 =	vadd.s32 v9, v12;
	_ =	sdelay $0x2  }
0xbb: {  	v13 =	vmul.f32 $8.000000000e+00, v13;
	_ =	sdelay $0x1  }
0xbc: {  	[tilespmem:v14+s5+$0x0] =	vst.idx.msk $0xffff, v13  }
0xbd: {  	v13 =	vld [tilespmem:s0+$0xFFFFFFE0];
	_ =	sdelay $0x1  }
0xbe: {  	v14 =	vadd.s32 v10, v12;
	_ =	sdelay $0x2  }
0xbf: {  	v13 =	vmul.f32 $8.000000000e+00, v13;
	_ =	sdelay $0x1  }
0xc0: {  	[tilespmem:v14+s5+$0x0] =	vst.idx.msk $0xffff, v13  }
0xc1: {  	v13 =	vld [tilespmem:s0+$0xFFFFFFF0];
	_ =	sdelay $0x1  }
0xc2: {  	v12 =	vadd.s32 v11, v12;
	_ =	sdelay $0x2  }
0xc3: {  	v13 =	vmul.f32 $8.000000000e+00, v13;
	_ =	sdelay $0x1  }
0xc4: {  	s14 =	sadd.s32 $0x1, s14;
	[tilespmem:v12+s5+$0x0] =	vst.idx.msk $0xffff, v13  }
0xc5: {  	v12 =	vmov s14;
	v13 =	vld [tilespmem:s0+$0x0]  }
0xc6: {  	v12 =	vand.u32 $0x7F, v12  }
0xc7: {  	v14 =	vadd.s32 v5, v12;
	_ =	sdelay $0x2  }
0xc8: {  	v13 =	vmul.f32 $8.000000000e+00, v13;
	_ =	sdelay $0x1  }
0xc9: {  	[tilespmem:v14+s5+$0x0] =	vst.idx.msk $0xffff, v13  }
0xca: {  	v13 =	vld [tilespmem:s0+$0x10];
	_ =	sdelay $0x1  }
0xcb: {  	v14 =	vadd.s32 v9, v12;
	_ =	sdelay $0x2  }
0xcc: {  	v13 =	vmul.f32 $8.000000000e+00, v13;
	_ =	sdelay $0x1  }
0xcd: {  	[tilespmem:v14+s5+$0x0] =	vst.idx.msk $0xffff, v13  }
0xce: {  	v13 =	vld [tilespmem:s0+$0x20];
	_ =	sdelay $0x1  }
0xcf: {  	v14 =	vadd.s32 v10, v12;
	_ =	sdelay $0x2  }
0xd0: {  	v13 =	vmul.f32 $8.000000000e+00, v13;
	_ =	sdelay $0x1  }
0xd1: {  	[tilespmem:v14+s5+$0x0] =	vst.idx.msk $0xffff, v13  }
0xd2: {  	v13 =	vld [tilespmem:s0+$0x30]  }
.Ltmp1:
0xd3: {  	(pc) =	sbr.rel @p1 .LBB2_5-.Ltmp1, $2  }
0xd4: {  	v12 =	vadd.s32 v11, v12;
	_ =	sdelay $0x2  }
0xd5: {  	v13 =	vmul.f32 $8.000000000e+00, v13  }
0xd6: {  	_ = 	snop  }
0xd7: {  	s0 =	sshll.u32 s30, $0x14  }
0xd8: {  	s0 =	sor.u32 s6, s0  }
0xd9: {  	s25 =	sshrl.u32 s0, $0x3  }
0xda: {  	[tilespmem:v12+s5+$0x0] =	vst.idx.msk $0xffff, v13;
	s0 =	sadd.s32 s15, s25  }
0xdb: {  	[hbm4b:s0+s3] =	stream.linear.scatter [tilespmem:s5], [sflag:$0x2], $0x80, $0x38;
	[tilespmem:$0x18C00] =	vst v63  }
0xdc: {  	s14 =	simm.s32 $0x14888;
	s2 =	sadd.s32 $0x10, s0  }
0xdd: {  	[hbm4b:s2+s3] =	stream.linear.scatter [tilespmem:s14], [sflag:$0x2], $0x80, $0x38;
	[tilespmem:$0x18C00] =	vst v63  }
0xde: {  	s16 =	simm.s32 $0x14910;
	s14 =	sadd.s32 $0x20, s0  }
0xdf: {  	[hbm4b:s14+s3] =	stream.linear.scatter [tilespmem:s16], [sflag:$0x2], $0x80, $0x38;
	[tilespmem:$0x18C00] =	vst v63  }
0xe0: {  	s14 =	sadd.s32 $0x30, s0;
	s16 =	simm.s32 $0x14998  }
0xe1: {  	[hbm4b:s14+s3] =	stream.linear.scatter [tilespmem:s16], [sflag:$0x2], $0x80, $0x38;
	[tilespmem:$0x18C00] =	vst v63  }
0xe2: {  	s14 =	sadd.s32 $0x40, s0;
	s16 =	simm.s32 $0x14A20  }
0xe3: {  	[hbm4b:s14+s3] =	stream.linear.scatter [tilespmem:s16], [sflag:$0x2], $0x80, $0x38;
	[tilespmem:$0x18C00] =	vst v63  }
0xe4: {  	s14 =	sadd.s32 $0x50, s0;
	s16 =	simm.s32 $0x14AA8  }
0xe5: {  	[hbm4b:s14+s3] =	stream.linear.scatter [tilespmem:s16], [sflag:$0x2], $0x80, $0x38;
	[tilespmem:$0x18C00] =	vst v63  }
0xe6: {  	s14 =	sadd.s32 $0x60, s0;
	s16 =	simm.s32 $0x14B30  }
0xe7: {  	[hbm4b:s14+s3] =	stream.linear.scatter [tilespmem:s16], [sflag:$0x2], $0x80, $0x38;
	[tilespmem:$0x18C00] =	vst v63  }
0xe8: {  	s0 =	sadd.s32 $0x70, s0;
	s14 =	simm.s32 $0x14BB8  }
0xe9: {  	[hbm4b:s0+s3] =	stream.linear.scatter [tilespmem:s14], [sflag:$0x2], $0x80, $0x38;
	[tilespmem:$0x18C00] =	vst v63  }
0xea: {  	s16 =	simm.s32 $0x14C40;
	s0 =	sadd.s32 s25, s7  }
0xeb: {  	[hbm4b:s0+s3] =	stream.linear.scatter [tilespmem:s16], [sflag:$0x2], $0x80, $0x38;
	[tilespmem:$0x18C00] =	vst v63  }
0xec: {  	s14 =	sadd.s32 $0x10, s0;
	s16 =	simm.s32 $0x14CC8  }
0xed: {  	[hbm4b:s14+s3] =	stream.linear.scatter [tilespmem:s16], [sflag:$0x2], $0x80, $0x38;
	[tilespmem:$0x18C00] =	vst v63  }
0xee: {  	s14 =	sadd.s32 $0x20, s0;
	s16 =	simm.s32 $0x14D50  }
0xef: {  	[hbm4b:s14+s3] =	stream.linear.scatter [tilespmem:s16], [sflag:$0x2], $0x80, $0x38;
	[tilespmem:$0x18C00] =	vst v63  }
0xf0: {  	s14 =	sadd.s32 $0x30, s0;
	s16 =	simm.s32 $0x14DD8  }
0xf1: {  	[hbm4b:s14+s3] =	stream.linear.scatter [tilespmem:s16], [sflag:$0x2], $0x80, $0x38;
	[tilespmem:$0x18C00] =	vst v63  }
0xf2: {  	s14 =	sadd.s32 $0x40, s0;
	s16 =	simm.s32 $0x14E60  }
0xf3: {  	[hbm4b:s14+s3] =	stream.linear.scatter [tilespmem:s16], [sflag:$0x2], $0x80, $0x38;
	[tilespmem:$0x18C00] =	vst v63  }
0xf4: {  	s14 =	sadd.s32 $0x50, s0;
	s16 =	simm.s32 $0x14EE8  }
0xf5: {  	[hbm4b:s14+s3] =	stream.linear.scatter [tilespmem:s16], [sflag:$0x2], $0x80, $0x38;
	[tilespmem:$0x18C00] =	vst v63  }
0xf6: {  	s14 =	sadd.s32 $0x60, s0;
	s16 =	simm.s32 $0x14F70  }
0xf7: {  	[hbm4b:s14+s3] =	stream.linear.scatter [tilespmem:s16], [sflag:$0x2], $0x80, $0x38;
	[tilespmem:$0x18C00] =	vst v63  }
0xf8: {  	s0 =	sadd.s32 $0x70, s0;
	s14 =	simm.s32 $0x14FF8  }
0xf9: {  	[hbm4b:s0+s3] =	stream.linear.scatter [tilespmem:s14], [sflag:$0x2], $0x80, $0x38;
	[tilespmem:$0x18C00] =	vst v63  }
0xfa: {  	s16 =	simm.s32 $0x15080;
	s0 =	sadd.s32 s25, s8  }
0xfb: {  	[hbm4b:s0+s3] =	stream.linear.scatter [tilespmem:s16], [sflag:$0x2], $0x80, $0x38;
	[tilespmem:$0x18C00] =	vst v63  }
0xfc: {  	s14 =	sadd.s32 $0x10, s0;
	s16 =	simm.s32 $0x15108  }
0xfd: {  	[hbm4b:s14+s3] =	stream.linear.scatter [tilespmem:s16], [sflag:$0x2], $0x80, $0x38;
	[tilespmem:$0x18C00] =	vst v63  }
0xfe: {  	s14 =	sadd.s32 $0x20, s0;
	s16 =	simm.s32 $0x15190  }
0xff: {  	[hbm4b:s14+s3] =	stream.linear.scatter [tilespmem:s16], [sflag:$0x2], $0x80, $0x38;
	[tilespmem:$0x18C00] =	vst v63  }
0x100: {  	s14 =	sadd.s32 $0x30, s0;
	s16 =	simm.s32 $0x15218  }
0x101: {  	[hbm4b:s14+s3] =	stream.linear.scatter [tilespmem:s16], [sflag:$0x2], $0x80, $0x38;
	[tilespmem:$0x18C00] =	vst v63  }
0x102: {  	s14 =	sadd.s32 $0x40, s0;
	s16 =	simm.s32 $0x152A0  }
0x103: {  	[hbm4b:s14+s3] =	stream.linear.scatter [tilespmem:s16], [sflag:$0x2], $0x80, $0x38;
	[tilespmem:$0x18C00] =	vst v63  }
0x104: {  	s14 =	sadd.s32 $0x50, s0;
	s16 =	simm.s32 $0x15328  }
0x105: {  	[hbm4b:s14+s3] =	stream.linear.scatter [tilespmem:s16], [sflag:$0x2], $0x80, $0x38;
	[tilespmem:$0x18C00] =	vst v63  }
0x106: {  	s14 =	sadd.s32 $0x60, s0;
	s16 =	simm.s32 $0x153B0  }
0x107: {  	[hbm4b:s14+s3] =	stream.linear.scatter [tilespmem:s16], [sflag:$0x2], $0x80, $0x38;
	[tilespmem:$0x18C00] =	vst v63  }
0x108: {  	s0 =	sadd.s32 $0x70, s0;
	s14 =	simm.s32 $0x15438  }
0x109: {  	[hbm4b:s0+s3] =	stream.linear.scatter [tilespmem:s14], [sflag:$0x2], $0x80, $0x38;
	[tilespmem:$0x18C00] =	vst v63  }
0x10a: {  	s16 =	simm.s32 $0x154C0;
	s0 =	sadd.s32 s25, s9  }
0x10b: {  	[hbm4b:s0+s3] =	stream.linear.scatter [tilespmem:s16], [sflag:$0x2], $0x80, $0x38;
	[tilespmem:$0x18C00] =	vst v63  }
0x10c: {  	s14 =	sadd.s32 $0x10, s0;
	s16 =	simm.s32 $0x15548  }
0x10d: {  	[hbm4b:s14+s3] =	stream.linear.scatter [tilespmem:s16], [sflag:$0x2], $0x80, $0x38;
	[tilespmem:$0x18C00] =	vst v63  }
0x10e: {  	s14 =	sadd.s32 $0x20, s0;
	s16 =	simm.s32 $0x155D0  }
0x10f: {  	[hbm4b:s14+s3] =	stream.linear.scatter [tilespmem:s16], [sflag:$0x2], $0x80, $0x38;
	[tilespmem:$0x18C00] =	vst v63  }
0x110: {  	s14 =	sadd.s32 $0x30, s0;
	s16 =	simm.s32 $0x15658  }
0x111: {  	[hbm4b:s14+s3] =	stream.linear.scatter [tilespmem:s16], [sflag:$0x2], $0x80, $0x38;
	[tilespmem:$0x18C00] =	vst v63  }
0x112: {  	s14 =	sadd.s32 $0x40, s0;
	s16 =	simm.s32 $0x156E0  }
0x113: {  	[hbm4b:s14+s3] =	stream.linear.scatter [tilespmem:s16], [sflag:$0x2], $0x80, $0x38;
	[tilespmem:$0x18C00] =	vst v63  }
0x114: {  	s14 =	sadd.s32 $0x50, s0;
	s16 =	simm.s32 $0x15768  }
0x115: {  	[hbm4b:s14+s3] =	stream.linear.scatter [tilespmem:s16], [sflag:$0x2], $0x80, $0x38;
	[tilespmem:$0x18C00] =	vst v63  }
0x116: {  	s14 =	sadd.s32 $0x60, s0;
	s16 =	simm.s32 $0x157F0  }
0x117: {  	[hbm4b:s14+s3] =	stream.linear.scatter [tilespmem:s16], [sflag:$0x2], $0x80, $0x38;
	[tilespmem:$0x18C00] =	vst v63  }
0x118: {  	s0 =	sadd.s32 $0x70, s0;
	s14 =	simm.s32 $0x15878  }
0x119: {  	[hbm4b:s0+s3] =	stream.linear.scatter [tilespmem:s14], [sflag:$0x2], $0x80, $0x38;
	[tilespmem:$0x18C00] =	vst v63  }
0x11a: {  	s16 =	simm.s32 $0x15900;
	s0 =	sadd.s32 s25, s10  }
0x11b: {  	[hbm4b:s0+s3] =	stream.linear.scatter [tilespmem:s16], [sflag:$0x2], $0x80, $0x38;
	[tilespmem:$0x18C00] =	vst v63  }
0x11c: {  	s14 =	sadd.s32 $0x10, s0;
	s16 =	simm.s32 $0x15988  }
0x11d: {  	[hbm4b:s14+s3] =	stream.linear.scatter [tilespmem:s16], [sflag:$0x2], $0x80, $0x38;
	[tilespmem:$0x18C00] =	vst v63  }
0x11e: {  	s14 =	sadd.s32 $0x20, s0;
	s16 =	simm.s32 $0x15A10  }
0x11f: {  	[hbm4b:s14+s3] =	stream.linear.scatter [tilespmem:s16], [sflag:$0x2], $0x80, $0x38;
	[tilespmem:$0x18C00] =	vst v63  }
0x120: {  	s14 =	sadd.s32 $0x30, s0;
	s16 =	simm.s32 $0x15A98  }
0x121: {  	[hbm4b:s14+s3] =	stream.linear.scatter [tilespmem:s16], [sflag:$0x2], $0x80, $0x38;
	[tilespmem:$0x18C00] =	vst v63  }
0x122: {  	s14 =	sadd.s32 $0x40, s0;
	s16 =	simm.s32 $0x15B20  }
0x123: {  	[hbm4b:s14+s3] =	stream.linear.scatter [tilespmem:s16], [sflag:$0x2], $0x80, $0x38;
	[tilespmem:$0x18C00] =	vst v63  }
0x124: {  	s14 =	sadd.s32 $0x50, s0;
	s16 =	simm.s32 $0x15BA8  }
0x125: {  	[hbm4b:s14+s3] =	stream.linear.scatter [tilespmem:s16], [sflag:$0x2], $0x80, $0x38;
	[tilespmem:$0x18C00] =	vst v63  }
0x126: {  	s14 =	sadd.s32 $0x60, s0;
	s16 =	simm.s32 $0x15C30  }
0x127: {  	[hbm4b:s14+s3] =	stream.linear.scatter [tilespmem:s16], [sflag:$0x2], $0x80, $0x38;
	[tilespmem:$0x18C00] =	vst v63  }
0x128: {  	s0 =	sadd.s32 $0x70, s0;
	s14 =	simm.s32 $0x15CB8  }
0x129: {  	[hbm4b:s0+s3] =	stream.linear.scatter [tilespmem:s14], [sflag:$0x2], $0x80, $0x38;
	[tilespmem:$0x18C00] =	vst v63  }
0x12a: {  	s16 =	simm.s32 $0x15D40;
	s0 =	sadd.s32 s25, s11  }
0x12b: {  	[hbm4b:s0+s3] =	stream.linear.scatter [tilespmem:s16], [sflag:$0x2], $0x80, $0x38;
	[tilespmem:$0x18C00] =	vst v63  }
0x12c: {  	s14 =	sadd.s32 $0x10, s0;
	s16 =	simm.s32 $0x15DC8  }
0x12d: {  	[hbm4b:s14+s3] =	stream.linear.scatter [tilespmem:s16], [sflag:$0x2], $0x80, $0x38;
	[tilespmem:$0x18C00] =	vst v63  }
0x12e: {  	s14 =	sadd.s32 $0x20, s0;
	s16 =	simm.s32 $0x15E50  }
0x12f: {  	[hbm4b:s14+s3] =	stream.linear.scatter [tilespmem:s16], [sflag:$0x2], $0x80, $0x38;
	[tilespmem:$0x18C00] =	vst v63  }
0x130: {  	s14 =	sadd.s32 $0x30, s0;
	s16 =	simm.s32 $0x15ED8  }
0x131: {  	[hbm4b:s14+s3] =	stream.linear.scatter [tilespmem:s16], [sflag:$0x2], $0x80, $0x38;
	[tilespmem:$0x18C00] =	vst v63  }
0x132: {  	s14 =	sadd.s32 $0x40, s0;
	s16 =	simm.s32 $0x15F60  }
0x133: {  	[hbm4b:s14+s3] =	stream.linear.scatter [tilespmem:s16], [sflag:$0x2], $0x80, $0x38;
	[tilespmem:$0x18C00] =	vst v63  }
0x134: {  	s14 =	sadd.s32 $0x50, s0;
	s16 =	simm.s32 $0x15FE8  }
0x135: {  	[hbm4b:s14+s3] =	stream.linear.scatter [tilespmem:s16], [sflag:$0x2], $0x80, $0x38;
	[tilespmem:$0x18C00] =	vst v63  }
0x136: {  	s14 =	sadd.s32 $0x60, s0;
	s16 =	simm.s32 $0x16070  }
0x137: {  	[hbm4b:s14+s3] =	stream.linear.scatter [tilespmem:s16], [sflag:$0x2], $0x80, $0x38;
	[tilespmem:$0x18C00] =	vst v63  }
0x138: {  	s0 =	sadd.s32 $0x70, s0;
	s14 =	simm.s32 $0x160F8  }
0x139: {  	[hbm4b:s0+s3] =	stream.linear.scatter [tilespmem:s14], [sflag:$0x2], $0x80, $0x38;
	[tilespmem:$0x18C00] =	vst v63  }
0x13a: {  	s16 =	simm.s32 $0x16180;
	s0 =	sadd.s32 s25, s12  }
0x13b: {  	[hbm4b:s0+s3] =	stream.linear.scatter [tilespmem:s16], [sflag:$0x2], $0x80, $0x38;
	[tilespmem:$0x18C00] =	vst v63  }
0x13c: {  	s14 =	sadd.s32 $0x10, s0;
	s16 =	simm.s32 $0x16208  }
0x13d: {  	[hbm4b:s14+s3] =	stream.linear.scatter [tilespmem:s16], [sflag:$0x2], $0x80, $0x38;
	[tilespmem:$0x18C00] =	vst v63  }
0x13e: {  	s14 =	sadd.s32 $0x20, s0;
	s16 =	simm.s32 $0x16290  }
0x13f: {  	[hbm4b:s14+s3] =	stream.linear.scatter [tilespmem:s16], [sflag:$0x2], $0x80, $0x38;
	[tilespmem:$0x18C00] =	vst v63  }
0x140: {  	s14 =	sadd.s32 $0x30, s0;
	s16 =	simm.s32 $0x16318  }
0x141: {  	[hbm4b:s14+s3] =	stream.linear.scatter [tilespmem:s16], [sflag:$0x2], $0x80, $0x38;
	[tilespmem:$0x18C00] =	vst v63  }
0x142: {  	s14 =	sadd.s32 $0x40, s0;
	s16 =	simm.s32 $0x163A0  }
0x143: {  	[hbm4b:s14+s3] =	stream.linear.scatter [tilespmem:s16], [sflag:$0x2], $0x80, $0x38;
	[tilespmem:$0x18C00] =	vst v63  }
0x144: {  	s14 =	sadd.s32 $0x50, s0;
	s16 =	simm.s32 $0x16428  }
0x145: {  	[hbm4b:s14+s3] =	stream.linear.scatter [tilespmem:s16], [sflag:$0x2], $0x80, $0x38;
	[tilespmem:$0x18C00] =	vst v63  }
0x146: {  	s14 =	sadd.s32 $0x60, s0;
	s16 =	simm.s32 $0x164B0  }
0x147: {  	[hbm4b:s14+s3] =	stream.linear.scatter [tilespmem:s16], [sflag:$0x2], $0x80, $0x38;
	[tilespmem:$0x18C00] =	vst v63  }
0x148: {  	s0 =	sadd.s32 $0x70, s0;
	s14 =	simm.s32 $0x16538  }
0x149: {  	[hbm4b:s0+s3] =	stream.linear.scatter [tilespmem:s14], [sflag:$0x2], $0x80, $0x38;
	[tilespmem:$0x18C00] =	vst v63  }
0x14a: {  	s16 =	simm.s32 $0x165C0;
	s0 =	sadd.s32 s25, s13  }
0x14b: {  	[hbm4b:s0+s3] =	stream.linear.scatter [tilespmem:s16], [sflag:$0x2], $0x80, $0x38;
	[tilespmem:$0x18C00] =	vst v63  }
0x14c: {  	s14 =	sadd.s32 $0x10, s0;
	s16 =	simm.s32 $0x16648  }
0x14d: {  	[hbm4b:s14+s3] =	stream.linear.scatter [tilespmem:s16], [sflag:$0x2], $0x80, $0x38;
	[tilespmem:$0x18C00] =	vst v63  }
0x14e: {  	s14 =	sadd.s32 $0x20, s0;
	s16 =	simm.s32 $0x166D0  }
0x14f: {  	[hbm4b:s14+s3] =	stream.linear.scatter [tilespmem:s16], [sflag:$0x2], $0x80, $0x38;
	[tilespmem:$0x18C00] =	vst v63  }
0x150: {  	s14 =	sadd.s32 $0x30, s0;
	s16 =	simm.s32 $0x16758  }
0x151: {  	[hbm4b:s14+s3] =	stream.linear.scatter [tilespmem:s16], [sflag:$0x2], $0x80, $0x38;
	[tilespmem:$0x18C00] =	vst v63  }
0x152: {  	s14 =	sadd.s32 $0x40, s0;
	s16 =	simm.s32 $0x167E0  }
0x153: {  	[hbm4b:s14+s3] =	stream.linear.scatter [tilespmem:s16], [sflag:$0x2], $0x80, $0x38;
	[tilespmem:$0x18C00] =	vst v63  }
0x154: {  	s14 =	sadd.s32 $0x50, s0;
	s16 =	simm.s32 $0x16868  }
0x155: {  	[hbm4b:s14+s3] =	stream.linear.scatter [tilespmem:s16], [sflag:$0x2], $0x80, $0x38;
	[tilespmem:$0x18C00] =	vst v63  }
0x156: {  	s14 =	sadd.s32 $0x60, s0;
	s16 =	simm.s32 $0x168F0  }
0x157: {  	[hbm4b:s14+s3] =	stream.linear.scatter [tilespmem:s16], [sflag:$0x2], $0x80, $0x38;
	[tilespmem:$0x18C00] =	vst v63  }
0x158: {  	s0 =	sadd.s32 $0x70, s0;
	s16 =	simm.s32 $0x16978  }
0x159: {  	[hbm4b:s0+s3] =	stream.linear.scatter [tilespmem:s16], [sflag:$0x2], $0x80, $0x38;
	[tilespmem:$0x18C00] =	vst v63  }
0x15a: {  	s0 =	simm.s32 @!p0 $0x2  }
0x15b: {  	_ =	swait.ge @!p0 [sflag:s0], $0x400  }
0x15c: {  	[sflag:s0] =	ssyncset.done @!p0 $0x0  }
0x15d: {  	[sflag:s0] =	ssyncadd.s32 @!p0 $0xFFFFFC00  }
0x15e: {  	_ =	swait.ge @!p0 [sflag:s0], $0x400  }
0x15f: {  	[sflag:s0] =	ssyncset.done @!p0 $0x0  }
0x160: {  	[sflag:s0] =	ssyncadd.s32 @!p0 $0xFFFFFC00  }
0x161: {  	_ =	swait.ge @!p0 [sflag:s0], $0x400  }
0x162: {  	[sflag:s0] =	ssyncset.done @!p0 $0x0  }
0x163: {  	[sflag:s0] =	ssyncadd.s32 @!p0 $0xFFFFFC00  }
0x164: {  	_ =	swait.ge @!p0 [sflag:s0], $0x400  }
0x165: {  	[sflag:s0] =	ssyncset.done @!p0 $0x0  }
0x166: {  	[sflag:s0] =	ssyncadd.s32 @!p0 $0xFFFFFC00  }
0x167: {  	_ =	swait.ge @!p0 [sflag:s0], $0x400  }
0x168: {  	[sflag:s0] =	ssyncset.done @!p0 $0x0  }
0x169: {  	[sflag:s0] =	ssyncadd.s32 @!p0 $0xFFFFFC00  }
0x16a: {  	_ =	swait.ge @!p0 [sflag:s0], $0x400  }
0x16b: {  	[sflag:s0] =	ssyncset.done @!p0 $0x0  }
0x16c: {  	[sflag:s0] =	ssyncadd.s32 @!p0 $0xFFFFFC00  }
0x16d: {  	_ =	swait.ge @!p0 [sflag:s0], $0x400  }
0x16e: {  	[sflag:s0] =	ssyncset.done @!p0 $0x0  }
0x16f: {  	[sflag:s0] =	ssyncadd.s32 @!p0 $0xFFFFFC00  }
0x170: {  	p1 =	seq.s32 @!p0 s30, $0x31;
	_ =	swait.ge @!p0 [sflag:s0], $0x400  }
0x171: {  	p1 =	por p0, !p1;
	[sflag:s0] =	ssyncset.done @!p0 $0x0  }
0x172: {  	[sflag:s0] =	ssyncadd.s32 @!p0 $0xFFFFFC00;
	s0 =	sshll.u32 @p1 s30, $0x9  }
0x173: {  	s0 =	sand.u32 @p1 $0x3FFFFE00, s0  }
0x174: {  	s2 =	simm.s32 @p1 $0x80;
	s14 =	simm.s32 @p1 $0xC800;
	s0 =	sadd.s32 @p1 $0x6600, s0  }
0x175: {  	[tilespmem:s14], [sflag:$0x1] =	stream.indirect.gather @p1 [hbm4b:s4+s2], $0x40, s0, s2, $0xb8;
	[tilespmem:$0x18C00] =	vst v63  }
0x176: {  	_ =	swait.ge [sflag:s1], $0x2000  }
0x177: {  	[sflag:s1] =	ssyncset.done $0x0  }
0x178: {  	s14 =	simm.s32 $0x0;
	s0 =	simm.s32 $0xE870;
	[sflag:s1] =	ssyncadd.s32 $0xFFFFE000  }
0x179: {  	v12 =	vmov s14;
	v13 =	vld [tilespmem:s0+$0xFFFFFF90]  }
0x17a: {  	v12 =	vand.u32 $0x7E, v12  }
0x17b: {  	v14 =	vadd.s32 v5, v12;
	_ =	sdelay $0x2  }
0x17c: {  	v13 =	vmul.f32 $8.000000000e+00, v13;
	_ =	sdelay $0x1  }
0x17d: {  	[tilespmem:v14+s17+$0x0] =	vst.idx.msk $0xffff, v13  }
0x17e: {  	v13 =	vld [tilespmem:s0+$0xFFFFFFA0];
	_ =	sdelay $0x1  }
0x17f: {  	v14 =	vadd.s32 v9, v12;
	_ =	sdelay $0x2  }
0x180: {  	v13 =	vmul.f32 $8.000000000e+00, v13;
	_ =	sdelay $0x1  }
0x181: {  	[tilespmem:v14+s17+$0x0] =	vst.idx.msk $0xffff, v13  }
0x182: {  	v13 =	vld [tilespmem:s0+$0xFFFFFFB0];
	_ =	sdelay $0x1  }
0x183: {  	v14 =	vadd.s32 v10, v12;
	_ =	sdelay $0x2  }
0x184: {  	v13 =	vmul.f32 $8.000000000e+00, v13;
	_ =	sdelay $0x1  }
0x185: {  	[tilespmem:v14+s17+$0x0] =	vst.idx.msk $0xffff, v13  }
0x186: {  	v13 =	vld [tilespmem:s0+$0xFFFFFFC0];
	_ =	sdelay $0x1  }
0x187: {  	v12 =	vadd.s32 v11, v12;
	_ =	sdelay $0x2  }
0x188: {  	v13 =	vmul.f32 $8.000000000e+00, v13;
	_ =	sdelay $0x1  }
0x189: {  	s16 =	smov.u32 s15;
	s15 =	simm.s32 $0x1;
	[tilespmem:v12+s17+$0x0] =	vst.idx.msk $0xffff, v13  }
0x18a: {  	v12 =	vmov s15;
	v13 =	vld [tilespmem:s0+$0xFFFFFFD0]  }
0x18b: {  	v12 =	vand.u32 $0x7F, v12  }
0x18c: {  	v14 =	vadd.s32 v5, v12;
	_ =	sdelay $0x2  }
0x18d: {  	v13 =	vmul.f32 $8.000000000e+00, v13;
	_ =	sdelay $0x1  }
0x18e: {  	[tilespmem:v14+s17+$0x0] =	vst.idx.msk $0xffff, v13  }
0x18f: {  	v13 =	vld [tilespmem:s0+$0xFFFFFFE0];
	_ =	sdelay $0x1  }
0x190: {  	v14 =	vadd.s32 v9, v12;
	_ =	sdelay $0x2  }
0x191: {  	v13 =	vmul.f32 $8.000000000e+00, v13;
	_ =	sdelay $0x1  }
0x192: {  	[tilespmem:v14+s17+$0x0] =	vst.idx.msk $0xffff, v13  }
0x193: {  	v13 =	vld [tilespmem:s0+$0xFFFFFFF0];
	_ =	sdelay $0x1  }
0x194: {  	v14 =	vadd.s32 v10, v12;
	_ =	sdelay $0x2  }
0x195: {  	v13 =	vmul.f32 $8.000000000e+00, v13;
	_ =	sdelay $0x1  }
0x196: {  	[tilespmem:v14+s17+$0x0] =	vst.idx.msk $0xffff, v13  }
0x197: {  	v13 =	vld [tilespmem:s0+$0x0];
	_ =	sdelay $0x1  }
0x198: {  	v12 =	vadd.s32 v11, v12;
	_ =	sdelay $0x2  }
0x199: {  	s2 =	simm.s32 $0x2;
	v13 =	vmul.f32 $8.000000000e+00, v13  }
.LBB2_7:
0x19a: {  	p0 =	slt.u32 s2, $0x7E  }
0x19b: {  	s0 =	sadd.s32 $0x80, s0;
	s14 =	smov.u32 s2;
	s2 =	sadd.s32 $0x2, s2;
	[tilespmem:v12+s17+$0x0] =	vst.idx.msk $0xffff, v13  }
0x19c: {  	v12 =	vmov s14;
	v13 =	vld [tilespmem:s0+$0xFFFFFF90]  }
0x19d: {  	v12 =	vand.u32 $0x7E, v12  }
0x19e: {  	v14 =	vadd.s32 v5, v12;
	_ =	sdelay $0x2  }
0x19f: {  	v13 =	vmul.f32 $8.000000000e+00, v13;
	_ =	sdelay $0x1  }
0x1a0: {  	[tilespmem:v14+s17+$0x0] =	vst.idx.msk $0xffff, v13  }
0x1a1: {  	v13 =	vld [tilespmem:s0+$0xFFFFFFA0];
	_ =	sdelay $0x1  }
0x1a2: {  	v14 =	vadd.s32 v9, v12;
	_ =	sdelay $0x2  }
0x1a3: {  	v13 =	vmul.f32 $8.000000000e+00, v13;
	_ =	sdelay $0x1  }
0x1a4: {  	[tilespmem:v14+s17+$0x0] =	vst.idx.msk $0xffff, v13  }
0x1a5: {  	v13 =	vld [tilespmem:s0+$0xFFFFFFB0];
	_ =	sdelay $0x1  }
0x1a6: {  	v14 =	vadd.s32 v10, v12;
	_ =	sdelay $0x2  }
0x1a7: {  	v13 =	vmul.f32 $8.000000000e+00, v13;
	_ =	sdelay $0x1  }
0x1a8: {  	[tilespmem:v14+s17+$0x0] =	vst.idx.msk $0xffff, v13  }
0x1a9: {  	v13 =	vld [tilespmem:s0+$0xFFFFFFC0];
	_ =	sdelay $0x1  }
0x1aa: {  	v12 =	vadd.s32 v11, v12;
	_ =	sdelay $0x2  }
0x1ab: {  	v13 =	vmul.f32 $8.000000000e+00, v13;
	_ =	sdelay $0x1  }
0x1ac: {  	s14 =	sadd.s32 $0x1, s14;
	[tilespmem:v12+s17+$0x0] =	vst.idx.msk $0xffff, v13  }
0x1ad: {  	v12 =	vmov s14;
	v13 =	vld [tilespmem:s0+$0xFFFFFFD0]  }
0x1ae: {  	v12 =	vand.u32 $0x7F, v12  }
0x1af: {  	v14 =	vadd.s32 v5, v12;
	_ =	sdelay $0x2  }
0x1b0: {  	v13 =	vmul.f32 $8.000000000e+00, v13;
	_ =	sdelay $0x1  }
0x1b1: {  	[tilespmem:v14+s17+$0x0] =	vst.idx.msk $0xffff, v13  }
0x1b2: {  	v13 =	vld [tilespmem:s0+$0xFFFFFFE0];
	_ =	sdelay $0x1  }
0x1b3: {  	v14 =	vadd.s32 v9, v12;
	_ =	sdelay $0x2  }
0x1b4: {  	v13 =	vmul.f32 $8.000000000e+00, v13;
	_ =	sdelay $0x1  }
0x1b5: {  	[tilespmem:v14+s17+$0x0] =	vst.idx.msk $0xffff, v13  }
0x1b6: {  	v13 =	vld [tilespmem:s0+$0xFFFFFFF0];
	_ =	sdelay $0x1  }
0x1b7: {  	v14 =	vadd.s32 v10, v12;
	_ =	sdelay $0x2  }
0x1b8: {  	v13 =	vmul.f32 $8.000000000e+00, v13;
	_ =	sdelay $0x1  }
0x1b9: {  	[tilespmem:v14+s17+$0x0] =	vst.idx.msk $0xffff, v13  }
0x1ba: {  	v13 =	vld [tilespmem:s0+$0x0]  }
.Ltmp2:
0x1bb: {  	(pc) =	sbr.rel @p0 .LBB2_7-.Ltmp2, $2  }
0x1bc: {  	v12 =	vadd.s32 v11, v12;
	_ =	sdelay $0x2  }
0x1bd: {  	v13 =	vmul.f32 $8.000000000e+00, v13  }
0x1be: {  	_ =	sdelay $0x2  }
0x1bf: {  	s0 =	rddreg [dreg:$0x5]  }
0x1c0: {  	[tilespmem:v12+s17+$0x0] =	vst.idx.msk $0xffff, v13;
	s0 =	sadd.s32 s25, s0  }
0x1c1: {  	[hbm4b:s0+s3] =	stream.linear.scatter [tilespmem:s17], [sflag:$0x2], $0x80, $0x38;
	[tilespmem:$0x18C00] =	vst v63  }
0x1c2: {  	s14 =	simm.s32 $0x16A88;
	s2 =	sadd.s32 $0x10, s0  }
0x1c3: {  	[hbm4b:s2+s3] =	stream.linear.scatter [tilespmem:s14], [sflag:$0x2], $0x80, $0x38;
	[tilespmem:$0x18C00] =	vst v63  }
0x1c4: {  	s15 =	simm.s32 $0x16B10;
	s14 =	sadd.s32 $0x20, s0  }
0x1c5: {  	[hbm4b:s14+s3] =	stream.linear.scatter [tilespmem:s15], [sflag:$0x2], $0x80, $0x38;
	[tilespmem:$0x18C00] =	vst v63  }
0x1c6: {  	s14 =	sadd.s32 $0x30, s0;
	s15 =	simm.s32 $0x16B98  }
0x1c7: {  	[hbm4b:s14+s3] =	stream.linear.scatter [tilespmem:s15], [sflag:$0x2], $0x80, $0x38;
	[tilespmem:$0x18C00] =	vst v63  }
0x1c8: {  	s14 =	sadd.s32 $0x40, s0;
	s15 =	simm.s32 $0x16C20  }
0x1c9: {  	[hbm4b:s14+s3] =	stream.linear.scatter [tilespmem:s15], [sflag:$0x2], $0x80, $0x38;
	[tilespmem:$0x18C00] =	vst v63  }
0x1ca: {  	s14 =	sadd.s32 $0x50, s0;
	s15 =	simm.s32 $0x16CA8  }
0x1cb: {  	[hbm4b:s14+s3] =	stream.linear.scatter [tilespmem:s15], [sflag:$0x2], $0x80, $0x38;
	[tilespmem:$0x18C00] =	vst v63  }
0x1cc: {  	s14 =	sadd.s32 $0x60, s0;
	s15 =	simm.s32 $0x16D30  }
0x1cd: {  	[hbm4b:s14+s3] =	stream.linear.scatter [tilespmem:s15], [sflag:$0x2], $0x80, $0x38;
	[tilespmem:$0x18C00] =	vst v63  }
0x1ce: {  	s0 =	sadd.s32 $0x70, s0;
	s15 =	simm.s32 $0x16DB8;
	s14 =	rddreg [dreg:$0x6]  }
0x1cf: {  	[hbm4b:s0+s3] =	stream.linear.scatter [tilespmem:s15], [sflag:$0x2], $0x80, $0x38;
	[tilespmem:$0x18C00] =	vst v63  }
0x1d0: {  	s0 =	sadd.s32 s25, s14;
	s15 =	simm.s32 $0x16E40  }
0x1d1: {  	[hbm4b:s0+s3] =	stream.linear.scatter [tilespmem:s15], [sflag:$0x2], $0x80, $0x38;
	[tilespmem:$0x18C00] =	vst v63  }
0x1d2: {  	s14 =	sadd.s32 $0x10, s0;
	s15 =	simm.s32 $0x16EC8  }
0x1d3: {  	[hbm4b:s14+s3] =	stream.linear.scatter [tilespmem:s15], [sflag:$0x2], $0x80, $0x38;
	[tilespmem:$0x18C00] =	vst v63  }
0x1d4: {  	s14 =	sadd.s32 $0x20, s0;
	s15 =	simm.s32 $0x16F50  }
0x1d5: {  	[hbm4b:s14+s3] =	stream.linear.scatter [tilespmem:s15], [sflag:$0x2], $0x80, $0x38;
	[tilespmem:$0x18C00] =	vst v63  }
0x1d6: {  	s14 =	sadd.s32 $0x30, s0;
	s15 =	simm.s32 $0x16FD8  }
0x1d7: {  	[hbm4b:s14+s3] =	stream.linear.scatter [tilespmem:s15], [sflag:$0x2], $0x80, $0x38;
	[tilespmem:$0x18C00] =	vst v63  }
0x1d8: {  	s14 =	sadd.s32 $0x40, s0;
	s15 =	simm.s32 $0x17060  }
0x1d9: {  	[hbm4b:s14+s3] =	stream.linear.scatter [tilespmem:s15], [sflag:$0x2], $0x80, $0x38;
	[tilespmem:$0x18C00] =	vst v63  }
0x1da: {  	s14 =	sadd.s32 $0x50, s0;
	s15 =	simm.s32 $0x170E8  }
0x1db: {  	[hbm4b:s14+s3] =	stream.linear.scatter [tilespmem:s15], [sflag:$0x2], $0x80, $0x38;
	[tilespmem:$0x18C00] =	vst v63  }
0x1dc: {  	s14 =	sadd.s32 $0x60, s0;
	s15 =	simm.s32 $0x17170  }
0x1dd: {  	[hbm4b:s14+s3] =	stream.linear.scatter [tilespmem:s15], [sflag:$0x2], $0x80, $0x38;
	[tilespmem:$0x18C00] =	vst v63  }
0x1de: {  	s0 =	sadd.s32 $0x70, s0;
	s15 =	simm.s32 $0x171F8;
	s14 =	rddreg [dreg:$0x7]  }
0x1df: {  	[hbm4b:s0+s3] =	stream.linear.scatter [tilespmem:s15], [sflag:$0x2], $0x80, $0x38;
	[tilespmem:$0x18C00] =	vst v63  }
0x1e0: {  	s0 =	sadd.s32 s25, s14;
	s15 =	simm.s32 $0x17280  }
0x1e1: {  	[hbm4b:s0+s3] =	stream.linear.scatter [tilespmem:s15], [sflag:$0x2], $0x80, $0x38;
	[tilespmem:$0x18C00] =	vst v63  }
0x1e2: {  	s14 =	sadd.s32 $0x10, s0;
	s15 =	simm.s32 $0x17308  }
0x1e3: {  	[hbm4b:s14+s3] =	stream.linear.scatter [tilespmem:s15], [sflag:$0x2], $0x80, $0x38;
	[tilespmem:$0x18C00] =	vst v63  }
0x1e4: {  	s14 =	sadd.s32 $0x20, s0;
	s15 =	simm.s32 $0x17390  }
0x1e5: {  	[hbm4b:s14+s3] =	stream.linear.scatter [tilespmem:s15], [sflag:$0x2], $0x80, $0x38;
	[tilespmem:$0x18C00] =	vst v63  }
0x1e6: {  	s14 =	sadd.s32 $0x30, s0;
	s15 =	simm.s32 $0x17418  }
0x1e7: {  	[hbm4b:s14+s3] =	stream.linear.scatter [tilespmem:s15], [sflag:$0x2], $0x80, $0x38;
	[tilespmem:$0x18C00] =	vst v63  }
0x1e8: {  	s14 =	sadd.s32 $0x40, s0;
	s15 =	simm.s32 $0x174A0  }
0x1e9: {  	[hbm4b:s14+s3] =	stream.linear.scatter [tilespmem:s15], [sflag:$0x2], $0x80, $0x38;
	[tilespmem:$0x18C00] =	vst v63  }
0x1ea: {  	s14 =	sadd.s32 $0x50, s0;
	s15 =	simm.s32 $0x17528  }
0x1eb: {  	[hbm4b:s14+s3] =	stream.linear.scatter [tilespmem:s15], [sflag:$0x2], $0x80, $0x38;
	[tilespmem:$0x18C00] =	vst v63  }
0x1ec: {  	s14 =	sadd.s32 $0x60, s0;
	s15 =	simm.s32 $0x175B0  }
0x1ed: {  	[hbm4b:s14+s3] =	stream.linear.scatter [tilespmem:s15], [sflag:$0x2], $0x80, $0x38;
	[tilespmem:$0x18C00] =	vst v63  }
0x1ee: {  	s0 =	sadd.s32 $0x70, s0;
	s15 =	simm.s32 $0x17638;
	s14 =	rddreg [dreg:$0x8]  }
0x1ef: {  	[hbm4b:s0+s3] =	stream.linear.scatter [tilespmem:s15], [sflag:$0x2], $0x80, $0x38;
	[tilespmem:$0x18C00] =	vst v63  }
0x1f0: {  	s0 =	sadd.s32 s25, s14;
	s15 =	simm.s32 $0x176C0  }
0x1f1: {  	[hbm4b:s0+s3] =	stream.linear.scatter [tilespmem:s15], [sflag:$0x2], $0x80, $0x38;
	[tilespmem:$0x18C00] =	vst v63  }
0x1f2: {  	s14 =	sadd.s32 $0x10, s0;
	s15 =	simm.s32 $0x17748  }
0x1f3: {  	[hbm4b:s14+s3] =	stream.linear.scatter [tilespmem:s15], [sflag:$0x2], $0x80, $0x38;
	[tilespmem:$0x18C00] =	vst v63  }
0x1f4: {  	s14 =	sadd.s32 $0x20, s0;
	s15 =	simm.s32 $0x177D0  }
0x1f5: {  	[hbm4b:s14+s3] =	stream.linear.scatter [tilespmem:s15], [sflag:$0x2], $0x80, $0x38;
	[tilespmem:$0x18C00] =	vst v63  }
0x1f6: {  	s14 =	sadd.s32 $0x30, s0;
	s15 =	simm.s32 $0x17858  }
0x1f7: {  	[hbm4b:s14+s3] =	stream.linear.scatter [tilespmem:s15], [sflag:$0x2], $0x80, $0x38;
	[tilespmem:$0x18C00] =	vst v63  }
0x1f8: {  	s14 =	sadd.s32 $0x40, s0;
	s15 =	simm.s32 $0x178E0  }
0x1f9: {  	[hbm4b:s14+s3] =	stream.linear.scatter [tilespmem:s15], [sflag:$0x2], $0x80, $0x38;
	[tilespmem:$0x18C00] =	vst v63  }
0x1fa: {  	s14 =	sadd.s32 $0x50, s0;
	s15 =	simm.s32 $0x17968  }
0x1fb: {  	[hbm4b:s14+s3] =	stream.linear.scatter [tilespmem:s15], [sflag:$0x2], $0x80, $0x38;
	[tilespmem:$0x18C00] =	vst v63  }
0x1fc: {  	s14 =	sadd.s32 $0x60, s0;
	s15 =	simm.s32 $0x179F0  }
0x1fd: {  	[hbm4b:s14+s3] =	stream.linear.scatter [tilespmem:s15], [sflag:$0x2], $0x80, $0x38;
	[tilespmem:$0x18C00] =	vst v63  }
0x1fe: {  	s0 =	sadd.s32 $0x70, s0;
	s15 =	simm.s32 $0x17A78;
	s14 =	rddreg [dreg:$0x9]  }
0x1ff: {  	[hbm4b:s0+s3] =	stream.linear.scatter [tilespmem:s15], [sflag:$0x2], $0x80, $0x38;
	[tilespmem:$0x18C00] =	vst v63  }
0x200: {  	s0 =	sadd.s32 s25, s14;
	s15 =	simm.s32 $0x17B00  }
0x201: {  	[hbm4b:s0+s3] =	stream.linear.scatter [tilespmem:s15], [sflag:$0x2], $0x80, $0x38;
	[tilespmem:$0x18C00] =	vst v63  }
0x202: {  	s14 =	sadd.s32 $0x10, s0;
	s15 =	simm.s32 $0x17B88  }
0x203: {  	[hbm4b:s14+s3] =	stream.linear.scatter [tilespmem:s15], [sflag:$0x2], $0x80, $0x38;
	[tilespmem:$0x18C00] =	vst v63  }
0x204: {  	s14 =	sadd.s32 $0x20, s0;
	s15 =	simm.s32 $0x17C10  }
0x205: {  	[hbm4b:s14+s3] =	stream.linear.scatter [tilespmem:s15], [sflag:$0x2], $0x80, $0x38;
	[tilespmem:$0x18C00] =	vst v63  }
0x206: {  	s14 =	sadd.s32 $0x30, s0;
	s15 =	simm.s32 $0x17C98  }
0x207: {  	[hbm4b:s14+s3] =	stream.linear.scatter [tilespmem:s15], [sflag:$0x2], $0x80, $0x38;
	[tilespmem:$0x18C00] =	vst v63  }
0x208: {  	s14 =	sadd.s32 $0x40, s0;
	s15 =	simm.s32 $0x17D20  }
0x209: {  	[hbm4b:s14+s3] =	stream.linear.scatter [tilespmem:s15], [sflag:$0x2], $0x80, $0x38;
	[tilespmem:$0x18C00] =	vst v63  }
0x20a: {  	s14 =	sadd.s32 $0x50, s0;
	s15 =	simm.s32 $0x17DA8  }
0x20b: {  	[hbm4b:s14+s3] =	stream.linear.scatter [tilespmem:s15], [sflag:$0x2], $0x80, $0x38;
	[tilespmem:$0x18C00] =	vst v63  }
0x20c: {  	s14 =	sadd.s32 $0x60, s0;
	s15 =	simm.s32 $0x17E30  }
0x20d: {  	[hbm4b:s14+s3] =	stream.linear.scatter [tilespmem:s15], [sflag:$0x2], $0x80, $0x38;
	[tilespmem:$0x18C00] =	vst v63  }
0x20e: {  	s0 =	sadd.s32 $0x70, s0;
	s15 =	simm.s32 $0x17EB8;
	s14 =	rddreg [dreg:$0xa]  }
0x20f: {  	[hbm4b:s0+s3] =	stream.linear.scatter [tilespmem:s15], [sflag:$0x2], $0x80, $0x38;
	[tilespmem:$0x18C00] =	vst v63  }
0x210: {  	s0 =	sadd.s32 s25, s14;
	s15 =	simm.s32 $0x17F40  }
0x211: {  	[hbm4b:s0+s3] =	stream.linear.scatter [tilespmem:s15], [sflag:$0x2], $0x80, $0x38;
	[tilespmem:$0x18C00] =	vst v63  }
0x212: {  	s14 =	sadd.s32 $0x10, s0;
	s15 =	simm.s32 $0x17FC8  }
0x213: {  	[hbm4b:s14+s3] =	stream.linear.scatter [tilespmem:s15], [sflag:$0x2], $0x80, $0x38;
	[tilespmem:$0x18C00] =	vst v63  }
0x214: {  	s14 =	sadd.s32 $0x20, s0;
	s15 =	simm.s32 $0x18050  }
0x215: {  	[hbm4b:s14+s3] =	stream.linear.scatter [tilespmem:s15], [sflag:$0x2], $0x80, $0x38;
	[tilespmem:$0x18C00] =	vst v63  }
0x216: {  	s14 =	sadd.s32 $0x30, s0;
	s15 =	simm.s32 $0x180D8  }
0x217: {  	[hbm4b:s14+s3] =	stream.linear.scatter [tilespmem:s15], [sflag:$0x2], $0x80, $0x38;
	[tilespmem:$0x18C00] =	vst v63  }
0x218: {  	s14 =	sadd.s32 $0x40, s0;
	s15 =	simm.s32 $0x18160  }
0x219: {  	[hbm4b:s14+s3] =	stream.linear.scatter [tilespmem:s15], [sflag:$0x2], $0x80, $0x38;
	[tilespmem:$0x18C00] =	vst v63  }
0x21a: {  	s14 =	sadd.s32 $0x50, s0;
	s15 =	simm.s32 $0x181E8  }
0x21b: {  	[hbm4b:s14+s3] =	stream.linear.scatter [tilespmem:s15], [sflag:$0x2], $0x80, $0x38;
	[tilespmem:$0x18C00] =	vst v63  }
0x21c: {  	s14 =	sadd.s32 $0x60, s0;
	s15 =	simm.s32 $0x18270  }
0x21d: {  	[hbm4b:s14+s3] =	stream.linear.scatter [tilespmem:s15], [sflag:$0x2], $0x80, $0x38;
	[tilespmem:$0x18C00] =	vst v63  }
0x21e: {  	s0 =	sadd.s32 $0x70, s0;
	s15 =	simm.s32 $0x182F8;
	s14 =	rddreg [dreg:$0xb]  }
0x21f: {  	[hbm4b:s0+s3] =	stream.linear.scatter [tilespmem:s15], [sflag:$0x2], $0x80, $0x38;
	[tilespmem:$0x18C00] =	vst v63  }
0x220: {  	s0 =	sadd.s32 s25, s14;
	s15 =	simm.s32 $0x18380  }
0x221: {  	[hbm4b:s0+s3] =	stream.linear.scatter [tilespmem:s15], [sflag:$0x2], $0x80, $0x38;
	[tilespmem:$0x18C00] =	vst v63  }
0x222: {  	s14 =	sadd.s32 $0x10, s0;
	s15 =	simm.s32 $0x18408  }
0x223: {  	[hbm4b:s14+s3] =	stream.linear.scatter [tilespmem:s15], [sflag:$0x2], $0x80, $0x38;
	[tilespmem:$0x18C00] =	vst v63  }
0x224: {  	s14 =	sadd.s32 $0x20, s0;
	s15 =	simm.s32 $0x18490  }
0x225: {  	[hbm4b:s14+s3] =	stream.linear.scatter [tilespmem:s15], [sflag:$0x2], $0x80, $0x38;
	[tilespmem:$0x18C00] =	vst v63  }
0x226: {  	s14 =	sadd.s32 $0x30, s0;
	s15 =	simm.s32 $0x18518  }
0x227: {  	[hbm4b:s14+s3] =	stream.linear.scatter [tilespmem:s15], [sflag:$0x2], $0x80, $0x38;
	[tilespmem:$0x18C00] =	vst v63  }
0x228: {  	s14 =	sadd.s32 $0x40, s0;
	s15 =	simm.s32 $0x185A0  }
0x229: {  	[hbm4b:s14+s3] =	stream.linear.scatter [tilespmem:s15], [sflag:$0x2], $0x80, $0x38;
	[tilespmem:$0x18C00] =	vst v63  }
0x22a: {  	s14 =	sadd.s32 $0x50, s0;
	s15 =	simm.s32 $0x18628  }
0x22b: {  	[hbm4b:s14+s3] =	stream.linear.scatter [tilespmem:s15], [sflag:$0x2], $0x80, $0x38;
	[tilespmem:$0x18C00] =	vst v63  }
0x22c: {  	s14 =	sadd.s32 $0x60, s0;
	s15 =	simm.s32 $0x186B0  }
0x22d: {  	[hbm4b:s14+s3] =	stream.linear.scatter [tilespmem:s15], [sflag:$0x2], $0x80, $0x38;
	[tilespmem:$0x18C00] =	vst v63  }
0x22e: {  	s0 =	sadd.s32 $0x70, s0;
	s14 =	rddreg [dreg:$0xc]  }
0x22f: {  	[hbm4b:s0+s3] =	stream.linear.scatter [tilespmem:s18], [sflag:$0x2], $0x80, $0x38;
	[tilespmem:$0x18C00] =	vst v63  }
0x230: {  	s0 =	sadd.s32 s25, s14  }
0x231: {  	[hbm4b:s0+s3] =	stream.linear.scatter [tilespmem:s19], [sflag:$0x2], $0x80, $0x38;
	[tilespmem:$0x18C00] =	vst v63  }
0x232: {  	s15 =	sadd.s32 $0x10, s0  }
0x233: {  	[hbm4b:s15+s3] =	stream.linear.scatter [tilespmem:s20], [sflag:$0x2], $0x80, $0x38;
	[tilespmem:$0x18C00] =	vst v63  }
0x234: {  	s14 =	sadd.s32 $0x20, s0  }
0x235: {  	[hbm4b:s14+s3] =	stream.linear.scatter [tilespmem:s21], [sflag:$0x2], $0x80, $0x38;
	[tilespmem:$0x18C00] =	vst v63  }
0x236: {  	s15 =	sadd.s32 $0x30, s0  }
0x237: {  	[hbm4b:s15+s3] =	stream.linear.scatter [tilespmem:s22], [sflag:$0x2], $0x80, $0x38;
	[tilespmem:$0x18C00] =	vst v63  }
0x238: {  	s14 =	sadd.s32 $0x40, s0  }
0x239: {  	[hbm4b:s14+s3] =	stream.linear.scatter [tilespmem:s23], [sflag:$0x2], $0x80, $0x38;
	[tilespmem:$0x18C00] =	vst v63  }
0x23a: {  	s15 =	sadd.s32 $0x50, s0  }
0x23b: {  	[hbm4b:s15+s3] =	stream.linear.scatter [tilespmem:s24], [sflag:$0x2], $0x80, $0x38;
	[tilespmem:$0x18C00] =	vst v63  }
0x23c: {  	s14 =	sadd.s32 $0x60, s0  }
0x23d: {  	[hbm4b:s14+s3] =	stream.linear.scatter [tilespmem:s26], [sflag:$0x2], $0x80, $0x38;
	[tilespmem:$0x18C00] =	vst v63  }
0x23e: {  	s0 =	sadd.s32 $0x70, s0  }
0x23f: {  	[hbm4b:s0+s3] =	stream.linear.scatter [tilespmem:s28], [sflag:$0x2], $0x80, $0x38;
	[tilespmem:$0x18C00] =	vst v63  }
0x240: {  	_ =	swait.ge [sflag:s29], $0x400  }
0x241: {  	[sflag:s29] =	ssyncset.done $0x0  }
0x242: {  	[sflag:s29] =	ssyncadd.s32 $0xFFFFFC00  }
0x243: {  	_ =	swait.ge [sflag:s29], $0x400  }
0x244: {  	[sflag:s29] =	ssyncset.done $0x0  }
0x245: {  	[sflag:s29] =	ssyncadd.s32 $0xFFFFFC00  }
0x246: {  	_ =	swait.ge [sflag:s29], $0x400  }
0x247: {  	[sflag:s29] =	ssyncset.done $0x0  }
0x248: {  	[sflag:s29] =	ssyncadd.s32 $0xFFFFFC00  }
0x249: {  	_ =	swait.ge [sflag:s29], $0x400  }
0x24a: {  	[sflag:s29] =	ssyncset.done $0x0  }
0x24b: {  	[sflag:s29] =	ssyncadd.s32 $0xFFFFFC00  }
0x24c: {  	_ =	swait.ge [sflag:s29], $0x400  }
0x24d: {  	[sflag:s29] =	ssyncset.done $0x0  }
0x24e: {  	[sflag:s29] =	ssyncadd.s32 $0xFFFFFC00  }
0x24f: {  	_ =	swait.ge [sflag:s29], $0x400  }
0x250: {  	[sflag:s29] =	ssyncset.done $0x0  }
0x251: {  	[sflag:s29] =	ssyncadd.s32 $0xFFFFFC00  }
0x252: {  	_ =	swait.ge [sflag:s29], $0x400  }
0x253: {  	[sflag:s29] =	ssyncset.done $0x0  }
0x254: {  	p0 =	seq.s32 s30, $0x31;
	[sflag:s29] =	ssyncadd.s32 $0xFFFFFC00  }
0x255: {  	s0 =	sshll.u32 @!p0 s30, $0x9;
	_ =	swait.ge [sflag:s29], $0x400  }
0x256: {  	s15 =	simm.s32 @!p0 $0xE800;
	s0 =	sand.u32 @!p0 $0x3FFFFE00, s0;
	[sflag:s29] =	ssyncset.done $0x0  }
0x257: {  	s14 =	simm.s32 @!p0 $0x80;
	s2 =	sadd.s32 @!p0 $0x6680, s0;
	[sflag:s29] =	ssyncadd.s32 $0xFFFFFC00  }
0x258: {  	[tilespmem:s15], [sflag:$0x1] =	stream.indirect.gather @!p0 [hbm4b:s4+s14], $0x40, s2, s14, $0xb8;
	[tilespmem:$0x18C00] =	vst v63  }
0x259: {  	_ =	swait.ge [sflag:s1], $0x2000  }
0x25a: {  	[sflag:s1] =	ssyncset.done $0x0  }
0x25b: {  	s15 =	simm.s32 $0x0;
	s2 =	simm.s32 $0x10870;
	[sflag:s1] =	ssyncadd.s32 $0xFFFFE000  }
0x25c: {  	v12 =	vmov s15;
	v13 =	vld [tilespmem:s2+$0xFFFFFF90]  }
0x25d: {  	v12 =	vand.u32 $0x7E, v12  }
0x25e: {  	v14 =	vadd.s32 v5, v12;
	_ =	sdelay $0x2  }
0x25f: {  	v13 =	vmul.f32 $8.000000000e+00, v13;
	_ =	sdelay $0x1  }
0x260: {  	[tilespmem:v14+s5+$0x0] =	vst.idx.msk $0xffff, v13  }
0x261: {  	v13 =	vld [tilespmem:s2+$0xFFFFFFA0];
	_ =	sdelay $0x1  }
0x262: {  	v14 =	vadd.s32 v9, v12;
	_ =	sdelay $0x2  }
0x263: {  	v13 =	vmul.f32 $8.000000000e+00, v13;
	_ =	sdelay $0x1  }
0x264: {  	[tilespmem:v14+s5+$0x0] =	vst.idx.msk $0xffff, v13  }
0x265: {  	v13 =	vld [tilespmem:s2+$0xFFFFFFB0];
	_ =	sdelay $0x1  }
0x266: {  	v14 =	vadd.s32 v10, v12;
	_ =	sdelay $0x2  }
0x267: {  	v13 =	vmul.f32 $8.000000000e+00, v13;
	_ =	sdelay $0x1  }
0x268: {  	[tilespmem:v14+s5+$0x0] =	vst.idx.msk $0xffff, v13  }
0x269: {  	v13 =	vld [tilespmem:s2+$0xFFFFFFC0];
	_ =	sdelay $0x1  }
0x26a: {  	v12 =	vadd.s32 v11, v12;
	_ =	sdelay $0x2  }
0x26b: {  	v13 =	vmul.f32 $8.000000000e+00, v13;
	_ =	sdelay $0x1  }
0x26c: {  	s15 =	simm.s32 $0x1;
	[tilespmem:v12+s5+$0x0] =	vst.idx.msk $0xffff, v13  }
0x26d: {  	v12 =	vmov s15;
	v13 =	vld [tilespmem:s2+$0xFFFFFFD0]  }
0x26e: {  	v12 =	vand.u32 $0x7F, v12  }
0x26f: {  	v14 =	vadd.s32 v5, v12;
	_ =	sdelay $0x2  }
0x270: {  	v13 =	vmul.f32 $8.000000000e+00, v13;
	_ =	sdelay $0x1  }
0x271: {  	[tilespmem:v14+s5+$0x0] =	vst.idx.msk $0xffff, v13  }
0x272: {  	v13 =	vld [tilespmem:s2+$0xFFFFFFE0];
	_ =	sdelay $0x1  }
0x273: {  	v14 =	vadd.s32 v9, v12;
	_ =	sdelay $0x2  }
0x274: {  	v13 =	vmul.f32 $8.000000000e+00, v13;
	_ =	sdelay $0x1  }
0x275: {  	[tilespmem:v14+s5+$0x0] =	vst.idx.msk $0xffff, v13  }
0x276: {  	v13 =	vld [tilespmem:s2+$0xFFFFFFF0];
	_ =	sdelay $0x1  }
0x277: {  	v14 =	vadd.s32 v10, v12;
	_ =	sdelay $0x2  }
0x278: {  	v13 =	vmul.f32 $8.000000000e+00, v13;
	_ =	sdelay $0x1  }
0x279: {  	[tilespmem:v14+s5+$0x0] =	vst.idx.msk $0xffff, v13  }
0x27a: {  	v13 =	vld [tilespmem:s2+$0x0];
	_ =	sdelay $0x1  }
0x27b: {  	v12 =	vadd.s32 v11, v12;
	_ =	sdelay $0x2  }
0x27c: {  	s14 =	simm.s32 $0x2;
	v13 =	vmul.f32 $8.000000000e+00, v13  }
.LBB2_9:
0x27d: {  	p1 =	slt.u32 s14, $0x7E  }
0x27e: {  	s2 =	sadd.s32 $0x80, s2;
	s15 =	smov.u32 s14;
	s14 =	sadd.s32 $0x2, s14;
	[tilespmem:v12+s5+$0x0] =	vst.idx.msk $0xffff, v13  }
0x27f: {  	v12 =	vmov s15;
	v13 =	vld [tilespmem:s2+$0xFFFFFF90]  }
0x280: {  	v12 =	vand.u32 $0x7E, v12  }
0x281: {  	v14 =	vadd.s32 v5, v12;
	_ =	sdelay $0x2  }
0x282: {  	v13 =	vmul.f32 $8.000000000e+00, v13;
	_ =	sdelay $0x1  }
0x283: {  	[tilespmem:v14+s5+$0x0] =	vst.idx.msk $0xffff, v13  }
0x284: {  	v13 =	vld [tilespmem:s2+$0xFFFFFFA0];
	_ =	sdelay $0x1  }
0x285: {  	v14 =	vadd.s32 v9, v12;
	_ =	sdelay $0x2  }
0x286: {  	v13 =	vmul.f32 $8.000000000e+00, v13;
	_ =	sdelay $0x1  }
0x287: {  	[tilespmem:v14+s5+$0x0] =	vst.idx.msk $0xffff, v13  }
0x288: {  	v13 =	vld [tilespmem:s2+$0xFFFFFFB0];
	_ =	sdelay $0x1  }
0x289: {  	v14 =	vadd.s32 v10, v12;
	_ =	sdelay $0x2  }
0x28a: {  	v13 =	vmul.f32 $8.000000000e+00, v13;
	_ =	sdelay $0x1  }
0x28b: {  	[tilespmem:v14+s5+$0x0] =	vst.idx.msk $0xffff, v13  }
0x28c: {  	v13 =	vld [tilespmem:s2+$0xFFFFFFC0];
	_ =	sdelay $0x1  }
0x28d: {  	v12 =	vadd.s32 v11, v12;
	_ =	sdelay $0x2  }
0x28e: {  	v13 =	vmul.f32 $8.000000000e+00, v13;
	_ =	sdelay $0x1  }
0x28f: {  	s15 =	sadd.s32 $0x1, s15;
	[tilespmem:v12+s5+$0x0] =	vst.idx.msk $0xffff, v13  }
0x290: {  	v12 =	vmov s15;
	v13 =	vld [tilespmem:s2+$0xFFFFFFD0]  }
0x291: {  	v12 =	vand.u32 $0x7F, v12  }
0x292: {  	v14 =	vadd.s32 v5, v12;
	_ =	sdelay $0x2  }
0x293: {  	v13 =	vmul.f32 $8.000000000e+00, v13;
	_ =	sdelay $0x1  }
0x294: {  	[tilespmem:v14+s5+$0x0] =	vst.idx.msk $0xffff, v13  }
0x295: {  	v13 =	vld [tilespmem:s2+$0xFFFFFFE0];
	_ =	sdelay $0x1  }
0x296: {  	v14 =	vadd.s32 v9, v12;
	_ =	sdelay $0x2  }
0x297: {  	v13 =	vmul.f32 $8.000000000e+00, v13;
	_ =	sdelay $0x1  }
0x298: {  	[tilespmem:v14+s5+$0x0] =	vst.idx.msk $0xffff, v13  }
0x299: {  	v13 =	vld [tilespmem:s2+$0xFFFFFFF0];
	_ =	sdelay $0x1  }
0x29a: {  	v14 =	vadd.s32 v10, v12;
	_ =	sdelay $0x2  }
0x29b: {  	v13 =	vmul.f32 $8.000000000e+00, v13;
	_ =	sdelay $0x1  }
0x29c: {  	[tilespmem:v14+s5+$0x0] =	vst.idx.msk $0xffff, v13  }
0x29d: {  	v13 =	vld [tilespmem:s2+$0x0]  }
.Ltmp3:
0x29e: {  	(pc) =	sbr.rel @p1 .LBB2_9-.Ltmp3, $2  }
0x29f: {  	v12 =	vadd.s32 v11, v12;
	_ =	sdelay $0x2  }
0x2a0: {  	v13 =	vmul.f32 $8.000000000e+00, v13  }
0x2a1: {  	_ =	sdelay $0x2  }
0x2a2: {  	s2 =	rddreg [dreg:$0xd]  }
0x2a3: {  	[tilespmem:v12+s5+$0x0] =	vst.idx.msk $0xffff, v13;
	s2 =	sadd.s32 s25, s2  }
0x2a4: {  	[hbm4b:s2+s3] =	stream.linear.scatter [tilespmem:s5], [sflag:$0x2], $0x80, $0x38;
	[tilespmem:$0x18C00] =	vst v63  }
0x2a5: {  	s15 =	simm.s32 $0x14888;
	s14 =	sadd.s32 $0x10, s2  }
0x2a6: {  	[hbm4b:s14+s3] =	stream.linear.scatter [tilespmem:s15], [sflag:$0x2], $0x80, $0x38;
	[tilespmem:$0x18C00] =	vst v63  }
0x2a7: {  	s14 =	sadd.s32 $0x20, s2;
	s15 =	simm.s32 $0x14910  }
0x2a8: {  	[hbm4b:s14+s3] =	stream.linear.scatter [tilespmem:s15], [sflag:$0x2], $0x80, $0x38;
	[tilespmem:$0x18C00] =	vst v63  }
0x2a9: {  	s14 =	sadd.s32 $0x30, s2;
	s15 =	simm.s32 $0x14998  }
0x2aa: {  	[hbm4b:s14+s3] =	stream.linear.scatter [tilespmem:s15], [sflag:$0x2], $0x80, $0x38;
	[tilespmem:$0x18C00] =	vst v63  }
0x2ab: {  	s14 =	sadd.s32 $0x40, s2;
	s15 =	simm.s32 $0x14A20  }
0x2ac: {  	[hbm4b:s14+s3] =	stream.linear.scatter [tilespmem:s15], [sflag:$0x2], $0x80, $0x38;
	[tilespmem:$0x18C00] =	vst v63  }
0x2ad: {  	s14 =	sadd.s32 $0x50, s2;
	s15 =	simm.s32 $0x14AA8  }
0x2ae: {  	[hbm4b:s14+s3] =	stream.linear.scatter [tilespmem:s15], [sflag:$0x2], $0x80, $0x38;
	[tilespmem:$0x18C00] =	vst v63  }
0x2af: {  	s14 =	sadd.s32 $0x60, s2;
	s15 =	simm.s32 $0x14B30  }
0x2b0: {  	[hbm4b:s14+s3] =	stream.linear.scatter [tilespmem:s15], [sflag:$0x2], $0x80, $0x38;
	[tilespmem:$0x18C00] =	vst v63  }
0x2b1: {  	s2 =	sadd.s32 $0x70, s2;
	s15 =	simm.s32 $0x14BB8;
	s14 =	rddreg [dreg:$0xe]  }
0x2b2: {  	[hbm4b:s2+s3] =	stream.linear.scatter [tilespmem:s15], [sflag:$0x2], $0x80, $0x38;
	[tilespmem:$0x18C00] =	vst v63  }
0x2b3: {  	s2 =	sadd.s32 s25, s14;
	s15 =	simm.s32 $0x14C40  }
0x2b4: {  	[hbm4b:s2+s3] =	stream.linear.scatter [tilespmem:s15], [sflag:$0x2], $0x80, $0x38;
	[tilespmem:$0x18C00] =	vst v63  }
0x2b5: {  	s14 =	sadd.s32 $0x10, s2;
	s15 =	simm.s32 $0x14CC8  }
0x2b6: {  	[hbm4b:s14+s3] =	stream.linear.scatter [tilespmem:s15], [sflag:$0x2], $0x80, $0x38;
	[tilespmem:$0x18C00] =	vst v63  }
0x2b7: {  	s14 =	sadd.s32 $0x20, s2;
	s15 =	simm.s32 $0x14D50  }
0x2b8: {  	[hbm4b:s14+s3] =	stream.linear.scatter [tilespmem:s15], [sflag:$0x2], $0x80, $0x38;
	[tilespmem:$0x18C00] =	vst v63  }
0x2b9: {  	s14 =	sadd.s32 $0x30, s2;
	s15 =	simm.s32 $0x14DD8  }
0x2ba: {  	[hbm4b:s14+s3] =	stream.linear.scatter [tilespmem:s15], [sflag:$0x2], $0x80, $0x38;
	[tilespmem:$0x18C00] =	vst v63  }
0x2bb: {  	s14 =	sadd.s32 $0x40, s2;
	s15 =	simm.s32 $0x14E60  }
0x2bc: {  	[hbm4b:s14+s3] =	stream.linear.scatter [tilespmem:s15], [sflag:$0x2], $0x80, $0x38;
	[tilespmem:$0x18C00] =	vst v63  }
0x2bd: {  	s14 =	sadd.s32 $0x50, s2;
	s15 =	simm.s32 $0x14EE8  }
0x2be: {  	[hbm4b:s14+s3] =	stream.linear.scatter [tilespmem:s15], [sflag:$0x2], $0x80, $0x38;
	[tilespmem:$0x18C00] =	vst v63  }
0x2bf: {  	s14 =	sadd.s32 $0x60, s2;
	s15 =	simm.s32 $0x14F70  }
0x2c0: {  	[hbm4b:s14+s3] =	stream.linear.scatter [tilespmem:s15], [sflag:$0x2], $0x80, $0x38;
	[tilespmem:$0x18C00] =	vst v63  }
0x2c1: {  	s2 =	sadd.s32 $0x70, s2;
	s15 =	simm.s32 $0x14FF8;
	s14 =	rddreg [dreg:$0xf]  }
0x2c2: {  	[hbm4b:s2+s3] =	stream.linear.scatter [tilespmem:s15], [sflag:$0x2], $0x80, $0x38;
	[tilespmem:$0x18C00] =	vst v63  }
0x2c3: {  	s2 =	sadd.s32 s25, s14;
	s15 =	simm.s32 $0x15080  }
0x2c4: {  	[hbm4b:s2+s3] =	stream.linear.scatter [tilespmem:s15], [sflag:$0x2], $0x80, $0x38;
	[tilespmem:$0x18C00] =	vst v63  }
0x2c5: {  	s14 =	sadd.s32 $0x10, s2;
	s15 =	simm.s32 $0x15108  }
0x2c6: {  	[hbm4b:s14+s3] =	stream.linear.scatter [tilespmem:s15], [sflag:$0x2], $0x80, $0x38;
	[tilespmem:$0x18C00] =	vst v63  }
0x2c7: {  	s14 =	sadd.s32 $0x20, s2;
	s15 =	simm.s32 $0x15190  }
0x2c8: {  	[hbm4b:s14+s3] =	stream.linear.scatter [tilespmem:s15], [sflag:$0x2], $0x80, $0x38;
	[tilespmem:$0x18C00] =	vst v63  }
0x2c9: {  	s14 =	sadd.s32 $0x30, s2;
	s15 =	simm.s32 $0x15218  }
0x2ca: {  	[hbm4b:s14+s3] =	stream.linear.scatter [tilespmem:s15], [sflag:$0x2], $0x80, $0x38;
	[tilespmem:$0x18C00] =	vst v63  }
0x2cb: {  	s14 =	sadd.s32 $0x40, s2;
	s15 =	simm.s32 $0x152A0  }
0x2cc: {  	[hbm4b:s14+s3] =	stream.linear.scatter [tilespmem:s15], [sflag:$0x2], $0x80, $0x38;
	[tilespmem:$0x18C00] =	vst v63  }
0x2cd: {  	s14 =	sadd.s32 $0x50, s2;
	s15 =	simm.s32 $0x15328  }
0x2ce: {  	[hbm4b:s14+s3] =	stream.linear.scatter [tilespmem:s15], [sflag:$0x2], $0x80, $0x38;
	[tilespmem:$0x18C00] =	vst v63  }
0x2cf: {  	s14 =	sadd.s32 $0x60, s2;
	s15 =	simm.s32 $0x153B0  }
0x2d0: {  	[hbm4b:s14+s3] =	stream.linear.scatter [tilespmem:s15], [sflag:$0x2], $0x80, $0x38;
	[tilespmem:$0x18C00] =	vst v63  }
0x2d1: {  	s2 =	sadd.s32 $0x70, s2;
	s15 =	simm.s32 $0x15438;
	s14 =	rddreg [dreg:$0x11]  }
0x2d2: {  	[hbm4b:s2+s3] =	stream.linear.scatter [tilespmem:s15], [sflag:$0x2], $0x80, $0x38;
	[tilespmem:$0x18C00] =	vst v63  }
0x2d3: {  	s2 =	sadd.s32 s25, s14;
	s15 =	simm.s32 $0x154C0  }
0x2d4: {  	[hbm4b:s2+s3] =	stream.linear.scatter [tilespmem:s15], [sflag:$0x2], $0x80, $0x38;
	[tilespmem:$0x18C00] =	vst v63  }
0x2d5: {  	s14 =	sadd.s32 $0x10, s2;
	s15 =	simm.s32 $0x15548  }
0x2d6: {  	[hbm4b:s14+s3] =	stream.linear.scatter [tilespmem:s15], [sflag:$0x2], $0x80, $0x38;
	[tilespmem:$0x18C00] =	vst v63  }
0x2d7: {  	s14 =	sadd.s32 $0x20, s2;
	s15 =	simm.s32 $0x155D0  }
0x2d8: {  	[hbm4b:s14+s3] =	stream.linear.scatter [tilespmem:s15], [sflag:$0x2], $0x80, $0x38;
	[tilespmem:$0x18C00] =	vst v63  }
0x2d9: {  	s14 =	sadd.s32 $0x30, s2;
	s15 =	simm.s32 $0x15658  }
0x2da: {  	[hbm4b:s14+s3] =	stream.linear.scatter [tilespmem:s15], [sflag:$0x2], $0x80, $0x38;
	[tilespmem:$0x18C00] =	vst v63  }
0x2db: {  	s14 =	sadd.s32 $0x40, s2;
	s15 =	simm.s32 $0x156E0  }
0x2dc: {  	[hbm4b:s14+s3] =	stream.linear.scatter [tilespmem:s15], [sflag:$0x2], $0x80, $0x38;
	[tilespmem:$0x18C00] =	vst v63  }
0x2dd: {  	s14 =	sadd.s32 $0x50, s2;
	s15 =	simm.s32 $0x15768  }
0x2de: {  	[hbm4b:s14+s3] =	stream.linear.scatter [tilespmem:s15], [sflag:$0x2], $0x80, $0x38;
	[tilespmem:$0x18C00] =	vst v63  }
0x2df: {  	s14 =	sadd.s32 $0x60, s2;
	s15 =	simm.s32 $0x157F0  }
0x2e0: {  	[hbm4b:s14+s3] =	stream.linear.scatter [tilespmem:s15], [sflag:$0x2], $0x80, $0x38;
	[tilespmem:$0x18C00] =	vst v63  }
0x2e1: {  	s2 =	sadd.s32 $0x70, s2;
	s15 =	simm.s32 $0x15878;
	s14 =	rddreg [dreg:$0x12]  }
0x2e2: {  	[hbm4b:s2+s3] =	stream.linear.scatter [tilespmem:s15], [sflag:$0x2], $0x80, $0x38;
	[tilespmem:$0x18C00] =	vst v63  }
0x2e3: {  	s2 =	sadd.s32 s25, s14;
	s15 =	simm.s32 $0x15900  }
0x2e4: {  	[hbm4b:s2+s3] =	stream.linear.scatter [tilespmem:s15], [sflag:$0x2], $0x80, $0x38;
	[tilespmem:$0x18C00] =	vst v63  }
0x2e5: {  	s14 =	sadd.s32 $0x10, s2;
	s15 =	simm.s32 $0x15988  }
0x2e6: {  	[hbm4b:s14+s3] =	stream.linear.scatter [tilespmem:s15], [sflag:$0x2], $0x80, $0x38;
	[tilespmem:$0x18C00] =	vst v63  }
0x2e7: {  	s14 =	sadd.s32 $0x20, s2;
	s15 =	simm.s32 $0x15A10  }
0x2e8: {  	[hbm4b:s14+s3] =	stream.linear.scatter [tilespmem:s15], [sflag:$0x2], $0x80, $0x38;
	[tilespmem:$0x18C00] =	vst v63  }
0x2e9: {  	s14 =	sadd.s32 $0x30, s2;
	s15 =	simm.s32 $0x15A98  }
0x2ea: {  	[hbm4b:s14+s3] =	stream.linear.scatter [tilespmem:s15], [sflag:$0x2], $0x80, $0x38;
	[tilespmem:$0x18C00] =	vst v63  }
0x2eb: {  	s14 =	sadd.s32 $0x40, s2;
	s15 =	simm.s32 $0x15B20  }
0x2ec: {  	[hbm4b:s14+s3] =	stream.linear.scatter [tilespmem:s15], [sflag:$0x2], $0x80, $0x38;
	[tilespmem:$0x18C00] =	vst v63  }
0x2ed: {  	s14 =	sadd.s32 $0x50, s2;
	s15 =	simm.s32 $0x15BA8  }
0x2ee: {  	[hbm4b:s14+s3] =	stream.linear.scatter [tilespmem:s15], [sflag:$0x2], $0x80, $0x38;
	[tilespmem:$0x18C00] =	vst v63  }
0x2ef: {  	s14 =	sadd.s32 $0x60, s2;
	s15 =	simm.s32 $0x15C30  }
0x2f0: {  	[hbm4b:s14+s3] =	stream.linear.scatter [tilespmem:s15], [sflag:$0x2], $0x80, $0x38;
	[tilespmem:$0x18C00] =	vst v63  }
0x2f1: {  	s2 =	sadd.s32 $0x70, s2;
	s15 =	simm.s32 $0x15CB8;
	s14 =	rddreg [dreg:$0x13]  }
0x2f2: {  	[hbm4b:s2+s3] =	stream.linear.scatter [tilespmem:s15], [sflag:$0x2], $0x80, $0x38;
	[tilespmem:$0x18C00] =	vst v63  }
0x2f3: {  	s2 =	sadd.s32 s25, s14;
	s15 =	simm.s32 $0x15D40  }
0x2f4: {  	[hbm4b:s2+s3] =	stream.linear.scatter [tilespmem:s15], [sflag:$0x2], $0x80, $0x38;
	[tilespmem:$0x18C00] =	vst v63  }
0x2f5: {  	s14 =	sadd.s32 $0x10, s2;
	s15 =	simm.s32 $0x15DC8  }
0x2f6: {  	[hbm4b:s14+s3] =	stream.linear.scatter [tilespmem:s15], [sflag:$0x2], $0x80, $0x38;
	[tilespmem:$0x18C00] =	vst v63  }
0x2f7: {  	s14 =	sadd.s32 $0x20, s2;
	s15 =	simm.s32 $0x15E50  }
0x2f8: {  	[hbm4b:s14+s3] =	stream.linear.scatter [tilespmem:s15], [sflag:$0x2], $0x80, $0x38;
	[tilespmem:$0x18C00] =	vst v63  }
0x2f9: {  	s14 =	sadd.s32 $0x30, s2;
	s15 =	simm.s32 $0x15ED8  }
0x2fa: {  	[hbm4b:s14+s3] =	stream.linear.scatter [tilespmem:s15], [sflag:$0x2], $0x80, $0x38;
	[tilespmem:$0x18C00] =	vst v63  }
0x2fb: {  	s14 =	sadd.s32 $0x40, s2;
	s15 =	simm.s32 $0x15F60  }
0x2fc: {  	[hbm4b:s14+s3] =	stream.linear.scatter [tilespmem:s15], [sflag:$0x2], $0x80, $0x38;
	[tilespmem:$0x18C00] =	vst v63  }
0x2fd: {  	s14 =	sadd.s32 $0x50, s2;
	s15 =	simm.s32 $0x15FE8  }
0x2fe: {  	[hbm4b:s14+s3] =	stream.linear.scatter [tilespmem:s15], [sflag:$0x2], $0x80, $0x38;
	[tilespmem:$0x18C00] =	vst v63  }
0x2ff: {  	s14 =	sadd.s32 $0x60, s2;
	s15 =	simm.s32 $0x16070  }
0x300: {  	[hbm4b:s14+s3] =	stream.linear.scatter [tilespmem:s15], [sflag:$0x2], $0x80, $0x38;
	[tilespmem:$0x18C00] =	vst v63  }
0x301: {  	s2 =	sadd.s32 $0x70, s2;
	s15 =	simm.s32 $0x160F8;
	s14 =	rddreg [dreg:$0x14]  }
0x302: {  	[hbm4b:s2+s3] =	stream.linear.scatter [tilespmem:s15], [sflag:$0x2], $0x80, $0x38;
	[tilespmem:$0x18C00] =	vst v63  }
0x303: {  	s2 =	sadd.s32 s25, s14;
	s15 =	simm.s32 $0x16180  }
0x304: {  	[hbm4b:s2+s3] =	stream.linear.scatter [tilespmem:s15], [sflag:$0x2], $0x80, $0x38;
	[tilespmem:$0x18C00] =	vst v63  }
0x305: {  	s14 =	sadd.s32 $0x10, s2;
	s15 =	simm.s32 $0x16208  }
0x306: {  	[hbm4b:s14+s3] =	stream.linear.scatter [tilespmem:s15], [sflag:$0x2], $0x80, $0x38;
	[tilespmem:$0x18C00] =	vst v63  }
0x307: {  	s14 =	sadd.s32 $0x20, s2;
	s15 =	simm.s32 $0x16290  }
0x308: {  	[hbm4b:s14+s3] =	stream.linear.scatter [tilespmem:s15], [sflag:$0x2], $0x80, $0x38;
	[tilespmem:$0x18C00] =	vst v63  }
0x309: {  	s14 =	sadd.s32 $0x30, s2;
	s15 =	simm.s32 $0x16318  }
0x30a: {  	[hbm4b:s14+s3] =	stream.linear.scatter [tilespmem:s15], [sflag:$0x2], $0x80, $0x38;
	[tilespmem:$0x18C00] =	vst v63  }
0x30b: {  	s14 =	sadd.s32 $0x40, s2;
	s15 =	simm.s32 $0x163A0  }
0x30c: {  	[hbm4b:s14+s3] =	stream.linear.scatter [tilespmem:s15], [sflag:$0x2], $0x80, $0x38;
	[tilespmem:$0x18C00] =	vst v63  }
0x30d: {  	s14 =	sadd.s32 $0x50, s2;
	s15 =	simm.s32 $0x16428  }
0x30e: {  	[hbm4b:s14+s3] =	stream.linear.scatter [tilespmem:s15], [sflag:$0x2], $0x80, $0x38;
	[tilespmem:$0x18C00] =	vst v63  }
0x30f: {  	s14 =	sadd.s32 $0x60, s2;
	s15 =	simm.s32 $0x164B0  }
0x310: {  	[hbm4b:s14+s3] =	stream.linear.scatter [tilespmem:s15], [sflag:$0x2], $0x80, $0x38;
	[tilespmem:$0x18C00] =	vst v63  }
0x311: {  	s2 =	sadd.s32 $0x70, s2;
	s15 =	simm.s32 $0x16538  }
0x312: {  	[hbm4b:s2+s3] =	stream.linear.scatter [tilespmem:s15], [sflag:$0x2], $0x80, $0x38;
	[tilespmem:$0x18C00] =	vst v63  }
0x313: {  	s15 =	rddreg [dreg:$0x15]  }
0x314: {  	s2 =	sadd.s32 s25, s15;
	s25 =	simm.s32 $0x165C0  }
0x315: {  	[hbm4b:s2+s3] =	stream.linear.scatter [tilespmem:s25], [sflag:$0x2], $0x80, $0x38;
	[tilespmem:$0x18C00] =	vst v63  }
0x316: {  	s15 =	sadd.s32 $0x10, s2;
	s25 =	simm.s32 $0x16648  }
0x317: {  	[hbm4b:s15+s3] =	stream.linear.scatter [tilespmem:s25], [sflag:$0x2], $0x80, $0x38;
	[tilespmem:$0x18C00] =	vst v63  }
0x318: {  	s15 =	sadd.s32 $0x20, s2;
	s25 =	simm.s32 $0x166D0  }
0x319: {  	[hbm4b:s15+s3] =	stream.linear.scatter [tilespmem:s25], [sflag:$0x2], $0x80, $0x38;
	[tilespmem:$0x18C00] =	vst v63  }
0x31a: {  	s15 =	sadd.s32 $0x30, s2;
	s25 =	simm.s32 $0x16758  }
0x31b: {  	[hbm4b:s15+s3] =	stream.linear.scatter [tilespmem:s25], [sflag:$0x2], $0x80, $0x38;
	[tilespmem:$0x18C00] =	vst v63  }
0x31c: {  	s15 =	sadd.s32 $0x40, s2;
	s25 =	simm.s32 $0x167E0  }
0x31d: {  	[hbm4b:s15+s3] =	stream.linear.scatter [tilespmem:s25], [sflag:$0x2], $0x80, $0x38;
	[tilespmem:$0x18C00] =	vst v63  }
0x31e: {  	s15 =	sadd.s32 $0x50, s2;
	s25 =	simm.s32 $0x16868  }
0x31f: {  	[hbm4b:s15+s3] =	stream.linear.scatter [tilespmem:s25], [sflag:$0x2], $0x80, $0x38;
	[tilespmem:$0x18C00] =	vst v63  }
0x320: {  	s15 =	sadd.s32 $0x60, s2;
	s25 =	simm.s32 $0x168F0  }
0x321: {  	[hbm4b:s15+s3] =	stream.linear.scatter [tilespmem:s25], [sflag:$0x2], $0x80, $0x38;
	[tilespmem:$0x18C00] =	vst v63  }
0x322: {  	s2 =	sadd.s32 $0x70, s2;
	s25 =	simm.s32 $0x16978  }
0x323: {  	[hbm4b:s2+s3] =	stream.linear.scatter [tilespmem:s25], [sflag:$0x2], $0x80, $0x38;
	[tilespmem:$0x18C00] =	vst v63  }
0x324: {  	_ =	swait.ge [sflag:s29], $0x400  }
0x325: {  	[sflag:s29] =	ssyncset.done $0x0  }
0x326: {  	[sflag:s29] =	ssyncadd.s32 $0xFFFFFC00  }
0x327: {  	_ =	swait.ge [sflag:s29], $0x400  }
0x328: {  	[sflag:s29] =	ssyncset.done $0x0  }
0x329: {  	[sflag:s29] =	ssyncadd.s32 $0xFFFFFC00  }
0x32a: {  	_ =	swait.ge [sflag:s29], $0x400  }
0x32b: {  	[sflag:s29] =	ssyncset.done $0x0  }
0x32c: {  	[sflag:s29] =	ssyncadd.s32 $0xFFFFFC00  }
0x32d: {  	_ =	swait.ge [sflag:s29], $0x400  }
0x32e: {  	[sflag:s29] =	ssyncset.done $0x0  }
0x32f: {  	[sflag:s29] =	ssyncadd.s32 $0xFFFFFC00  }
0x330: {  	_ =	swait.ge [sflag:s29], $0x400  }
0x331: {  	[sflag:s29] =	ssyncset.done $0x0  }
0x332: {  	[sflag:s29] =	ssyncadd.s32 $0xFFFFFC00  }
0x333: {  	_ =	swait.ge [sflag:s29], $0x400  }
0x334: {  	[sflag:s29] =	ssyncset.done $0x0  }
0x335: {  	[sflag:s29] =	ssyncadd.s32 $0xFFFFFC00  }
0x336: {  	_ =	swait.ge [sflag:s29], $0x400  }
0x337: {  	[sflag:s29] =	ssyncset.done $0x0  }
0x338: {  	[sflag:s29] =	ssyncadd.s32 $0xFFFFFC00  }
0x339: {  	_ =	swait.ge [sflag:s29], $0x400  }
0x33a: {  	s0 =	sadd.s32 @!p0 $0x6700, s0;
	[sflag:s29] =	ssyncset.done $0x0  }
0x33b: {  	s14 =	simm.s32 @!p0 $0x10800;
	s2 =	simm.s32 @!p0 $0x80;
	[sflag:s29] =	ssyncadd.s32 $0xFFFFFC00  }
0x33c: {  	[tilespmem:s14], [sflag:$0x1] =	stream.indirect.gather @!p0 [hbm4b:s4+s2], $0x40, s0, s2, $0xb8;
	[tilespmem:$0x18C00] =	vst v63  }
0x33d: {  	_ =	swait.ge [sflag:s1], $0x2000  }
0x33e: {  	[sflag:s1] =	ssyncset.done $0x0  }
0x33f: {  	s15 =	simm.s32 $0x0;
	s0 =	simm.s32 $0x12870;
	[sflag:s1] =	ssyncadd.s32 $0xFFFFE000  }
0x340: {  	v12 =	vmov s15;
	v13 =	vld [tilespmem:s0+$0xFFFFFF90]  }
0x341: {  	v12 =	vand.u32 $0x7E, v12  }
0x342: {  	v14 =	vadd.s32 v5, v12;
	_ =	sdelay $0x2  }
0x343: {  	v13 =	vmul.f32 $8.000000000e+00, v13;
	_ =	sdelay $0x1  }
0x344: {  	[tilespmem:v14+s17+$0x0] =	vst.idx.msk $0xffff, v13  }
0x345: {  	v13 =	vld [tilespmem:s0+$0xFFFFFFA0];
	_ =	sdelay $0x1  }
0x346: {  	v14 =	vadd.s32 v9, v12;
	_ =	sdelay $0x2  }
0x347: {  	v13 =	vmul.f32 $8.000000000e+00, v13;
	_ =	sdelay $0x1  }
0x348: {  	[tilespmem:v14+s17+$0x0] =	vst.idx.msk $0xffff, v13  }
0x349: {  	v13 =	vld [tilespmem:s0+$0xFFFFFFB0];
	_ =	sdelay $0x1  }
0x34a: {  	v14 =	vadd.s32 v10, v12;
	_ =	sdelay $0x2  }
0x34b: {  	v13 =	vmul.f32 $8.000000000e+00, v13;
	_ =	sdelay $0x1  }
0x34c: {  	[tilespmem:v14+s17+$0x0] =	vst.idx.msk $0xffff, v13  }
0x34d: {  	v13 =	vld [tilespmem:s0+$0xFFFFFFC0];
	_ =	sdelay $0x1  }
0x34e: {  	v12 =	vadd.s32 v11, v12;
	_ =	sdelay $0x2  }
0x34f: {  	v13 =	vmul.f32 $8.000000000e+00, v13;
	_ =	sdelay $0x1  }
0x350: {  	s25 =	simm.s32 $0x1;
	[tilespmem:v12+s17+$0x0] =	vst.idx.msk $0xffff, v13  }
0x351: {  	v12 =	vmov s25;
	v13 =	vld [tilespmem:s0+$0xFFFFFFD0]  }
0x352: {  	v12 =	vand.u32 $0x7F, v12  }
0x353: {  	v14 =	vadd.s32 v5, v12;
	_ =	sdelay $0x2  }
0x354: {  	v13 =	vmul.f32 $8.000000000e+00, v13;
	_ =	sdelay $0x1  }
0x355: {  	[tilespmem:v14+s17+$0x0] =	vst.idx.msk $0xffff, v13  }
0x356: {  	v13 =	vld [tilespmem:s0+$0xFFFFFFE0];
	_ =	sdelay $0x1  }
0x357: {  	v14 =	vadd.s32 v9, v12;
	_ =	sdelay $0x2  }
0x358: {  	v13 =	vmul.f32 $8.000000000e+00, v13;
	_ =	sdelay $0x1  }
0x359: {  	[tilespmem:v14+s17+$0x0] =	vst.idx.msk $0xffff, v13  }
0x35a: {  	v13 =	vld [tilespmem:s0+$0xFFFFFFF0];
	_ =	sdelay $0x1  }
0x35b: {  	v14 =	vadd.s32 v10, v12;
	_ =	sdelay $0x2  }
0x35c: {  	v13 =	vmul.f32 $8.000000000e+00, v13;
	_ =	sdelay $0x1  }
0x35d: {  	[tilespmem:v14+s17+$0x0] =	vst.idx.msk $0xffff, v13  }
0x35e: {  	v13 =	vld [tilespmem:s0+$0x0];
	_ =	sdelay $0x1  }
0x35f: {  	v12 =	vadd.s32 v11, v12;
	_ =	sdelay $0x2  }
0x360: {  	s2 =	simm.s32 $0x2;
	v13 =	vmul.f32 $8.000000000e+00, v13  }
.LBB2_11:
0x361: {  	p0 =	slt.u32 s2, $0x7E  }
0x362: {  	s0 =	sadd.s32 $0x80, s0;
	s14 =	smov.u32 s2;
	s2 =	sadd.s32 $0x2, s2;
	[tilespmem:v12+s17+$0x0] =	vst.idx.msk $0xffff, v13  }
0x363: {  	v12 =	vmov s14;
	v13 =	vld [tilespmem:s0+$0xFFFFFF90]  }
0x364: {  	v12 =	vand.u32 $0x7E, v12  }
0x365: {  	v14 =	vadd.s32 v5, v12;
	_ =	sdelay $0x2  }
0x366: {  	v13 =	vmul.f32 $8.000000000e+00, v13;
	_ =	sdelay $0x1  }
0x367: {  	[tilespmem:v14+s17+$0x0] =	vst.idx.msk $0xffff, v13  }
0x368: {  	v13 =	vld [tilespmem:s0+$0xFFFFFFA0];
	_ =	sdelay $0x1  }
0x369: {  	v14 =	vadd.s32 v9, v12;
	_ =	sdelay $0x2  }
0x36a: {  	v13 =	vmul.f32 $8.000000000e+00, v13;
	_ =	sdelay $0x1  }
0x36b: {  	[tilespmem:v14+s17+$0x0] =	vst.idx.msk $0xffff, v13  }
0x36c: {  	v13 =	vld [tilespmem:s0+$0xFFFFFFB0];
	_ =	sdelay $0x1  }
0x36d: {  	v14 =	vadd.s32 v10, v12;
	_ =	sdelay $0x2  }
0x36e: {  	v13 =	vmul.f32 $8.000000000e+00, v13;
	_ =	sdelay $0x1  }
0x36f: {  	[tilespmem:v14+s17+$0x0] =	vst.idx.msk $0xffff, v13  }
0x370: {  	v13 =	vld [tilespmem:s0+$0xFFFFFFC0];
	_ =	sdelay $0x1  }
0x371: {  	v12 =	vadd.s32 v11, v12;
	_ =	sdelay $0x2  }
0x372: {  	v13 =	vmul.f32 $8.000000000e+00, v13;
	_ =	sdelay $0x1  }
0x373: {  	s14 =	sadd.s32 $0x1, s14;
	[tilespmem:v12+s17+$0x0] =	vst.idx.msk $0xffff, v13  }
0x374: {  	v12 =	vmov s14;
	v13 =	vld [tilespmem:s0+$0xFFFFFFD0]  }
0x375: {  	v12 =	vand.u32 $0x7F, v12  }
0x376: {  	v14 =	vadd.s32 v5, v12;
	_ =	sdelay $0x2  }
0x377: {  	v13 =	vmul.f32 $8.000000000e+00, v13;
	_ =	sdelay $0x1  }
0x378: {  	[tilespmem:v14+s17+$0x0] =	vst.idx.msk $0xffff, v13  }
0x379: {  	v13 =	vld [tilespmem:s0+$0xFFFFFFE0];
	_ =	sdelay $0x1  }
0x37a: {  	v14 =	vadd.s32 v9, v12;
	_ =	sdelay $0x2  }
0x37b: {  	v13 =	vmul.f32 $8.000000000e+00, v13;
	_ =	sdelay $0x1  }
0x37c: {  	[tilespmem:v14+s17+$0x0] =	vst.idx.msk $0xffff, v13  }
0x37d: {  	v13 =	vld [tilespmem:s0+$0xFFFFFFF0];
	_ =	sdelay $0x1  }
0x37e: {  	v14 =	vadd.s32 v10, v12;
	_ =	sdelay $0x2  }
0x37f: {  	v13 =	vmul.f32 $8.000000000e+00, v13;
	_ =	sdelay $0x1  }
0x380: {  	[tilespmem:v14+s17+$0x0] =	vst.idx.msk $0xffff, v13  }
0x381: {  	v13 =	vld [tilespmem:s0+$0x0]  }
.Ltmp4:
0x382: {  	(pc) =	sbr.rel @p0 .LBB2_11-.Ltmp4, $2  }
0x383: {  	v12 =	vadd.s32 v11, v12;
	_ =	sdelay $0x2  }
0x384: {  	v13 =	vmul.f32 $8.000000000e+00, v13  }
0x385: {  	_ = 	snop  }
0x386: {  	s0 =	sshll.u32 s31, $0x12  }
0x387: {  	s0 =	sor.u32 s6, s0  }
0x388: {  	s0 =	sshrl.u32 s0, $0x3  }
0x389: {  	[tilespmem:v12+s17+$0x0] =	vst.idx.msk $0xffff, v13;
	s2 =	sadd.s32 s16, s0  }
0x38a: {  	[hbm4b:s2+s3] =	stream.linear.scatter [tilespmem:s17], [sflag:$0x2], $0x80, $0x38;
	[tilespmem:$0x18C00] =	vst v63  }
0x38b: {  	s31 =	simm.s32 $0x16A88;
	s14 =	sadd.s32 $0x10, s2  }
0x38c: {  	[hbm4b:s14+s3] =	stream.linear.scatter [tilespmem:s31], [sflag:$0x2], $0x80, $0x38;
	[tilespmem:$0x18C00] =	vst v63  }
0x38d: {  	s25 =	sadd.s32 $0x20, s2;
	s31 =	simm.s32 $0x16B10  }
0x38e: {  	[hbm4b:s25+s3] =	stream.linear.scatter [tilespmem:s31], [sflag:$0x2], $0x80, $0x38;
	[tilespmem:$0x18C00] =	vst v63  }
0x38f: {  	s25 =	sadd.s32 $0x30, s2;
	s31 =	simm.s32 $0x16B98  }
0x390: {  	[hbm4b:s25+s3] =	stream.linear.scatter [tilespmem:s31], [sflag:$0x2], $0x80, $0x38;
	[tilespmem:$0x18C00] =	vst v63  }
0x391: {  	s25 =	sadd.s32 $0x40, s2;
	s31 =	simm.s32 $0x16C20  }
0x392: {  	[hbm4b:s25+s3] =	stream.linear.scatter [tilespmem:s31], [sflag:$0x2], $0x80, $0x38;
	[tilespmem:$0x18C00] =	vst v63  }
0x393: {  	s25 =	sadd.s32 $0x50, s2;
	s31 =	simm.s32 $0x16CA8  }
0x394: {  	[hbm4b:s25+s3] =	stream.linear.scatter [tilespmem:s31], [sflag:$0x2], $0x80, $0x38;
	[tilespmem:$0x18C00] =	vst v63  }
0x395: {  	s15 =	smov.u32 s16;
	s16 =	sadd.s32 $0x60, s2;
	s25 =	simm.s32 $0x16D30  }
0x396: {  	[hbm4b:s16+s3] =	stream.linear.scatter [tilespmem:s25], [sflag:$0x2], $0x80, $0x38;
	[tilespmem:$0x18C00] =	vst v63  }
0x397: {  	s2 =	sadd.s32 $0x70, s2;
	s31 =	simm.s32 $0x16DB8  }
0x398: {  	[hbm4b:s2+s3] =	stream.linear.scatter [tilespmem:s31], [sflag:$0x2], $0x80, $0x38;
	[tilespmem:$0x18C00] =	vst v63  }
0x399: {  	s16 =	simm.s32 $0x16E40;
	s2 =	sadd.s32 s0, s7  }
0x39a: {  	[hbm4b:s2+s3] =	stream.linear.scatter [tilespmem:s16], [sflag:$0x2], $0x80, $0x38;
	[tilespmem:$0x18C00] =	vst v63  }
0x39b: {  	s31 =	simm.s32 $0x16EC8;
	s25 =	sadd.s32 $0x10, s2  }
0x39c: {  	[hbm4b:s25+s3] =	stream.linear.scatter [tilespmem:s31], [sflag:$0x2], $0x80, $0x38;
	[tilespmem:$0x18C00] =	vst v63  }
0x39d: {  	s25 =	sadd.s32 $0x20, s2;
	s31 =	simm.s32 $0x16F50  }
0x39e: {  	[hbm4b:s25+s3] =	stream.linear.scatter [tilespmem:s31], [sflag:$0x2], $0x80, $0x38;
	[tilespmem:$0x18C00] =	vst v63  }
0x39f: {  	s25 =	sadd.s32 $0x30, s2;
	s31 =	simm.s32 $0x16FD8  }
0x3a0: {  	[hbm4b:s25+s3] =	stream.linear.scatter [tilespmem:s31], [sflag:$0x2], $0x80, $0x38;
	[tilespmem:$0x18C00] =	vst v63  }
0x3a1: {  	s25 =	sadd.s32 $0x40, s2;
	s31 =	simm.s32 $0x17060  }
0x3a2: {  	[hbm4b:s25+s3] =	stream.linear.scatter [tilespmem:s31], [sflag:$0x2], $0x80, $0x38;
	[tilespmem:$0x18C00] =	vst v63  }
0x3a3: {  	s25 =	sadd.s32 $0x50, s2;
	s31 =	simm.s32 $0x170E8  }
0x3a4: {  	[hbm4b:s25+s3] =	stream.linear.scatter [tilespmem:s31], [sflag:$0x2], $0x80, $0x38;
	[tilespmem:$0x18C00] =	vst v63  }
0x3a5: {  	s16 =	sadd.s32 $0x60, s2;
	s25 =	simm.s32 $0x17170  }
0x3a6: {  	[hbm4b:s16+s3] =	stream.linear.scatter [tilespmem:s25], [sflag:$0x2], $0x80, $0x38;
	[tilespmem:$0x18C00] =	vst v63  }
0x3a7: {  	s2 =	sadd.s32 $0x70, s2;
	s31 =	simm.s32 $0x171F8  }
0x3a8: {  	[hbm4b:s2+s3] =	stream.linear.scatter [tilespmem:s31], [sflag:$0x2], $0x80, $0x38;
	[tilespmem:$0x18C00] =	vst v63  }
0x3a9: {  	s16 =	simm.s32 $0x17280;
	s2 =	sadd.s32 s0, s8  }
0x3aa: {  	[hbm4b:s2+s3] =	stream.linear.scatter [tilespmem:s16], [sflag:$0x2], $0x80, $0x38;
	[tilespmem:$0x18C00] =	vst v63  }
0x3ab: {  	s31 =	simm.s32 $0x17308;
	s25 =	sadd.s32 $0x10, s2  }
0x3ac: {  	[hbm4b:s25+s3] =	stream.linear.scatter [tilespmem:s31], [sflag:$0x2], $0x80, $0x38;
	[tilespmem:$0x18C00] =	vst v63  }
0x3ad: {  	s25 =	sadd.s32 $0x20, s2;
	s31 =	simm.s32 $0x17390  }
0x3ae: {  	[hbm4b:s25+s3] =	stream.linear.scatter [tilespmem:s31], [sflag:$0x2], $0x80, $0x38;
	[tilespmem:$0x18C00] =	vst v63  }
0x3af: {  	s25 =	sadd.s32 $0x30, s2;
	s31 =	simm.s32 $0x17418  }
0x3b0: {  	[hbm4b:s25+s3] =	stream.linear.scatter [tilespmem:s31], [sflag:$0x2], $0x80, $0x38;
	[tilespmem:$0x18C00] =	vst v63  }
0x3b1: {  	s25 =	sadd.s32 $0x40, s2;
	s31 =	simm.s32 $0x174A0  }
0x3b2: {  	[hbm4b:s25+s3] =	stream.linear.scatter [tilespmem:s31], [sflag:$0x2], $0x80, $0x38;
	[tilespmem:$0x18C00] =	vst v63  }
0x3b3: {  	s25 =	sadd.s32 $0x50, s2;
	s31 =	simm.s32 $0x17528  }
0x3b4: {  	[hbm4b:s25+s3] =	stream.linear.scatter [tilespmem:s31], [sflag:$0x2], $0x80, $0x38;
	[tilespmem:$0x18C00] =	vst v63  }
0x3b5: {  	s16 =	sadd.s32 $0x60, s2;
	s25 =	simm.s32 $0x175B0  }
0x3b6: {  	[hbm4b:s16+s3] =	stream.linear.scatter [tilespmem:s25], [sflag:$0x2], $0x80, $0x38;
	[tilespmem:$0x18C00] =	vst v63  }
0x3b7: {  	s2 =	sadd.s32 $0x70, s2;
	s31 =	simm.s32 $0x17638  }
0x3b8: {  	[hbm4b:s2+s3] =	stream.linear.scatter [tilespmem:s31], [sflag:$0x2], $0x80, $0x38;
	[tilespmem:$0x18C00] =	vst v63  }
0x3b9: {  	s16 =	simm.s32 $0x176C0;
	s2 =	sadd.s32 s0, s9  }
0x3ba: {  	[hbm4b:s2+s3] =	stream.linear.scatter [tilespmem:s16], [sflag:$0x2], $0x80, $0x38;
	[tilespmem:$0x18C00] =	vst v63  }
0x3bb: {  	s31 =	simm.s32 $0x17748;
	s25 =	sadd.s32 $0x10, s2  }
0x3bc: {  	[hbm4b:s25+s3] =	stream.linear.scatter [tilespmem:s31], [sflag:$0x2], $0x80, $0x38;
	[tilespmem:$0x18C00] =	vst v63  }
0x3bd: {  	s25 =	sadd.s32 $0x20, s2;
	s31 =	simm.s32 $0x177D0  }
0x3be: {  	[hbm4b:s25+s3] =	stream.linear.scatter [tilespmem:s31], [sflag:$0x2], $0x80, $0x38;
	[tilespmem:$0x18C00] =	vst v63  }
0x3bf: {  	s25 =	sadd.s32 $0x30, s2;
	s31 =	simm.s32 $0x17858  }
0x3c0: {  	[hbm4b:s25+s3] =	stream.linear.scatter [tilespmem:s31], [sflag:$0x2], $0x80, $0x38;
	[tilespmem:$0x18C00] =	vst v63  }
0x3c1: {  	s25 =	sadd.s32 $0x40, s2;
	s31 =	simm.s32 $0x178E0  }
0x3c2: {  	[hbm4b:s25+s3] =	stream.linear.scatter [tilespmem:s31], [sflag:$0x2], $0x80, $0x38;
	[tilespmem:$0x18C00] =	vst v63  }
0x3c3: {  	s25 =	sadd.s32 $0x50, s2;
	s31 =	simm.s32 $0x17968  }
0x3c4: {  	[hbm4b:s25+s3] =	stream.linear.scatter [tilespmem:s31], [sflag:$0x2], $0x80, $0x38;
	[tilespmem:$0x18C00] =	vst v63  }
0x3c5: {  	s16 =	sadd.s32 $0x60, s2;
	s25 =	simm.s32 $0x179F0  }
0x3c6: {  	[hbm4b:s16+s3] =	stream.linear.scatter [tilespmem:s25], [sflag:$0x2], $0x80, $0x38;
	[tilespmem:$0x18C00] =	vst v63  }
0x3c7: {  	s2 =	sadd.s32 $0x70, s2;
	s31 =	simm.s32 $0x17A78  }
0x3c8: {  	[hbm4b:s2+s3] =	stream.linear.scatter [tilespmem:s31], [sflag:$0x2], $0x80, $0x38;
	[tilespmem:$0x18C00] =	vst v63  }
0x3c9: {  	s16 =	simm.s32 $0x17B00;
	s2 =	sadd.s32 s0, s10  }
0x3ca: {  	[hbm4b:s2+s3] =	stream.linear.scatter [tilespmem:s16], [sflag:$0x2], $0x80, $0x38;
	[tilespmem:$0x18C00] =	vst v63  }
0x3cb: {  	s31 =	simm.s32 $0x17B88;
	s25 =	sadd.s32 $0x10, s2  }
0x3cc: {  	[hbm4b:s25+s3] =	stream.linear.scatter [tilespmem:s31], [sflag:$0x2], $0x80, $0x38;
	[tilespmem:$0x18C00] =	vst v63  }
0x3cd: {  	s25 =	sadd.s32 $0x20, s2;
	s31 =	simm.s32 $0x17C10  }
0x3ce: {  	[hbm4b:s25+s3] =	stream.linear.scatter [tilespmem:s31], [sflag:$0x2], $0x80, $0x38;
	[tilespmem:$0x18C00] =	vst v63  }
0x3cf: {  	s25 =	sadd.s32 $0x30, s2;
	s31 =	simm.s32 $0x17C98  }
0x3d0: {  	[hbm4b:s25+s3] =	stream.linear.scatter [tilespmem:s31], [sflag:$0x2], $0x80, $0x38;
	[tilespmem:$0x18C00] =	vst v63  }
0x3d1: {  	s25 =	sadd.s32 $0x40, s2;
	s31 =	simm.s32 $0x17D20  }
0x3d2: {  	[hbm4b:s25+s3] =	stream.linear.scatter [tilespmem:s31], [sflag:$0x2], $0x80, $0x38;
	[tilespmem:$0x18C00] =	vst v63  }
0x3d3: {  	s25 =	sadd.s32 $0x50, s2;
	s31 =	simm.s32 $0x17DA8  }
0x3d4: {  	[hbm4b:s25+s3] =	stream.linear.scatter [tilespmem:s31], [sflag:$0x2], $0x80, $0x38;
	[tilespmem:$0x18C00] =	vst v63  }
0x3d5: {  	s16 =	sadd.s32 $0x60, s2;
	s25 =	simm.s32 $0x17E30  }
0x3d6: {  	[hbm4b:s16+s3] =	stream.linear.scatter [tilespmem:s25], [sflag:$0x2], $0x80, $0x38;
	[tilespmem:$0x18C00] =	vst v63  }
0x3d7: {  	s2 =	sadd.s32 $0x70, s2;
	s31 =	simm.s32 $0x17EB8  }
0x3d8: {  	[hbm4b:s2+s3] =	stream.linear.scatter [tilespmem:s31], [sflag:$0x2], $0x80, $0x38;
	[tilespmem:$0x18C00] =	vst v63  }
0x3d9: {  	s16 =	simm.s32 $0x17F40;
	s2 =	sadd.s32 s0, s11  }
0x3da: {  	[hbm4b:s2+s3] =	stream.linear.scatter [tilespmem:s16], [sflag:$0x2], $0x80, $0x38;
	[tilespmem:$0x18C00] =	vst v63  }
0x3db: {  	s31 =	simm.s32 $0x17FC8;
	s25 =	sadd.s32 $0x10, s2  }
0x3dc: {  	[hbm4b:s25+s3] =	stream.linear.scatter [tilespmem:s31], [sflag:$0x2], $0x80, $0x38;
	[tilespmem:$0x18C00] =	vst v63  }
0x3dd: {  	s25 =	sadd.s32 $0x20, s2;
	s31 =	simm.s32 $0x18050  }
0x3de: {  	[hbm4b:s25+s3] =	stream.linear.scatter [tilespmem:s31], [sflag:$0x2], $0x80, $0x38;
	[tilespmem:$0x18C00] =	vst v63  }
0x3df: {  	s25 =	sadd.s32 $0x30, s2;
	s31 =	simm.s32 $0x180D8  }
0x3e0: {  	[hbm4b:s25+s3] =	stream.linear.scatter [tilespmem:s31], [sflag:$0x2], $0x80, $0x38;
	[tilespmem:$0x18C00] =	vst v63  }
0x3e1: {  	s25 =	sadd.s32 $0x40, s2;
	s31 =	simm.s32 $0x18160  }
0x3e2: {  	[hbm4b:s25+s3] =	stream.linear.scatter [tilespmem:s31], [sflag:$0x2], $0x80, $0x38;
	[tilespmem:$0x18C00] =	vst v63  }
0x3e3: {  	s25 =	sadd.s32 $0x50, s2;
	s31 =	simm.s32 $0x181E8  }
0x3e4: {  	[hbm4b:s25+s3] =	stream.linear.scatter [tilespmem:s31], [sflag:$0x2], $0x80, $0x38;
	[tilespmem:$0x18C00] =	vst v63  }
0x3e5: {  	s16 =	sadd.s32 $0x60, s2;
	s25 =	simm.s32 $0x18270  }
0x3e6: {  	[hbm4b:s16+s3] =	stream.linear.scatter [tilespmem:s25], [sflag:$0x2], $0x80, $0x38;
	[tilespmem:$0x18C00] =	vst v63  }
0x3e7: {  	s2 =	sadd.s32 $0x70, s2;
	s31 =	simm.s32 $0x182F8  }
0x3e8: {  	[hbm4b:s2+s3] =	stream.linear.scatter [tilespmem:s31], [sflag:$0x2], $0x80, $0x38;
	[tilespmem:$0x18C00] =	vst v63  }
0x3e9: {  	s16 =	simm.s32 $0x18380;
	s2 =	sadd.s32 s0, s12  }
0x3ea: {  	[hbm4b:s2+s3] =	stream.linear.scatter [tilespmem:s16], [sflag:$0x2], $0x80, $0x38;
	[tilespmem:$0x18C00] =	vst v63  }
0x3eb: {  	s31 =	simm.s32 $0x18408;
	s25 =	sadd.s32 $0x10, s2  }
0x3ec: {  	[hbm4b:s25+s3] =	stream.linear.scatter [tilespmem:s31], [sflag:$0x2], $0x80, $0x38;
	[tilespmem:$0x18C00] =	vst v63  }
0x3ed: {  	s25 =	sadd.s32 $0x20, s2;
	s31 =	simm.s32 $0x18490  }
0x3ee: {  	[hbm4b:s25+s3] =	stream.linear.scatter [tilespmem:s31], [sflag:$0x2], $0x80, $0x38;
	[tilespmem:$0x18C00] =	vst v63  }
0x3ef: {  	s25 =	sadd.s32 $0x30, s2;
	s31 =	simm.s32 $0x18518  }
0x3f0: {  	[hbm4b:s25+s3] =	stream.linear.scatter [tilespmem:s31], [sflag:$0x2], $0x80, $0x38;
	[tilespmem:$0x18C00] =	vst v63  }
0x3f1: {  	s25 =	sadd.s32 $0x40, s2;
	s31 =	simm.s32 $0x185A0  }
0x3f2: {  	[hbm4b:s25+s3] =	stream.linear.scatter [tilespmem:s31], [sflag:$0x2], $0x80, $0x38;
	[tilespmem:$0x18C00] =	vst v63  }
0x3f3: {  	s25 =	sadd.s32 $0x50, s2;
	s31 =	simm.s32 $0x18628  }
0x3f4: {  	[hbm4b:s25+s3] =	stream.linear.scatter [tilespmem:s31], [sflag:$0x2], $0x80, $0x38;
	[tilespmem:$0x18C00] =	vst v63  }
0x3f5: {  	s25 =	sadd.s32 $0x60, s2;
	s31 =	simm.s32 $0x186B0  }
0x3f6: {  	[hbm4b:s25+s3] =	stream.linear.scatter [tilespmem:s31], [sflag:$0x2], $0x80, $0x38;
	[tilespmem:$0x18C00] =	vst v63  }
0x3f7: {  	s2 =	sadd.s32 $0x70, s2  }
0x3f8: {  	[hbm4b:s2+s3] =	stream.linear.scatter [tilespmem:s18], [sflag:$0x2], $0x80, $0x38;
	[tilespmem:$0x18C00] =	vst v63  }
0x3f9: {  	s0 =	sadd.s32 s0, s13  }
0x3fa: {  	[hbm4b:s0+s3] =	stream.linear.scatter [tilespmem:s19], [sflag:$0x2], $0x80, $0x38;
	[tilespmem:$0x18C00] =	vst v63  }
0x3fb: {  	s25 =	sadd.s32 $0x10, s0  }
0x3fc: {  	[hbm4b:s25+s3] =	stream.linear.scatter [tilespmem:s20], [sflag:$0x2], $0x80, $0x38;
	[tilespmem:$0x18C00] =	vst v63  }
0x3fd: {  	s31 =	sadd.s32 $0x20, s0  }
0x3fe: {  	[hbm4b:s31+s3] =	stream.linear.scatter [tilespmem:s21], [sflag:$0x2], $0x80, $0x38;
	[tilespmem:$0x18C00] =	vst v63  }
0x3ff: {  	s14 =	sadd.s32 $0x30, s0  }
0x400: {  	[hbm4b:s14+s3] =	stream.linear.scatter [tilespmem:s22], [sflag:$0x2], $0x80, $0x38;
	[tilespmem:$0x18C00] =	vst v63  }
0x401: {  	s30 =	sadd.s32 $0x1, s30;
	s16 =	sadd.s32 $0x40, s0  }
0x402: {  	[hbm4b:s16+s3] =	stream.linear.scatter [tilespmem:s23], [sflag:$0x2], $0x80, $0x38;
	[tilespmem:$0x18C00] =	vst v63  }
0x403: {  	p0 =	sne.s32 s30, $0x32;
	s25 =	sadd.s32 $0x50, s0  }
0x404: {  	[hbm4b:s25+s3] =	stream.linear.scatter [tilespmem:s24], [sflag:$0x2], $0x80, $0x38;
	[tilespmem:$0x18C00] =	vst v63  }
.Ltmp5:
0x405: {  	_ = 	snop;
	(pc) =	sbr.rel @p0 .LBB2_4-.Ltmp5, $4  }
0x406: {  	s31 =	sadd.s32 $0x60, s0  }
0x407: {  	[hbm4b:s31+s3] =	stream.linear.scatter [tilespmem:s26], [sflag:$0x2], $0x80, $0x38;
	[tilespmem:$0x18C00] =	vst v63  }
0x408: {  	s0 =	sadd.s32 $0x70, s0  }
0x409: {  	[hbm4b:s0+s3] =	stream.linear.scatter [tilespmem:s28], [sflag:$0x2], $0x80, $0x38;
	[tilespmem:$0x18C00] =	vst v63  }
0x40a: {  	_ =	swait.ge [sflag:s29], $0x400  }
0x40b: {  	[sflag:s29] =	ssyncset.done $0x0  }
0x40c: {  	[sflag:s29] =	ssyncadd.s32 $0xFFFFFC00  }
0x40d: {  	_ =	swait.ge [sflag:s29], $0x400  }
0x40e: {  	[sflag:s29] =	ssyncset.done $0x0  }
0x40f: {  	[sflag:s29] =	ssyncadd.s32 $0xFFFFFC00  }
0x410: {  	_ =	swait.ge [sflag:s29], $0x400  }
0x411: {  	[sflag:s29] =	ssyncset.done $0x0  }
0x412: {  	[sflag:s29] =	ssyncadd.s32 $0xFFFFFC00  }
0x413: {  	_ =	swait.ge [sflag:s29], $0x400  }
0x414: {  	[sflag:s29] =	ssyncset.done $0x0  }
0x415: {  	[sflag:s29] =	ssyncadd.s32 $0xFFFFFC00  }
0x416: {  	_ =	swait.ge [sflag:s29], $0x400  }
0x417: {  	[sflag:s29] =	ssyncset.done $0x0  }
0x418: {  	[sflag:s29] =	ssyncadd.s32 $0xFFFFFC00  }
0x419: {  	_ =	swait.ge [sflag:s29], $0x400  }
0x41a: {  	[sflag:s29] =	ssyncset.done $0x0  }
0x41b: {  	[sflag:s29] =	ssyncadd.s32 $0xFFFFFC00  }
0x41c: {  	_ =	swait.ge [sflag:s29], $0x400  }
0x41d: {  	[sflag:s29] =	ssyncset.done $0x0  }
0x41e: {  	[sflag:s29] =	ssyncadd.s32 $0xFFFFFC00  }
0x41f: {  	_ =	swait.ge [sflag:s29], $0x400  }
0x420: {  	[sflag:s29] =	ssyncset.done $0x0  }
0x421: {  	[sflag:s29] =	ssyncadd.s32 $0xFFFFFC00  }
0x422: {  	_ =	swait.ge [sflag:s29], $0x400  }
0x423: {  	[sflag:s29] =	ssyncset.done $0x0  }
0x424: {  	[sflag:s29] =	ssyncadd.s32 $0xFFFFFC00  }
0x425: {  	_ =	swait.ge [sflag:s29], $0x400  }
0x426: {  	[sflag:s29] =	ssyncset.done $0x0  }
0x427: {  	[sflag:s29] =	ssyncadd.s32 $0xFFFFFC00  }
0x428: {  	_ =	swait.ge [sflag:s29], $0x400  }
0x429: {  	[sflag:s29] =	ssyncset.done $0x0  }
0x42a: {  	[sflag:s29] =	ssyncadd.s32 $0xFFFFFC00  }
0x42b: {  	_ =	swait.ge [sflag:s29], $0x400  }
0x42c: {  	[sflag:s29] =	ssyncset.done $0x0  }
0x42d: {  	[sflag:s29] =	ssyncadd.s32 $0xFFFFFC00  }
0x42e: {  	_ =	swait.ge [sflag:s29], $0x400  }
0x42f: {  	[sflag:s29] =	ssyncset.done $0x0  }
0x430: {  	[sflag:s29] =	ssyncadd.s32 $0xFFFFFC00  }
0x431: {  	_ =	swait.ge [sflag:s29], $0x400  }
0x432: {  	[sflag:s29] =	ssyncset.done $0x0  }
0x433: {  	[sflag:s29] =	ssyncadd.s32 $0xFFFFFC00  }
0x434: {  	_ =	swait.ge [sflag:s29], $0x400  }
0x435: {  	[sflag:s29] =	ssyncset.done $0x0  }
0x436: {  	[sflag:s29] =	ssyncadd.s32 $0xFFFFFC00  }
0x437: {  	_ =	swait.ge [sflag:s29], $0x400  }
0x438: {  	s2 =	rddreg [dreg:$0x16]  }
0x439: {  	s0 =	rddreg [dreg:$0x10];
	s2 =	sadd.s32 $0x1, s2  }
0x43a: {  	p0 =	sne.s32 s2, s0  }
.Ltmp6:
0x43b: {  	_ = 	snop;
	(pc) =	sbr.rel @p0 .LBB2_1-.Ltmp6, $3  }
0x43c: {  	_ =	sdelay $0x1  }
0x43d: {  	[sflag:s29] =	ssyncset.done $0x0  }
0x43e: {  	[sflag:s29] =	ssyncadd.s32 $0xFFFFFC00  }
0x43f: {  	_ =	sfence.sel $0x180000  }
0x440: {  	[bflag:$0x0] =	sbarrier.arrive $0xFFFF  }
0x441: {  	_ =	strace $0x90000047  }
0x442: {  	s0 =	stileid.u32;
	[bflag:$0x2] =	sbarrier.arrive $0xFFFF  }
0x443: {  	p0 =	sne.s32 s0, $0x0;
	s0 =	rddreg [dreg:$0x3]  }
0x444: {  	s0 =	sadd.s32 @!p0 $0x100000, s0  }
0x445: {  	[sflag:s0] =	ssyncadd.tile.s32 @!p0 $0x1;
	_ =	shalt  }
.Lfunc_end2:
_tile_overlayer_lowered:
.L_overlay_start_2:
0x446: {  	(tag) =	ssettag $0x2  }
0x447: {  	s0 =	rddreg [dreg:$0x0];
	s2 =	stileid.u32  }
0x448: {  	s1 =	rddreg [dreg:$0x1];
	p0 =	sne.s32 s2, $0x0  }
0x449: {  	s3 =	rddreg [dreg:$0x2];
	[bflag:$0x3] =	sbarrier.arrive $0xFFFF;
	s2 =	simm.s32 @!p0 $0x1C03  }
0x44a: {  	[timem:s3], [sflag:s2] =	dma.local @!p0 [hbm:s0], s1  }
0x44b: {  	s0 =	simm.s32 @!p0 $0x3  }
0x44c: {  	_ =	swait.ge @!p0 [sflag:s0], s1  }
0x44d: {  	s1 =	ssub.s32 @!p0 $0x0, s1;
	[sflag:s0] =	ssyncset.done @!p0 $0x0  }
0x44e: {  	[sflag:s0] =	ssyncadd.s32 @!p0 s1  }
0x44f: {  	[bflag:$0x3] =	sbarrier.arrive $0xFFFF  }
0x450: {  	_ =	shalt  }

</sc_bundles>
